<compile_context>
chip_gen: v7x
topology: tpu7x:2x2x1
jax: 0.10.2.dev20260603
libtpu: 0.0.44.dev20260713+nightly
codegen_flags: <defaults>
</compile_context>

<pallas_src>
import functools

import jax
import jax.numpy as jnp
from jax import lax
from jax.experimental import pallas as pl
from jax.experimental.pallas import tpu as pltpu
from jax.experimental.pallas import tpu_sc as plsc

N_NODES = 10000
N_PAD = 10240
E_EDGES = 320000
CHUNKS_PER_TILE = 160
E_PAD = 16 * CHUNKS_PER_TILE * 128
ROWS_PER_TILE = N_PAD // 16
NBUF = 4


@functools.cache
def _mesh():
    return plsc.VectorSubcoreMesh(core_axis_name="c", subcore_axis_name="s")


@functools.cache
def _make_prop(width, k0):
    nb = 2 if width == 128 else 4
    stage_src = width != 128
    k1 = CHUNKS_PER_TILE - k0
    ncores = 1 if k1 == 0 else 2

    scratch = [
        pltpu.VMEM((max(k0, k1), 128) if stage_src else (4, 128), jnp.int32),
        pltpu.VMEM((max(k0, k1), 128) if stage_src else (4, 128), jnp.int32),
        pltpu.VMEM((nb, 128, width), jnp.float32),
        pltpu.VMEM_SHARED((N_PAD, width), jnp.float32),
    ] + [pltpu.SemaphoreType.DMA] * (2 * nb + (0 if stage_src else 8))

    @functools.partial(
        pl.kernel,
        out_type=jax.ShapeDtypeStruct((ncores, N_PAD, width), jnp.float32),
        mesh=_mesh(),
        compiler_params=pltpu.CompilerParams(use_tc_tiling_on_sc=False),
        scratch_types=scratch,
    )
    def prop(src_hbm, dst_hbm, h_hbm, z_hbm, out_hbm, sidx, didx, rows,
             acc_sh, *sems):
        gsem = sems[:nb]
        ssem = sems[nb:2 * nb]
        isem = sems[2 * nb:2 * nb + 4]
        dsem = sems[2 * nb + 4:]
        c = lax.axis_index("c")
        s = lax.axis_index("s")
        my_rows = s * ROWS_PER_TILE
        if ncores == 1:
            cbase = s * k0
            nch = k0
        else:
            cbase = jnp.where(c == 0, s * k0, 16 * k0 + s * k1)
            nch = jnp.where(c == 0, k0, k1)

        def stage():
            if stage_src:
                pltpu.sync_copy(dst_hbm.at[pl.ds(cbase, k1)],
                                didx.at[pl.ds(0, k1)])
                pltpu.sync_copy(src_hbm.at[pl.ds(cbase, k1)],
                                sidx.at[pl.ds(0, k1)])

                @pl.when(c == 0)
                def _():
                    pltpu.sync_copy(dst_hbm.at[pl.ds(cbase + k1, k0 - k1)],
                                    didx.at[pl.ds(k1, k0 - k1)])
                    pltpu.sync_copy(src_hbm.at[pl.ds(cbase + k1, k0 - k1)],
                                    sidx.at[pl.ds(k1, k0 - k1)])
            else:
                pltpu.sync_copy(src_hbm.at[pl.ds(cbase, 2)],
                                sidx.at[pl.ds(0, 2)])
                pltpu.sync_copy(dst_hbm.at[pl.ds(cbase, 2)],
                                didx.at[pl.ds(0, 2)])
                for u in (2, 3):
                    pltpu.async_copy(src_hbm.at[cbase + u], sidx.at[u],
                                     isem[u])
                    pltpu.async_copy(dst_hbm.at[cbase + u], didx.at[u],
                                     dsem[u])

            pltpu.sync_copy(z_hbm, rows.at[0])
            for z in range(ROWS_PER_TILE // 128):
                pltpu.sync_copy(rows.at[0],
                                acc_sh.at[pl.ds(my_rows + z * 128, 128)])
            plsc.subcore_barrier()

        def wait_rows(sem, b):
            pltpu.make_async_copy(h_hbm.at[pl.ds(0, 128)], rows.at[b],
                                  sem).wait()

        def wait_idx(u):
            pltpu.make_async_copy(src_hbm.at[cbase], sidx.at[u],
                                  isem[u]).wait()

        def wait_didx(u):
            pltpu.make_async_copy(dst_hbm.at[cbase], didx.at[u],
                                  dsem[u]).wait()

        def gather(jj, u, b):
            src_idx = sidx.at[jj] if stage_src else sidx.at[u]
            pltpu.async_copy(h_hbm.at[src_idx], rows.at[b], gsem[b])

        unroll = nb if stage_src else 4

        def body(i, _):
            for u in range(unroll):
                j = i * unroll + u
                b = u % nb
                wait_rows(gsem[b], b)
                if not stage_src:
                    @pl.when(j + 4 < nch)
                    def _():
                        pltpu.async_copy(src_hbm.at[cbase + j + 4],
                                         sidx.at[u], isem[u])
                    if u >= 2:
                        wait_didx(u)
                    else:
                        @pl.when(j >= 4)
                        def _():
                            wait_didx(u)
                dchunk = didx.at[j] if stage_src else didx.at[u]
                pltpu.async_copy(rows.at[b], acc_sh.at[dchunk],
                                 ssem[b], add=True)

                @pl.when(j + nb < nch)
                def _():
                    wait_rows(ssem[b], b)
                    if not stage_src:
                        @pl.when(j + 4 < nch)
                        def _():
                            pltpu.async_copy(dst_hbm.at[cbase + j + 4],
                                             didx.at[u], dsem[u])
                        wait_idx((u + nb) % 4)
                    gather(j + nb, (u + nb) % 4, b)

            return 0

        def run():
            stage()
            for b in range(nb):
                gather(b, b, b)
            lax.fori_loop(0, nch // unroll, body, 0)
            for b in range(nb):
                wait_rows(ssem[b], b)
            plsc.subcore_barrier()

            for z in range(ROWS_PER_TILE // 128):
                r0 = my_rows + z * 128
                pltpu.sync_copy(acc_sh.at[pl.ds(r0, 128)],
                                out_hbm.at[c, pl.ds(r0, 128)])

        if ncores == 1:
            pl.when(c == 0)(run)
        else:
            run()

    return prop


@functools.cache
def _make_deg(k0):
    k1 = CHUNKS_PER_TILE - k0

    @functools.partial(
        pl.kernel,
        out_type=jax.ShapeDtypeStruct((2, N_PAD, 16), jnp.float32),
        mesh=_mesh(),
        compiler_params=pltpu.CompilerParams(use_tc_tiling_on_sc=False),
        scratch_types=[
            pltpu.VMEM((max(k0, k1), 128), jnp.int32),
            pltpu.VMEM((128, 16), jnp.float32),
            pltpu.VMEM_SHARED((N_PAD, 16), jnp.float32),
        ] + [pltpu.SemaphoreType.DMA] * NBUF,
    )
    def deg_kernel(dst_hbm, const_hbm, out_hbm, didx, rows, acc_sh, *ssem):
        c = lax.axis_index("c")
        s = lax.axis_index("s")
        my_rows = s * ROWS_PER_TILE
        cbase = jnp.where(c == 0, s * k0, 16 * k0 + s * k1)
        nch = jnp.where(c == 0, k0, k1)

        pltpu.sync_copy(dst_hbm.at[pl.ds(cbase, k1)], didx.at[pl.ds(0, k1)])

        @pl.when(c == 0)
        def _():
            pltpu.sync_copy(dst_hbm.at[pl.ds(cbase + k1, k0 - k1)],
                            didx.at[pl.ds(k1, k0 - k1)])

        pltpu.sync_copy(const_hbm.at[0], rows)
        for z in range(ROWS_PER_TILE // 128):
            pltpu.sync_copy(rows, acc_sh.at[pl.ds(my_rows + z * 128, 128)])
        plsc.subcore_barrier()

        pltpu.sync_copy(const_hbm.at[1], rows)

        def wait(sem):
            pltpu.make_async_copy(out_hbm.at[c, pl.ds(0, 128)], rows,
                                  sem).wait()

        def body(i, _):
            for b in range(NBUF):
                j = i * NBUF + b

                @pl.when(j >= NBUF)
                def _():
                    wait(ssem[b])

                pltpu.async_copy(rows, acc_sh.at[didx.at[j]], ssem[b],
                                 add=True)
            return 0

        lax.fori_loop(0, nch // NBUF, body, 0)
        for b in range(NBUF):
            wait(ssem[b])
        plsc.subcore_barrier()

        for z in range(ROWS_PER_TILE // 128):
            r0 = my_rows + z * 128
            pltpu.sync_copy(acc_sh.at[pl.ds(r0, 128)],
                            out_hbm.at[c, pl.ds(r0, 128)])

    return deg_kernel


def _tc_a_body(x_ref, w1_ref, degp_ref, hs1_ref, dinv_ref):
    t = degp_ref[0] + degp_ref[1]
    deg = t[:, 0:1] + 1.0
    dinv = lax.rsqrt(deg)
    h = jnp.dot(x_ref[...], w1_ref[...], preferred_element_type=jnp.float32)
    hs1_ref[...] = h * dinv
    dinv_ref[...] = dinv


def _tc_b_body(accp_ref, hs1_ref, dinv_ref, b1_ref, w2_ref, hs2_ref):
    t = accp_ref[0] + accp_ref[1] + hs1_ref[...]
    out1 = dinv_ref[...] * t + b1_ref[...]
    h = jnp.maximum(out1, 0.0)
    h2 = jnp.dot(h, w2_ref[...], preferred_element_type=jnp.float32)
    hs2_ref[...] = h2 * dinv_ref[...]


def _tc_c_body(accp_ref, hs2_ref, dinv_ref, b2_ref, out_ref):
    t = accp_ref[0] + accp_ref[1] + hs2_ref[...]
    out2 = dinv_ref[...] * t + b2_ref[...]
    m = jnp.max(out2, axis=1, keepdims=True)
    e = jnp.exp(out2 - m)
    lse = jnp.log(jnp.sum(e, axis=1, keepdims=True))
    out_ref[...] = out2 - m - lse


_MB = 1000


def kernel(x, edge_index, W1, b1, W2, b2):
    n = N_NODES
    pad = E_PAD - E_EDGES
    src = jnp.concatenate([edge_index[0], jnp.zeros((pad,), jnp.int32)])
    dst = jnp.concatenate([edge_index[1], jnp.full((pad,), n, jnp.int32)])
    src2 = src.reshape(E_PAD // 128, 128)
    dst2 = dst.reshape(E_PAD // 128, 128)

    zeros16 = jnp.zeros((128, 16), jnp.float32)
    deg_const = jnp.stack([zeros16, zeros16.at[:, 0].set(1.0)])
    degp = _make_deg(120)(dst2, deg_const)

    grid = (n // _MB,)
    hs1, dinv = pl.pallas_call(
        _tc_a_body,
        grid=grid,
        in_specs=[
            pl.BlockSpec((_MB, 128), lambda i: (i, 0)),
            pl.BlockSpec((128, 128), lambda i: (0, 0)),
            pl.BlockSpec((2, _MB, 16), lambda i: (0, i, 0)),
        ],
        out_specs=[
            pl.BlockSpec((_MB, 128), lambda i: (i, 0)),
            pl.BlockSpec((_MB, 1), lambda i: (i, 0)),
        ],
        out_shape=[
            jax.ShapeDtypeStruct((n, 128), jnp.float32),
            jax.ShapeDtypeStruct((n, 1), jnp.float32),
        ],
    )(x, W1, degp)

    acc1 = _make_prop(128, 156)(src2, dst2, hs1, jnp.zeros((128, 128), jnp.float32))

    hs2 = pl.pallas_call(
        _tc_b_body,
        grid=grid,
        in_specs=[
            pl.BlockSpec((2, _MB, 128), lambda i: (0, i, 0)),
            pl.BlockSpec((_MB, 128), lambda i: (i, 0)),
            pl.BlockSpec((_MB, 1), lambda i: (i, 0)),
            pl.BlockSpec((1, 128), lambda i: (0, 0)),
            pl.BlockSpec((128, 16), lambda i: (0, 0)),
        ],
        out_specs=pl.BlockSpec((_MB, 16), lambda i: (i, 0)),
        out_shape=jax.ShapeDtypeStruct((n, 16), jnp.float32),
    )(acc1, hs1, dinv, b1[None, :], W2)

    acc2 = _make_prop(16, 128)(src2, dst2, hs2, zeros16)

    out = pl.pallas_call(
        _tc_c_body,
        grid=grid,
        in_specs=[
            pl.BlockSpec((2, _MB, 16), lambda i: (0, i, 0)),
            pl.BlockSpec((_MB, 16), lambda i: (i, 0)),
            pl.BlockSpec((_MB, 1), lambda i: (i, 0)),
            pl.BlockSpec((1, 16), lambda i: (0, 0)),
        ],
        out_specs=pl.BlockSpec((_MB, 16), lambda i: (i, 0)),
        out_shape=jax.ShapeDtypeStruct((n, 16), jnp.float32),
    )(acc2, hs2, dinv, b2[None, :])

    return out

# --- scband reference (transcript-rebuilt; emitter-appended) ---
"""Pipeline reference for scband-mono-model-75239237091749 (READ-ONLY COPY).

The authoritative reference and input builder live on the scoring server;
editing this copy changes nothing except your own understanding.
"""

import jax, jax.numpy as jnp
import numpy as np

N = 10000
E = 320000
D_IN = 128
D_HID = 128
N_CLASSES = 16


def setup_inputs(seed: int = 0) -> dict:
    key = jax.random.key(seed)
    k1, k2, k3, k4, k5, k6 = jax.random.split(key, 6)
    x = jax.random.normal(k1, (N, D_IN), dtype=jnp.float32)
    edge_index = jax.random.randint(k2, (2, E), 0, N, dtype=jnp.int32)
    W1 = jax.random.normal(k3, (D_IN, D_HID), dtype=jnp.float32) * (1.0 / np.sqrt(D_IN))
    b1 = jnp.zeros((D_HID,), dtype=jnp.float32)
    W2 = jax.random.normal(k4, (D_HID, N_CLASSES), dtype=jnp.float32) * (1.0 / np.sqrt(D_HID))
    b2 = jnp.zeros((N_CLASSES,), dtype=jnp.float32)
    return {"x": x, "edge_index": edge_index, "W1": W1, "b1": b1, "W2": W2, "b2": b2}


def gcn_conv(x, edge_index, W, b):
    # GCNConv with added self-loops and symmetric normalization:
    # out = D^{-1/2} (A + I) D^{-1/2} (x W) + b
    n = x.shape[0]
    loop = jnp.arange(n, dtype=edge_index.dtype)
    src = jnp.concatenate([edge_index[0], loop])
    dst = jnp.concatenate([edge_index[1], loop])
    h = x @ W
    ones = jnp.ones(dst.shape[0], dtype=h.dtype)
    deg = jax.ops.segment_sum(ones, dst, num_segments=n)
    dinv = jnp.where(deg > 0, deg ** -0.5, 0.0)
    norm = dinv[src] * dinv[dst]
    msgs = h[src] * norm[:, None]          # gather (memory-bound)
    out = jax.ops.segment_sum(msgs, dst, num_segments=n)  # scatter-add
    return out + b


def reference(x, edge_index, W1, b1, W2, b2):
    h = gcn_conv(x, edge_index, W1, b1)
    h = jax.nn.relu(h)
    # F.dropout with training=False (eval mode) is identity
    out = gcn_conv(h, edge_index, W2, b2)
    return jax.nn.log_softmax(out, axis=1)

if __name__ == "__main__":
    import jax
    _d = setup_inputs()
    print(jax.jit(kernel)(*tuple(_d.values())))

</pallas_src>

<mosaic_0001>
#map = affine_map<(d0, d1) -> (0, 0)>
#map1 = affine_map<(d0, d1) -> (0, 0, 0)>
module attributes {stable_mosaic.version = 14 : i64} {
  func.func @prop(%arg0: i32, %arg1: i32, %arg2: memref<2560x128xi32, #tpu.memory_space<hbm>>, %arg3: memref<2560x128xi32, #tpu.memory_space<hbm>>, %arg4: memref<10000x16xf32, #tpu.memory_space<hbm>>, %arg5: memref<128x16xf32, #tpu.memory_space<hbm>>, %arg6: memref<2x10240x16xf32, #tpu.memory_space<hbm>>, %arg7: memref<128x128xi32, #tpu.memory_space<vmem>>, %arg8: memref<128x128xi32, #tpu.memory_space<vmem>>, %arg9: memref<4x128x16xf32, #tpu.memory_space<vmem>>, %arg10: memref<10240x16xf32, #tpu.memory_space<vmem_shared>>, %arg11: memref<!tpu.dma_semaphore, #tpu.memory_space<semaphore_mem>>, %arg12: memref<!tpu.dma_semaphore, #tpu.memory_space<semaphore_mem>>, %arg13: memref<!tpu.dma_semaphore, #tpu.memory_space<semaphore_mem>>, %arg14: memref<!tpu.dma_semaphore, #tpu.memory_space<semaphore_mem>>, %arg15: memref<!tpu.dma_semaphore, #tpu.memory_space<semaphore_mem>>, %arg16: memref<!tpu.dma_semaphore, #tpu.memory_space<semaphore_mem>>, %arg17: memref<!tpu.dma_semaphore, #tpu.memory_space<semaphore_mem>>, %arg18: memref<!tpu.dma_semaphore, #tpu.memory_space<semaphore_mem>>) attributes {dimension_semantics = [#tpu.dimension_semantics<core_parallel>, #tpu.dimension_semantics<subcore_parallel>], iteration_bounds = array<i64: 2, 16>, scalar_prefetch = 0 : i64, scratch_operands = 12 : i64, tpu.core_type = #tpu.core_type<sc_vector_subcore>, window_params = [{transform_indices = #map}, {transform_indices = #map}, {transform_indices = #map}, {transform_indices = #map}, {transform_indices = #map1}]} {
    %mul3A = arith.constant 640 : i32
    %mul3A_0 = arith.muli %arg1, %mul3A : i32
    %eq3A = arith.constant 0 : i32
    %eq3A_1 = arith.cmpi eq, %arg0, %eq3A : i32
    %mul3A_2 = arith.constant 128 : i32
    %mul3A_3 = arith.muli %arg1, %mul3A_2 : i32
    %mul3A_4 = arith.constant 32 : i32
    %mul3A_5 = arith.muli %arg1, %mul3A_4 : i32
    %add3A = arith.constant 2048 : i32
    %add3A_6 = arith.addi %add3A, %mul3A_5 : i32
    %select_n3A = arith.select %eq3A_1, %mul3A_3, %add3A_6 : i32
    %eq3A_7 = arith.constant 0 : i32
    %eq3A_8 = arith.cmpi eq, %arg0, %eq3A_7 : i32
    %jit3A = arith.constant 128 : i32
    %jit3A_9 = arith.constant 32 : i32
    %select_n3A_10 = arith.select %eq3A_8, %jit3A, %jit3A_9 : i32
    "tpu.region"() ({
      %run_scoped3A_175 = tpu.sem_alloc : memref<!tpu.dma_semaphore, #tpu.memory_space<semaphore_mem>>
      %dma_start3A_176 = arith.constant 0 : i32
      %dma_start3A_177 = arith.constant 0 : i32
      %dma_start3A_178 = tpu.memref_slice %arg8[%dma_start3A_176, %dma_start3A_177] : memref<128x128xi32, #tpu.memory_space<vmem>> -> memref<32x128xi32, #tpu.memory_space<vmem>>
      %dma_start3A_179 = arith.constant 0 : i32
      %dma_start3A_180 = tpu.memref_slice %arg3[%select_n3A, %dma_start3A_179] : memref<2560x128xi32, #tpu.memory_space<hbm>> -> memref<32x128xi32, #tpu.memory_space<hbm>>
      %dma_start3A_181 = arith.constant 0 : i32
      %dma_start3A_182 = arith.constant 0 : i32
      %dma_start3A_183 = tpu.memref_slice %arg8[%dma_start3A_181, %dma_start3A_182] : memref<128x128xi32, #tpu.memory_space<vmem>> -> memref<32x128xi32, #tpu.memory_space<vmem>>
      %dma_start3A_184 = arith.constant 0 : i32
      %dma_start3A_185 = tpu.memref_slice %arg3[%select_n3A, %dma_start3A_184] : memref<2560x128xi32, #tpu.memory_space<hbm>> -> memref<32x128xi32, #tpu.memory_space<hbm>>
      tpu.enqueue_dma source(%dma_start3A_185 : memref<32x128xi32, #tpu.memory_space<hbm>>) target(%dma_start3A_183 : memref<32x128xi32, #tpu.memory_space<vmem>>) target_semaphore(%run_scoped3A_175 : memref<!tpu.dma_semaphore, #tpu.memory_space<semaphore_mem>>)
      %dma_wait3A_186 = arith.constant 0 : i32
      %dma_wait3A_187 = arith.constant 0 : i32
      %dma_wait3A_188 = tpu.memref_slice %arg8[%dma_wait3A_186, %dma_wait3A_187] : memref<128x128xi32, #tpu.memory_space<vmem>> -> memref<32x128xi32, #tpu.memory_space<vmem>>
      %dma_wait3A_189 = arith.constant 0 : i32
      %dma_wait3A_190 = tpu.memref_slice %arg3[%select_n3A, %dma_wait3A_189] : memref<2560x128xi32, #tpu.memory_space<hbm>> -> memref<32x128xi32, #tpu.memory_space<hbm>>
      %dma_wait3A_191 = arith.constant 0 : i32
      %dma_wait3A_192 = arith.constant 0 : i32
      %dma_wait3A_193 = tpu.memref_slice %arg8[%dma_wait3A_191, %dma_wait3A_192] : memref<128x128xi32, #tpu.memory_space<vmem>> -> memref<32x128xi32, #tpu.memory_space<vmem>>
      %dma_wait3A_194 = arith.constant 0 : i32
      %dma_wait3A_195 = tpu.memref_slice %arg3[%select_n3A, %dma_wait3A_194] : memref<2560x128xi32, #tpu.memory_space<hbm>> -> memref<32x128xi32, #tpu.memory_space<hbm>>
      tpu.wait_dma2 semaphore(%run_scoped3A_175 : memref<!tpu.dma_semaphore, #tpu.memory_space<semaphore_mem>>) src(%dma_wait3A_195 : memref<32x128xi32, #tpu.memory_space<hbm>>) dst(%dma_wait3A_193 : memref<32x128xi32, #tpu.memory_space<vmem>>)
      tpu.yield
    }) : () -> ()
    "tpu.region"() ({
      %run_scoped3A_175 = tpu.sem_alloc : memref<!tpu.dma_semaphore, #tpu.memory_space<semaphore_mem>>
      %dma_start3A_176 = arith.constant 0 : i32
      %dma_start3A_177 = arith.constant 0 : i32
      %dma_start3A_178 = tpu.memref_slice %arg7[%dma_start3A_176, %dma_start3A_177] : memref<128x128xi32, #tpu.memory_space<vmem>> -> memref<32x128xi32, #tpu.memory_space<vmem>>
      %dma_start3A_179 = arith.constant 0 : i32
      %dma_start3A_180 = tpu.memref_slice %arg2[%select_n3A, %dma_start3A_179] : memref<2560x128xi32, #tpu.memory_space<hbm>> -> memref<32x128xi32, #tpu.memory_space<hbm>>
      %dma_start3A_181 = arith.constant 0 : i32
      %dma_start3A_182 = arith.constant 0 : i32
      %dma_start3A_183 = tpu.memref_slice %arg7[%dma_start3A_181, %dma_start3A_182] : memref<128x128xi32, #tpu.memory_space<vmem>> -> memref<32x128xi32, #tpu.memory_space<vmem>>
      %dma_start3A_184 = arith.constant 0 : i32
      %dma_start3A_185 = tpu.memref_slice %arg2[%select_n3A, %dma_start3A_184] : memref<2560x128xi32, #tpu.memory_space<hbm>> -> memref<32x128xi32, #tpu.memory_space<hbm>>
      tpu.enqueue_dma source(%dma_start3A_185 : memref<32x128xi32, #tpu.memory_space<hbm>>) target(%dma_start3A_183 : memref<32x128xi32, #tpu.memory_space<vmem>>) target_semaphore(%run_scoped3A_175 : memref<!tpu.dma_semaphore, #tpu.memory_space<semaphore_mem>>)
      %dma_wait3A_186 = arith.constant 0 : i32
      %dma_wait3A_187 = arith.constant 0 : i32
      %dma_wait3A_188 = tpu.memref_slice %arg7[%dma_wait3A_186, %dma_wait3A_187] : memref<128x128xi32, #tpu.memory_space<vmem>> -> memref<32x128xi32, #tpu.memory_space<vmem>>
      %dma_wait3A_189 = arith.constant 0 : i32
      %dma_wait3A_190 = tpu.memref_slice %arg2[%select_n3A, %dma_wait3A_189] : memref<2560x128xi32, #tpu.memory_space<hbm>> -> memref<32x128xi32, #tpu.memory_space<hbm>>
      %dma_wait3A_191 = arith.constant 0 : i32
      %dma_wait3A_192 = arith.constant 0 : i32
      %dma_wait3A_193 = tpu.memref_slice %arg7[%dma_wait3A_191, %dma_wait3A_192] : memref<128x128xi32, #tpu.memory_space<vmem>> -> memref<32x128xi32, #tpu.memory_space<vmem>>
      %dma_wait3A_194 = arith.constant 0 : i32
      %dma_wait3A_195 = tpu.memref_slice %arg2[%select_n3A, %dma_wait3A_194] : memref<2560x128xi32, #tpu.memory_space<hbm>> -> memref<32x128xi32, #tpu.memory_space<hbm>>
      tpu.wait_dma2 semaphore(%run_scoped3A_175 : memref<!tpu.dma_semaphore, #tpu.memory_space<semaphore_mem>>) src(%dma_wait3A_195 : memref<32x128xi32, #tpu.memory_space<hbm>>) dst(%dma_wait3A_193 : memref<32x128xi32, #tpu.memory_space<vmem>>)
      tpu.yield
    }) : () -> ()
    %eq3A_11 = arith.constant 0 : i32
    %eq3A_12 = arith.cmpi eq, %arg0, %eq3A_11 : i32
    %convert_element_type3A = arith.extui %eq3A_12 : i1 to i32
    %cond3A = arith.constant 0 : i32
    %cond3A_13 = arith.cmpi ne, %convert_element_type3A, %cond3A : i32
    scf.if %cond3A_13 {
      %add3A_175 = arith.constant 32 : i32
      %add3A_176 = arith.addi %select_n3A, %add3A_175 : i32
      "tpu.region"() ({
        %run_scoped3A_179 = tpu.sem_alloc : memref<!tpu.dma_semaphore, #tpu.memory_space<semaphore_mem>>
        %dma_start3A_180 = arith.constant 32 : i32
        %dma_start3A_181 = arith.constant 0 : i32
        %dma_start3A_182 = tpu.memref_slice %arg8[%dma_start3A_180, %dma_start3A_181] : memref<128x128xi32, #tpu.memory_space<vmem>> -> memref<96x128xi32, #tpu.memory_space<vmem>>
        %dma_start3A_183 = arith.constant 0 : i32
        %dma_start3A_184 = tpu.memref_slice %arg3[%add3A_176, %dma_start3A_183] : memref<2560x128xi32, #tpu.memory_space<hbm>> -> memref<96x128xi32, #tpu.memory_space<hbm>>
        %dma_start3A_185 = arith.constant 32 : i32
        %dma_start3A_186 = arith.constant 0 : i32
        %dma_start3A_187 = tpu.memref_slice %arg8[%dma_start3A_185, %dma_start3A_186] : memref<128x128xi32, #tpu.memory_space<vmem>> -> memref<96x128xi32, #tpu.memory_space<vmem>>
        %dma_start3A_188 = arith.constant 0 : i32
        %dma_start3A_189 = tpu.memref_slice %arg3[%add3A_176, %dma_start3A_188] : memref<2560x128xi32, #tpu.memory_space<hbm>> -> memref<96x128xi32, #tpu.memory_space<hbm>>
        tpu.enqueue_dma source(%dma_start3A_189 : memref<96x128xi32, #tpu.memory_space<hbm>>) target(%dma_start3A_187 : memref<96x128xi32, #tpu.memory_space<vmem>>) target_semaphore(%run_scoped3A_179 : memref<!tpu.dma_semaphore, #tpu.memory_space<semaphore_mem>>)
        %dma_wait3A_190 = arith.constant 32 : i32
        %dma_wait3A_191 = arith.constant 0 : i32
        %dma_wait3A_192 = tpu.memref_slice %arg8[%dma_wait3A_190, %dma_wait3A_191] : memref<128x128xi32, #tpu.memory_space<vmem>> -> memref<96x128xi32, #tpu.memory_space<vmem>>
        %dma_wait3A_193 = arith.constant 0 : i32
        %dma_wait3A_194 = tpu.memref_slice %arg3[%add3A_176, %dma_wait3A_193] : memref<2560x128xi32, #tpu.memory_space<hbm>> -> memref<96x128xi32, #tpu.memory_space<hbm>>
        %dma_wait3A_195 = arith.constant 32 : i32
        %dma_wait3A_196 = arith.constant 0 : i32
        %dma_wait3A_197 = tpu.memref_slice %arg8[%dma_wait3A_195, %dma_wait3A_196] : memref<128x128xi32, #tpu.memory_space<vmem>> -> memref<96x128xi32, #tpu.memory_space<vmem>>
        %dma_wait3A_198 = arith.constant 0 : i32
        %dma_wait3A_199 = tpu.memref_slice %arg3[%add3A_176, %dma_wait3A_198] : memref<2560x128xi32, #tpu.memory_space<hbm>> -> memref<96x128xi32, #tpu.memory_space<hbm>>
        tpu.wait_dma2 semaphore(%run_scoped3A_179 : memref<!tpu.dma_semaphore, #tpu.memory_space<semaphore_mem>>) src(%dma_wait3A_199 : memref<96x128xi32, #tpu.memory_space<hbm>>) dst(%dma_wait3A_197 : memref<96x128xi32, #tpu.memory_space<vmem>>)
        tpu.yield
      }) : () -> ()
      %add3A_177 = arith.constant 32 : i32
      %add3A_178 = arith.addi %select_n3A, %add3A_177 : i32
      "tpu.region"() ({
        %run_scoped3A_179 = tpu.sem_alloc : memref<!tpu.dma_semaphore, #tpu.memory_space<semaphore_mem>>
        %dma_start3A_180 = arith.constant 32 : i32
        %dma_start3A_181 = arith.constant 0 : i32
        %dma_start3A_182 = tpu.memref_slice %arg7[%dma_start3A_180, %dma_start3A_181] : memref<128x128xi32, #tpu.memory_space<vmem>> -> memref<96x128xi32, #tpu.memory_space<vmem>>
        %dma_start3A_183 = arith.constant 0 : i32
        %dma_start3A_184 = tpu.memref_slice %arg2[%add3A_178, %dma_start3A_183] : memref<2560x128xi32, #tpu.memory_space<hbm>> -> memref<96x128xi32, #tpu.memory_space<hbm>>
        %dma_start3A_185 = arith.constant 32 : i32
        %dma_start3A_186 = arith.constant 0 : i32
        %dma_start3A_187 = tpu.memref_slice %arg7[%dma_start3A_185, %dma_start3A_186] : memref<128x128xi32, #tpu.memory_space<vmem>> -> memref<96x128xi32, #tpu.memory_space<vmem>>
        %dma_start3A_188 = arith.constant 0 : i32
        %dma_start3A_189 = tpu.memref_slice %arg2[%add3A_178, %dma_start3A_188] : memref<2560x128xi32, #tpu.memory_space<hbm>> -> memref<96x128xi32, #tpu.memory_space<hbm>>
        tpu.enqueue_dma source(%dma_start3A_189 : memref<96x128xi32, #tpu.memory_space<hbm>>) target(%dma_start3A_187 : memref<96x128xi32, #tpu.memory_space<vmem>>) target_semaphore(%run_scoped3A_179 : memref<!tpu.dma_semaphore, #tpu.memory_space<semaphore_mem>>)
        %dma_wait3A_190 = arith.constant 32 : i32
        %dma_wait3A_191 = arith.constant 0 : i32
        %dma_wait3A_192 = tpu.memref_slice %arg7[%dma_wait3A_190, %dma_wait3A_191] : memref<128x128xi32, #tpu.memory_space<vmem>> -> memref<96x128xi32, #tpu.memory_space<vmem>>
        %dma_wait3A_193 = arith.constant 0 : i32
        %dma_wait3A_194 = tpu.memref_slice %arg2[%add3A_178, %dma_wait3A_193] : memref<2560x128xi32, #tpu.memory_space<hbm>> -> memref<96x128xi32, #tpu.memory_space<hbm>>
        %dma_wait3A_195 = arith.constant 32 : i32
        %dma_wait3A_196 = arith.constant 0 : i32
        %dma_wait3A_197 = tpu.memref_slice %arg7[%dma_wait3A_195, %dma_wait3A_196] : memref<128x128xi32, #tpu.memory_space<vmem>> -> memref<96x128xi32, #tpu.memory_space<vmem>>
        %dma_wait3A_198 = arith.constant 0 : i32
        %dma_wait3A_199 = tpu.memref_slice %arg2[%add3A_178, %dma_wait3A_198] : memref<2560x128xi32, #tpu.memory_space<hbm>> -> memref<96x128xi32, #tpu.memory_space<hbm>>
        tpu.wait_dma2 semaphore(%run_scoped3A_179 : memref<!tpu.dma_semaphore, #tpu.memory_space<semaphore_mem>>) src(%dma_wait3A_199 : memref<96x128xi32, #tpu.memory_space<hbm>>) dst(%dma_wait3A_197 : memref<96x128xi32, #tpu.memory_space<vmem>>)
        tpu.yield
      }) : () -> ()
    } else {
    }
    %run_scoped3A = arith.constant 0 : i32
    "tpu.region"() ({
      %run_scoped3A_175 = tpu.sem_alloc : memref<!tpu.dma_semaphore, #tpu.memory_space<semaphore_mem>>
      %dma_start3A_176 = arith.constant 0 : i32
      %dma_start3A_177 = arith.constant 0 : i32
      %dma_start3A_178 = tpu.memref_slice %arg9[%run_scoped3A, %dma_start3A_176, %dma_start3A_177] : memref<4x128x16xf32, #tpu.memory_space<vmem>> -> memref<1x128x16xf32, #tpu.memory_space<vmem>>
      %dma_start3A_179 = tpu.memref_squeeze %dma_start3A_178 : memref<1x128x16xf32, #tpu.memory_space<vmem>> -> memref<128x16xf32, #tpu.memory_space<vmem>>
      %dma_start3A_180 = arith.constant 0 : i32
      %dma_start3A_181 = arith.constant 0 : i32
      %dma_start3A_182 = tpu.memref_slice %arg9[%run_scoped3A, %dma_start3A_180, %dma_start3A_181] : memref<4x128x16xf32, #tpu.memory_space<vmem>> -> memref<1x128x16xf32, #tpu.memory_space<vmem>>
      %dma_start3A_183 = tpu.memref_squeeze %dma_start3A_182 : memref<1x128x16xf32, #tpu.memory_space<vmem>> -> memref<128x16xf32, #tpu.memory_space<vmem>>
      tpu.enqueue_dma source(%arg5 : memref<128x16xf32, #tpu.memory_space<hbm>>) target(%dma_start3A_183 : memref<128x16xf32, #tpu.memory_space<vmem>>) target_semaphore(%run_scoped3A_175 : memref<!tpu.dma_semaphore, #tpu.memory_space<semaphore_mem>>)
      %dma_wait3A_184 = arith.constant 0 : i32
      %dma_wait3A_185 = arith.constant 0 : i32
      %dma_wait3A_186 = tpu.memref_slice %arg9[%run_scoped3A, %dma_wait3A_184, %dma_wait3A_185] : memref<4x128x16xf32, #tpu.memory_space<vmem>> -> memref<1x128x16xf32, #tpu.memory_space<vmem>>
      %dma_wait3A_187 = tpu.memref_squeeze %dma_wait3A_186 : memref<1x128x16xf32, #tpu.memory_space<vmem>> -> memref<128x16xf32, #tpu.memory_space<vmem>>
      %dma_wait3A_188 = arith.constant 0 : i32
      %dma_wait3A_189 = arith.constant 0 : i32
      %dma_wait3A_190 = tpu.memref_slice %arg9[%run_scoped3A, %dma_wait3A_188, %dma_wait3A_189] : memref<4x128x16xf32, #tpu.memory_space<vmem>> -> memref<1x128x16xf32, #tpu.memory_space<vmem>>
      %dma_wait3A_191 = tpu.memref_squeeze %dma_wait3A_190 : memref<1x128x16xf32, #tpu.memory_space<vmem>> -> memref<128x16xf32, #tpu.memory_space<vmem>>
      tpu.wait_dma2 semaphore(%run_scoped3A_175 : memref<!tpu.dma_semaphore, #tpu.memory_space<semaphore_mem>>) src(%arg5 : memref<128x16xf32, #tpu.memory_space<hbm>>) dst(%dma_wait3A_191 : memref<128x16xf32, #tpu.memory_space<vmem>>)
      tpu.yield
    }) : () -> ()
    %add3A_14 = arith.constant 0 : i32
    %add3A_15 = arith.addi %mul3A_0, %add3A_14 : i32
    %run_scoped3A_16 = arith.constant 0 : i32
    "tpu.region"() ({
      %run_scoped3A_175 = tpu.sem_alloc : memref<!tpu.dma_semaphore, #tpu.memory_space<semaphore_mem>>
      %dma_start3A_176 = arith.constant 0 : i32
      %dma_start3A_177 = arith.constant 0 : i32
      %dma_start3A_178 = tpu.memref_slice %arg9[%run_scoped3A_16, %dma_start3A_176, %dma_start3A_177] : memref<4x128x16xf32, #tpu.memory_space<vmem>> -> memref<1x128x16xf32, #tpu.memory_space<vmem>>
      %dma_start3A_179 = tpu.memref_squeeze %dma_start3A_178 : memref<1x128x16xf32, #tpu.memory_space<vmem>> -> memref<128x16xf32, #tpu.memory_space<vmem>>
      %dma_start3A_180 = arith.constant 0 : i32
      %dma_start3A_181 = tpu.memref_slice %arg10[%add3A_15, %dma_start3A_180] : memref<10240x16xf32, #tpu.memory_space<vmem_shared>> -> memref<128x16xf32, #tpu.memory_space<vmem_shared>>
      %dma_start3A_182 = arith.constant 0 : i32
      %dma_start3A_183 = tpu.memref_slice %arg10[%add3A_15, %dma_start3A_182] : memref<10240x16xf32, #tpu.memory_space<vmem_shared>> -> memref<128x16xf32, #tpu.memory_space<vmem_shared>>
      %dma_start3A_184 = arith.constant 0 : i32
      %dma_start3A_185 = arith.constant 0 : i32
      %dma_start3A_186 = tpu.memref_slice %arg9[%run_scoped3A_16, %dma_start3A_184, %dma_start3A_185] : memref<4x128x16xf32, #tpu.memory_space<vmem>> -> memref<1x128x16xf32, #tpu.memory_space<vmem>>
      %dma_start3A_187 = tpu.memref_squeeze %dma_start3A_186 : memref<1x128x16xf32, #tpu.memory_space<vmem>> -> memref<128x16xf32, #tpu.memory_space<vmem>>
      tpu.enqueue_dma source(%dma_start3A_187 : memref<128x16xf32, #tpu.memory_space<vmem>>) target(%dma_start3A_183 : memref<128x16xf32, #tpu.memory_space<vmem_shared>>) target_semaphore(%run_scoped3A_175 : memref<!tpu.dma_semaphore, #tpu.memory_space<semaphore_mem>>)
      %dma_wait3A_188 = arith.constant 0 : i32
      %dma_wait3A_189 = arith.constant 0 : i32
      %dma_wait3A_190 = tpu.memref_slice %arg9[%run_scoped3A_16, %dma_wait3A_188, %dma_wait3A_189] : memref<4x128x16xf32, #tpu.memory_space<vmem>> -> memref<1x128x16xf32, #tpu.memory_space<vmem>>
      %dma_wait3A_191 = tpu.memref_squeeze %dma_wait3A_190 : memref<1x128x16xf32, #tpu.memory_space<vmem>> -> memref<128x16xf32, #tpu.memory_space<vmem>>
      %dma_wait3A_192 = arith.constant 0 : i32
      %dma_wait3A_193 = tpu.memref_slice %arg10[%add3A_15, %dma_wait3A_192] : memref<10240x16xf32, #tpu.memory_space<vmem_shared>> -> memref<128x16xf32, #tpu.memory_space<vmem_shared>>
      %dma_wait3A_194 = arith.constant 0 : i32
      %dma_wait3A_195 = tpu.memref_slice %arg10[%add3A_15, %dma_wait3A_194] : memref<10240x16xf32, #tpu.memory_space<vmem_shared>> -> memref<128x16xf32, #tpu.memory_space<vmem_shared>>
      %dma_wait3A_196 = arith.constant 0 : i32
      %dma_wait3A_197 = arith.constant 0 : i32
      %dma_wait3A_198 = tpu.memref_slice %arg9[%run_scoped3A_16, %dma_wait3A_196, %dma_wait3A_197] : memref<4x128x16xf32, #tpu.memory_space<vmem>> -> memref<1x128x16xf32, #tpu.memory_space<vmem>>
      %dma_wait3A_199 = tpu.memref_squeeze %dma_wait3A_198 : memref<1x128x16xf32, #tpu.memory_space<vmem>> -> memref<128x16xf32, #tpu.memory_space<vmem>>
      tpu.wait_dma2 semaphore(%run_scoped3A_175 : memref<!tpu.dma_semaphore, #tpu.memory_space<semaphore_mem>>) src(%dma_wait3A_199 : memref<128x16xf32, #tpu.memory_space<vmem>>) dst(%dma_wait3A_195 : memref<128x16xf32, #tpu.memory_space<vmem_shared>>)
      tpu.yield
    }) : () -> ()
    %add3A_17 = arith.constant 128 : i32
    %add3A_18 = arith.addi %mul3A_0, %add3A_17 : i32
    %run_scoped3A_19 = arith.constant 0 : i32
    "tpu.region"() ({
      %run_scoped3A_175 = tpu.sem_alloc : memref<!tpu.dma_semaphore, #tpu.memory_space<semaphore_mem>>
      %dma_start3A_176 = arith.constant 0 : i32
      %dma_start3A_177 = arith.constant 0 : i32
      %dma_start3A_178 = tpu.memref_slice %arg9[%run_scoped3A_19, %dma_start3A_176, %dma_start3A_177] : memref<4x128x16xf32, #tpu.memory_space<vmem>> -> memref<1x128x16xf32, #tpu.memory_space<vmem>>
      %dma_start3A_179 = tpu.memref_squeeze %dma_start3A_178 : memref<1x128x16xf32, #tpu.memory_space<vmem>> -> memref<128x16xf32, #tpu.memory_space<vmem>>
      %dma_start3A_180 = arith.constant 0 : i32
      %dma_start3A_181 = tpu.memref_slice %arg10[%add3A_18, %dma_start3A_180] : memref<10240x16xf32, #tpu.memory_space<vmem_shared>> -> memref<128x16xf32, #tpu.memory_space<vmem_shared>>
      %dma_start3A_182 = arith.constant 0 : i32
      %dma_start3A_183 = tpu.memref_slice %arg10[%add3A_18, %dma_start3A_182] : memref<10240x16xf32, #tpu.memory_space<vmem_shared>> -> memref<128x16xf32, #tpu.memory_space<vmem_shared>>
      %dma_start3A_184 = arith.constant 0 : i32
      %dma_start3A_185 = arith.constant 0 : i32
      %dma_start3A_186 = tpu.memref_slice %arg9[%run_scoped3A_19, %dma_start3A_184, %dma_start3A_185] : memref<4x128x16xf32, #tpu.memory_space<vmem>> -> memref<1x128x16xf32, #tpu.memory_space<vmem>>
      %dma_start3A_187 = tpu.memref_squeeze %dma_start3A_186 : memref<1x128x16xf32, #tpu.memory_space<vmem>> -> memref<128x16xf32, #tpu.memory_space<vmem>>
      tpu.enqueue_dma source(%dma_start3A_187 : memref<128x16xf32, #tpu.memory_space<vmem>>) target(%dma_start3A_183 : memref<128x16xf32, #tpu.memory_space<vmem_shared>>) target_semaphore(%run_scoped3A_175 : memref<!tpu.dma_semaphore, #tpu.memory_space<semaphore_mem>>)
      %dma_wait3A_188 = arith.constant 0 : i32
      %dma_wait3A_189 = arith.constant 0 : i32
      %dma_wait3A_190 = tpu.memref_slice %arg9[%run_scoped3A_19, %dma_wait3A_188, %dma_wait3A_189] : memref<4x128x16xf32, #tpu.memory_space<vmem>> -> memref<1x128x16xf32, #tpu.memory_space<vmem>>
      %dma_wait3A_191 = tpu.memref_squeeze %dma_wait3A_190 : memref<1x128x16xf32, #tpu.memory_space<vmem>> -> memref<128x16xf32, #tpu.memory_space<vmem>>
      %dma_wait3A_192 = arith.constant 0 : i32
      %dma_wait3A_193 = tpu.memref_slice %arg10[%add3A_18, %dma_wait3A_192] : memref<10240x16xf32, #tpu.memory_space<vmem_shared>> -> memref<128x16xf32, #tpu.memory_space<vmem_shared>>
      %dma_wait3A_194 = arith.constant 0 : i32
      %dma_wait3A_195 = tpu.memref_slice %arg10[%add3A_18, %dma_wait3A_194] : memref<10240x16xf32, #tpu.memory_space<vmem_shared>> -> memref<128x16xf32, #tpu.memory_space<vmem_shared>>
      %dma_wait3A_196 = arith.constant 0 : i32
      %dma_wait3A_197 = arith.constant 0 : i32
      %dma_wait3A_198 = tpu.memref_slice %arg9[%run_scoped3A_19, %dma_wait3A_196, %dma_wait3A_197] : memref<4x128x16xf32, #tpu.memory_space<vmem>> -> memref<1x128x16xf32, #tpu.memory_space<vmem>>
      %dma_wait3A_199 = tpu.memref_squeeze %dma_wait3A_198 : memref<1x128x16xf32, #tpu.memory_space<vmem>> -> memref<128x16xf32, #tpu.memory_space<vmem>>
      tpu.wait_dma2 semaphore(%run_scoped3A_175 : memref<!tpu.dma_semaphore, #tpu.memory_space<semaphore_mem>>) src(%dma_wait3A_199 : memref<128x16xf32, #tpu.memory_space<vmem>>) dst(%dma_wait3A_195 : memref<128x16xf32, #tpu.memory_space<vmem_shared>>)
      tpu.yield
    }) : () -> ()
    %add3A_20 = arith.constant 256 : i32
    %add3A_21 = arith.addi %mul3A_0, %add3A_20 : i32
    %run_scoped3A_22 = arith.constant 0 : i32
    "tpu.region"() ({
      %run_scoped3A_175 = tpu.sem_alloc : memref<!tpu.dma_semaphore, #tpu.memory_space<semaphore_mem>>
      %dma_start3A_176 = arith.constant 0 : i32
      %dma_start3A_177 = arith.constant 0 : i32
      %dma_start3A_178 = tpu.memref_slice %arg9[%run_scoped3A_22, %dma_start3A_176, %dma_start3A_177] : memref<4x128x16xf32, #tpu.memory_space<vmem>> -> memref<1x128x16xf32, #tpu.memory_space<vmem>>
      %dma_start3A_179 = tpu.memref_squeeze %dma_start3A_178 : memref<1x128x16xf32, #tpu.memory_space<vmem>> -> memref<128x16xf32, #tpu.memory_space<vmem>>
      %dma_start3A_180 = arith.constant 0 : i32
      %dma_start3A_181 = tpu.memref_slice %arg10[%add3A_21, %dma_start3A_180] : memref<10240x16xf32, #tpu.memory_space<vmem_shared>> -> memref<128x16xf32, #tpu.memory_space<vmem_shared>>
      %dma_start3A_182 = arith.constant 0 : i32
      %dma_start3A_183 = tpu.memref_slice %arg10[%add3A_21, %dma_start3A_182] : memref<10240x16xf32, #tpu.memory_space<vmem_shared>> -> memref<128x16xf32, #tpu.memory_space<vmem_shared>>
      %dma_start3A_184 = arith.constant 0 : i32
      %dma_start3A_185 = arith.constant 0 : i32
      %dma_start3A_186 = tpu.memref_slice %arg9[%run_scoped3A_22, %dma_start3A_184, %dma_start3A_185] : memref<4x128x16xf32, #tpu.memory_space<vmem>> -> memref<1x128x16xf32, #tpu.memory_space<vmem>>
      %dma_start3A_187 = tpu.memref_squeeze %dma_start3A_186 : memref<1x128x16xf32, #tpu.memory_space<vmem>> -> memref<128x16xf32, #tpu.memory_space<vmem>>
      tpu.enqueue_dma source(%dma_start3A_187 : memref<128x16xf32, #tpu.memory_space<vmem>>) target(%dma_start3A_183 : memref<128x16xf32, #tpu.memory_space<vmem_shared>>) target_semaphore(%run_scoped3A_175 : memref<!tpu.dma_semaphore, #tpu.memory_space<semaphore_mem>>)
      %dma_wait3A_188 = arith.constant 0 : i32
      %dma_wait3A_189 = arith.constant 0 : i32
      %dma_wait3A_190 = tpu.memref_slice %arg9[%run_scoped3A_22, %dma_wait3A_188, %dma_wait3A_189] : memref<4x128x16xf32, #tpu.memory_space<vmem>> -> memref<1x128x16xf32, #tpu.memory_space<vmem>>
      %dma_wait3A_191 = tpu.memref_squeeze %dma_wait3A_190 : memref<1x128x16xf32, #tpu.memory_space<vmem>> -> memref<128x16xf32, #tpu.memory_space<vmem>>
      %dma_wait3A_192 = arith.constant 0 : i32
      %dma_wait3A_193 = tpu.memref_slice %arg10[%add3A_21, %dma_wait3A_192] : memref<10240x16xf32, #tpu.memory_space<vmem_shared>> -> memref<128x16xf32, #tpu.memory_space<vmem_shared>>
      %dma_wait3A_194 = arith.constant 0 : i32
      %dma_wait3A_195 = tpu.memref_slice %arg10[%add3A_21, %dma_wait3A_194] : memref<10240x16xf32, #tpu.memory_space<vmem_shared>> -> memref<128x16xf32, #tpu.memory_space<vmem_shared>>
      %dma_wait3A_196 = arith.constant 0 : i32
      %dma_wait3A_197 = arith.constant 0 : i32
      %dma_wait3A_198 = tpu.memref_slice %arg9[%run_scoped3A_22, %dma_wait3A_196, %dma_wait3A_197] : memref<4x128x16xf32, #tpu.memory_space<vmem>> -> memref<1x128x16xf32, #tpu.memory_space<vmem>>
      %dma_wait3A_199 = tpu.memref_squeeze %dma_wait3A_198 : memref<1x128x16xf32, #tpu.memory_space<vmem>> -> memref<128x16xf32, #tpu.memory_space<vmem>>
      tpu.wait_dma2 semaphore(%run_scoped3A_175 : memref<!tpu.dma_semaphore, #tpu.memory_space<semaphore_mem>>) src(%dma_wait3A_199 : memref<128x16xf32, #tpu.memory_space<vmem>>) dst(%dma_wait3A_195 : memref<128x16xf32, #tpu.memory_space<vmem_shared>>)
      tpu.yield
    }) : () -> ()
    %add3A_23 = arith.constant 384 : i32
    %add3A_24 = arith.addi %mul3A_0, %add3A_23 : i32
    %run_scoped3A_25 = arith.constant 0 : i32
    "tpu.region"() ({
      %run_scoped3A_175 = tpu.sem_alloc : memref<!tpu.dma_semaphore, #tpu.memory_space<semaphore_mem>>
      %dma_start3A_176 = arith.constant 0 : i32
      %dma_start3A_177 = arith.constant 0 : i32
      %dma_start3A_178 = tpu.memref_slice %arg9[%run_scoped3A_25, %dma_start3A_176, %dma_start3A_177] : memref<4x128x16xf32, #tpu.memory_space<vmem>> -> memref<1x128x16xf32, #tpu.memory_space<vmem>>
      %dma_start3A_179 = tpu.memref_squeeze %dma_start3A_178 : memref<1x128x16xf32, #tpu.memory_space<vmem>> -> memref<128x16xf32, #tpu.memory_space<vmem>>
      %dma_start3A_180 = arith.constant 0 : i32
      %dma_start3A_181 = tpu.memref_slice %arg10[%add3A_24, %dma_start3A_180] : memref<10240x16xf32, #tpu.memory_space<vmem_shared>> -> memref<128x16xf32, #tpu.memory_space<vmem_shared>>
      %dma_start3A_182 = arith.constant 0 : i32
      %dma_start3A_183 = tpu.memref_slice %arg10[%add3A_24, %dma_start3A_182] : memref<10240x16xf32, #tpu.memory_space<vmem_shared>> -> memref<128x16xf32, #tpu.memory_space<vmem_shared>>
      %dma_start3A_184 = arith.constant 0 : i32
      %dma_start3A_185 = arith.constant 0 : i32
      %dma_start3A_186 = tpu.memref_slice %arg9[%run_scoped3A_25, %dma_start3A_184, %dma_start3A_185] : memref<4x128x16xf32, #tpu.memory_space<vmem>> -> memref<1x128x16xf32, #tpu.memory_space<vmem>>
      %dma_start3A_187 = tpu.memref_squeeze %dma_start3A_186 : memref<1x128x16xf32, #tpu.memory_space<vmem>> -> memref<128x16xf32, #tpu.memory_space<vmem>>
      tpu.enqueue_dma source(%dma_start3A_187 : memref<128x16xf32, #tpu.memory_space<vmem>>) target(%dma_start3A_183 : memref<128x16xf32, #tpu.memory_space<vmem_shared>>) target_semaphore(%run_scoped3A_175 : memref<!tpu.dma_semaphore, #tpu.memory_space<semaphore_mem>>)
      %dma_wait3A_188 = arith.constant 0 : i32
      %dma_wait3A_189 = arith.constant 0 : i32
      %dma_wait3A_190 = tpu.memref_slice %arg9[%run_scoped3A_25, %dma_wait3A_188, %dma_wait3A_189] : memref<4x128x16xf32, #tpu.memory_space<vmem>> -> memref<1x128x16xf32, #tpu.memory_space<vmem>>
      %dma_wait3A_191 = tpu.memref_squeeze %dma_wait3A_190 : memref<1x128x16xf32, #tpu.memory_space<vmem>> -> memref<128x16xf32, #tpu.memory_space<vmem>>
      %dma_wait3A_192 = arith.constant 0 : i32
      %dma_wait3A_193 = tpu.memref_slice %arg10[%add3A_24, %dma_wait3A_192] : memref<10240x16xf32, #tpu.memory_space<vmem_shared>> -> memref<128x16xf32, #tpu.memory_space<vmem_shared>>
      %dma_wait3A_194 = arith.constant 0 : i32
      %dma_wait3A_195 = tpu.memref_slice %arg10[%add3A_24, %dma_wait3A_194] : memref<10240x16xf32, #tpu.memory_space<vmem_shared>> -> memref<128x16xf32, #tpu.memory_space<vmem_shared>>
      %dma_wait3A_196 = arith.constant 0 : i32
      %dma_wait3A_197 = arith.constant 0 : i32
      %dma_wait3A_198 = tpu.memref_slice %arg9[%run_scoped3A_25, %dma_wait3A_196, %dma_wait3A_197] : memref<4x128x16xf32, #tpu.memory_space<vmem>> -> memref<1x128x16xf32, #tpu.memory_space<vmem>>
      %dma_wait3A_199 = tpu.memref_squeeze %dma_wait3A_198 : memref<1x128x16xf32, #tpu.memory_space<vmem>> -> memref<128x16xf32, #tpu.memory_space<vmem>>
      tpu.wait_dma2 semaphore(%run_scoped3A_175 : memref<!tpu.dma_semaphore, #tpu.memory_space<semaphore_mem>>) src(%dma_wait3A_199 : memref<128x16xf32, #tpu.memory_space<vmem>>) dst(%dma_wait3A_195 : memref<128x16xf32, #tpu.memory_space<vmem_shared>>)
      tpu.yield
    }) : () -> ()
    %add3A_26 = arith.constant 512 : i32
    %add3A_27 = arith.addi %mul3A_0, %add3A_26 : i32
    %run_scoped3A_28 = arith.constant 0 : i32
    "tpu.region"() ({
      %run_scoped3A_175 = tpu.sem_alloc : memref<!tpu.dma_semaphore, #tpu.memory_space<semaphore_mem>>
      %dma_start3A_176 = arith.constant 0 : i32
      %dma_start3A_177 = arith.constant 0 : i32
      %dma_start3A_178 = tpu.memref_slice %arg9[%run_scoped3A_28, %dma_start3A_176, %dma_start3A_177] : memref<4x128x16xf32, #tpu.memory_space<vmem>> -> memref<1x128x16xf32, #tpu.memory_space<vmem>>
      %dma_start3A_179 = tpu.memref_squeeze %dma_start3A_178 : memref<1x128x16xf32, #tpu.memory_space<vmem>> -> memref<128x16xf32, #tpu.memory_space<vmem>>
      %dma_start3A_180 = arith.constant 0 : i32
      %dma_start3A_181 = tpu.memref_slice %arg10[%add3A_27, %dma_start3A_180] : memref<10240x16xf32, #tpu.memory_space<vmem_shared>> -> memref<128x16xf32, #tpu.memory_space<vmem_shared>>
      %dma_start3A_182 = arith.constant 0 : i32
      %dma_start3A_183 = tpu.memref_slice %arg10[%add3A_27, %dma_start3A_182] : memref<10240x16xf32, #tpu.memory_space<vmem_shared>> -> memref<128x16xf32, #tpu.memory_space<vmem_shared>>
      %dma_start3A_184 = arith.constant 0 : i32
      %dma_start3A_185 = arith.constant 0 : i32
      %dma_start3A_186 = tpu.memref_slice %arg9[%run_scoped3A_28, %dma_start3A_184, %dma_start3A_185] : memref<4x128x16xf32, #tpu.memory_space<vmem>> -> memref<1x128x16xf32, #tpu.memory_space<vmem>>
      %dma_start3A_187 = tpu.memref_squeeze %dma_start3A_186 : memref<1x128x16xf32, #tpu.memory_space<vmem>> -> memref<128x16xf32, #tpu.memory_space<vmem>>
      tpu.enqueue_dma source(%dma_start3A_187 : memref<128x16xf32, #tpu.memory_space<vmem>>) target(%dma_start3A_183 : memref<128x16xf32, #tpu.memory_space<vmem_shared>>) target_semaphore(%run_scoped3A_175 : memref<!tpu.dma_semaphore, #tpu.memory_space<semaphore_mem>>)
      %dma_wait3A_188 = arith.constant 0 : i32
      %dma_wait3A_189 = arith.constant 0 : i32
      %dma_wait3A_190 = tpu.memref_slice %arg9[%run_scoped3A_28, %dma_wait3A_188, %dma_wait3A_189] : memref<4x128x16xf32, #tpu.memory_space<vmem>> -> memref<1x128x16xf32, #tpu.memory_space<vmem>>
      %dma_wait3A_191 = tpu.memref_squeeze %dma_wait3A_190 : memref<1x128x16xf32, #tpu.memory_space<vmem>> -> memref<128x16xf32, #tpu.memory_space<vmem>>
      %dma_wait3A_192 = arith.constant 0 : i32
      %dma_wait3A_193 = tpu.memref_slice %arg10[%add3A_27, %dma_wait3A_192] : memref<10240x16xf32, #tpu.memory_space<vmem_shared>> -> memref<128x16xf32, #tpu.memory_space<vmem_shared>>
      %dma_wait3A_194 = arith.constant 0 : i32
      %dma_wait3A_195 = tpu.memref_slice %arg10[%add3A_27, %dma_wait3A_194] : memref<10240x16xf32, #tpu.memory_space<vmem_shared>> -> memref<128x16xf32, #tpu.memory_space<vmem_shared>>
      %dma_wait3A_196 = arith.constant 0 : i32
      %dma_wait3A_197 = arith.constant 0 : i32
      %dma_wait3A_198 = tpu.memref_slice %arg9[%run_scoped3A_28, %dma_wait3A_196, %dma_wait3A_197] : memref<4x128x16xf32, #tpu.memory_space<vmem>> -> memref<1x128x16xf32, #tpu.memory_space<vmem>>
      %dma_wait3A_199 = tpu.memref_squeeze %dma_wait3A_198 : memref<1x128x16xf32, #tpu.memory_space<vmem>> -> memref<128x16xf32, #tpu.memory_space<vmem>>
      tpu.wait_dma2 semaphore(%run_scoped3A_175 : memref<!tpu.dma_semaphore, #tpu.memory_space<semaphore_mem>>) src(%dma_wait3A_199 : memref<128x16xf32, #tpu.memory_space<vmem>>) dst(%dma_wait3A_195 : memref<128x16xf32, #tpu.memory_space<vmem_shared>>)
      tpu.yield
    }) : () -> ()
    %barrier3A = arith.constant 0 : index
    tpu.barrier barrier_id(%barrier3A)
    %dma_start3A = arith.constant 0 : i32
    %dma_start3A_29 = arith.constant 0 : i32
    %dma_start3A_30 = arith.constant 0 : i32
    %dma_start3A_31 = arith.constant 0 : i32
    %dma_start3A_32 = tpu.memref_slice %arg9[%dma_start3A_29, %dma_start3A_30, %dma_start3A_31] : memref<4x128x16xf32, #tpu.memory_space<vmem>> -> memref<1x128x16xf32, #tpu.memory_space<vmem>>
    %dma_start3A_33 = tpu.memref_squeeze %dma_start3A_32 : memref<1x128x16xf32, #tpu.memory_space<vmem>> -> memref<128x16xf32, #tpu.memory_space<vmem>>
    %dma_start3A_34 = arith.constant 0 : i32
    %dma_start3A_35 = tpu.memref_slice %arg7[%dma_start3A, %dma_start3A_34] : memref<128x128xi32, #tpu.memory_space<vmem>> -> memref<1x128xi32, #tpu.memory_space<vmem>>
    %dma_start3A_36 = tpu.memref_squeeze %dma_start3A_35 : memref<1x128xi32, #tpu.memory_space<vmem>> -> memref<128xi32, #tpu.memory_space<vmem>>
    %dma_start3A_37 = arith.constant 0 : i32
    %dma_start3A_38 = arith.constant 0 : i32
    %dma_start3A_39 = tpu.memref_slice %arg4[%dma_start3A_37, %dma_start3A_38] : memref<10000x16xf32, #tpu.memory_space<hbm>> -> memref<10000x16xf32, #tpu.memory_space<hbm>>
    tpu.enqueue_indirect_dma source(%dma_start3A_39 : memref<10000x16xf32, #tpu.memory_space<hbm>>) target(%dma_start3A_33 : memref<128x16xf32, #tpu.memory_space<vmem>>) offsets(%dma_start3A_36 : memref<128xi32, #tpu.memory_space<vmem>>) semaphore(%arg11 : memref<!tpu.dma_semaphore, #tpu.memory_space<semaphore_mem>>)
    %dma_start3A_40 = arith.constant 1 : i32
    %dma_start3A_41 = arith.constant 1 : i32
    %dma_start3A_42 = arith.constant 0 : i32
    %dma_start3A_43 = arith.constant 0 : i32
    %dma_start3A_44 = tpu.memref_slice %arg9[%dma_start3A_41, %dma_start3A_42, %dma_start3A_43] : memref<4x128x16xf32, #tpu.memory_space<vmem>> -> memref<1x128x16xf32, #tpu.memory_space<vmem>>
    %dma_start3A_45 = tpu.memref_squeeze %dma_start3A_44 : memref<1x128x16xf32, #tpu.memory_space<vmem>> -> memref<128x16xf32, #tpu.memory_space<vmem>>
    %dma_start3A_46 = arith.constant 0 : i32
    %dma_start3A_47 = tpu.memref_slice %arg7[%dma_start3A_40, %dma_start3A_46] : memref<128x128xi32, #tpu.memory_space<vmem>> -> memref<1x128xi32, #tpu.memory_space<vmem>>
    %dma_start3A_48 = tpu.memref_squeeze %dma_start3A_47 : memref<1x128xi32, #tpu.memory_space<vmem>> -> memref<128xi32, #tpu.memory_space<vmem>>
    %dma_start3A_49 = arith.constant 0 : i32
    %dma_start3A_50 = arith.constant 0 : i32
    %dma_start3A_51 = tpu.memref_slice %arg4[%dma_start3A_49, %dma_start3A_50] : memref<10000x16xf32, #tpu.memory_space<hbm>> -> memref<10000x16xf32, #tpu.memory_space<hbm>>
    tpu.enqueue_indirect_dma source(%dma_start3A_51 : memref<10000x16xf32, #tpu.memory_space<hbm>>) target(%dma_start3A_45 : memref<128x16xf32, #tpu.memory_space<vmem>>) offsets(%dma_start3A_48 : memref<128xi32, #tpu.memory_space<vmem>>) semaphore(%arg12 : memref<!tpu.dma_semaphore, #tpu.memory_space<semaphore_mem>>)
    %dma_start3A_52 = arith.constant 2 : i32
    %dma_start3A_53 = arith.constant 2 : i32
    %dma_start3A_54 = arith.constant 0 : i32
    %dma_start3A_55 = arith.constant 0 : i32
    %dma_start3A_56 = tpu.memref_slice %arg9[%dma_start3A_53, %dma_start3A_54, %dma_start3A_55] : memref<4x128x16xf32, #tpu.memory_space<vmem>> -> memref<1x128x16xf32, #tpu.memory_space<vmem>>
    %dma_start3A_57 = tpu.memref_squeeze %dma_start3A_56 : memref<1x128x16xf32, #tpu.memory_space<vmem>> -> memref<128x16xf32, #tpu.memory_space<vmem>>
    %dma_start3A_58 = arith.constant 0 : i32
    %dma_start3A_59 = tpu.memref_slice %arg7[%dma_start3A_52, %dma_start3A_58] : memref<128x128xi32, #tpu.memory_space<vmem>> -> memref<1x128xi32, #tpu.memory_space<vmem>>
    %dma_start3A_60 = tpu.memref_squeeze %dma_start3A_59 : memref<1x128xi32, #tpu.memory_space<vmem>> -> memref<128xi32, #tpu.memory_space<vmem>>
    %dma_start3A_61 = arith.constant 0 : i32
    %dma_start3A_62 = arith.constant 0 : i32
    %dma_start3A_63 = tpu.memref_slice %arg4[%dma_start3A_61, %dma_start3A_62] : memref<10000x16xf32, #tpu.memory_space<hbm>> -> memref<10000x16xf32, #tpu.memory_space<hbm>>
    tpu.enqueue_indirect_dma source(%dma_start3A_63 : memref<10000x16xf32, #tpu.memory_space<hbm>>) target(%dma_start3A_57 : memref<128x16xf32, #tpu.memory_space<vmem>>) offsets(%dma_start3A_60 : memref<128xi32, #tpu.memory_space<vmem>>) semaphore(%arg13 : memref<!tpu.dma_semaphore, #tpu.memory_space<semaphore_mem>>)
    %dma_start3A_64 = arith.constant 3 : i32
    %dma_start3A_65 = arith.constant 3 : i32
    %dma_start3A_66 = arith.constant 0 : i32
    %dma_start3A_67 = arith.constant 0 : i32
    %dma_start3A_68 = tpu.memref_slice %arg9[%dma_start3A_65, %dma_start3A_66, %dma_start3A_67] : memref<4x128x16xf32, #tpu.memory_space<vmem>> -> memref<1x128x16xf32, #tpu.memory_space<vmem>>
    %dma_start3A_69 = tpu.memref_squeeze %dma_start3A_68 : memref<1x128x16xf32, #tpu.memory_space<vmem>> -> memref<128x16xf32, #tpu.memory_space<vmem>>
    %dma_start3A_70 = arith.constant 0 : i32
    %dma_start3A_71 = tpu.memref_slice %arg7[%dma_start3A_64, %dma_start3A_70] : memref<128x128xi32, #tpu.memory_space<vmem>> -> memref<1x128xi32, #tpu.memory_space<vmem>>
    %dma_start3A_72 = tpu.memref_squeeze %dma_start3A_71 : memref<1x128xi32, #tpu.memory_space<vmem>> -> memref<128xi32, #tpu.memory_space<vmem>>
    %dma_start3A_73 = arith.constant 0 : i32
    %dma_start3A_74 = arith.constant 0 : i32
    %dma_start3A_75 = tpu.memref_slice %arg4[%dma_start3A_73, %dma_start3A_74] : memref<10000x16xf32, #tpu.memory_space<hbm>> -> memref<10000x16xf32, #tpu.memory_space<hbm>>
    tpu.enqueue_indirect_dma source(%dma_start3A_75 : memref<10000x16xf32, #tpu.memory_space<hbm>>) target(%dma_start3A_69 : memref<128x16xf32, #tpu.memory_space<vmem>>) offsets(%dma_start3A_72 : memref<128xi32, #tpu.memory_space<vmem>>) semaphore(%arg14 : memref<!tpu.dma_semaphore, #tpu.memory_space<semaphore_mem>>)
    %jit3A_76 = arith.constant 4 : i32
    %div3A = arith.divsi %select_n3A_10, %jit3A_76 : i32
    %sign3A = arith.constant 0 : i32
    %sign3A_77 = arith.cmpi sgt, %select_n3A_10, %sign3A : i32
    %sign3A_78 = arith.extui %sign3A_77 : i1 to i32
    %sign3A_79 = arith.constant 0 : i32
    %sign3A_80 = arith.cmpi slt, %select_n3A_10, %sign3A_79 : i32
    %sign3A_81 = arith.extui %sign3A_80 : i1 to i32
    %sign3A_82 = arith.subi %sign3A_78, %sign3A_81 : i32
    %sign3A_83 = arith.constant 0 : i32
    %sign3A_84 = arith.cmpi sgt, %jit3A_76, %sign3A_83 : i32
    %sign3A_85 = arith.extui %sign3A_84 : i1 to i32
    %sign3A_86 = arith.constant 0 : i32
    %sign3A_87 = arith.cmpi slt, %jit3A_76, %sign3A_86 : i32
    %sign3A_88 = arith.extui %sign3A_87 : i1 to i32
    %sign3A_89 = arith.subi %sign3A_85, %sign3A_88 : i32
    %ne3A = arith.cmpi ne, %sign3A_82, %sign3A_89 : i32
    %rem3A = arith.remsi %select_n3A_10, %jit3A_76 : i32
    %ne3A_90 = arith.constant 0 : i32
    %ne3A_91 = arith.cmpi ne, %rem3A, %ne3A_90 : i32
    %and3A = arith.andi %ne3A, %ne3A_91 : i1
    %sub3A = arith.constant 1 : i32
    %sub3A_92 = arith.subi %div3A, %sub3A : i32
    %select_n3A_93 = arith.select %and3A, %sub3A_92, %div3A : i32
    %while3A = arith.constant 0 : i32
    %while3A_94 = arith.constant 0 : i32
    %while3A_95 = arith.subi %select_n3A_93, %while3A : i32
    %while3A_96 = arith.addi %while3A, %while3A_95 : i32
    %while3A_97 = arith.constant 1 : i32
    %while3A_98 = arith.divsi %while3A_95, %while3A_97 : i32
    %while3A_99 = arith.muli %while3A_98, %while3A_97 : i32
    %while3A_100 = arith.addi %while3A, %while3A_99 : i32
    %while3A_101 = arith.constant 1 : i32
    %while3A_102 = scf.for %while3A_175 = %while3A to %while3A_100 step %while3A_101 iter_args(%while3A_176 = %while3A_94) -> (i32)  : i32 {
      %mul3A_177 = arith.constant 4 : i32
      %mul3A_178 = arith.muli %while3A_175, %mul3A_177 : i32
      %add3A_179 = arith.constant 0 : i32
      %add3A_180 = arith.addi %mul3A_178, %add3A_179 : i32
      %dma_wait3A_181 = arith.constant 0 : i32
      %dma_wait3A_182 = arith.constant 0 : i32
      %dma_wait3A_183 = arith.constant 0 : i32
      %dma_wait3A_184 = tpu.memref_slice %arg9[%dma_wait3A_181, %dma_wait3A_182, %dma_wait3A_183] : memref<4x128x16xf32, #tpu.memory_space<vmem>> -> memref<1x128x16xf32, #tpu.memory_space<vmem>>
      %dma_wait3A_185 = tpu.memref_squeeze %dma_wait3A_184 : memref<1x128x16xf32, #tpu.memory_space<vmem>> -> memref<128x16xf32, #tpu.memory_space<vmem>>
      %dma_wait3A_186 = arith.constant 0 : i32
      %dma_wait3A_187 = arith.constant 0 : i32
      %dma_wait3A_188 = tpu.memref_slice %arg4[%dma_wait3A_186, %dma_wait3A_187] : memref<10000x16xf32, #tpu.memory_space<hbm>> -> memref<128x16xf32, #tpu.memory_space<hbm>>
      %dma_wait3A_189 = arith.constant 0 : i32
      %dma_wait3A_190 = arith.constant 0 : i32
      %dma_wait3A_191 = tpu.memref_slice %arg9[%dma_wait3A_181, %dma_wait3A_189, %dma_wait3A_190] : memref<4x128x16xf32, #tpu.memory_space<vmem>> -> memref<1x128x16xf32, #tpu.memory_space<vmem>>
      %dma_wait3A_192 = tpu.memref_squeeze %dma_wait3A_191 : memref<1x128x16xf32, #tpu.memory_space<vmem>> -> memref<128x16xf32, #tpu.memory_space<vmem>>
      %dma_wait3A_193 = arith.constant 0 : i32
      %dma_wait3A_194 = arith.constant 0 : i32
      %dma_wait3A_195 = tpu.memref_slice %arg4[%dma_wait3A_193, %dma_wait3A_194] : memref<10000x16xf32, #tpu.memory_space<hbm>> -> memref<128x16xf32, #tpu.memory_space<hbm>>
      tpu.wait_dma2 semaphore(%arg11 : memref<!tpu.dma_semaphore, #tpu.memory_space<semaphore_mem>>) src(%dma_wait3A_195 : memref<128x16xf32, #tpu.memory_space<hbm>>) dst(%dma_wait3A_192 : memref<128x16xf32, #tpu.memory_space<vmem>>)
      %dma_start3A_196 = arith.constant 0 : i32
      %dma_start3A_197 = arith.constant 0 : i32
      %dma_start3A_198 = arith.constant 0 : i32
      %dma_start3A_199 = tpu.memref_slice %arg9[%dma_start3A_196, %dma_start3A_197, %dma_start3A_198] : memref<4x128x16xf32, #tpu.memory_space<vmem>> -> memref<1x128x16xf32, #tpu.memory_space<vmem>>
      %dma_start3A_200 = tpu.memref_squeeze %dma_start3A_199 : memref<1x128x16xf32, #tpu.memory_space<vmem>> -> memref<128x16xf32, #tpu.memory_space<vmem>>
      %dma_start3A_201 = arith.constant 0 : i32
      %dma_start3A_202 = tpu.memref_slice %arg8[%add3A_180, %dma_start3A_201] : memref<128x128xi32, #tpu.memory_space<vmem>> -> memref<1x128xi32, #tpu.memory_space<vmem>>
      %dma_start3A_203 = tpu.memref_squeeze %dma_start3A_202 : memref<1x128xi32, #tpu.memory_space<vmem>> -> memref<128xi32, #tpu.memory_space<vmem>>
      %dma_start3A_204 = arith.constant 0 : i32
      %dma_start3A_205 = arith.constant 0 : i32
      %dma_start3A_206 = tpu.memref_slice %arg10[%dma_start3A_204, %dma_start3A_205] : memref<10240x16xf32, #tpu.memory_space<vmem_shared>> -> memref<10240x16xf32, #tpu.memory_space<vmem_shared>>
      tpu.enqueue_indirect_dma source(%dma_start3A_200 : memref<128x16xf32, #tpu.memory_space<vmem>>) target(%dma_start3A_206 : memref<10240x16xf32, #tpu.memory_space<vmem_shared>>) offsets(%dma_start3A_203 : memref<128xi32, #tpu.memory_space<vmem>>) semaphore(%arg15 : memref<!tpu.dma_semaphore, #tpu.memory_space<semaphore_mem>>) {add = true}
      %add3A_207 = arith.constant 4 : i32
      %add3A_208 = arith.addi %add3A_180, %add3A_207 : i32
      %lt3A = arith.cmpi slt, %add3A_208, %select_n3A_10 : i32
      %convert_element_type3A_209 = arith.extui %lt3A : i1 to i32
      %cond3A_210 = arith.constant 0 : i32
      %cond3A_211 = arith.cmpi ne, %convert_element_type3A_209, %cond3A_210 : i32
      scf.if %cond3A_211 {
        %dma_wait3A_321 = arith.constant 0 : i32
        %dma_wait3A_322 = arith.constant 0 : i32
        %dma_wait3A_323 = arith.constant 0 : i32
        %dma_wait3A_324 = tpu.memref_slice %arg9[%dma_wait3A_321, %dma_wait3A_322, %dma_wait3A_323] : memref<4x128x16xf32, #tpu.memory_space<vmem>> -> memref<1x128x16xf32, #tpu.memory_space<vmem>>
        %dma_wait3A_325 = tpu.memref_squeeze %dma_wait3A_324 : memref<1x128x16xf32, #tpu.memory_space<vmem>> -> memref<128x16xf32, #tpu.memory_space<vmem>>
        %dma_wait3A_326 = arith.constant 0 : i32
        %dma_wait3A_327 = arith.constant 0 : i32
        %dma_wait3A_328 = tpu.memref_slice %arg4[%dma_wait3A_326, %dma_wait3A_327] : memref<10000x16xf32, #tpu.memory_space<hbm>> -> memref<128x16xf32, #tpu.memory_space<hbm>>
        %dma_wait3A_329 = arith.constant 0 : i32
        %dma_wait3A_330 = arith.constant 0 : i32
        %dma_wait3A_331 = tpu.memref_slice %arg9[%dma_wait3A_321, %dma_wait3A_329, %dma_wait3A_330] : memref<4x128x16xf32, #tpu.memory_space<vmem>> -> memref<1x128x16xf32, #tpu.memory_space<vmem>>
        %dma_wait3A_332 = tpu.memref_squeeze %dma_wait3A_331 : memref<1x128x16xf32, #tpu.memory_space<vmem>> -> memref<128x16xf32, #tpu.memory_space<vmem>>
        %dma_wait3A_333 = arith.constant 0 : i32
        %dma_wait3A_334 = arith.constant 0 : i32
        %dma_wait3A_335 = tpu.memref_slice %arg4[%dma_wait3A_333, %dma_wait3A_334] : memref<10000x16xf32, #tpu.memory_space<hbm>> -> memref<128x16xf32, #tpu.memory_space<hbm>>
        tpu.wait_dma2 semaphore(%arg15 : memref<!tpu.dma_semaphore, #tpu.memory_space<semaphore_mem>>) src(%dma_wait3A_335 : memref<128x16xf32, #tpu.memory_space<hbm>>) dst(%dma_wait3A_332 : memref<128x16xf32, #tpu.memory_space<vmem>>)
        %add3A_336 = arith.constant 4 : i32
        %add3A_337 = arith.addi %add3A_180, %add3A_336 : i32
        %dma_start3A_338 = arith.constant 0 : i32
        %dma_start3A_339 = arith.constant 0 : i32
        %dma_start3A_340 = arith.constant 0 : i32
        %dma_start3A_341 = tpu.memref_slice %arg9[%dma_start3A_338, %dma_start3A_339, %dma_start3A_340] : memref<4x128x16xf32, #tpu.memory_space<vmem>> -> memref<1x128x16xf32, #tpu.memory_space<vmem>>
        %dma_start3A_342 = tpu.memref_squeeze %dma_start3A_341 : memref<1x128x16xf32, #tpu.memory_space<vmem>> -> memref<128x16xf32, #tpu.memory_space<vmem>>
        %dma_start3A_343 = arith.constant 0 : i32
        %dma_start3A_344 = tpu.memref_slice %arg7[%add3A_337, %dma_start3A_343] : memref<128x128xi32, #tpu.memory_space<vmem>> -> memref<1x128xi32, #tpu.memory_space<vmem>>
        %dma_start3A_345 = tpu.memref_squeeze %dma_start3A_344 : memref<1x128xi32, #tpu.memory_space<vmem>> -> memref<128xi32, #tpu.memory_space<vmem>>
        %dma_start3A_346 = arith.constant 0 : i32
        %dma_start3A_347 = arith.constant 0 : i32
        %dma_start3A_348 = tpu.memref_slice %arg4[%dma_start3A_346, %dma_start3A_347] : memref<10000x16xf32, #tpu.memory_space<hbm>> -> memref<10000x16xf32, #tpu.memory_space<hbm>>
        tpu.enqueue_indirect_dma source(%dma_start3A_348 : memref<10000x16xf32, #tpu.memory_space<hbm>>) target(%dma_start3A_342 : memref<128x16xf32, #tpu.memory_space<vmem>>) offsets(%dma_start3A_345 : memref<128xi32, #tpu.memory_space<vmem>>) semaphore(%arg11 : memref<!tpu.dma_semaphore, #tpu.memory_space<semaphore_mem>>)
      } else {
      }
      %mul3A_212 = arith.constant 4 : i32
      %mul3A_213 = arith.muli %while3A_175, %mul3A_212 : i32
      %add3A_214 = arith.constant 1 : i32
      %add3A_215 = arith.addi %mul3A_213, %add3A_214 : i32
      %dma_wait3A_216 = arith.constant 1 : i32
      %dma_wait3A_217 = arith.constant 0 : i32
      %dma_wait3A_218 = arith.constant 0 : i32
      %dma_wait3A_219 = tpu.memref_slice %arg9[%dma_wait3A_216, %dma_wait3A_217, %dma_wait3A_218] : memref<4x128x16xf32, #tpu.memory_space<vmem>> -> memref<1x128x16xf32, #tpu.memory_space<vmem>>
      %dma_wait3A_220 = tpu.memref_squeeze %dma_wait3A_219 : memref<1x128x16xf32, #tpu.memory_space<vmem>> -> memref<128x16xf32, #tpu.memory_space<vmem>>
      %dma_wait3A_221 = arith.constant 0 : i32
      %dma_wait3A_222 = arith.constant 0 : i32
      %dma_wait3A_223 = tpu.memref_slice %arg4[%dma_wait3A_221, %dma_wait3A_222] : memref<10000x16xf32, #tpu.memory_space<hbm>> -> memref<128x16xf32, #tpu.memory_space<hbm>>
      %dma_wait3A_224 = arith.constant 0 : i32
      %dma_wait3A_225 = arith.constant 0 : i32
      %dma_wait3A_226 = tpu.memref_slice %arg9[%dma_wait3A_216, %dma_wait3A_224, %dma_wait3A_225] : memref<4x128x16xf32, #tpu.memory_space<vmem>> -> memref<1x128x16xf32, #tpu.memory_space<vmem>>
      %dma_wait3A_227 = tpu.memref_squeeze %dma_wait3A_226 : memref<1x128x16xf32, #tpu.memory_space<vmem>> -> memref<128x16xf32, #tpu.memory_space<vmem>>
      %dma_wait3A_228 = arith.constant 0 : i32
      %dma_wait3A_229 = arith.constant 0 : i32
      %dma_wait3A_230 = tpu.memref_slice %arg4[%dma_wait3A_228, %dma_wait3A_229] : memref<10000x16xf32, #tpu.memory_space<hbm>> -> memref<128x16xf32, #tpu.memory_space<hbm>>
      tpu.wait_dma2 semaphore(%arg12 : memref<!tpu.dma_semaphore, #tpu.memory_space<semaphore_mem>>) src(%dma_wait3A_230 : memref<128x16xf32, #tpu.memory_space<hbm>>) dst(%dma_wait3A_227 : memref<128x16xf32, #tpu.memory_space<vmem>>)
      %dma_start3A_231 = arith.constant 1 : i32
      %dma_start3A_232 = arith.constant 0 : i32
      %dma_start3A_233 = arith.constant 0 : i32
      %dma_start3A_234 = tpu.memref_slice %arg9[%dma_start3A_231, %dma_start3A_232, %dma_start3A_233] : memref<4x128x16xf32, #tpu.memory_space<vmem>> -> memref<1x128x16xf32, #tpu.memory_space<vmem>>
      %dma_start3A_235 = tpu.memref_squeeze %dma_start3A_234 : memref<1x128x16xf32, #tpu.memory_space<vmem>> -> memref<128x16xf32, #tpu.memory_space<vmem>>
      %dma_start3A_236 = arith.constant 0 : i32
      %dma_start3A_237 = tpu.memref_slice %arg8[%add3A_215, %dma_start3A_236] : memref<128x128xi32, #tpu.memory_space<vmem>> -> memref<1x128xi32, #tpu.memory_space<vmem>>
      %dma_start3A_238 = tpu.memref_squeeze %dma_start3A_237 : memref<1x128xi32, #tpu.memory_space<vmem>> -> memref<128xi32, #tpu.memory_space<vmem>>
      %dma_start3A_239 = arith.constant 0 : i32
      %dma_start3A_240 = arith.constant 0 : i32
      %dma_start3A_241 = tpu.memref_slice %arg10[%dma_start3A_239, %dma_start3A_240] : memref<10240x16xf32, #tpu.memory_space<vmem_shared>> -> memref<10240x16xf32, #tpu.memory_space<vmem_shared>>
      tpu.enqueue_indirect_dma source(%dma_start3A_235 : memref<128x16xf32, #tpu.memory_space<vmem>>) target(%dma_start3A_241 : memref<10240x16xf32, #tpu.memory_space<vmem_shared>>) offsets(%dma_start3A_238 : memref<128xi32, #tpu.memory_space<vmem>>) semaphore(%arg16 : memref<!tpu.dma_semaphore, #tpu.memory_space<semaphore_mem>>) {add = true}
      %add3A_242 = arith.constant 4 : i32
      %add3A_243 = arith.addi %add3A_215, %add3A_242 : i32
      %lt3A_244 = arith.cmpi slt, %add3A_243, %select_n3A_10 : i32
      %convert_element_type3A_245 = arith.extui %lt3A_244 : i1 to i32
      %cond3A_246 = arith.constant 0 : i32
      %cond3A_247 = arith.cmpi ne, %convert_element_type3A_245, %cond3A_246 : i32
      scf.if %cond3A_247 {
        %dma_wait3A_321 = arith.constant 1 : i32
        %dma_wait3A_322 = arith.constant 0 : i32
        %dma_wait3A_323 = arith.constant 0 : i32
        %dma_wait3A_324 = tpu.memref_slice %arg9[%dma_wait3A_321, %dma_wait3A_322, %dma_wait3A_323] : memref<4x128x16xf32, #tpu.memory_space<vmem>> -> memref<1x128x16xf32, #tpu.memory_space<vmem>>
        %dma_wait3A_325 = tpu.memref_squeeze %dma_wait3A_324 : memref<1x128x16xf32, #tpu.memory_space<vmem>> -> memref<128x16xf32, #tpu.memory_space<vmem>>
        %dma_wait3A_326 = arith.constant 0 : i32
        %dma_wait3A_327 = arith.constant 0 : i32
        %dma_wait3A_328 = tpu.memref_slice %arg4[%dma_wait3A_326, %dma_wait3A_327] : memref<10000x16xf32, #tpu.memory_space<hbm>> -> memref<128x16xf32, #tpu.memory_space<hbm>>
        %dma_wait3A_329 = arith.constant 0 : i32
        %dma_wait3A_330 = arith.constant 0 : i32
        %dma_wait3A_331 = tpu.memref_slice %arg9[%dma_wait3A_321, %dma_wait3A_329, %dma_wait3A_330] : memref<4x128x16xf32, #tpu.memory_space<vmem>> -> memref<1x128x16xf32, #tpu.memory_space<vmem>>
        %dma_wait3A_332 = tpu.memref_squeeze %dma_wait3A_331 : memref<1x128x16xf32, #tpu.memory_space<vmem>> -> memref<128x16xf32, #tpu.memory_space<vmem>>
        %dma_wait3A_333 = arith.constant 0 : i32
        %dma_wait3A_334 = arith.constant 0 : i32
        %dma_wait3A_335 = tpu.memref_slice %arg4[%dma_wait3A_333, %dma_wait3A_334] : memref<10000x16xf32, #tpu.memory_space<hbm>> -> memref<128x16xf32, #tpu.memory_space<hbm>>
        tpu.wait_dma2 semaphore(%arg16 : memref<!tpu.dma_semaphore, #tpu.memory_space<semaphore_mem>>) src(%dma_wait3A_335 : memref<128x16xf32, #tpu.memory_space<hbm>>) dst(%dma_wait3A_332 : memref<128x16xf32, #tpu.memory_space<vmem>>)
        %add3A_336 = arith.constant 4 : i32
        %add3A_337 = arith.addi %add3A_215, %add3A_336 : i32
        %dma_start3A_338 = arith.constant 1 : i32
        %dma_start3A_339 = arith.constant 0 : i32
        %dma_start3A_340 = arith.constant 0 : i32
        %dma_start3A_341 = tpu.memref_slice %arg9[%dma_start3A_338, %dma_start3A_339, %dma_start3A_340] : memref<4x128x16xf32, #tpu.memory_space<vmem>> -> memref<1x128x16xf32, #tpu.memory_space<vmem>>
        %dma_start3A_342 = tpu.memref_squeeze %dma_start3A_341 : memref<1x128x16xf32, #tpu.memory_space<vmem>> -> memref<128x16xf32, #tpu.memory_space<vmem>>
        %dma_start3A_343 = arith.constant 0 : i32
        %dma_start3A_344 = tpu.memref_slice %arg7[%add3A_337, %dma_start3A_343] : memref<128x128xi32, #tpu.memory_space<vmem>> -> memref<1x128xi32, #tpu.memory_space<vmem>>
        %dma_start3A_345 = tpu.memref_squeeze %dma_start3A_344 : memref<1x128xi32, #tpu.memory_space<vmem>> -> memref<128xi32, #tpu.memory_space<vmem>>
        %dma_start3A_346 = arith.constant 0 : i32
        %dma_start3A_347 = arith.constant 0 : i32
        %dma_start3A_348 = tpu.memref_slice %arg4[%dma_start3A_346, %dma_start3A_347] : memref<10000x16xf32, #tpu.memory_space<hbm>> -> memref<10000x16xf32, #tpu.memory_space<hbm>>
        tpu.enqueue_indirect_dma source(%dma_start3A_348 : memref<10000x16xf32, #tpu.memory_space<hbm>>) target(%dma_start3A_342 : memref<128x16xf32, #tpu.memory_space<vmem>>) offsets(%dma_start3A_345 : memref<128xi32, #tpu.memory_space<vmem>>) semaphore(%arg12 : memref<!tpu.dma_semaphore, #tpu.memory_space<semaphore_mem>>)
      } else {
      }
      %mul3A_248 = arith.constant 4 : i32
      %mul3A_249 = arith.muli %while3A_175, %mul3A_248 : i32
      %add3A_250 = arith.constant 2 : i32
      %add3A_251 = arith.addi %mul3A_249, %add3A_250 : i32
      %dma_wait3A_252 = arith.constant 2 : i32
      %dma_wait3A_253 = arith.constant 0 : i32
      %dma_wait3A_254 = arith.constant 0 : i32
      %dma_wait3A_255 = tpu.memref_slice %arg9[%dma_wait3A_252, %dma_wait3A_253, %dma_wait3A_254] : memref<4x128x16xf32, #tpu.memory_space<vmem>> -> memref<1x128x16xf32, #tpu.memory_space<vmem>>
      %dma_wait3A_256 = tpu.memref_squeeze %dma_wait3A_255 : memref<1x128x16xf32, #tpu.memory_space<vmem>> -> memref<128x16xf32, #tpu.memory_space<vmem>>
      %dma_wait3A_257 = arith.constant 0 : i32
      %dma_wait3A_258 = arith.constant 0 : i32
      %dma_wait3A_259 = tpu.memref_slice %arg4[%dma_wait3A_257, %dma_wait3A_258] : memref<10000x16xf32, #tpu.memory_space<hbm>> -> memref<128x16xf32, #tpu.memory_space<hbm>>
      %dma_wait3A_260 = arith.constant 0 : i32
      %dma_wait3A_261 = arith.constant 0 : i32
      %dma_wait3A_262 = tpu.memref_slice %arg9[%dma_wait3A_252, %dma_wait3A_260, %dma_wait3A_261] : memref<4x128x16xf32, #tpu.memory_space<vmem>> -> memref<1x128x16xf32, #tpu.memory_space<vmem>>
      %dma_wait3A_263 = tpu.memref_squeeze %dma_wait3A_262 : memref<1x128x16xf32, #tpu.memory_space<vmem>> -> memref<128x16xf32, #tpu.memory_space<vmem>>
      %dma_wait3A_264 = arith.constant 0 : i32
      %dma_wait3A_265 = arith.constant 0 : i32
      %dma_wait3A_266 = tpu.memref_slice %arg4[%dma_wait3A_264, %dma_wait3A_265] : memref<10000x16xf32, #tpu.memory_space<hbm>> -> memref<128x16xf32, #tpu.memory_space<hbm>>
      tpu.wait_dma2 semaphore(%arg13 : memref<!tpu.dma_semaphore, #tpu.memory_space<semaphore_mem>>) src(%dma_wait3A_266 : memref<128x16xf32, #tpu.memory_space<hbm>>) dst(%dma_wait3A_263 : memref<128x16xf32, #tpu.memory_space<vmem>>)
      %dma_start3A_267 = arith.constant 2 : i32
      %dma_start3A_268 = arith.constant 0 : i32
      %dma_start3A_269 = arith.constant 0 : i32
      %dma_start3A_270 = tpu.memref_slice %arg9[%dma_start3A_267, %dma_start3A_268, %dma_start3A_269] : memref<4x128x16xf32, #tpu.memory_space<vmem>> -> memref<1x128x16xf32, #tpu.memory_space<vmem>>
      %dma_start3A_271 = tpu.memref_squeeze %dma_start3A_270 : memref<1x128x16xf32, #tpu.memory_space<vmem>> -> memref<128x16xf32, #tpu.memory_space<vmem>>
      %dma_start3A_272 = arith.constant 0 : i32
      %dma_start3A_273 = tpu.memref_slice %arg8[%add3A_251, %dma_start3A_272] : memref<128x128xi32, #tpu.memory_space<vmem>> -> memref<1x128xi32, #tpu.memory_space<vmem>>
      %dma_start3A_274 = tpu.memref_squeeze %dma_start3A_273 : memref<1x128xi32, #tpu.memory_space<vmem>> -> memref<128xi32, #tpu.memory_space<vmem>>
      %dma_start3A_275 = arith.constant 0 : i32
      %dma_start3A_276 = arith.constant 0 : i32
      %dma_start3A_277 = tpu.memref_slice %arg10[%dma_start3A_275, %dma_start3A_276] : memref<10240x16xf32, #tpu.memory_space<vmem_shared>> -> memref<10240x16xf32, #tpu.memory_space<vmem_shared>>
      tpu.enqueue_indirect_dma source(%dma_start3A_271 : memref<128x16xf32, #tpu.memory_space<vmem>>) target(%dma_start3A_277 : memref<10240x16xf32, #tpu.memory_space<vmem_shared>>) offsets(%dma_start3A_274 : memref<128xi32, #tpu.memory_space<vmem>>) semaphore(%arg17 : memref<!tpu.dma_semaphore, #tpu.memory_space<semaphore_mem>>) {add = true}
      %add3A_278 = arith.constant 4 : i32
      %add3A_279 = arith.addi %add3A_251, %add3A_278 : i32
      %lt3A_280 = arith.cmpi slt, %add3A_279, %select_n3A_10 : i32
      %convert_element_type3A_281 = arith.extui %lt3A_280 : i1 to i32
      %cond3A_282 = arith.constant 0 : i32
      %cond3A_283 = arith.cmpi ne, %convert_element_type3A_281, %cond3A_282 : i32
      scf.if %cond3A_283 {
        %dma_wait3A_321 = arith.constant 2 : i32
        %dma_wait3A_322 = arith.constant 0 : i32
        %dma_wait3A_323 = arith.constant 0 : i32
        %dma_wait3A_324 = tpu.memref_slice %arg9[%dma_wait3A_321, %dma_wait3A_322, %dma_wait3A_323] : memref<4x128x16xf32, #tpu.memory_space<vmem>> -> memref<1x128x16xf32, #tpu.memory_space<vmem>>
        %dma_wait3A_325 = tpu.memref_squeeze %dma_wait3A_324 : memref<1x128x16xf32, #tpu.memory_space<vmem>> -> memref<128x16xf32, #tpu.memory_space<vmem>>
        %dma_wait3A_326 = arith.constant 0 : i32
        %dma_wait3A_327 = arith.constant 0 : i32
        %dma_wait3A_328 = tpu.memref_slice %arg4[%dma_wait3A_326, %dma_wait3A_327] : memref<10000x16xf32, #tpu.memory_space<hbm>> -> memref<128x16xf32, #tpu.memory_space<hbm>>
        %dma_wait3A_329 = arith.constant 0 : i32
        %dma_wait3A_330 = arith.constant 0 : i32
        %dma_wait3A_331 = tpu.memref_slice %arg9[%dma_wait3A_321, %dma_wait3A_329, %dma_wait3A_330] : memref<4x128x16xf32, #tpu.memory_space<vmem>> -> memref<1x128x16xf32, #tpu.memory_space<vmem>>
        %dma_wait3A_332 = tpu.memref_squeeze %dma_wait3A_331 : memref<1x128x16xf32, #tpu.memory_space<vmem>> -> memref<128x16xf32, #tpu.memory_space<vmem>>
        %dma_wait3A_333 = arith.constant 0 : i32
        %dma_wait3A_334 = arith.constant 0 : i32
        %dma_wait3A_335 = tpu.memref_slice %arg4[%dma_wait3A_333, %dma_wait3A_334] : memref<10000x16xf32, #tpu.memory_space<hbm>> -> memref<128x16xf32, #tpu.memory_space<hbm>>
        tpu.wait_dma2 semaphore(%arg17 : memref<!tpu.dma_semaphore, #tpu.memory_space<semaphore_mem>>) src(%dma_wait3A_335 : memref<128x16xf32, #tpu.memory_space<hbm>>) dst(%dma_wait3A_332 : memref<128x16xf32, #tpu.memory_space<vmem>>)
        %add3A_336 = arith.constant 4 : i32
        %add3A_337 = arith.addi %add3A_251, %add3A_336 : i32
        %dma_start3A_338 = arith.constant 2 : i32
        %dma_start3A_339 = arith.constant 0 : i32
        %dma_start3A_340 = arith.constant 0 : i32
        %dma_start3A_341 = tpu.memref_slice %arg9[%dma_start3A_338, %dma_start3A_339, %dma_start3A_340] : memref<4x128x16xf32, #tpu.memory_space<vmem>> -> memref<1x128x16xf32, #tpu.memory_space<vmem>>
        %dma_start3A_342 = tpu.memref_squeeze %dma_start3A_341 : memref<1x128x16xf32, #tpu.memory_space<vmem>> -> memref<128x16xf32, #tpu.memory_space<vmem>>
        %dma_start3A_343 = arith.constant 0 : i32
        %dma_start3A_344 = tpu.memref_slice %arg7[%add3A_337, %dma_start3A_343] : memref<128x128xi32, #tpu.memory_space<vmem>> -> memref<1x128xi32, #tpu.memory_space<vmem>>
        %dma_start3A_345 = tpu.memref_squeeze %dma_start3A_344 : memref<1x128xi32, #tpu.memory_space<vmem>> -> memref<128xi32, #tpu.memory_space<vmem>>
        %dma_start3A_346 = arith.constant 0 : i32
        %dma_start3A_347 = arith.constant 0 : i32
        %dma_start3A_348 = tpu.memref_slice %arg4[%dma_start3A_346, %dma_start3A_347] : memref<10000x16xf32, #tpu.memory_space<hbm>> -> memref<10000x16xf32, #tpu.memory_space<hbm>>
        tpu.enqueue_indirect_dma source(%dma_start3A_348 : memref<10000x16xf32, #tpu.memory_space<hbm>>) target(%dma_start3A_342 : memref<128x16xf32, #tpu.memory_space<vmem>>) offsets(%dma_start3A_345 : memref<128xi32, #tpu.memory_space<vmem>>) semaphore(%arg13 : memref<!tpu.dma_semaphore, #tpu.memory_space<semaphore_mem>>)
      } else {
      }
      %mul3A_284 = arith.constant 4 : i32
      %mul3A_285 = arith.muli %while3A_175, %mul3A_284 : i32
      %add3A_286 = arith.constant 3 : i32
      %add3A_287 = arith.addi %mul3A_285, %add3A_286 : i32
      %dma_wait3A_288 = arith.constant 3 : i32
      %dma_wait3A_289 = arith.constant 0 : i32
      %dma_wait3A_290 = arith.constant 0 : i32
      %dma_wait3A_291 = tpu.memref_slice %arg9[%dma_wait3A_288, %dma_wait3A_289, %dma_wait3A_290] : memref<4x128x16xf32, #tpu.memory_space<vmem>> -> memref<1x128x16xf32, #tpu.memory_space<vmem>>
      %dma_wait3A_292 = tpu.memref_squeeze %dma_wait3A_291 : memref<1x128x16xf32, #tpu.memory_space<vmem>> -> memref<128x16xf32, #tpu.memory_space<vmem>>
      %dma_wait3A_293 = arith.constant 0 : i32
      %dma_wait3A_294 = arith.constant 0 : i32
      %dma_wait3A_295 = tpu.memref_slice %arg4[%dma_wait3A_293, %dma_wait3A_294] : memref<10000x16xf32, #tpu.memory_space<hbm>> -> memref<128x16xf32, #tpu.memory_space<hbm>>
      %dma_wait3A_296 = arith.constant 0 : i32
      %dma_wait3A_297 = arith.constant 0 : i32
      %dma_wait3A_298 = tpu.memref_slice %arg9[%dma_wait3A_288, %dma_wait3A_296, %dma_wait3A_297] : memref<4x128x16xf32, #tpu.memory_space<vmem>> -> memref<1x128x16xf32, #tpu.memory_space<vmem>>
      %dma_wait3A_299 = tpu.memref_squeeze %dma_wait3A_298 : memref<1x128x16xf32, #tpu.memory_space<vmem>> -> memref<128x16xf32, #tpu.memory_space<vmem>>
      %dma_wait3A_300 = arith.constant 0 : i32
      %dma_wait3A_301 = arith.constant 0 : i32
      %dma_wait3A_302 = tpu.memref_slice %arg4[%dma_wait3A_300, %dma_wait3A_301] : memref<10000x16xf32, #tpu.memory_space<hbm>> -> memref<128x16xf32, #tpu.memory_space<hbm>>
      tpu.wait_dma2 semaphore(%arg14 : memref<!tpu.dma_semaphore, #tpu.memory_space<semaphore_mem>>) src(%dma_wait3A_302 : memref<128x16xf32, #tpu.memory_space<hbm>>) dst(%dma_wait3A_299 : memref<128x16xf32, #tpu.memory_space<vmem>>)
      %dma_start3A_303 = arith.constant 3 : i32
      %dma_start3A_304 = arith.constant 0 : i32
      %dma_start3A_305 = arith.constant 0 : i32
      %dma_start3A_306 = tpu.memref_slice %arg9[%dma_start3A_303, %dma_start3A_304, %dma_start3A_305] : memref<4x128x16xf32, #tpu.memory_space<vmem>> -> memref<1x128x16xf32, #tpu.memory_space<vmem>>
      %dma_start3A_307 = tpu.memref_squeeze %dma_start3A_306 : memref<1x128x16xf32, #tpu.memory_space<vmem>> -> memref<128x16xf32, #tpu.memory_space<vmem>>
      %dma_start3A_308 = arith.constant 0 : i32
      %dma_start3A_309 = tpu.memref_slice %arg8[%add3A_287, %dma_start3A_308] : memref<128x128xi32, #tpu.memory_space<vmem>> -> memref<1x128xi32, #tpu.memory_space<vmem>>
      %dma_start3A_310 = tpu.memref_squeeze %dma_start3A_309 : memref<1x128xi32, #tpu.memory_space<vmem>> -> memref<128xi32, #tpu.memory_space<vmem>>
      %dma_start3A_311 = arith.constant 0 : i32
      %dma_start3A_312 = arith.constant 0 : i32
      %dma_start3A_313 = tpu.memref_slice %arg10[%dma_start3A_311, %dma_start3A_312] : memref<10240x16xf32, #tpu.memory_space<vmem_shared>> -> memref<10240x16xf32, #tpu.memory_space<vmem_shared>>
      tpu.enqueue_indirect_dma source(%dma_start3A_307 : memref<128x16xf32, #tpu.memory_space<vmem>>) target(%dma_start3A_313 : memref<10240x16xf32, #tpu.memory_space<vmem_shared>>) offsets(%dma_start3A_310 : memref<128xi32, #tpu.memory_space<vmem>>) semaphore(%arg18 : memref<!tpu.dma_semaphore, #tpu.memory_space<semaphore_mem>>) {add = true}
      %add3A_314 = arith.constant 4 : i32
      %add3A_315 = arith.addi %add3A_287, %add3A_314 : i32
      %lt3A_316 = arith.cmpi slt, %add3A_315, %select_n3A_10 : i32
      %convert_element_type3A_317 = arith.extui %lt3A_316 : i1 to i32
      %cond3A_318 = arith.constant 0 : i32
      %cond3A_319 = arith.cmpi ne, %convert_element_type3A_317, %cond3A_318 : i32
      scf.if %cond3A_319 {
        %dma_wait3A_321 = arith.constant 3 : i32
        %dma_wait3A_322 = arith.constant 0 : i32
        %dma_wait3A_323 = arith.constant 0 : i32
        %dma_wait3A_324 = tpu.memref_slice %arg9[%dma_wait3A_321, %dma_wait3A_322, %dma_wait3A_323] : memref<4x128x16xf32, #tpu.memory_space<vmem>> -> memref<1x128x16xf32, #tpu.memory_space<vmem>>
        %dma_wait3A_325 = tpu.memref_squeeze %dma_wait3A_324 : memref<1x128x16xf32, #tpu.memory_space<vmem>> -> memref<128x16xf32, #tpu.memory_space<vmem>>
        %dma_wait3A_326 = arith.constant 0 : i32
        %dma_wait3A_327 = arith.constant 0 : i32
        %dma_wait3A_328 = tpu.memref_slice %arg4[%dma_wait3A_326, %dma_wait3A_327] : memref<10000x16xf32, #tpu.memory_space<hbm>> -> memref<128x16xf32, #tpu.memory_space<hbm>>
        %dma_wait3A_329 = arith.constant 0 : i32
        %dma_wait3A_330 = arith.constant 0 : i32
        %dma_wait3A_331 = tpu.memref_slice %arg9[%dma_wait3A_321, %dma_wait3A_329, %dma_wait3A_330] : memref<4x128x16xf32, #tpu.memory_space<vmem>> -> memref<1x128x16xf32, #tpu.memory_space<vmem>>
        %dma_wait3A_332 = tpu.memref_squeeze %dma_wait3A_331 : memref<1x128x16xf32, #tpu.memory_space<vmem>> -> memref<128x16xf32, #tpu.memory_space<vmem>>
        %dma_wait3A_333 = arith.constant 0 : i32
        %dma_wait3A_334 = arith.constant 0 : i32
        %dma_wait3A_335 = tpu.memref_slice %arg4[%dma_wait3A_333, %dma_wait3A_334] : memref<10000x16xf32, #tpu.memory_space<hbm>> -> memref<128x16xf32, #tpu.memory_space<hbm>>
        tpu.wait_dma2 semaphore(%arg18 : memref<!tpu.dma_semaphore, #tpu.memory_space<semaphore_mem>>) src(%dma_wait3A_335 : memref<128x16xf32, #tpu.memory_space<hbm>>) dst(%dma_wait3A_332 : memref<128x16xf32, #tpu.memory_space<vmem>>)
        %add3A_336 = arith.constant 4 : i32
        %add3A_337 = arith.addi %add3A_287, %add3A_336 : i32
        %dma_start3A_338 = arith.constant 3 : i32
        %dma_start3A_339 = arith.constant 0 : i32
        %dma_start3A_340 = arith.constant 0 : i32
        %dma_start3A_341 = tpu.memref_slice %arg9[%dma_start3A_338, %dma_start3A_339, %dma_start3A_340] : memref<4x128x16xf32, #tpu.memory_space<vmem>> -> memref<1x128x16xf32, #tpu.memory_space<vmem>>
        %dma_start3A_342 = tpu.memref_squeeze %dma_start3A_341 : memref<1x128x16xf32, #tpu.memory_space<vmem>> -> memref<128x16xf32, #tpu.memory_space<vmem>>
        %dma_start3A_343 = arith.constant 0 : i32
        %dma_start3A_344 = tpu.memref_slice %arg7[%add3A_337, %dma_start3A_343] : memref<128x128xi32, #tpu.memory_space<vmem>> -> memref<1x128xi32, #tpu.memory_space<vmem>>
        %dma_start3A_345 = tpu.memref_squeeze %dma_start3A_344 : memref<1x128xi32, #tpu.memory_space<vmem>> -> memref<128xi32, #tpu.memory_space<vmem>>
        %dma_start3A_346 = arith.constant 0 : i32
        %dma_start3A_347 = arith.constant 0 : i32
        %dma_start3A_348 = tpu.memref_slice %arg4[%dma_start3A_346, %dma_start3A_347] : memref<10000x16xf32, #tpu.memory_space<hbm>> -> memref<10000x16xf32, #tpu.memory_space<hbm>>
        tpu.enqueue_indirect_dma source(%dma_start3A_348 : memref<10000x16xf32, #tpu.memory_space<hbm>>) target(%dma_start3A_342 : memref<128x16xf32, #tpu.memory_space<vmem>>) offsets(%dma_start3A_345 : memref<128xi32, #tpu.memory_space<vmem>>) semaphore(%arg14 : memref<!tpu.dma_semaphore, #tpu.memory_space<semaphore_mem>>)
      } else {
      }
      %while3A_320 = arith.constant 0 : i32
      scf.yield %while3A_320 : i32
    }
    %while3A_103 = arith.constant 1 : i32
    %while3A_104 = scf.for %while3A_175 = %while3A_100 to %while3A_96 step %while3A_103 iter_args(%while3A_176 = %while3A_102) -> (i32)  : i32 {
      %mul3A_177 = arith.constant 4 : i32
      %mul3A_178 = arith.muli %while3A_175, %mul3A_177 : i32
      %add3A_179 = arith.constant 0 : i32
      %add3A_180 = arith.addi %mul3A_178, %add3A_179 : i32
      %dma_wait3A_181 = arith.constant 0 : i32
      %dma_wait3A_182 = arith.constant 0 : i32
      %dma_wait3A_183 = arith.constant 0 : i32
      %dma_wait3A_184 = tpu.memref_slice %arg9[%dma_wait3A_181, %dma_wait3A_182, %dma_wait3A_183] : memref<4x128x16xf32, #tpu.memory_space<vmem>> -> memref<1x128x16xf32, #tpu.memory_space<vmem>>
      %dma_wait3A_185 = tpu.memref_squeeze %dma_wait3A_184 : memref<1x128x16xf32, #tpu.memory_space<vmem>> -> memref<128x16xf32, #tpu.memory_space<vmem>>
      %dma_wait3A_186 = arith.constant 0 : i32
      %dma_wait3A_187 = arith.constant 0 : i32
      %dma_wait3A_188 = tpu.memref_slice %arg4[%dma_wait3A_186, %dma_wait3A_187] : memref<10000x16xf32, #tpu.memory_space<hbm>> -> memref<128x16xf32, #tpu.memory_space<hbm>>
      %dma_wait3A_189 = arith.constant 0 : i32
      %dma_wait3A_190 = arith.constant 0 : i32
      %dma_wait3A_191 = tpu.memref_slice %arg9[%dma_wait3A_181, %dma_wait3A_189, %dma_wait3A_190] : memref<4x128x16xf32, #tpu.memory_space<vmem>> -> memref<1x128x16xf32, #tpu.memory_space<vmem>>
      %dma_wait3A_192 = tpu.memref_squeeze %dma_wait3A_191 : memref<1x128x16xf32, #tpu.memory_space<vmem>> -> memref<128x16xf32, #tpu.memory_space<vmem>>
      %dma_wait3A_193 = arith.constant 0 : i32
      %dma_wait3A_194 = arith.constant 0 : i32
      %dma_wait3A_195 = tpu.memref_slice %arg4[%dma_wait3A_193, %dma_wait3A_194] : memref<10000x16xf32, #tpu.memory_space<hbm>> -> memref<128x16xf32, #tpu.memory_space<hbm>>
      tpu.wait_dma2 semaphore(%arg11 : memref<!tpu.dma_semaphore, #tpu.memory_space<semaphore_mem>>) src(%dma_wait3A_195 : memref<128x16xf32, #tpu.memory_space<hbm>>) dst(%dma_wait3A_192 : memref<128x16xf32, #tpu.memory_space<vmem>>)
      %dma_start3A_196 = arith.constant 0 : i32
      %dma_start3A_197 = arith.constant 0 : i32
      %dma_start3A_198 = arith.constant 0 : i32
      %dma_start3A_199 = tpu.memref_slice %arg9[%dma_start3A_196, %dma_start3A_197, %dma_start3A_198] : memref<4x128x16xf32, #tpu.memory_space<vmem>> -> memref<1x128x16xf32, #tpu.memory_space<vmem>>
      %dma_start3A_200 = tpu.memref_squeeze %dma_start3A_199 : memref<1x128x16xf32, #tpu.memory_space<vmem>> -> memref<128x16xf32, #tpu.memory_space<vmem>>
      %dma_start3A_201 = arith.constant 0 : i32
      %dma_start3A_202 = tpu.memref_slice %arg8[%add3A_180, %dma_start3A_201] : memref<128x128xi32, #tpu.memory_space<vmem>> -> memref<1x128xi32, #tpu.memory_space<vmem>>
      %dma_start3A_203 = tpu.memref_squeeze %dma_start3A_202 : memref<1x128xi32, #tpu.memory_space<vmem>> -> memref<128xi32, #tpu.memory_space<vmem>>
      %dma_start3A_204 = arith.constant 0 : i32
      %dma_start3A_205 = arith.constant 0 : i32
      %dma_start3A_206 = tpu.memref_slice %arg10[%dma_start3A_204, %dma_start3A_205] : memref<10240x16xf32, #tpu.memory_space<vmem_shared>> -> memref<10240x16xf32, #tpu.memory_space<vmem_shared>>
      tpu.enqueue_indirect_dma source(%dma_start3A_200 : memref<128x16xf32, #tpu.memory_space<vmem>>) target(%dma_start3A_206 : memref<10240x16xf32, #tpu.memory_space<vmem_shared>>) offsets(%dma_start3A_203 : memref<128xi32, #tpu.memory_space<vmem>>) semaphore(%arg15 : memref<!tpu.dma_semaphore, #tpu.memory_space<semaphore_mem>>) {add = true}
      %add3A_207 = arith.constant 4 : i32
      %add3A_208 = arith.addi %add3A_180, %add3A_207 : i32
      %lt3A = arith.cmpi slt, %add3A_208, %select_n3A_10 : i32
      %convert_element_type3A_209 = arith.extui %lt3A : i1 to i32
      %cond3A_210 = arith.constant 0 : i32
      %cond3A_211 = arith.cmpi ne, %convert_element_type3A_209, %cond3A_210 : i32
      scf.if %cond3A_211 {
        %dma_wait3A_321 = arith.constant 0 : i32
        %dma_wait3A_322 = arith.constant 0 : i32
        %dma_wait3A_323 = arith.constant 0 : i32
        %dma_wait3A_324 = tpu.memref_slice %arg9[%dma_wait3A_321, %dma_wait3A_322, %dma_wait3A_323] : memref<4x128x16xf32, #tpu.memory_space<vmem>> -> memref<1x128x16xf32, #tpu.memory_space<vmem>>
        %dma_wait3A_325 = tpu.memref_squeeze %dma_wait3A_324 : memref<1x128x16xf32, #tpu.memory_space<vmem>> -> memref<128x16xf32, #tpu.memory_space<vmem>>
        %dma_wait3A_326 = arith.constant 0 : i32
        %dma_wait3A_327 = arith.constant 0 : i32
        %dma_wait3A_328 = tpu.memref_slice %arg4[%dma_wait3A_326, %dma_wait3A_327] : memref<10000x16xf32, #tpu.memory_space<hbm>> -> memref<128x16xf32, #tpu.memory_space<hbm>>
        %dma_wait3A_329 = arith.constant 0 : i32
        %dma_wait3A_330 = arith.constant 0 : i32
        %dma_wait3A_331 = tpu.memref_slice %arg9[%dma_wait3A_321, %dma_wait3A_329, %dma_wait3A_330] : memref<4x128x16xf32, #tpu.memory_space<vmem>> -> memref<1x128x16xf32, #tpu.memory_space<vmem>>
        %dma_wait3A_332 = tpu.memref_squeeze %dma_wait3A_331 : memref<1x128x16xf32, #tpu.memory_space<vmem>> -> memref<128x16xf32, #tpu.memory_space<vmem>>
        %dma_wait3A_333 = arith.constant 0 : i32
        %dma_wait3A_334 = arith.constant 0 : i32
        %dma_wait3A_335 = tpu.memref_slice %arg4[%dma_wait3A_333, %dma_wait3A_334] : memref<10000x16xf32, #tpu.memory_space<hbm>> -> memref<128x16xf32, #tpu.memory_space<hbm>>
        tpu.wait_dma2 semaphore(%arg15 : memref<!tpu.dma_semaphore, #tpu.memory_space<semaphore_mem>>) src(%dma_wait3A_335 : memref<128x16xf32, #tpu.memory_space<hbm>>) dst(%dma_wait3A_332 : memref<128x16xf32, #tpu.memory_space<vmem>>)
        %add3A_336 = arith.constant 4 : i32
        %add3A_337 = arith.addi %add3A_180, %add3A_336 : i32
        %dma_start3A_338 = arith.constant 0 : i32
        %dma_start3A_339 = arith.constant 0 : i32
        %dma_start3A_340 = arith.constant 0 : i32
        %dma_start3A_341 = tpu.memref_slice %arg9[%dma_start3A_338, %dma_start3A_339, %dma_start3A_340] : memref<4x128x16xf32, #tpu.memory_space<vmem>> -> memref<1x128x16xf32, #tpu.memory_space<vmem>>
        %dma_start3A_342 = tpu.memref_squeeze %dma_start3A_341 : memref<1x128x16xf32, #tpu.memory_space<vmem>> -> memref<128x16xf32, #tpu.memory_space<vmem>>
        %dma_start3A_343 = arith.constant 0 : i32
        %dma_start3A_344 = tpu.memref_slice %arg7[%add3A_337, %dma_start3A_343] : memref<128x128xi32, #tpu.memory_space<vmem>> -> memref<1x128xi32, #tpu.memory_space<vmem>>
        %dma_start3A_345 = tpu.memref_squeeze %dma_start3A_344 : memref<1x128xi32, #tpu.memory_space<vmem>> -> memref<128xi32, #tpu.memory_space<vmem>>
        %dma_start3A_346 = arith.constant 0 : i32
        %dma_start3A_347 = arith.constant 0 : i32
        %dma_start3A_348 = tpu.memref_slice %arg4[%dma_start3A_346, %dma_start3A_347] : memref<10000x16xf32, #tpu.memory_space<hbm>> -> memref<10000x16xf32, #tpu.memory_space<hbm>>
        tpu.enqueue_indirect_dma source(%dma_start3A_348 : memref<10000x16xf32, #tpu.memory_space<hbm>>) target(%dma_start3A_342 : memref<128x16xf32, #tpu.memory_space<vmem>>) offsets(%dma_start3A_345 : memref<128xi32, #tpu.memory_space<vmem>>) semaphore(%arg11 : memref<!tpu.dma_semaphore, #tpu.memory_space<semaphore_mem>>)
      } else {
      }
      %mul3A_212 = arith.constant 4 : i32
      %mul3A_213 = arith.muli %while3A_175, %mul3A_212 : i32
      %add3A_214 = arith.constant 1 : i32
      %add3A_215 = arith.addi %mul3A_213, %add3A_214 : i32
      %dma_wait3A_216 = arith.constant 1 : i32
      %dma_wait3A_217 = arith.constant 0 : i32
      %dma_wait3A_218 = arith.constant 0 : i32
      %dma_wait3A_219 = tpu.memref_slice %arg9[%dma_wait3A_216, %dma_wait3A_217, %dma_wait3A_218] : memref<4x128x16xf32, #tpu.memory_space<vmem>> -> memref<1x128x16xf32, #tpu.memory_space<vmem>>
      %dma_wait3A_220 = tpu.memref_squeeze %dma_wait3A_219 : memref<1x128x16xf32, #tpu.memory_space<vmem>> -> memref<128x16xf32, #tpu.memory_space<vmem>>
      %dma_wait3A_221 = arith.constant 0 : i32
      %dma_wait3A_222 = arith.constant 0 : i32
      %dma_wait3A_223 = tpu.memref_slice %arg4[%dma_wait3A_221, %dma_wait3A_222] : memref<10000x16xf32, #tpu.memory_space<hbm>> -> memref<128x16xf32, #tpu.memory_space<hbm>>
      %dma_wait3A_224 = arith.constant 0 : i32
      %dma_wait3A_225 = arith.constant 0 : i32
      %dma_wait3A_226 = tpu.memref_slice %arg9[%dma_wait3A_216, %dma_wait3A_224, %dma_wait3A_225] : memref<4x128x16xf32, #tpu.memory_space<vmem>> -> memref<1x128x16xf32, #tpu.memory_space<vmem>>
      %dma_wait3A_227 = tpu.memref_squeeze %dma_wait3A_226 : memref<1x128x16xf32, #tpu.memory_space<vmem>> -> memref<128x16xf32, #tpu.memory_space<vmem>>
      %dma_wait3A_228 = arith.constant 0 : i32
      %dma_wait3A_229 = arith.constant 0 : i32
      %dma_wait3A_230 = tpu.memref_slice %arg4[%dma_wait3A_228, %dma_wait3A_229] : memref<10000x16xf32, #tpu.memory_space<hbm>> -> memref<128x16xf32, #tpu.memory_space<hbm>>
      tpu.wait_dma2 semaphore(%arg12 : memref<!tpu.dma_semaphore, #tpu.memory_space<semaphore_mem>>) src(%dma_wait3A_230 : memref<128x16xf32, #tpu.memory_space<hbm>>) dst(%dma_wait3A_227 : memref<128x16xf32, #tpu.memory_space<vmem>>)
      %dma_start3A_231 = arith.constant 1 : i32
      %dma_start3A_232 = arith.constant 0 : i32
      %dma_start3A_233 = arith.constant 0 : i32
      %dma_start3A_234 = tpu.memref_slice %arg9[%dma_start3A_231, %dma_start3A_232, %dma_start3A_233] : memref<4x128x16xf32, #tpu.memory_space<vmem>> -> memref<1x128x16xf32, #tpu.memory_space<vmem>>
      %dma_start3A_235 = tpu.memref_squeeze %dma_start3A_234 : memref<1x128x16xf32, #tpu.memory_space<vmem>> -> memref<128x16xf32, #tpu.memory_space<vmem>>
      %dma_start3A_236 = arith.constant 0 : i32
      %dma_start3A_237 = tpu.memref_slice %arg8[%add3A_215, %dma_start3A_236] : memref<128x128xi32, #tpu.memory_space<vmem>> -> memref<1x128xi32, #tpu.memory_space<vmem>>
      %dma_start3A_238 = tpu.memref_squeeze %dma_start3A_237 : memref<1x128xi32, #tpu.memory_space<vmem>> -> memref<128xi32, #tpu.memory_space<vmem>>
      %dma_start3A_239 = arith.constant 0 : i32
      %dma_start3A_240 = arith.constant 0 : i32
      %dma_start3A_241 = tpu.memref_slice %arg10[%dma_start3A_239, %dma_start3A_240] : memref<10240x16xf32, #tpu.memory_space<vmem_shared>> -> memref<10240x16xf32, #tpu.memory_space<vmem_shared>>
      tpu.enqueue_indirect_dma source(%dma_start3A_235 : memref<128x16xf32, #tpu.memory_space<vmem>>) target(%dma_start3A_241 : memref<10240x16xf32, #tpu.memory_space<vmem_shared>>) offsets(%dma_start3A_238 : memref<128xi32, #tpu.memory_space<vmem>>) semaphore(%arg16 : memref<!tpu.dma_semaphore, #tpu.memory_space<semaphore_mem>>) {add = true}
      %add3A_242 = arith.constant 4 : i32
      %add3A_243 = arith.addi %add3A_215, %add3A_242 : i32
      %lt3A_244 = arith.cmpi slt, %add3A_243, %select_n3A_10 : i32
      %convert_element_type3A_245 = arith.extui %lt3A_244 : i1 to i32
      %cond3A_246 = arith.constant 0 : i32
      %cond3A_247 = arith.cmpi ne, %convert_element_type3A_245, %cond3A_246 : i32
      scf.if %cond3A_247 {
        %dma_wait3A_321 = arith.constant 1 : i32
        %dma_wait3A_322 = arith.constant 0 : i32
        %dma_wait3A_323 = arith.constant 0 : i32
        %dma_wait3A_324 = tpu.memref_slice %arg9[%dma_wait3A_321, %dma_wait3A_322, %dma_wait3A_323] : memref<4x128x16xf32, #tpu.memory_space<vmem>> -> memref<1x128x16xf32, #tpu.memory_space<vmem>>
        %dma_wait3A_325 = tpu.memref_squeeze %dma_wait3A_324 : memref<1x128x16xf32, #tpu.memory_space<vmem>> -> memref<128x16xf32, #tpu.memory_space<vmem>>
        %dma_wait3A_326 = arith.constant 0 : i32
        %dma_wait3A_327 = arith.constant 0 : i32
        %dma_wait3A_328 = tpu.memref_slice %arg4[%dma_wait3A_326, %dma_wait3A_327] : memref<10000x16xf32, #tpu.memory_space<hbm>> -> memref<128x16xf32, #tpu.memory_space<hbm>>
        %dma_wait3A_329 = arith.constant 0 : i32
        %dma_wait3A_330 = arith.constant 0 : i32
        %dma_wait3A_331 = tpu.memref_slice %arg9[%dma_wait3A_321, %dma_wait3A_329, %dma_wait3A_330] : memref<4x128x16xf32, #tpu.memory_space<vmem>> -> memref<1x128x16xf32, #tpu.memory_space<vmem>>
        %dma_wait3A_332 = tpu.memref_squeeze %dma_wait3A_331 : memref<1x128x16xf32, #tpu.memory_space<vmem>> -> memref<128x16xf32, #tpu.memory_space<vmem>>
        %dma_wait3A_333 = arith.constant 0 : i32
        %dma_wait3A_334 = arith.constant 0 : i32
        %dma_wait3A_335 = tpu.memref_slice %arg4[%dma_wait3A_333, %dma_wait3A_334] : memref<10000x16xf32, #tpu.memory_space<hbm>> -> memref<128x16xf32, #tpu.memory_space<hbm>>
        tpu.wait_dma2 semaphore(%arg16 : memref<!tpu.dma_semaphore, #tpu.memory_space<semaphore_mem>>) src(%dma_wait3A_335 : memref<128x16xf32, #tpu.memory_space<hbm>>) dst(%dma_wait3A_332 : memref<128x16xf32, #tpu.memory_space<vmem>>)
        %add3A_336 = arith.constant 4 : i32
        %add3A_337 = arith.addi %add3A_215, %add3A_336 : i32
        %dma_start3A_338 = arith.constant 1 : i32
        %dma_start3A_339 = arith.constant 0 : i32
        %dma_start3A_340 = arith.constant 0 : i32
        %dma_start3A_341 = tpu.memref_slice %arg9[%dma_start3A_338, %dma_start3A_339, %dma_start3A_340] : memref<4x128x16xf32, #tpu.memory_space<vmem>> -> memref<1x128x16xf32, #tpu.memory_space<vmem>>
        %dma_start3A_342 = tpu.memref_squeeze %dma_start3A_341 : memref<1x128x16xf32, #tpu.memory_space<vmem>> -> memref<128x16xf32, #tpu.memory_space<vmem>>
        %dma_start3A_343 = arith.constant 0 : i32
        %dma_start3A_344 = tpu.memref_slice %arg7[%add3A_337, %dma_start3A_343] : memref<128x128xi32, #tpu.memory_space<vmem>> -> memref<1x128xi32, #tpu.memory_space<vmem>>
        %dma_start3A_345 = tpu.memref_squeeze %dma_start3A_344 : memref<1x128xi32, #tpu.memory_space<vmem>> -> memref<128xi32, #tpu.memory_space<vmem>>
        %dma_start3A_346 = arith.constant 0 : i32
        %dma_start3A_347 = arith.constant 0 : i32
        %dma_start3A_348 = tpu.memref_slice %arg4[%dma_start3A_346, %dma_start3A_347] : memref<10000x16xf32, #tpu.memory_space<hbm>> -> memref<10000x16xf32, #tpu.memory_space<hbm>>
        tpu.enqueue_indirect_dma source(%dma_start3A_348 : memref<10000x16xf32, #tpu.memory_space<hbm>>) target(%dma_start3A_342 : memref<128x16xf32, #tpu.memory_space<vmem>>) offsets(%dma_start3A_345 : memref<128xi32, #tpu.memory_space<vmem>>) semaphore(%arg12 : memref<!tpu.dma_semaphore, #tpu.memory_space<semaphore_mem>>)
      } else {
      }
      %mul3A_248 = arith.constant 4 : i32
      %mul3A_249 = arith.muli %while3A_175, %mul3A_248 : i32
      %add3A_250 = arith.constant 2 : i32
      %add3A_251 = arith.addi %mul3A_249, %add3A_250 : i32
      %dma_wait3A_252 = arith.constant 2 : i32
      %dma_wait3A_253 = arith.constant 0 : i32
      %dma_wait3A_254 = arith.constant 0 : i32
      %dma_wait3A_255 = tpu.memref_slice %arg9[%dma_wait3A_252, %dma_wait3A_253, %dma_wait3A_254] : memref<4x128x16xf32, #tpu.memory_space<vmem>> -> memref<1x128x16xf32, #tpu.memory_space<vmem>>
      %dma_wait3A_256 = tpu.memref_squeeze %dma_wait3A_255 : memref<1x128x16xf32, #tpu.memory_space<vmem>> -> memref<128x16xf32, #tpu.memory_space<vmem>>
      %dma_wait3A_257 = arith.constant 0 : i32
      %dma_wait3A_258 = arith.constant 0 : i32
      %dma_wait3A_259 = tpu.memref_slice %arg4[%dma_wait3A_257, %dma_wait3A_258] : memref<10000x16xf32, #tpu.memory_space<hbm>> -> memref<128x16xf32, #tpu.memory_space<hbm>>
      %dma_wait3A_260 = arith.constant 0 : i32
      %dma_wait3A_261 = arith.constant 0 : i32
      %dma_wait3A_262 = tpu.memref_slice %arg9[%dma_wait3A_252, %dma_wait3A_260, %dma_wait3A_261] : memref<4x128x16xf32, #tpu.memory_space<vmem>> -> memref<1x128x16xf32, #tpu.memory_space<vmem>>
      %dma_wait3A_263 = tpu.memref_squeeze %dma_wait3A_262 : memref<1x128x16xf32, #tpu.memory_space<vmem>> -> memref<128x16xf32, #tpu.memory_space<vmem>>
      %dma_wait3A_264 = arith.constant 0 : i32
      %dma_wait3A_265 = arith.constant 0 : i32
      %dma_wait3A_266 = tpu.memref_slice %arg4[%dma_wait3A_264, %dma_wait3A_265] : memref<10000x16xf32, #tpu.memory_space<hbm>> -> memref<128x16xf32, #tpu.memory_space<hbm>>
      tpu.wait_dma2 semaphore(%arg13 : memref<!tpu.dma_semaphore, #tpu.memory_space<semaphore_mem>>) src(%dma_wait3A_266 : memref<128x16xf32, #tpu.memory_space<hbm>>) dst(%dma_wait3A_263 : memref<128x16xf32, #tpu.memory_space<vmem>>)
      %dma_start3A_267 = arith.constant 2 : i32
      %dma_start3A_268 = arith.constant 0 : i32
      %dma_start3A_269 = arith.constant 0 : i32
      %dma_start3A_270 = tpu.memref_slice %arg9[%dma_start3A_267, %dma_start3A_268, %dma_start3A_269] : memref<4x128x16xf32, #tpu.memory_space<vmem>> -> memref<1x128x16xf32, #tpu.memory_space<vmem>>
      %dma_start3A_271 = tpu.memref_squeeze %dma_start3A_270 : memref<1x128x16xf32, #tpu.memory_space<vmem>> -> memref<128x16xf32, #tpu.memory_space<vmem>>
      %dma_start3A_272 = arith.constant 0 : i32
      %dma_start3A_273 = tpu.memref_slice %arg8[%add3A_251, %dma_start3A_272] : memref<128x128xi32, #tpu.memory_space<vmem>> -> memref<1x128xi32, #tpu.memory_space<vmem>>
      %dma_start3A_274 = tpu.memref_squeeze %dma_start3A_273 : memref<1x128xi32, #tpu.memory_space<vmem>> -> memref<128xi32, #tpu.memory_space<vmem>>
      %dma_start3A_275 = arith.constant 0 : i32
      %dma_start3A_276 = arith.constant 0 : i32
      %dma_start3A_277 = tpu.memref_slice %arg10[%dma_start3A_275, %dma_start3A_276] : memref<10240x16xf32, #tpu.memory_space<vmem_shared>> -> memref<10240x16xf32, #tpu.memory_space<vmem_shared>>
      tpu.enqueue_indirect_dma source(%dma_start3A_271 : memref<128x16xf32, #tpu.memory_space<vmem>>) target(%dma_start3A_277 : memref<10240x16xf32, #tpu.memory_space<vmem_shared>>) offsets(%dma_start3A_274 : memref<128xi32, #tpu.memory_space<vmem>>) semaphore(%arg17 : memref<!tpu.dma_semaphore, #tpu.memory_space<semaphore_mem>>) {add = true}
      %add3A_278 = arith.constant 4 : i32
      %add3A_279 = arith.addi %add3A_251, %add3A_278 : i32
      %lt3A_280 = arith.cmpi slt, %add3A_279, %select_n3A_10 : i32
      %convert_element_type3A_281 = arith.extui %lt3A_280 : i1 to i32
      %cond3A_282 = arith.constant 0 : i32
      %cond3A_283 = arith.cmpi ne, %convert_element_type3A_281, %cond3A_282 : i32
      scf.if %cond3A_283 {
        %dma_wait3A_321 = arith.constant 2 : i32
        %dma_wait3A_322 = arith.constant 0 : i32
        %dma_wait3A_323 = arith.constant 0 : i32
        %dma_wait3A_324 = tpu.memref_slice %arg9[%dma_wait3A_321, %dma_wait3A_322, %dma_wait3A_323] : memref<4x128x16xf32, #tpu.memory_space<vmem>> -> memref<1x128x16xf32, #tpu.memory_space<vmem>>
        %dma_wait3A_325 = tpu.memref_squeeze %dma_wait3A_324 : memref<1x128x16xf32, #tpu.memory_space<vmem>> -> memref<128x16xf32, #tpu.memory_space<vmem>>
        %dma_wait3A_326 = arith.constant 0 : i32
        %dma_wait3A_327 = arith.constant 0 : i32
        %dma_wait3A_328 = tpu.memref_slice %arg4[%dma_wait3A_326, %dma_wait3A_327] : memref<10000x16xf32, #tpu.memory_space<hbm>> -> memref<128x16xf32, #tpu.memory_space<hbm>>
        %dma_wait3A_329 = arith.constant 0 : i32
        %dma_wait3A_330 = arith.constant 0 : i32
        %dma_wait3A_331 = tpu.memref_slice %arg9[%dma_wait3A_321, %dma_wait3A_329, %dma_wait3A_330] : memref<4x128x16xf32, #tpu.memory_space<vmem>> -> memref<1x128x16xf32, #tpu.memory_space<vmem>>
        %dma_wait3A_332 = tpu.memref_squeeze %dma_wait3A_331 : memref<1x128x16xf32, #tpu.memory_space<vmem>> -> memref<128x16xf32, #tpu.memory_space<vmem>>
        %dma_wait3A_333 = arith.constant 0 : i32
        %dma_wait3A_334 = arith.constant 0 : i32
        %dma_wait3A_335 = tpu.memref_slice %arg4[%dma_wait3A_333, %dma_wait3A_334] : memref<10000x16xf32, #tpu.memory_space<hbm>> -> memref<128x16xf32, #tpu.memory_space<hbm>>
        tpu.wait_dma2 semaphore(%arg17 : memref<!tpu.dma_semaphore, #tpu.memory_space<semaphore_mem>>) src(%dma_wait3A_335 : memref<128x16xf32, #tpu.memory_space<hbm>>) dst(%dma_wait3A_332 : memref<128x16xf32, #tpu.memory_space<vmem>>)
        %add3A_336 = arith.constant 4 : i32
        %add3A_337 = arith.addi %add3A_251, %add3A_336 : i32
        %dma_start3A_338 = arith.constant 2 : i32
        %dma_start3A_339 = arith.constant 0 : i32
        %dma_start3A_340 = arith.constant 0 : i32
        %dma_start3A_341 = tpu.memref_slice %arg9[%dma_start3A_338, %dma_start3A_339, %dma_start3A_340] : memref<4x128x16xf32, #tpu.memory_space<vmem>> -> memref<1x128x16xf32, #tpu.memory_space<vmem>>
        %dma_start3A_342 = tpu.memref_squeeze %dma_start3A_341 : memref<1x128x16xf32, #tpu.memory_space<vmem>> -> memref<128x16xf32, #tpu.memory_space<vmem>>
        %dma_start3A_343 = arith.constant 0 : i32
        %dma_start3A_344 = tpu.memref_slice %arg7[%add3A_337, %dma_start3A_343] : memref<128x128xi32, #tpu.memory_space<vmem>> -> memref<1x128xi32, #tpu.memory_space<vmem>>
        %dma_start3A_345 = tpu.memref_squeeze %dma_start3A_344 : memref<1x128xi32, #tpu.memory_space<vmem>> -> memref<128xi32, #tpu.memory_space<vmem>>
        %dma_start3A_346 = arith.constant 0 : i32
        %dma_start3A_347 = arith.constant 0 : i32
        %dma_start3A_348 = tpu.memref_slice %arg4[%dma_start3A_346, %dma_start3A_347] : memref<10000x16xf32, #tpu.memory_space<hbm>> -> memref<10000x16xf32, #tpu.memory_space<hbm>>
        tpu.enqueue_indirect_dma source(%dma_start3A_348 : memref<10000x16xf32, #tpu.memory_space<hbm>>) target(%dma_start3A_342 : memref<128x16xf32, #tpu.memory_space<vmem>>) offsets(%dma_start3A_345 : memref<128xi32, #tpu.memory_space<vmem>>) semaphore(%arg13 : memref<!tpu.dma_semaphore, #tpu.memory_space<semaphore_mem>>)
      } else {
      }
      %mul3A_284 = arith.constant 4 : i32
      %mul3A_285 = arith.muli %while3A_175, %mul3A_284 : i32
      %add3A_286 = arith.constant 3 : i32
      %add3A_287 = arith.addi %mul3A_285, %add3A_286 : i32
      %dma_wait3A_288 = arith.constant 3 : i32
      %dma_wait3A_289 = arith.constant 0 : i32
      %dma_wait3A_290 = arith.constant 0 : i32
      %dma_wait3A_291 = tpu.memref_slice %arg9[%dma_wait3A_288, %dma_wait3A_289, %dma_wait3A_290] : memref<4x128x16xf32, #tpu.memory_space<vmem>> -> memref<1x128x16xf32, #tpu.memory_space<vmem>>
      %dma_wait3A_292 = tpu.memref_squeeze %dma_wait3A_291 : memref<1x128x16xf32, #tpu.memory_space<vmem>> -> memref<128x16xf32, #tpu.memory_space<vmem>>
      %dma_wait3A_293 = arith.constant 0 : i32
      %dma_wait3A_294 = arith.constant 0 : i32
      %dma_wait3A_295 = tpu.memref_slice %arg4[%dma_wait3A_293, %dma_wait3A_294] : memref<10000x16xf32, #tpu.memory_space<hbm>> -> memref<128x16xf32, #tpu.memory_space<hbm>>
      %dma_wait3A_296 = arith.constant 0 : i32
      %dma_wait3A_297 = arith.constant 0 : i32
      %dma_wait3A_298 = tpu.memref_slice %arg9[%dma_wait3A_288, %dma_wait3A_296, %dma_wait3A_297] : memref<4x128x16xf32, #tpu.memory_space<vmem>> -> memref<1x128x16xf32, #tpu.memory_space<vmem>>
      %dma_wait3A_299 = tpu.memref_squeeze %dma_wait3A_298 : memref<1x128x16xf32, #tpu.memory_space<vmem>> -> memref<128x16xf32, #tpu.memory_space<vmem>>
      %dma_wait3A_300 = arith.constant 0 : i32
      %dma_wait3A_301 = arith.constant 0 : i32
      %dma_wait3A_302 = tpu.memref_slice %arg4[%dma_wait3A_300, %dma_wait3A_301] : memref<10000x16xf32, #tpu.memory_space<hbm>> -> memref<128x16xf32, #tpu.memory_space<hbm>>
      tpu.wait_dma2 semaphore(%arg14 : memref<!tpu.dma_semaphore, #tpu.memory_space<semaphore_mem>>) src(%dma_wait3A_302 : memref<128x16xf32, #tpu.memory_space<hbm>>) dst(%dma_wait3A_299 : memref<128x16xf32, #tpu.memory_space<vmem>>)
      %dma_start3A_303 = arith.constant 3 : i32
      %dma_start3A_304 = arith.constant 0 : i32
      %dma_start3A_305 = arith.constant 0 : i32
      %dma_start3A_306 = tpu.memref_slice %arg9[%dma_start3A_303, %dma_start3A_304, %dma_start3A_305] : memref<4x128x16xf32, #tpu.memory_space<vmem>> -> memref<1x128x16xf32, #tpu.memory_space<vmem>>
      %dma_start3A_307 = tpu.memref_squeeze %dma_start3A_306 : memref<1x128x16xf32, #tpu.memory_space<vmem>> -> memref<128x16xf32, #tpu.memory_space<vmem>>
      %dma_start3A_308 = arith.constant 0 : i32
      %dma_start3A_309 = tpu.memref_slice %arg8[%add3A_287, %dma_start3A_308] : memref<128x128xi32, #tpu.memory_space<vmem>> -> memref<1x128xi32, #tpu.memory_space<vmem>>
      %dma_start3A_310 = tpu.memref_squeeze %dma_start3A_309 : memref<1x128xi32, #tpu.memory_space<vmem>> -> memref<128xi32, #tpu.memory_space<vmem>>
      %dma_start3A_311 = arith.constant 0 : i32
      %dma_start3A_312 = arith.constant 0 : i32
      %dma_start3A_313 = tpu.memref_slice %arg10[%dma_start3A_311, %dma_start3A_312] : memref<10240x16xf32, #tpu.memory_space<vmem_shared>> -> memref<10240x16xf32, #tpu.memory_space<vmem_shared>>
      tpu.enqueue_indirect_dma source(%dma_start3A_307 : memref<128x16xf32, #tpu.memory_space<vmem>>) target(%dma_start3A_313 : memref<10240x16xf32, #tpu.memory_space<vmem_shared>>) offsets(%dma_start3A_310 : memref<128xi32, #tpu.memory_space<vmem>>) semaphore(%arg18 : memref<!tpu.dma_semaphore, #tpu.memory_space<semaphore_mem>>) {add = true}
      %add3A_314 = arith.constant 4 : i32
      %add3A_315 = arith.addi %add3A_287, %add3A_314 : i32
      %lt3A_316 = arith.cmpi slt, %add3A_315, %select_n3A_10 : i32
      %convert_element_type3A_317 = arith.extui %lt3A_316 : i1 to i32
      %cond3A_318 = arith.constant 0 : i32
      %cond3A_319 = arith.cmpi ne, %convert_element_type3A_317, %cond3A_318 : i32
      scf.if %cond3A_319 {
        %dma_wait3A_321 = arith.constant 3 : i32
        %dma_wait3A_322 = arith.constant 0 : i32
        %dma_wait3A_323 = arith.constant 0 : i32
        %dma_wait3A_324 = tpu.memref_slice %arg9[%dma_wait3A_321, %dma_wait3A_322, %dma_wait3A_323] : memref<4x128x16xf32, #tpu.memory_space<vmem>> -> memref<1x128x16xf32, #tpu.memory_space<vmem>>
        %dma_wait3A_325 = tpu.memref_squeeze %dma_wait3A_324 : memref<1x128x16xf32, #tpu.memory_space<vmem>> -> memref<128x16xf32, #tpu.memory_space<vmem>>
        %dma_wait3A_326 = arith.constant 0 : i32
        %dma_wait3A_327 = arith.constant 0 : i32
        %dma_wait3A_328 = tpu.memref_slice %arg4[%dma_wait3A_326, %dma_wait3A_327] : memref<10000x16xf32, #tpu.memory_space<hbm>> -> memref<128x16xf32, #tpu.memory_space<hbm>>
        %dma_wait3A_329 = arith.constant 0 : i32
        %dma_wait3A_330 = arith.constant 0 : i32
        %dma_wait3A_331 = tpu.memref_slice %arg9[%dma_wait3A_321, %dma_wait3A_329, %dma_wait3A_330] : memref<4x128x16xf32, #tpu.memory_space<vmem>> -> memref<1x128x16xf32, #tpu.memory_space<vmem>>
        %dma_wait3A_332 = tpu.memref_squeeze %dma_wait3A_331 : memref<1x128x16xf32, #tpu.memory_space<vmem>> -> memref<128x16xf32, #tpu.memory_space<vmem>>
        %dma_wait3A_333 = arith.constant 0 : i32
        %dma_wait3A_334 = arith.constant 0 : i32
        %dma_wait3A_335 = tpu.memref_slice %arg4[%dma_wait3A_333, %dma_wait3A_334] : memref<10000x16xf32, #tpu.memory_space<hbm>> -> memref<128x16xf32, #tpu.memory_space<hbm>>
        tpu.wait_dma2 semaphore(%arg18 : memref<!tpu.dma_semaphore, #tpu.memory_space<semaphore_mem>>) src(%dma_wait3A_335 : memref<128x16xf32, #tpu.memory_space<hbm>>) dst(%dma_wait3A_332 : memref<128x16xf32, #tpu.memory_space<vmem>>)
        %add3A_336 = arith.constant 4 : i32
        %add3A_337 = arith.addi %add3A_287, %add3A_336 : i32
        %dma_start3A_338 = arith.constant 3 : i32
        %dma_start3A_339 = arith.constant 0 : i32
        %dma_start3A_340 = arith.constant 0 : i32
        %dma_start3A_341 = tpu.memref_slice %arg9[%dma_start3A_338, %dma_start3A_339, %dma_start3A_340] : memref<4x128x16xf32, #tpu.memory_space<vmem>> -> memref<1x128x16xf32, #tpu.memory_space<vmem>>
        %dma_start3A_342 = tpu.memref_squeeze %dma_start3A_341 : memref<1x128x16xf32, #tpu.memory_space<vmem>> -> memref<128x16xf32, #tpu.memory_space<vmem>>
        %dma_start3A_343 = arith.constant 0 : i32
        %dma_start3A_344 = tpu.memref_slice %arg7[%add3A_337, %dma_start3A_343] : memref<128x128xi32, #tpu.memory_space<vmem>> -> memref<1x128xi32, #tpu.memory_space<vmem>>
        %dma_start3A_345 = tpu.memref_squeeze %dma_start3A_344 : memref<1x128xi32, #tpu.memory_space<vmem>> -> memref<128xi32, #tpu.memory_space<vmem>>
        %dma_start3A_346 = arith.constant 0 : i32
        %dma_start3A_347 = arith.constant 0 : i32
        %dma_start3A_348 = tpu.memref_slice %arg4[%dma_start3A_346, %dma_start3A_347] : memref<10000x16xf32, #tpu.memory_space<hbm>> -> memref<10000x16xf32, #tpu.memory_space<hbm>>
        tpu.enqueue_indirect_dma source(%dma_start3A_348 : memref<10000x16xf32, #tpu.memory_space<hbm>>) target(%dma_start3A_342 : memref<128x16xf32, #tpu.memory_space<vmem>>) offsets(%dma_start3A_345 : memref<128xi32, #tpu.memory_space<vmem>>) semaphore(%arg14 : memref<!tpu.dma_semaphore, #tpu.memory_space<semaphore_mem>>)
      } else {
      }
      %while3A_320 = arith.constant 0 : i32
      scf.yield %while3A_320 : i32
    }
    %dma_wait3A = arith.constant 0 : i32
    %dma_wait3A_105 = arith.constant 0 : i32
    %dma_wait3A_106 = arith.constant 0 : i32
    %dma_wait3A_107 = tpu.memref_slice %arg9[%dma_wait3A, %dma_wait3A_105, %dma_wait3A_106] : memref<4x128x16xf32, #tpu.memory_space<vmem>> -> memref<1x128x16xf32, #tpu.memory_space<vmem>>
    %dma_wait3A_108 = tpu.memref_squeeze %dma_wait3A_107 : memref<1x128x16xf32, #tpu.memory_space<vmem>> -> memref<128x16xf32, #tpu.memory_space<vmem>>
    %dma_wait3A_109 = arith.constant 0 : i32
    %dma_wait3A_110 = arith.constant 0 : i32
    %dma_wait3A_111 = tpu.memref_slice %arg4[%dma_wait3A_109, %dma_wait3A_110] : memref<10000x16xf32, #tpu.memory_space<hbm>> -> memref<128x16xf32, #tpu.memory_space<hbm>>
    %dma_wait3A_112 = arith.constant 0 : i32
    %dma_wait3A_113 = arith.constant 0 : i32
    %dma_wait3A_114 = tpu.memref_slice %arg9[%dma_wait3A, %dma_wait3A_112, %dma_wait3A_113] : memref<4x128x16xf32, #tpu.memory_space<vmem>> -> memref<1x128x16xf32, #tpu.memory_space<vmem>>
    %dma_wait3A_115 = tpu.memref_squeeze %dma_wait3A_114 : memref<1x128x16xf32, #tpu.memory_space<vmem>> -> memref<128x16xf32, #tpu.memory_space<vmem>>
    %dma_wait3A_116 = arith.constant 0 : i32
    %dma_wait3A_117 = arith.constant 0 : i32
    %dma_wait3A_118 = tpu.memref_slice %arg4[%dma_wait3A_116, %dma_wait3A_117] : memref<10000x16xf32, #tpu.memory_space<hbm>> -> memref<128x16xf32, #tpu.memory_space<hbm>>
    tpu.wait_dma2 semaphore(%arg15 : memref<!tpu.dma_semaphore, #tpu.memory_space<semaphore_mem>>) src(%dma_wait3A_118 : memref<128x16xf32, #tpu.memory_space<hbm>>) dst(%dma_wait3A_115 : memref<128x16xf32, #tpu.memory_space<vmem>>)
    %dma_wait3A_119 = arith.constant 1 : i32
    %dma_wait3A_120 = arith.constant 0 : i32
    %dma_wait3A_121 = arith.constant 0 : i32
    %dma_wait3A_122 = tpu.memref_slice %arg9[%dma_wait3A_119, %dma_wait3A_120, %dma_wait3A_121] : memref<4x128x16xf32, #tpu.memory_space<vmem>> -> memref<1x128x16xf32, #tpu.memory_space<vmem>>
    %dma_wait3A_123 = tpu.memref_squeeze %dma_wait3A_122 : memref<1x128x16xf32, #tpu.memory_space<vmem>> -> memref<128x16xf32, #tpu.memory_space<vmem>>
    %dma_wait3A_124 = arith.constant 0 : i32
    %dma_wait3A_125 = arith.constant 0 : i32
    %dma_wait3A_126 = tpu.memref_slice %arg4[%dma_wait3A_124, %dma_wait3A_125] : memref<10000x16xf32, #tpu.memory_space<hbm>> -> memref<128x16xf32, #tpu.memory_space<hbm>>
    %dma_wait3A_127 = arith.constant 0 : i32
    %dma_wait3A_128 = arith.constant 0 : i32
    %dma_wait3A_129 = tpu.memref_slice %arg9[%dma_wait3A_119, %dma_wait3A_127, %dma_wait3A_128] : memref<4x128x16xf32, #tpu.memory_space<vmem>> -> memref<1x128x16xf32, #tpu.memory_space<vmem>>
    %dma_wait3A_130 = tpu.memref_squeeze %dma_wait3A_129 : memref<1x128x16xf32, #tpu.memory_space<vmem>> -> memref<128x16xf32, #tpu.memory_space<vmem>>
    %dma_wait3A_131 = arith.constant 0 : i32
    %dma_wait3A_132 = arith.constant 0 : i32
    %dma_wait3A_133 = tpu.memref_slice %arg4[%dma_wait3A_131, %dma_wait3A_132] : memref<10000x16xf32, #tpu.memory_space<hbm>> -> memref<128x16xf32, #tpu.memory_space<hbm>>
    tpu.wait_dma2 semaphore(%arg16 : memref<!tpu.dma_semaphore, #tpu.memory_space<semaphore_mem>>) src(%dma_wait3A_133 : memref<128x16xf32, #tpu.memory_space<hbm>>) dst(%dma_wait3A_130 : memref<128x16xf32, #tpu.memory_space<vmem>>)
    %dma_wait3A_134 = arith.constant 2 : i32
    %dma_wait3A_135 = arith.constant 0 : i32
    %dma_wait3A_136 = arith.constant 0 : i32
    %dma_wait3A_137 = tpu.memref_slice %arg9[%dma_wait3A_134, %dma_wait3A_135, %dma_wait3A_136] : memref<4x128x16xf32, #tpu.memory_space<vmem>> -> memref<1x128x16xf32, #tpu.memory_space<vmem>>
    %dma_wait3A_138 = tpu.memref_squeeze %dma_wait3A_137 : memref<1x128x16xf32, #tpu.memory_space<vmem>> -> memref<128x16xf32, #tpu.memory_space<vmem>>
    %dma_wait3A_139 = arith.constant 0 : i32
    %dma_wait3A_140 = arith.constant 0 : i32
    %dma_wait3A_141 = tpu.memref_slice %arg4[%dma_wait3A_139, %dma_wait3A_140] : memref<10000x16xf32, #tpu.memory_space<hbm>> -> memref<128x16xf32, #tpu.memory_space<hbm>>
    %dma_wait3A_142 = arith.constant 0 : i32
    %dma_wait3A_143 = arith.constant 0 : i32
    %dma_wait3A_144 = tpu.memref_slice %arg9[%dma_wait3A_134, %dma_wait3A_142, %dma_wait3A_143] : memref<4x128x16xf32, #tpu.memory_space<vmem>> -> memref<1x128x16xf32, #tpu.memory_space<vmem>>
    %dma_wait3A_145 = tpu.memref_squeeze %dma_wait3A_144 : memref<1x128x16xf32, #tpu.memory_space<vmem>> -> memref<128x16xf32, #tpu.memory_space<vmem>>
    %dma_wait3A_146 = arith.constant 0 : i32
    %dma_wait3A_147 = arith.constant 0 : i32
    %dma_wait3A_148 = tpu.memref_slice %arg4[%dma_wait3A_146, %dma_wait3A_147] : memref<10000x16xf32, #tpu.memory_space<hbm>> -> memref<128x16xf32, #tpu.memory_space<hbm>>
    tpu.wait_dma2 semaphore(%arg17 : memref<!tpu.dma_semaphore, #tpu.memory_space<semaphore_mem>>) src(%dma_wait3A_148 : memref<128x16xf32, #tpu.memory_space<hbm>>) dst(%dma_wait3A_145 : memref<128x16xf32, #tpu.memory_space<vmem>>)
    %dma_wait3A_149 = arith.constant 3 : i32
    %dma_wait3A_150 = arith.constant 0 : i32
    %dma_wait3A_151 = arith.constant 0 : i32
    %dma_wait3A_152 = tpu.memref_slice %arg9[%dma_wait3A_149, %dma_wait3A_150, %dma_wait3A_151] : memref<4x128x16xf32, #tpu.memory_space<vmem>> -> memref<1x128x16xf32, #tpu.memory_space<vmem>>
    %dma_wait3A_153 = tpu.memref_squeeze %dma_wait3A_152 : memref<1x128x16xf32, #tpu.memory_space<vmem>> -> memref<128x16xf32, #tpu.memory_space<vmem>>
    %dma_wait3A_154 = arith.constant 0 : i32
    %dma_wait3A_155 = arith.constant 0 : i32
    %dma_wait3A_156 = tpu.memref_slice %arg4[%dma_wait3A_154, %dma_wait3A_155] : memref<10000x16xf32, #tpu.memory_space<hbm>> -> memref<128x16xf32, #tpu.memory_space<hbm>>
    %dma_wait3A_157 = arith.constant 0 : i32
    %dma_wait3A_158 = arith.constant 0 : i32
    %dma_wait3A_159 = tpu.memref_slice %arg9[%dma_wait3A_149, %dma_wait3A_157, %dma_wait3A_158] : memref<4x128x16xf32, #tpu.memory_space<vmem>> -> memref<1x128x16xf32, #tpu.memory_space<vmem>>
    %dma_wait3A_160 = tpu.memref_squeeze %dma_wait3A_159 : memref<1x128x16xf32, #tpu.memory_space<vmem>> -> memref<128x16xf32, #tpu.memory_space<vmem>>
    %dma_wait3A_161 = arith.constant 0 : i32
    %dma_wait3A_162 = arith.constant 0 : i32
    %dma_wait3A_163 = tpu.memref_slice %arg4[%dma_wait3A_161, %dma_wait3A_162] : memref<10000x16xf32, #tpu.memory_space<hbm>> -> memref<128x16xf32, #tpu.memory_space<hbm>>
    tpu.wait_dma2 semaphore(%arg18 : memref<!tpu.dma_semaphore, #tpu.memory_space<semaphore_mem>>) src(%dma_wait3A_163 : memref<128x16xf32, #tpu.memory_space<hbm>>) dst(%dma_wait3A_160 : memref<128x16xf32, #tpu.memory_space<vmem>>)
    %barrier3A_164 = arith.constant 0 : index
    tpu.barrier barrier_id(%barrier3A_164)
    %add3A_165 = arith.constant 0 : i32
    %add3A_166 = arith.addi %mul3A_0, %add3A_165 : i32
    "tpu.region"() ({
      %run_scoped3A_175 = tpu.sem_alloc : memref<!tpu.dma_semaphore, #tpu.memory_space<semaphore_mem>>
      %dma_start3A_176 = arith.constant 0 : i32
      %dma_start3A_177 = tpu.memref_slice %arg6[%arg0, %add3A_166, %dma_start3A_176] : memref<2x10240x16xf32, #tpu.memory_space<hbm>> -> memref<1x128x16xf32, #tpu.memory_space<hbm>>
      %dma_start3A_178 = tpu.memref_squeeze %dma_start3A_177 : memref<1x128x16xf32, #tpu.memory_space<hbm>> -> memref<128x16xf32, #tpu.memory_space<hbm>>
      %dma_start3A_179 = arith.constant 0 : i32
      %dma_start3A_180 = tpu.memref_slice %arg10[%add3A_166, %dma_start3A_179] : memref<10240x16xf32, #tpu.memory_space<vmem_shared>> -> memref<128x16xf32, #tpu.memory_space<vmem_shared>>
      tpu.enqueue_dma source(%dma_start3A_180 : memref<128x16xf32, #tpu.memory_space<vmem_shared>>) target(%dma_start3A_178 : memref<128x16xf32, #tpu.memory_space<hbm>>) target_semaphore(%run_scoped3A_175 : memref<!tpu.dma_semaphore, #tpu.memory_space<semaphore_mem>>)
      %dma_wait3A_181 = arith.constant 0 : i32
      %dma_wait3A_182 = tpu.memref_slice %arg6[%arg0, %add3A_166, %dma_wait3A_181] : memref<2x10240x16xf32, #tpu.memory_space<hbm>> -> memref<1x128x16xf32, #tpu.memory_space<hbm>>
      %dma_wait3A_183 = tpu.memref_squeeze %dma_wait3A_182 : memref<1x128x16xf32, #tpu.memory_space<hbm>> -> memref<128x16xf32, #tpu.memory_space<hbm>>
      %dma_wait3A_184 = arith.constant 0 : i32
      %dma_wait3A_185 = tpu.memref_slice %arg10[%add3A_166, %dma_wait3A_184] : memref<10240x16xf32, #tpu.memory_space<vmem_shared>> -> memref<128x16xf32, #tpu.memory_space<vmem_shared>>
      tpu.wait_dma2 semaphore(%run_scoped3A_175 : memref<!tpu.dma_semaphore, #tpu.memory_space<semaphore_mem>>) src(%dma_wait3A_185 : memref<128x16xf32, #tpu.memory_space<vmem_shared>>) dst(%dma_wait3A_183 : memref<128x16xf32, #tpu.memory_space<hbm>>)
      tpu.yield
    }) : () -> ()
    %add3A_167 = arith.constant 128 : i32
    %add3A_168 = arith.addi %mul3A_0, %add3A_167 : i32
    "tpu.region"() ({
      %run_scoped3A_175 = tpu.sem_alloc : memref<!tpu.dma_semaphore, #tpu.memory_space<semaphore_mem>>
      %dma_start3A_176 = arith.constant 0 : i32
      %dma_start3A_177 = tpu.memref_slice %arg6[%arg0, %add3A_168, %dma_start3A_176] : memref<2x10240x16xf32, #tpu.memory_space<hbm>> -> memref<1x128x16xf32, #tpu.memory_space<hbm>>
      %dma_start3A_178 = tpu.memref_squeeze %dma_start3A_177 : memref<1x128x16xf32, #tpu.memory_space<hbm>> -> memref<128x16xf32, #tpu.memory_space<hbm>>
      %dma_start3A_179 = arith.constant 0 : i32
      %dma_start3A_180 = tpu.memref_slice %arg10[%add3A_168, %dma_start3A_179] : memref<10240x16xf32, #tpu.memory_space<vmem_shared>> -> memref<128x16xf32, #tpu.memory_space<vmem_shared>>
      tpu.enqueue_dma source(%dma_start3A_180 : memref<128x16xf32, #tpu.memory_space<vmem_shared>>) target(%dma_start3A_178 : memref<128x16xf32, #tpu.memory_space<hbm>>) target_semaphore(%run_scoped3A_175 : memref<!tpu.dma_semaphore, #tpu.memory_space<semaphore_mem>>)
      %dma_wait3A_181 = arith.constant 0 : i32
      %dma_wait3A_182 = tpu.memref_slice %arg6[%arg0, %add3A_168, %dma_wait3A_181] : memref<2x10240x16xf32, #tpu.memory_space<hbm>> -> memref<1x128x16xf32, #tpu.memory_space<hbm>>
      %dma_wait3A_183 = tpu.memref_squeeze %dma_wait3A_182 : memref<1x128x16xf32, #tpu.memory_space<hbm>> -> memref<128x16xf32, #tpu.memory_space<hbm>>
      %dma_wait3A_184 = arith.constant 0 : i32
      %dma_wait3A_185 = tpu.memref_slice %arg10[%add3A_168, %dma_wait3A_184] : memref<10240x16xf32, #tpu.memory_space<vmem_shared>> -> memref<128x16xf32, #tpu.memory_space<vmem_shared>>
      tpu.wait_dma2 semaphore(%run_scoped3A_175 : memref<!tpu.dma_semaphore, #tpu.memory_space<semaphore_mem>>) src(%dma_wait3A_185 : memref<128x16xf32, #tpu.memory_space<vmem_shared>>) dst(%dma_wait3A_183 : memref<128x16xf32, #tpu.memory_space<hbm>>)
      tpu.yield
    }) : () -> ()
    %add3A_169 = arith.constant 256 : i32
    %add3A_170 = arith.addi %mul3A_0, %add3A_169 : i32
    "tpu.region"() ({
      %run_scoped3A_175 = tpu.sem_alloc : memref<!tpu.dma_semaphore, #tpu.memory_space<semaphore_mem>>
      %dma_start3A_176 = arith.constant 0 : i32
      %dma_start3A_177 = tpu.memref_slice %arg6[%arg0, %add3A_170, %dma_start3A_176] : memref<2x10240x16xf32, #tpu.memory_space<hbm>> -> memref<1x128x16xf32, #tpu.memory_space<hbm>>
      %dma_start3A_178 = tpu.memref_squeeze %dma_start3A_177 : memref<1x128x16xf32, #tpu.memory_space<hbm>> -> memref<128x16xf32, #tpu.memory_space<hbm>>
      %dma_start3A_179 = arith.constant 0 : i32
      %dma_start3A_180 = tpu.memref_slice %arg10[%add3A_170, %dma_start3A_179] : memref<10240x16xf32, #tpu.memory_space<vmem_shared>> -> memref<128x16xf32, #tpu.memory_space<vmem_shared>>
      tpu.enqueue_dma source(%dma_start3A_180 : memref<128x16xf32, #tpu.memory_space<vmem_shared>>) target(%dma_start3A_178 : memref<128x16xf32, #tpu.memory_space<hbm>>) target_semaphore(%run_scoped3A_175 : memref<!tpu.dma_semaphore, #tpu.memory_space<semaphore_mem>>)
      %dma_wait3A_181 = arith.constant 0 : i32
      %dma_wait3A_182 = tpu.memref_slice %arg6[%arg0, %add3A_170, %dma_wait3A_181] : memref<2x10240x16xf32, #tpu.memory_space<hbm>> -> memref<1x128x16xf32, #tpu.memory_space<hbm>>
      %dma_wait3A_183 = tpu.memref_squeeze %dma_wait3A_182 : memref<1x128x16xf32, #tpu.memory_space<hbm>> -> memref<128x16xf32, #tpu.memory_space<hbm>>
      %dma_wait3A_184 = arith.constant 0 : i32
      %dma_wait3A_185 = tpu.memref_slice %arg10[%add3A_170, %dma_wait3A_184] : memref<10240x16xf32, #tpu.memory_space<vmem_shared>> -> memref<128x16xf32, #tpu.memory_space<vmem_shared>>
      tpu.wait_dma2 semaphore(%run_scoped3A_175 : memref<!tpu.dma_semaphore, #tpu.memory_space<semaphore_mem>>) src(%dma_wait3A_185 : memref<128x16xf32, #tpu.memory_space<vmem_shared>>) dst(%dma_wait3A_183 : memref<128x16xf32, #tpu.memory_space<hbm>>)
      tpu.yield
    }) : () -> ()
    %add3A_171 = arith.constant 384 : i32
    %add3A_172 = arith.addi %mul3A_0, %add3A_171 : i32
    "tpu.region"() ({
      %run_scoped3A_175 = tpu.sem_alloc : memref<!tpu.dma_semaphore, #tpu.memory_space<semaphore_mem>>
      %dma_start3A_176 = arith.constant 0 : i32
      %dma_start3A_177 = tpu.memref_slice %arg6[%arg0, %add3A_172, %dma_start3A_176] : memref<2x10240x16xf32, #tpu.memory_space<hbm>> -> memref<1x128x16xf32, #tpu.memory_space<hbm>>
      %dma_start3A_178 = tpu.memref_squeeze %dma_start3A_177 : memref<1x128x16xf32, #tpu.memory_space<hbm>> -> memref<128x16xf32, #tpu.memory_space<hbm>>
      %dma_start3A_179 = arith.constant 0 : i32
      %dma_start3A_180 = tpu.memref_slice %arg10[%add3A_172, %dma_start3A_179] : memref<10240x16xf32, #tpu.memory_space<vmem_shared>> -> memref<128x16xf32, #tpu.memory_space<vmem_shared>>
      tpu.enqueue_dma source(%dma_start3A_180 : memref<128x16xf32, #tpu.memory_space<vmem_shared>>) target(%dma_start3A_178 : memref<128x16xf32, #tpu.memory_space<hbm>>) target_semaphore(%run_scoped3A_175 : memref<!tpu.dma_semaphore, #tpu.memory_space<semaphore_mem>>)
      %dma_wait3A_181 = arith.constant 0 : i32
      %dma_wait3A_182 = tpu.memref_slice %arg6[%arg0, %add3A_172, %dma_wait3A_181] : memref<2x10240x16xf32, #tpu.memory_space<hbm>> -> memref<1x128x16xf32, #tpu.memory_space<hbm>>
      %dma_wait3A_183 = tpu.memref_squeeze %dma_wait3A_182 : memref<1x128x16xf32, #tpu.memory_space<hbm>> -> memref<128x16xf32, #tpu.memory_space<hbm>>
      %dma_wait3A_184 = arith.constant 0 : i32
      %dma_wait3A_185 = tpu.memref_slice %arg10[%add3A_172, %dma_wait3A_184] : memref<10240x16xf32, #tpu.memory_space<vmem_shared>> -> memref<128x16xf32, #tpu.memory_space<vmem_shared>>
      tpu.wait_dma2 semaphore(%run_scoped3A_175 : memref<!tpu.dma_semaphore, #tpu.memory_space<semaphore_mem>>) src(%dma_wait3A_185 : memref<128x16xf32, #tpu.memory_space<vmem_shared>>) dst(%dma_wait3A_183 : memref<128x16xf32, #tpu.memory_space<hbm>>)
      tpu.yield
    }) : () -> ()
    %add3A_173 = arith.constant 512 : i32
    %add3A_174 = arith.addi %mul3A_0, %add3A_173 : i32
    "tpu.region"() ({
      %run_scoped3A_175 = tpu.sem_alloc : memref<!tpu.dma_semaphore, #tpu.memory_space<semaphore_mem>>
      %dma_start3A_176 = arith.constant 0 : i32
      %dma_start3A_177 = tpu.memref_slice %arg6[%arg0, %add3A_174, %dma_start3A_176] : memref<2x10240x16xf32, #tpu.memory_space<hbm>> -> memref<1x128x16xf32, #tpu.memory_space<hbm>>
      %dma_start3A_178 = tpu.memref_squeeze %dma_start3A_177 : memref<1x128x16xf32, #tpu.memory_space<hbm>> -> memref<128x16xf32, #tpu.memory_space<hbm>>
      %dma_start3A_179 = arith.constant 0 : i32
      %dma_start3A_180 = tpu.memref_slice %arg10[%add3A_174, %dma_start3A_179] : memref<10240x16xf32, #tpu.memory_space<vmem_shared>> -> memref<128x16xf32, #tpu.memory_space<vmem_shared>>
      tpu.enqueue_dma source(%dma_start3A_180 : memref<128x16xf32, #tpu.memory_space<vmem_shared>>) target(%dma_start3A_178 : memref<128x16xf32, #tpu.memory_space<hbm>>) target_semaphore(%run_scoped3A_175 : memref<!tpu.dma_semaphore, #tpu.memory_space<semaphore_mem>>)
      %dma_wait3A_181 = arith.constant 0 : i32
      %dma_wait3A_182 = tpu.memref_slice %arg6[%arg0, %add3A_174, %dma_wait3A_181] : memref<2x10240x16xf32, #tpu.memory_space<hbm>> -> memref<1x128x16xf32, #tpu.memory_space<hbm>>
      %dma_wait3A_183 = tpu.memref_squeeze %dma_wait3A_182 : memref<1x128x16xf32, #tpu.memory_space<hbm>> -> memref<128x16xf32, #tpu.memory_space<hbm>>
      %dma_wait3A_184 = arith.constant 0 : i32
      %dma_wait3A_185 = tpu.memref_slice %arg10[%add3A_174, %dma_wait3A_184] : memref<10240x16xf32, #tpu.memory_space<vmem_shared>> -> memref<128x16xf32, #tpu.memory_space<vmem_shared>>
      tpu.wait_dma2 semaphore(%run_scoped3A_175 : memref<!tpu.dma_semaphore, #tpu.memory_space<semaphore_mem>>) src(%dma_wait3A_185 : memref<128x16xf32, #tpu.memory_space<vmem_shared>>) dst(%dma_wait3A_183 : memref<128x16xf32, #tpu.memory_space<hbm>>)
      tpu.yield
    }) : () -> ()
    return
  }
}

#map = affine_map<(d0, d1) -> (0, 0)>
#map1 = affine_map<(d0, d1) -> (0, 0, 0)>
module attributes {stable_mosaic.version = 14 : i64} {
  func.func @deg_kernel(%arg0: i32, %arg1: i32, %arg2: memref<2560x128xi32, #tpu.memory_space<hbm>>, %arg3: memref<2x128x16xf32, #tpu.memory_space<hbm>>, %arg4: memref<2x10240x16xf32, #tpu.memory_space<hbm>>, %arg5: memref<120x128xi32, #tpu.memory_space<vmem>>, %arg6: memref<128x16xf32, #tpu.memory_space<vmem>>, %arg7: memref<10240x16xf32, #tpu.memory_space<vmem_shared>>, %arg8: memref<!tpu.dma_semaphore, #tpu.memory_space<semaphore_mem>>, %arg9: memref<!tpu.dma_semaphore, #tpu.memory_space<semaphore_mem>>, %arg10: memref<!tpu.dma_semaphore, #tpu.memory_space<semaphore_mem>>, %arg11: memref<!tpu.dma_semaphore, #tpu.memory_space<semaphore_mem>>) attributes {dimension_semantics = [#tpu.dimension_semantics<core_parallel>, #tpu.dimension_semantics<subcore_parallel>], iteration_bounds = array<i64: 2, 16>, scalar_prefetch = 0 : i64, scratch_operands = 7 : i64, tpu.core_type = #tpu.core_type<sc_vector_subcore>, window_params = [{transform_indices = #map}, {transform_indices = #map1}, {transform_indices = #map1}]} {
    %mul3A = arith.constant 640 : i32
    %mul3A_0 = arith.muli %arg1, %mul3A : i32
    %eq3A = arith.constant 0 : i32
    %eq3A_1 = arith.cmpi eq, %arg0, %eq3A : i32
    %mul3A_2 = arith.constant 120 : i32
    %mul3A_3 = arith.muli %arg1, %mul3A_2 : i32
    %mul3A_4 = arith.constant 40 : i32
    %mul3A_5 = arith.muli %arg1, %mul3A_4 : i32
    %add3A = arith.constant 1920 : i32
    %add3A_6 = arith.addi %add3A, %mul3A_5 : i32
    %select_n3A = arith.select %eq3A_1, %mul3A_3, %add3A_6 : i32
    %eq3A_7 = arith.constant 0 : i32
    %eq3A_8 = arith.cmpi eq, %arg0, %eq3A_7 : i32
    %jit3A = arith.constant 120 : i32
    %jit3A_9 = arith.constant 40 : i32
    %select_n3A_10 = arith.select %eq3A_8, %jit3A, %jit3A_9 : i32
    "tpu.region"() ({
      %run_scoped3A_96 = tpu.sem_alloc : memref<!tpu.dma_semaphore, #tpu.memory_space<semaphore_mem>>
      %dma_start3A = arith.constant 0 : i32
      %dma_start3A_97 = arith.constant 0 : i32
      %dma_start3A_98 = tpu.memref_slice %arg5[%dma_start3A, %dma_start3A_97] : memref<120x128xi32, #tpu.memory_space<vmem>> -> memref<40x128xi32, #tpu.memory_space<vmem>>
      %dma_start3A_99 = arith.constant 0 : i32
      %dma_start3A_100 = tpu.memref_slice %arg2[%select_n3A, %dma_start3A_99] : memref<2560x128xi32, #tpu.memory_space<hbm>> -> memref<40x128xi32, #tpu.memory_space<hbm>>
      %dma_start3A_101 = arith.constant 0 : i32
      %dma_start3A_102 = arith.constant 0 : i32
      %dma_start3A_103 = tpu.memref_slice %arg5[%dma_start3A_101, %dma_start3A_102] : memref<120x128xi32, #tpu.memory_space<vmem>> -> memref<40x128xi32, #tpu.memory_space<vmem>>
      %dma_start3A_104 = arith.constant 0 : i32
      %dma_start3A_105 = tpu.memref_slice %arg2[%select_n3A, %dma_start3A_104] : memref<2560x128xi32, #tpu.memory_space<hbm>> -> memref<40x128xi32, #tpu.memory_space<hbm>>
      tpu.enqueue_dma source(%dma_start3A_105 : memref<40x128xi32, #tpu.memory_space<hbm>>) target(%dma_start3A_103 : memref<40x128xi32, #tpu.memory_space<vmem>>) target_semaphore(%run_scoped3A_96 : memref<!tpu.dma_semaphore, #tpu.memory_space<semaphore_mem>>)
      %dma_wait3A_106 = arith.constant 0 : i32
      %dma_wait3A_107 = arith.constant 0 : i32
      %dma_wait3A_108 = tpu.memref_slice %arg5[%dma_wait3A_106, %dma_wait3A_107] : memref<120x128xi32, #tpu.memory_space<vmem>> -> memref<40x128xi32, #tpu.memory_space<vmem>>
      %dma_wait3A_109 = arith.constant 0 : i32
      %dma_wait3A_110 = tpu.memref_slice %arg2[%select_n3A, %dma_wait3A_109] : memref<2560x128xi32, #tpu.memory_space<hbm>> -> memref<40x128xi32, #tpu.memory_space<hbm>>
      %dma_wait3A_111 = arith.constant 0 : i32
      %dma_wait3A_112 = arith.constant 0 : i32
      %dma_wait3A_113 = tpu.memref_slice %arg5[%dma_wait3A_111, %dma_wait3A_112] : memref<120x128xi32, #tpu.memory_space<vmem>> -> memref<40x128xi32, #tpu.memory_space<vmem>>
      %dma_wait3A_114 = arith.constant 0 : i32
      %dma_wait3A_115 = tpu.memref_slice %arg2[%select_n3A, %dma_wait3A_114] : memref<2560x128xi32, #tpu.memory_space<hbm>> -> memref<40x128xi32, #tpu.memory_space<hbm>>
      tpu.wait_dma2 semaphore(%run_scoped3A_96 : memref<!tpu.dma_semaphore, #tpu.memory_space<semaphore_mem>>) src(%dma_wait3A_115 : memref<40x128xi32, #tpu.memory_space<hbm>>) dst(%dma_wait3A_113 : memref<40x128xi32, #tpu.memory_space<vmem>>)
      tpu.yield
    }) : () -> ()
    %eq3A_11 = arith.constant 0 : i32
    %eq3A_12 = arith.cmpi eq, %arg0, %eq3A_11 : i32
    %convert_element_type3A = arith.extui %eq3A_12 : i1 to i32
    %cond3A = arith.constant 0 : i32
    %cond3A_13 = arith.cmpi ne, %convert_element_type3A, %cond3A : i32
    scf.if %cond3A_13 {
      %add3A_96 = arith.constant 40 : i32
      %add3A_97 = arith.addi %select_n3A, %add3A_96 : i32
      "tpu.region"() ({
        %run_scoped3A_98 = tpu.sem_alloc : memref<!tpu.dma_semaphore, #tpu.memory_space<semaphore_mem>>
        %dma_start3A = arith.constant 40 : i32
        %dma_start3A_99 = arith.constant 0 : i32
        %dma_start3A_100 = tpu.memref_slice %arg5[%dma_start3A, %dma_start3A_99] : memref<120x128xi32, #tpu.memory_space<vmem>> -> memref<80x128xi32, #tpu.memory_space<vmem>>
        %dma_start3A_101 = arith.constant 0 : i32
        %dma_start3A_102 = tpu.memref_slice %arg2[%add3A_97, %dma_start3A_101] : memref<2560x128xi32, #tpu.memory_space<hbm>> -> memref<80x128xi32, #tpu.memory_space<hbm>>
        %dma_start3A_103 = arith.constant 40 : i32
        %dma_start3A_104 = arith.constant 0 : i32
        %dma_start3A_105 = tpu.memref_slice %arg5[%dma_start3A_103, %dma_start3A_104] : memref<120x128xi32, #tpu.memory_space<vmem>> -> memref<80x128xi32, #tpu.memory_space<vmem>>
        %dma_start3A_106 = arith.constant 0 : i32
        %dma_start3A_107 = tpu.memref_slice %arg2[%add3A_97, %dma_start3A_106] : memref<2560x128xi32, #tpu.memory_space<hbm>> -> memref<80x128xi32, #tpu.memory_space<hbm>>
        tpu.enqueue_dma source(%dma_start3A_107 : memref<80x128xi32, #tpu.memory_space<hbm>>) target(%dma_start3A_105 : memref<80x128xi32, #tpu.memory_space<vmem>>) target_semaphore(%run_scoped3A_98 : memref<!tpu.dma_semaphore, #tpu.memory_space<semaphore_mem>>)
        %dma_wait3A_108 = arith.constant 40 : i32
        %dma_wait3A_109 = arith.constant 0 : i32
        %dma_wait3A_110 = tpu.memref_slice %arg5[%dma_wait3A_108, %dma_wait3A_109] : memref<120x128xi32, #tpu.memory_space<vmem>> -> memref<80x128xi32, #tpu.memory_space<vmem>>
        %dma_wait3A_111 = arith.constant 0 : i32
        %dma_wait3A_112 = tpu.memref_slice %arg2[%add3A_97, %dma_wait3A_111] : memref<2560x128xi32, #tpu.memory_space<hbm>> -> memref<80x128xi32, #tpu.memory_space<hbm>>
        %dma_wait3A_113 = arith.constant 40 : i32
        %dma_wait3A_114 = arith.constant 0 : i32
        %dma_wait3A_115 = tpu.memref_slice %arg5[%dma_wait3A_113, %dma_wait3A_114] : memref<120x128xi32, #tpu.memory_space<vmem>> -> memref<80x128xi32, #tpu.memory_space<vmem>>
        %dma_wait3A_116 = arith.constant 0 : i32
        %dma_wait3A_117 = tpu.memref_slice %arg2[%add3A_97, %dma_wait3A_116] : memref<2560x128xi32, #tpu.memory_space<hbm>> -> memref<80x128xi32, #tpu.memory_space<hbm>>
        tpu.wait_dma2 semaphore(%run_scoped3A_98 : memref<!tpu.dma_semaphore, #tpu.memory_space<semaphore_mem>>) src(%dma_wait3A_117 : memref<80x128xi32, #tpu.memory_space<hbm>>) dst(%dma_wait3A_115 : memref<80x128xi32, #tpu.memory_space<vmem>>)
        tpu.yield
      }) : () -> ()
    } else {
    }
    %run_scoped3A = arith.constant 0 : i32
    "tpu.region"() ({
      %run_scoped3A_96 = tpu.sem_alloc : memref<!tpu.dma_semaphore, #tpu.memory_space<semaphore_mem>>
      %dma_start3A = arith.constant 0 : i32
      %dma_start3A_97 = arith.constant 0 : i32
      %dma_start3A_98 = tpu.memref_slice %arg3[%run_scoped3A, %dma_start3A, %dma_start3A_97] : memref<2x128x16xf32, #tpu.memory_space<hbm>> -> memref<1x128x16xf32, #tpu.memory_space<hbm>>
      %dma_start3A_99 = tpu.memref_squeeze %dma_start3A_98 : memref<1x128x16xf32, #tpu.memory_space<hbm>> -> memref<128x16xf32, #tpu.memory_space<hbm>>
      %dma_start3A_100 = arith.constant 0 : i32
      %dma_start3A_101 = arith.constant 0 : i32
      %dma_start3A_102 = tpu.memref_slice %arg3[%run_scoped3A, %dma_start3A_100, %dma_start3A_101] : memref<2x128x16xf32, #tpu.memory_space<hbm>> -> memref<1x128x16xf32, #tpu.memory_space<hbm>>
      %dma_start3A_103 = tpu.memref_squeeze %dma_start3A_102 : memref<1x128x16xf32, #tpu.memory_space<hbm>> -> memref<128x16xf32, #tpu.memory_space<hbm>>
      tpu.enqueue_dma source(%dma_start3A_103 : memref<128x16xf32, #tpu.memory_space<hbm>>) target(%arg6 : memref<128x16xf32, #tpu.memory_space<vmem>>) target_semaphore(%run_scoped3A_96 : memref<!tpu.dma_semaphore, #tpu.memory_space<semaphore_mem>>)
      %dma_wait3A_104 = arith.constant 0 : i32
      %dma_wait3A_105 = arith.constant 0 : i32
      %dma_wait3A_106 = tpu.memref_slice %arg3[%run_scoped3A, %dma_wait3A_104, %dma_wait3A_105] : memref<2x128x16xf32, #tpu.memory_space<hbm>> -> memref<1x128x16xf32, #tpu.memory_space<hbm>>
      %dma_wait3A_107 = tpu.memref_squeeze %dma_wait3A_106 : memref<1x128x16xf32, #tpu.memory_space<hbm>> -> memref<128x16xf32, #tpu.memory_space<hbm>>
      %dma_wait3A_108 = arith.constant 0 : i32
      %dma_wait3A_109 = arith.constant 0 : i32
      %dma_wait3A_110 = tpu.memref_slice %arg3[%run_scoped3A, %dma_wait3A_108, %dma_wait3A_109] : memref<2x128x16xf32, #tpu.memory_space<hbm>> -> memref<1x128x16xf32, #tpu.memory_space<hbm>>
      %dma_wait3A_111 = tpu.memref_squeeze %dma_wait3A_110 : memref<1x128x16xf32, #tpu.memory_space<hbm>> -> memref<128x16xf32, #tpu.memory_space<hbm>>
      tpu.wait_dma2 semaphore(%run_scoped3A_96 : memref<!tpu.dma_semaphore, #tpu.memory_space<semaphore_mem>>) src(%dma_wait3A_111 : memref<128x16xf32, #tpu.memory_space<hbm>>) dst(%arg6 : memref<128x16xf32, #tpu.memory_space<vmem>>)
      tpu.yield
    }) : () -> ()
    %add3A_14 = arith.constant 0 : i32
    %add3A_15 = arith.addi %mul3A_0, %add3A_14 : i32
    "tpu.region"() ({
      %run_scoped3A_96 = tpu.sem_alloc : memref<!tpu.dma_semaphore, #tpu.memory_space<semaphore_mem>>
      %dma_start3A = arith.constant 0 : i32
      %dma_start3A_97 = tpu.memref_slice %arg7[%add3A_15, %dma_start3A] : memref<10240x16xf32, #tpu.memory_space<vmem_shared>> -> memref<128x16xf32, #tpu.memory_space<vmem_shared>>
      %dma_start3A_98 = arith.constant 0 : i32
      %dma_start3A_99 = tpu.memref_slice %arg7[%add3A_15, %dma_start3A_98] : memref<10240x16xf32, #tpu.memory_space<vmem_shared>> -> memref<128x16xf32, #tpu.memory_space<vmem_shared>>
      tpu.enqueue_dma source(%arg6 : memref<128x16xf32, #tpu.memory_space<vmem>>) target(%dma_start3A_99 : memref<128x16xf32, #tpu.memory_space<vmem_shared>>) target_semaphore(%run_scoped3A_96 : memref<!tpu.dma_semaphore, #tpu.memory_space<semaphore_mem>>)
      %dma_wait3A_100 = arith.constant 0 : i32
      %dma_wait3A_101 = tpu.memref_slice %arg7[%add3A_15, %dma_wait3A_100] : memref<10240x16xf32, #tpu.memory_space<vmem_shared>> -> memref<128x16xf32, #tpu.memory_space<vmem_shared>>
      %dma_wait3A_102 = arith.constant 0 : i32
      %dma_wait3A_103 = tpu.memref_slice %arg7[%add3A_15, %dma_wait3A_102] : memref<10240x16xf32, #tpu.memory_space<vmem_shared>> -> memref<128x16xf32, #tpu.memory_space<vmem_shared>>
      tpu.wait_dma2 semaphore(%run_scoped3A_96 : memref<!tpu.dma_semaphore, #tpu.memory_space<semaphore_mem>>) src(%arg6 : memref<128x16xf32, #tpu.memory_space<vmem>>) dst(%dma_wait3A_103 : memref<128x16xf32, #tpu.memory_space<vmem_shared>>)
      tpu.yield
    }) : () -> ()
    %add3A_16 = arith.constant 128 : i32
    %add3A_17 = arith.addi %mul3A_0, %add3A_16 : i32
    "tpu.region"() ({
      %run_scoped3A_96 = tpu.sem_alloc : memref<!tpu.dma_semaphore, #tpu.memory_space<semaphore_mem>>
      %dma_start3A = arith.constant 0 : i32
      %dma_start3A_97 = tpu.memref_slice %arg7[%add3A_17, %dma_start3A] : memref<10240x16xf32, #tpu.memory_space<vmem_shared>> -> memref<128x16xf32, #tpu.memory_space<vmem_shared>>
      %dma_start3A_98 = arith.constant 0 : i32
      %dma_start3A_99 = tpu.memref_slice %arg7[%add3A_17, %dma_start3A_98] : memref<10240x16xf32, #tpu.memory_space<vmem_shared>> -> memref<128x16xf32, #tpu.memory_space<vmem_shared>>
      tpu.enqueue_dma source(%arg6 : memref<128x16xf32, #tpu.memory_space<vmem>>) target(%dma_start3A_99 : memref<128x16xf32, #tpu.memory_space<vmem_shared>>) target_semaphore(%run_scoped3A_96 : memref<!tpu.dma_semaphore, #tpu.memory_space<semaphore_mem>>)
      %dma_wait3A_100 = arith.constant 0 : i32
      %dma_wait3A_101 = tpu.memref_slice %arg7[%add3A_17, %dma_wait3A_100] : memref<10240x16xf32, #tpu.memory_space<vmem_shared>> -> memref<128x16xf32, #tpu.memory_space<vmem_shared>>
      %dma_wait3A_102 = arith.constant 0 : i32
      %dma_wait3A_103 = tpu.memref_slice %arg7[%add3A_17, %dma_wait3A_102] : memref<10240x16xf32, #tpu.memory_space<vmem_shared>> -> memref<128x16xf32, #tpu.memory_space<vmem_shared>>
      tpu.wait_dma2 semaphore(%run_scoped3A_96 : memref<!tpu.dma_semaphore, #tpu.memory_space<semaphore_mem>>) src(%arg6 : memref<128x16xf32, #tpu.memory_space<vmem>>) dst(%dma_wait3A_103 : memref<128x16xf32, #tpu.memory_space<vmem_shared>>)
      tpu.yield
    }) : () -> ()
    %add3A_18 = arith.constant 256 : i32
    %add3A_19 = arith.addi %mul3A_0, %add3A_18 : i32
    "tpu.region"() ({
      %run_scoped3A_96 = tpu.sem_alloc : memref<!tpu.dma_semaphore, #tpu.memory_space<semaphore_mem>>
      %dma_start3A = arith.constant 0 : i32
      %dma_start3A_97 = tpu.memref_slice %arg7[%add3A_19, %dma_start3A] : memref<10240x16xf32, #tpu.memory_space<vmem_shared>> -> memref<128x16xf32, #tpu.memory_space<vmem_shared>>
      %dma_start3A_98 = arith.constant 0 : i32
      %dma_start3A_99 = tpu.memref_slice %arg7[%add3A_19, %dma_start3A_98] : memref<10240x16xf32, #tpu.memory_space<vmem_shared>> -> memref<128x16xf32, #tpu.memory_space<vmem_shared>>
      tpu.enqueue_dma source(%arg6 : memref<128x16xf32, #tpu.memory_space<vmem>>) target(%dma_start3A_99 : memref<128x16xf32, #tpu.memory_space<vmem_shared>>) target_semaphore(%run_scoped3A_96 : memref<!tpu.dma_semaphore, #tpu.memory_space<semaphore_mem>>)
      %dma_wait3A_100 = arith.constant 0 : i32
      %dma_wait3A_101 = tpu.memref_slice %arg7[%add3A_19, %dma_wait3A_100] : memref<10240x16xf32, #tpu.memory_space<vmem_shared>> -> memref<128x16xf32, #tpu.memory_space<vmem_shared>>
      %dma_wait3A_102 = arith.constant 0 : i32
      %dma_wait3A_103 = tpu.memref_slice %arg7[%add3A_19, %dma_wait3A_102] : memref<10240x16xf32, #tpu.memory_space<vmem_shared>> -> memref<128x16xf32, #tpu.memory_space<vmem_shared>>
      tpu.wait_dma2 semaphore(%run_scoped3A_96 : memref<!tpu.dma_semaphore, #tpu.memory_space<semaphore_mem>>) src(%arg6 : memref<128x16xf32, #tpu.memory_space<vmem>>) dst(%dma_wait3A_103 : memref<128x16xf32, #tpu.memory_space<vmem_shared>>)
      tpu.yield
    }) : () -> ()
    %add3A_20 = arith.constant 384 : i32
    %add3A_21 = arith.addi %mul3A_0, %add3A_20 : i32
    "tpu.region"() ({
      %run_scoped3A_96 = tpu.sem_alloc : memref<!tpu.dma_semaphore, #tpu.memory_space<semaphore_mem>>
      %dma_start3A = arith.constant 0 : i32
      %dma_start3A_97 = tpu.memref_slice %arg7[%add3A_21, %dma_start3A] : memref<10240x16xf32, #tpu.memory_space<vmem_shared>> -> memref<128x16xf32, #tpu.memory_space<vmem_shared>>
      %dma_start3A_98 = arith.constant 0 : i32
      %dma_start3A_99 = tpu.memref_slice %arg7[%add3A_21, %dma_start3A_98] : memref<10240x16xf32, #tpu.memory_space<vmem_shared>> -> memref<128x16xf32, #tpu.memory_space<vmem_shared>>
      tpu.enqueue_dma source(%arg6 : memref<128x16xf32, #tpu.memory_space<vmem>>) target(%dma_start3A_99 : memref<128x16xf32, #tpu.memory_space<vmem_shared>>) target_semaphore(%run_scoped3A_96 : memref<!tpu.dma_semaphore, #tpu.memory_space<semaphore_mem>>)
      %dma_wait3A_100 = arith.constant 0 : i32
      %dma_wait3A_101 = tpu.memref_slice %arg7[%add3A_21, %dma_wait3A_100] : memref<10240x16xf32, #tpu.memory_space<vmem_shared>> -> memref<128x16xf32, #tpu.memory_space<vmem_shared>>
      %dma_wait3A_102 = arith.constant 0 : i32
      %dma_wait3A_103 = tpu.memref_slice %arg7[%add3A_21, %dma_wait3A_102] : memref<10240x16xf32, #tpu.memory_space<vmem_shared>> -> memref<128x16xf32, #tpu.memory_space<vmem_shared>>
      tpu.wait_dma2 semaphore(%run_scoped3A_96 : memref<!tpu.dma_semaphore, #tpu.memory_space<semaphore_mem>>) src(%arg6 : memref<128x16xf32, #tpu.memory_space<vmem>>) dst(%dma_wait3A_103 : memref<128x16xf32, #tpu.memory_space<vmem_shared>>)
      tpu.yield
    }) : () -> ()
    %add3A_22 = arith.constant 512 : i32
    %add3A_23 = arith.addi %mul3A_0, %add3A_22 : i32
    "tpu.region"() ({
      %run_scoped3A_96 = tpu.sem_alloc : memref<!tpu.dma_semaphore, #tpu.memory_space<semaphore_mem>>
      %dma_start3A = arith.constant 0 : i32
      %dma_start3A_97 = tpu.memref_slice %arg7[%add3A_23, %dma_start3A] : memref<10240x16xf32, #tpu.memory_space<vmem_shared>> -> memref<128x16xf32, #tpu.memory_space<vmem_shared>>
      %dma_start3A_98 = arith.constant 0 : i32
      %dma_start3A_99 = tpu.memref_slice %arg7[%add3A_23, %dma_start3A_98] : memref<10240x16xf32, #tpu.memory_space<vmem_shared>> -> memref<128x16xf32, #tpu.memory_space<vmem_shared>>
      tpu.enqueue_dma source(%arg6 : memref<128x16xf32, #tpu.memory_space<vmem>>) target(%dma_start3A_99 : memref<128x16xf32, #tpu.memory_space<vmem_shared>>) target_semaphore(%run_scoped3A_96 : memref<!tpu.dma_semaphore, #tpu.memory_space<semaphore_mem>>)
      %dma_wait3A_100 = arith.constant 0 : i32
      %dma_wait3A_101 = tpu.memref_slice %arg7[%add3A_23, %dma_wait3A_100] : memref<10240x16xf32, #tpu.memory_space<vmem_shared>> -> memref<128x16xf32, #tpu.memory_space<vmem_shared>>
      %dma_wait3A_102 = arith.constant 0 : i32
      %dma_wait3A_103 = tpu.memref_slice %arg7[%add3A_23, %dma_wait3A_102] : memref<10240x16xf32, #tpu.memory_space<vmem_shared>> -> memref<128x16xf32, #tpu.memory_space<vmem_shared>>
      tpu.wait_dma2 semaphore(%run_scoped3A_96 : memref<!tpu.dma_semaphore, #tpu.memory_space<semaphore_mem>>) src(%arg6 : memref<128x16xf32, #tpu.memory_space<vmem>>) dst(%dma_wait3A_103 : memref<128x16xf32, #tpu.memory_space<vmem_shared>>)
      tpu.yield
    }) : () -> ()
    %barrier3A = arith.constant 0 : index
    tpu.barrier barrier_id(%barrier3A)
    %run_scoped3A_24 = arith.constant 1 : i32
    "tpu.region"() ({
      %run_scoped3A_96 = tpu.sem_alloc : memref<!tpu.dma_semaphore, #tpu.memory_space<semaphore_mem>>
      %dma_start3A = arith.constant 0 : i32
      %dma_start3A_97 = arith.constant 0 : i32
      %dma_start3A_98 = tpu.memref_slice %arg3[%run_scoped3A_24, %dma_start3A, %dma_start3A_97] : memref<2x128x16xf32, #tpu.memory_space<hbm>> -> memref<1x128x16xf32, #tpu.memory_space<hbm>>
      %dma_start3A_99 = tpu.memref_squeeze %dma_start3A_98 : memref<1x128x16xf32, #tpu.memory_space<hbm>> -> memref<128x16xf32, #tpu.memory_space<hbm>>
      %dma_start3A_100 = arith.constant 0 : i32
      %dma_start3A_101 = arith.constant 0 : i32
      %dma_start3A_102 = tpu.memref_slice %arg3[%run_scoped3A_24, %dma_start3A_100, %dma_start3A_101] : memref<2x128x16xf32, #tpu.memory_space<hbm>> -> memref<1x128x16xf32, #tpu.memory_space<hbm>>
      %dma_start3A_103 = tpu.memref_squeeze %dma_start3A_102 : memref<1x128x16xf32, #tpu.memory_space<hbm>> -> memref<128x16xf32, #tpu.memory_space<hbm>>
      tpu.enqueue_dma source(%dma_start3A_103 : memref<128x16xf32, #tpu.memory_space<hbm>>) target(%arg6 : memref<128x16xf32, #tpu.memory_space<vmem>>) target_semaphore(%run_scoped3A_96 : memref<!tpu.dma_semaphore, #tpu.memory_space<semaphore_mem>>)
      %dma_wait3A_104 = arith.constant 0 : i32
      %dma_wait3A_105 = arith.constant 0 : i32
      %dma_wait3A_106 = tpu.memref_slice %arg3[%run_scoped3A_24, %dma_wait3A_104, %dma_wait3A_105] : memref<2x128x16xf32, #tpu.memory_space<hbm>> -> memref<1x128x16xf32, #tpu.memory_space<hbm>>
      %dma_wait3A_107 = tpu.memref_squeeze %dma_wait3A_106 : memref<1x128x16xf32, #tpu.memory_space<hbm>> -> memref<128x16xf32, #tpu.memory_space<hbm>>
      %dma_wait3A_108 = arith.constant 0 : i32
      %dma_wait3A_109 = arith.constant 0 : i32
      %dma_wait3A_110 = tpu.memref_slice %arg3[%run_scoped3A_24, %dma_wait3A_108, %dma_wait3A_109] : memref<2x128x16xf32, #tpu.memory_space<hbm>> -> memref<1x128x16xf32, #tpu.memory_space<hbm>>
      %dma_wait3A_111 = tpu.memref_squeeze %dma_wait3A_110 : memref<1x128x16xf32, #tpu.memory_space<hbm>> -> memref<128x16xf32, #tpu.memory_space<hbm>>
      tpu.wait_dma2 semaphore(%run_scoped3A_96 : memref<!tpu.dma_semaphore, #tpu.memory_space<semaphore_mem>>) src(%dma_wait3A_111 : memref<128x16xf32, #tpu.memory_space<hbm>>) dst(%arg6 : memref<128x16xf32, #tpu.memory_space<vmem>>)
      tpu.yield
    }) : () -> ()
    %jit3A_25 = arith.constant 4 : i32
    %div3A = arith.divsi %select_n3A_10, %jit3A_25 : i32
    %sign3A = arith.constant 0 : i32
    %sign3A_26 = arith.cmpi sgt, %select_n3A_10, %sign3A : i32
    %sign3A_27 = arith.extui %sign3A_26 : i1 to i32
    %sign3A_28 = arith.constant 0 : i32
    %sign3A_29 = arith.cmpi slt, %select_n3A_10, %sign3A_28 : i32
    %sign3A_30 = arith.extui %sign3A_29 : i1 to i32
    %sign3A_31 = arith.subi %sign3A_27, %sign3A_30 : i32
    %sign3A_32 = arith.constant 0 : i32
    %sign3A_33 = arith.cmpi sgt, %jit3A_25, %sign3A_32 : i32
    %sign3A_34 = arith.extui %sign3A_33 : i1 to i32
    %sign3A_35 = arith.constant 0 : i32
    %sign3A_36 = arith.cmpi slt, %jit3A_25, %sign3A_35 : i32
    %sign3A_37 = arith.extui %sign3A_36 : i1 to i32
    %sign3A_38 = arith.subi %sign3A_34, %sign3A_37 : i32
    %ne3A = arith.cmpi ne, %sign3A_31, %sign3A_38 : i32
    %rem3A = arith.remsi %select_n3A_10, %jit3A_25 : i32
    %ne3A_39 = arith.constant 0 : i32
    %ne3A_40 = arith.cmpi ne, %rem3A, %ne3A_39 : i32
    %and3A = arith.andi %ne3A, %ne3A_40 : i1
    %sub3A = arith.constant 1 : i32
    %sub3A_41 = arith.subi %div3A, %sub3A : i32
    %select_n3A_42 = arith.select %and3A, %sub3A_41, %div3A : i32
    %while3A = arith.constant 0 : i32
    %while3A_43 = arith.constant 0 : i32
    %while3A_44 = arith.subi %select_n3A_42, %while3A : i32
    %while3A_45 = arith.addi %while3A, %while3A_44 : i32
    %while3A_46 = arith.constant 1 : i32
    %while3A_47 = arith.divsi %while3A_44, %while3A_46 : i32
    %while3A_48 = arith.muli %while3A_47, %while3A_46 : i32
    %while3A_49 = arith.addi %while3A, %while3A_48 : i32
    %while3A_50 = arith.constant 1 : i32
    %while3A_51 = scf.for %while3A_96 = %while3A to %while3A_49 step %while3A_50 iter_args(%while3A_97 = %while3A_43) -> (i32)  : i32 {
      %mul3A_98 = arith.constant 4 : i32
      %mul3A_99 = arith.muli %while3A_96, %mul3A_98 : i32
      %add3A_100 = arith.constant 0 : i32
      %add3A_101 = arith.addi %mul3A_99, %add3A_100 : i32
      %ge3A = arith.constant 4 : i32
      %ge3A_102 = arith.cmpi sge, %add3A_101, %ge3A : i32
      %convert_element_type3A_103 = arith.extui %ge3A_102 : i1 to i32
      %cond3A_104 = arith.constant 0 : i32
      %cond3A_105 = arith.cmpi ne, %convert_element_type3A_103, %cond3A_104 : i32
      scf.if %cond3A_105 {
        %dma_wait3A_157 = arith.constant 0 : i32
        %dma_wait3A_158 = arith.constant 0 : i32
        %dma_wait3A_159 = tpu.memref_slice %arg4[%arg0, %dma_wait3A_157, %dma_wait3A_158] : memref<2x10240x16xf32, #tpu.memory_space<hbm>> -> memref<1x128x16xf32, #tpu.memory_space<hbm>>
        %dma_wait3A_160 = tpu.memref_squeeze %dma_wait3A_159 : memref<1x128x16xf32, #tpu.memory_space<hbm>> -> memref<128x16xf32, #tpu.memory_space<hbm>>
        %dma_wait3A_161 = arith.constant 0 : i32
        %dma_wait3A_162 = arith.constant 0 : i32
        %dma_wait3A_163 = tpu.memref_slice %arg4[%arg0, %dma_wait3A_161, %dma_wait3A_162] : memref<2x10240x16xf32, #tpu.memory_space<hbm>> -> memref<1x128x16xf32, #tpu.memory_space<hbm>>
        %dma_wait3A_164 = tpu.memref_squeeze %dma_wait3A_163 : memref<1x128x16xf32, #tpu.memory_space<hbm>> -> memref<128x16xf32, #tpu.memory_space<hbm>>
        tpu.wait_dma2 semaphore(%arg8 : memref<!tpu.dma_semaphore, #tpu.memory_space<semaphore_mem>>) src(%dma_wait3A_164 : memref<128x16xf32, #tpu.memory_space<hbm>>) dst(%arg6 : memref<128x16xf32, #tpu.memory_space<vmem>>)
      } else {
      }
      %dma_start3A = arith.constant 0 : i32
      %dma_start3A_106 = tpu.memref_slice %arg5[%add3A_101, %dma_start3A] : memref<120x128xi32, #tpu.memory_space<vmem>> -> memref<1x128xi32, #tpu.memory_space<vmem>>
      %dma_start3A_107 = tpu.memref_squeeze %dma_start3A_106 : memref<1x128xi32, #tpu.memory_space<vmem>> -> memref<128xi32, #tpu.memory_space<vmem>>
      %dma_start3A_108 = arith.constant 0 : i32
      %dma_start3A_109 = arith.constant 0 : i32
      %dma_start3A_110 = tpu.memref_slice %arg7[%dma_start3A_108, %dma_start3A_109] : memref<10240x16xf32, #tpu.memory_space<vmem_shared>> -> memref<10240x16xf32, #tpu.memory_space<vmem_shared>>
      tpu.enqueue_indirect_dma source(%arg6 : memref<128x16xf32, #tpu.memory_space<vmem>>) target(%dma_start3A_110 : memref<10240x16xf32, #tpu.memory_space<vmem_shared>>) offsets(%dma_start3A_107 : memref<128xi32, #tpu.memory_space<vmem>>) semaphore(%arg8 : memref<!tpu.dma_semaphore, #tpu.memory_space<semaphore_mem>>) {add = true}
      %mul3A_111 = arith.constant 4 : i32
      %mul3A_112 = arith.muli %while3A_96, %mul3A_111 : i32
      %add3A_113 = arith.constant 1 : i32
      %add3A_114 = arith.addi %mul3A_112, %add3A_113 : i32
      %ge3A_115 = arith.constant 4 : i32
      %ge3A_116 = arith.cmpi sge, %add3A_114, %ge3A_115 : i32
      %convert_element_type3A_117 = arith.extui %ge3A_116 : i1 to i32
      %cond3A_118 = arith.constant 0 : i32
      %cond3A_119 = arith.cmpi ne, %convert_element_type3A_117, %cond3A_118 : i32
      scf.if %cond3A_119 {
        %dma_wait3A_157 = arith.constant 0 : i32
        %dma_wait3A_158 = arith.constant 0 : i32
        %dma_wait3A_159 = tpu.memref_slice %arg4[%arg0, %dma_wait3A_157, %dma_wait3A_158] : memref<2x10240x16xf32, #tpu.memory_space<hbm>> -> memref<1x128x16xf32, #tpu.memory_space<hbm>>
        %dma_wait3A_160 = tpu.memref_squeeze %dma_wait3A_159 : memref<1x128x16xf32, #tpu.memory_space<hbm>> -> memref<128x16xf32, #tpu.memory_space<hbm>>
        %dma_wait3A_161 = arith.constant 0 : i32
        %dma_wait3A_162 = arith.constant 0 : i32
        %dma_wait3A_163 = tpu.memref_slice %arg4[%arg0, %dma_wait3A_161, %dma_wait3A_162] : memref<2x10240x16xf32, #tpu.memory_space<hbm>> -> memref<1x128x16xf32, #tpu.memory_space<hbm>>
        %dma_wait3A_164 = tpu.memref_squeeze %dma_wait3A_163 : memref<1x128x16xf32, #tpu.memory_space<hbm>> -> memref<128x16xf32, #tpu.memory_space<hbm>>
        tpu.wait_dma2 semaphore(%arg9 : memref<!tpu.dma_semaphore, #tpu.memory_space<semaphore_mem>>) src(%dma_wait3A_164 : memref<128x16xf32, #tpu.memory_space<hbm>>) dst(%arg6 : memref<128x16xf32, #tpu.memory_space<vmem>>)
      } else {
      }
      %dma_start3A_120 = arith.constant 0 : i32
      %dma_start3A_121 = tpu.memref_slice %arg5[%add3A_114, %dma_start3A_120] : memref<120x128xi32, #tpu.memory_space<vmem>> -> memref<1x128xi32, #tpu.memory_space<vmem>>
      %dma_start3A_122 = tpu.memref_squeeze %dma_start3A_121 : memref<1x128xi32, #tpu.memory_space<vmem>> -> memref<128xi32, #tpu.memory_space<vmem>>
      %dma_start3A_123 = arith.constant 0 : i32
      %dma_start3A_124 = arith.constant 0 : i32
      %dma_start3A_125 = tpu.memref_slice %arg7[%dma_start3A_123, %dma_start3A_124] : memref<10240x16xf32, #tpu.memory_space<vmem_shared>> -> memref<10240x16xf32, #tpu.memory_space<vmem_shared>>
      tpu.enqueue_indirect_dma source(%arg6 : memref<128x16xf32, #tpu.memory_space<vmem>>) target(%dma_start3A_125 : memref<10240x16xf32, #tpu.memory_space<vmem_shared>>) offsets(%dma_start3A_122 : memref<128xi32, #tpu.memory_space<vmem>>) semaphore(%arg9 : memref<!tpu.dma_semaphore, #tpu.memory_space<semaphore_mem>>) {add = true}
      %mul3A_126 = arith.constant 4 : i32
      %mul3A_127 = arith.muli %while3A_96, %mul3A_126 : i32
      %add3A_128 = arith.constant 2 : i32
      %add3A_129 = arith.addi %mul3A_127, %add3A_128 : i32
      %ge3A_130 = arith.constant 4 : i32
      %ge3A_131 = arith.cmpi sge, %add3A_129, %ge3A_130 : i32
      %convert_element_type3A_132 = arith.extui %ge3A_131 : i1 to i32
      %cond3A_133 = arith.constant 0 : i32
      %cond3A_134 = arith.cmpi ne, %convert_element_type3A_132, %cond3A_133 : i32
      scf.if %cond3A_134 {
        %dma_wait3A_157 = arith.constant 0 : i32
        %dma_wait3A_158 = arith.constant 0 : i32
        %dma_wait3A_159 = tpu.memref_slice %arg4[%arg0, %dma_wait3A_157, %dma_wait3A_158] : memref<2x10240x16xf32, #tpu.memory_space<hbm>> -> memref<1x128x16xf32, #tpu.memory_space<hbm>>
        %dma_wait3A_160 = tpu.memref_squeeze %dma_wait3A_159 : memref<1x128x16xf32, #tpu.memory_space<hbm>> -> memref<128x16xf32, #tpu.memory_space<hbm>>
        %dma_wait3A_161 = arith.constant 0 : i32
        %dma_wait3A_162 = arith.constant 0 : i32
        %dma_wait3A_163 = tpu.memref_slice %arg4[%arg0, %dma_wait3A_161, %dma_wait3A_162] : memref<2x10240x16xf32, #tpu.memory_space<hbm>> -> memref<1x128x16xf32, #tpu.memory_space<hbm>>
        %dma_wait3A_164 = tpu.memref_squeeze %dma_wait3A_163 : memref<1x128x16xf32, #tpu.memory_space<hbm>> -> memref<128x16xf32, #tpu.memory_space<hbm>>
        tpu.wait_dma2 semaphore(%arg10 : memref<!tpu.dma_semaphore, #tpu.memory_space<semaphore_mem>>) src(%dma_wait3A_164 : memref<128x16xf32, #tpu.memory_space<hbm>>) dst(%arg6 : memref<128x16xf32, #tpu.memory_space<vmem>>)
      } else {
      }
      %dma_start3A_135 = arith.constant 0 : i32
      %dma_start3A_136 = tpu.memref_slice %arg5[%add3A_129, %dma_start3A_135] : memref<120x128xi32, #tpu.memory_space<vmem>> -> memref<1x128xi32, #tpu.memory_space<vmem>>
      %dma_start3A_137 = tpu.memref_squeeze %dma_start3A_136 : memref<1x128xi32, #tpu.memory_space<vmem>> -> memref<128xi32, #tpu.memory_space<vmem>>
      %dma_start3A_138 = arith.constant 0 : i32
      %dma_start3A_139 = arith.constant 0 : i32
      %dma_start3A_140 = tpu.memref_slice %arg7[%dma_start3A_138, %dma_start3A_139] : memref<10240x16xf32, #tpu.memory_space<vmem_shared>> -> memref<10240x16xf32, #tpu.memory_space<vmem_shared>>
      tpu.enqueue_indirect_dma source(%arg6 : memref<128x16xf32, #tpu.memory_space<vmem>>) target(%dma_start3A_140 : memref<10240x16xf32, #tpu.memory_space<vmem_shared>>) offsets(%dma_start3A_137 : memref<128xi32, #tpu.memory_space<vmem>>) semaphore(%arg10 : memref<!tpu.dma_semaphore, #tpu.memory_space<semaphore_mem>>) {add = true}
      %mul3A_141 = arith.constant 4 : i32
      %mul3A_142 = arith.muli %while3A_96, %mul3A_141 : i32
      %add3A_143 = arith.constant 3 : i32
      %add3A_144 = arith.addi %mul3A_142, %add3A_143 : i32
      %ge3A_145 = arith.constant 4 : i32
      %ge3A_146 = arith.cmpi sge, %add3A_144, %ge3A_145 : i32
      %convert_element_type3A_147 = arith.extui %ge3A_146 : i1 to i32
      %cond3A_148 = arith.constant 0 : i32
      %cond3A_149 = arith.cmpi ne, %convert_element_type3A_147, %cond3A_148 : i32
      scf.if %cond3A_149 {
        %dma_wait3A_157 = arith.constant 0 : i32
        %dma_wait3A_158 = arith.constant 0 : i32
        %dma_wait3A_159 = tpu.memref_slice %arg4[%arg0, %dma_wait3A_157, %dma_wait3A_158] : memref<2x10240x16xf32, #tpu.memory_space<hbm>> -> memref<1x128x16xf32, #tpu.memory_space<hbm>>
        %dma_wait3A_160 = tpu.memref_squeeze %dma_wait3A_159 : memref<1x128x16xf32, #tpu.memory_space<hbm>> -> memref<128x16xf32, #tpu.memory_space<hbm>>
        %dma_wait3A_161 = arith.constant 0 : i32
        %dma_wait3A_162 = arith.constant 0 : i32
        %dma_wait3A_163 = tpu.memref_slice %arg4[%arg0, %dma_wait3A_161, %dma_wait3A_162] : memref<2x10240x16xf32, #tpu.memory_space<hbm>> -> memref<1x128x16xf32, #tpu.memory_space<hbm>>
        %dma_wait3A_164 = tpu.memref_squeeze %dma_wait3A_163 : memref<1x128x16xf32, #tpu.memory_space<hbm>> -> memref<128x16xf32, #tpu.memory_space<hbm>>
        tpu.wait_dma2 semaphore(%arg11 : memref<!tpu.dma_semaphore, #tpu.memory_space<semaphore_mem>>) src(%dma_wait3A_164 : memref<128x16xf32, #tpu.memory_space<hbm>>) dst(%arg6 : memref<128x16xf32, #tpu.memory_space<vmem>>)
      } else {
      }
      %dma_start3A_150 = arith.constant 0 : i32
      %dma_start3A_151 = tpu.memref_slice %arg5[%add3A_144, %dma_start3A_150] : memref<120x128xi32, #tpu.memory_space<vmem>> -> memref<1x128xi32, #tpu.memory_space<vmem>>
      %dma_start3A_152 = tpu.memref_squeeze %dma_start3A_151 : memref<1x128xi32, #tpu.memory_space<vmem>> -> memref<128xi32, #tpu.memory_space<vmem>>
      %dma_start3A_153 = arith.constant 0 : i32
      %dma_start3A_154 = arith.constant 0 : i32
      %dma_start3A_155 = tpu.memref_slice %arg7[%dma_start3A_153, %dma_start3A_154] : memref<10240x16xf32, #tpu.memory_space<vmem_shared>> -> memref<10240x16xf32, #tpu.memory_space<vmem_shared>>
      tpu.enqueue_indirect_dma source(%arg6 : memref<128x16xf32, #tpu.memory_space<vmem>>) target(%dma_start3A_155 : memref<10240x16xf32, #tpu.memory_space<vmem_shared>>) offsets(%dma_start3A_152 : memref<128xi32, #tpu.memory_space<vmem>>) semaphore(%arg11 : memref<!tpu.dma_semaphore, #tpu.memory_space<semaphore_mem>>) {add = true}
      %while3A_156 = arith.constant 0 : i32
      scf.yield %while3A_156 : i32
    }
    %while3A_52 = arith.constant 1 : i32
    %while3A_53 = scf.for %while3A_96 = %while3A_49 to %while3A_45 step %while3A_52 iter_args(%while3A_97 = %while3A_51) -> (i32)  : i32 {
      %mul3A_98 = arith.constant 4 : i32
      %mul3A_99 = arith.muli %while3A_96, %mul3A_98 : i32
      %add3A_100 = arith.constant 0 : i32
      %add3A_101 = arith.addi %mul3A_99, %add3A_100 : i32
      %ge3A = arith.constant 4 : i32
      %ge3A_102 = arith.cmpi sge, %add3A_101, %ge3A : i32
      %convert_element_type3A_103 = arith.extui %ge3A_102 : i1 to i32
      %cond3A_104 = arith.constant 0 : i32
      %cond3A_105 = arith.cmpi ne, %convert_element_type3A_103, %cond3A_104 : i32
      scf.if %cond3A_105 {
        %dma_wait3A_157 = arith.constant 0 : i32
        %dma_wait3A_158 = arith.constant 0 : i32
        %dma_wait3A_159 = tpu.memref_slice %arg4[%arg0, %dma_wait3A_157, %dma_wait3A_158] : memref<2x10240x16xf32, #tpu.memory_space<hbm>> -> memref<1x128x16xf32, #tpu.memory_space<hbm>>
        %dma_wait3A_160 = tpu.memref_squeeze %dma_wait3A_159 : memref<1x128x16xf32, #tpu.memory_space<hbm>> -> memref<128x16xf32, #tpu.memory_space<hbm>>
        %dma_wait3A_161 = arith.constant 0 : i32
        %dma_wait3A_162 = arith.constant 0 : i32
        %dma_wait3A_163 = tpu.memref_slice %arg4[%arg0, %dma_wait3A_161, %dma_wait3A_162] : memref<2x10240x16xf32, #tpu.memory_space<hbm>> -> memref<1x128x16xf32, #tpu.memory_space<hbm>>
        %dma_wait3A_164 = tpu.memref_squeeze %dma_wait3A_163 : memref<1x128x16xf32, #tpu.memory_space<hbm>> -> memref<128x16xf32, #tpu.memory_space<hbm>>
        tpu.wait_dma2 semaphore(%arg8 : memref<!tpu.dma_semaphore, #tpu.memory_space<semaphore_mem>>) src(%dma_wait3A_164 : memref<128x16xf32, #tpu.memory_space<hbm>>) dst(%arg6 : memref<128x16xf32, #tpu.memory_space<vmem>>)
      } else {
      }
      %dma_start3A = arith.constant 0 : i32
      %dma_start3A_106 = tpu.memref_slice %arg5[%add3A_101, %dma_start3A] : memref<120x128xi32, #tpu.memory_space<vmem>> -> memref<1x128xi32, #tpu.memory_space<vmem>>
      %dma_start3A_107 = tpu.memref_squeeze %dma_start3A_106 : memref<1x128xi32, #tpu.memory_space<vmem>> -> memref<128xi32, #tpu.memory_space<vmem>>
      %dma_start3A_108 = arith.constant 0 : i32
      %dma_start3A_109 = arith.constant 0 : i32
      %dma_start3A_110 = tpu.memref_slice %arg7[%dma_start3A_108, %dma_start3A_109] : memref<10240x16xf32, #tpu.memory_space<vmem_shared>> -> memref<10240x16xf32, #tpu.memory_space<vmem_shared>>
      tpu.enqueue_indirect_dma source(%arg6 : memref<128x16xf32, #tpu.memory_space<vmem>>) target(%dma_start3A_110 : memref<10240x16xf32, #tpu.memory_space<vmem_shared>>) offsets(%dma_start3A_107 : memref<128xi32, #tpu.memory_space<vmem>>) semaphore(%arg8 : memref<!tpu.dma_semaphore, #tpu.memory_space<semaphore_mem>>) {add = true}
      %mul3A_111 = arith.constant 4 : i32
      %mul3A_112 = arith.muli %while3A_96, %mul3A_111 : i32
      %add3A_113 = arith.constant 1 : i32
      %add3A_114 = arith.addi %mul3A_112, %add3A_113 : i32
      %ge3A_115 = arith.constant 4 : i32
      %ge3A_116 = arith.cmpi sge, %add3A_114, %ge3A_115 : i32
      %convert_element_type3A_117 = arith.extui %ge3A_116 : i1 to i32
      %cond3A_118 = arith.constant 0 : i32
      %cond3A_119 = arith.cmpi ne, %convert_element_type3A_117, %cond3A_118 : i32
      scf.if %cond3A_119 {
        %dma_wait3A_157 = arith.constant 0 : i32
        %dma_wait3A_158 = arith.constant 0 : i32
        %dma_wait3A_159 = tpu.memref_slice %arg4[%arg0, %dma_wait3A_157, %dma_wait3A_158] : memref<2x10240x16xf32, #tpu.memory_space<hbm>> -> memref<1x128x16xf32, #tpu.memory_space<hbm>>
        %dma_wait3A_160 = tpu.memref_squeeze %dma_wait3A_159 : memref<1x128x16xf32, #tpu.memory_space<hbm>> -> memref<128x16xf32, #tpu.memory_space<hbm>>
        %dma_wait3A_161 = arith.constant 0 : i32
        %dma_wait3A_162 = arith.constant 0 : i32
        %dma_wait3A_163 = tpu.memref_slice %arg4[%arg0, %dma_wait3A_161, %dma_wait3A_162] : memref<2x10240x16xf32, #tpu.memory_space<hbm>> -> memref<1x128x16xf32, #tpu.memory_space<hbm>>
        %dma_wait3A_164 = tpu.memref_squeeze %dma_wait3A_163 : memref<1x128x16xf32, #tpu.memory_space<hbm>> -> memref<128x16xf32, #tpu.memory_space<hbm>>
        tpu.wait_dma2 semaphore(%arg9 : memref<!tpu.dma_semaphore, #tpu.memory_space<semaphore_mem>>) src(%dma_wait3A_164 : memref<128x16xf32, #tpu.memory_space<hbm>>) dst(%arg6 : memref<128x16xf32, #tpu.memory_space<vmem>>)
      } else {
      }
      %dma_start3A_120 = arith.constant 0 : i32
      %dma_start3A_121 = tpu.memref_slice %arg5[%add3A_114, %dma_start3A_120] : memref<120x128xi32, #tpu.memory_space<vmem>> -> memref<1x128xi32, #tpu.memory_space<vmem>>
      %dma_start3A_122 = tpu.memref_squeeze %dma_start3A_121 : memref<1x128xi32, #tpu.memory_space<vmem>> -> memref<128xi32, #tpu.memory_space<vmem>>
      %dma_start3A_123 = arith.constant 0 : i32
      %dma_start3A_124 = arith.constant 0 : i32
      %dma_start3A_125 = tpu.memref_slice %arg7[%dma_start3A_123, %dma_start3A_124] : memref<10240x16xf32, #tpu.memory_space<vmem_shared>> -> memref<10240x16xf32, #tpu.memory_space<vmem_shared>>
      tpu.enqueue_indirect_dma source(%arg6 : memref<128x16xf32, #tpu.memory_space<vmem>>) target(%dma_start3A_125 : memref<10240x16xf32, #tpu.memory_space<vmem_shared>>) offsets(%dma_start3A_122 : memref<128xi32, #tpu.memory_space<vmem>>) semaphore(%arg9 : memref<!tpu.dma_semaphore, #tpu.memory_space<semaphore_mem>>) {add = true}
      %mul3A_126 = arith.constant 4 : i32
      %mul3A_127 = arith.muli %while3A_96, %mul3A_126 : i32
      %add3A_128 = arith.constant 2 : i32
      %add3A_129 = arith.addi %mul3A_127, %add3A_128 : i32
      %ge3A_130 = arith.constant 4 : i32
      %ge3A_131 = arith.cmpi sge, %add3A_129, %ge3A_130 : i32
      %convert_element_type3A_132 = arith.extui %ge3A_131 : i1 to i32
      %cond3A_133 = arith.constant 0 : i32
      %cond3A_134 = arith.cmpi ne, %convert_element_type3A_132, %cond3A_133 : i32
      scf.if %cond3A_134 {
        %dma_wait3A_157 = arith.constant 0 : i32
        %dma_wait3A_158 = arith.constant 0 : i32
        %dma_wait3A_159 = tpu.memref_slice %arg4[%arg0, %dma_wait3A_157, %dma_wait3A_158] : memref<2x10240x16xf32, #tpu.memory_space<hbm>> -> memref<1x128x16xf32, #tpu.memory_space<hbm>>
        %dma_wait3A_160 = tpu.memref_squeeze %dma_wait3A_159 : memref<1x128x16xf32, #tpu.memory_space<hbm>> -> memref<128x16xf32, #tpu.memory_space<hbm>>
        %dma_wait3A_161 = arith.constant 0 : i32
        %dma_wait3A_162 = arith.constant 0 : i32
        %dma_wait3A_163 = tpu.memref_slice %arg4[%arg0, %dma_wait3A_161, %dma_wait3A_162] : memref<2x10240x16xf32, #tpu.memory_space<hbm>> -> memref<1x128x16xf32, #tpu.memory_space<hbm>>
        %dma_wait3A_164 = tpu.memref_squeeze %dma_wait3A_163 : memref<1x128x16xf32, #tpu.memory_space<hbm>> -> memref<128x16xf32, #tpu.memory_space<hbm>>
        tpu.wait_dma2 semaphore(%arg10 : memref<!tpu.dma_semaphore, #tpu.memory_space<semaphore_mem>>) src(%dma_wait3A_164 : memref<128x16xf32, #tpu.memory_space<hbm>>) dst(%arg6 : memref<128x16xf32, #tpu.memory_space<vmem>>)
      } else {
      }
      %dma_start3A_135 = arith.constant 0 : i32
      %dma_start3A_136 = tpu.memref_slice %arg5[%add3A_129, %dma_start3A_135] : memref<120x128xi32, #tpu.memory_space<vmem>> -> memref<1x128xi32, #tpu.memory_space<vmem>>
      %dma_start3A_137 = tpu.memref_squeeze %dma_start3A_136 : memref<1x128xi32, #tpu.memory_space<vmem>> -> memref<128xi32, #tpu.memory_space<vmem>>
      %dma_start3A_138 = arith.constant 0 : i32
      %dma_start3A_139 = arith.constant 0 : i32
      %dma_start3A_140 = tpu.memref_slice %arg7[%dma_start3A_138, %dma_start3A_139] : memref<10240x16xf32, #tpu.memory_space<vmem_shared>> -> memref<10240x16xf32, #tpu.memory_space<vmem_shared>>
      tpu.enqueue_indirect_dma source(%arg6 : memref<128x16xf32, #tpu.memory_space<vmem>>) target(%dma_start3A_140 : memref<10240x16xf32, #tpu.memory_space<vmem_shared>>) offsets(%dma_start3A_137 : memref<128xi32, #tpu.memory_space<vmem>>) semaphore(%arg10 : memref<!tpu.dma_semaphore, #tpu.memory_space<semaphore_mem>>) {add = true}
      %mul3A_141 = arith.constant 4 : i32
      %mul3A_142 = arith.muli %while3A_96, %mul3A_141 : i32
      %add3A_143 = arith.constant 3 : i32
      %add3A_144 = arith.addi %mul3A_142, %add3A_143 : i32
      %ge3A_145 = arith.constant 4 : i32
      %ge3A_146 = arith.cmpi sge, %add3A_144, %ge3A_145 : i32
      %convert_element_type3A_147 = arith.extui %ge3A_146 : i1 to i32
      %cond3A_148 = arith.constant 0 : i32
      %cond3A_149 = arith.cmpi ne, %convert_element_type3A_147, %cond3A_148 : i32
      scf.if %cond3A_149 {
        %dma_wait3A_157 = arith.constant 0 : i32
        %dma_wait3A_158 = arith.constant 0 : i32
        %dma_wait3A_159 = tpu.memref_slice %arg4[%arg0, %dma_wait3A_157, %dma_wait3A_158] : memref<2x10240x16xf32, #tpu.memory_space<hbm>> -> memref<1x128x16xf32, #tpu.memory_space<hbm>>
        %dma_wait3A_160 = tpu.memref_squeeze %dma_wait3A_159 : memref<1x128x16xf32, #tpu.memory_space<hbm>> -> memref<128x16xf32, #tpu.memory_space<hbm>>
        %dma_wait3A_161 = arith.constant 0 : i32
        %dma_wait3A_162 = arith.constant 0 : i32
        %dma_wait3A_163 = tpu.memref_slice %arg4[%arg0, %dma_wait3A_161, %dma_wait3A_162] : memref<2x10240x16xf32, #tpu.memory_space<hbm>> -> memref<1x128x16xf32, #tpu.memory_space<hbm>>
        %dma_wait3A_164 = tpu.memref_squeeze %dma_wait3A_163 : memref<1x128x16xf32, #tpu.memory_space<hbm>> -> memref<128x16xf32, #tpu.memory_space<hbm>>
        tpu.wait_dma2 semaphore(%arg11 : memref<!tpu.dma_semaphore, #tpu.memory_space<semaphore_mem>>) src(%dma_wait3A_164 : memref<128x16xf32, #tpu.memory_space<hbm>>) dst(%arg6 : memref<128x16xf32, #tpu.memory_space<vmem>>)
      } else {
      }
      %dma_start3A_150 = arith.constant 0 : i32
      %dma_start3A_151 = tpu.memref_slice %arg5[%add3A_144, %dma_start3A_150] : memref<120x128xi32, #tpu.memory_space<vmem>> -> memref<1x128xi32, #tpu.memory_space<vmem>>
      %dma_start3A_152 = tpu.memref_squeeze %dma_start3A_151 : memref<1x128xi32, #tpu.memory_space<vmem>> -> memref<128xi32, #tpu.memory_space<vmem>>
      %dma_start3A_153 = arith.constant 0 : i32
      %dma_start3A_154 = arith.constant 0 : i32
      %dma_start3A_155 = tpu.memref_slice %arg7[%dma_start3A_153, %dma_start3A_154] : memref<10240x16xf32, #tpu.memory_space<vmem_shared>> -> memref<10240x16xf32, #tpu.memory_space<vmem_shared>>
      tpu.enqueue_indirect_dma source(%arg6 : memref<128x16xf32, #tpu.memory_space<vmem>>) target(%dma_start3A_155 : memref<10240x16xf32, #tpu.memory_space<vmem_shared>>) offsets(%dma_start3A_152 : memref<128xi32, #tpu.memory_space<vmem>>) semaphore(%arg11 : memref<!tpu.dma_semaphore, #tpu.memory_space<semaphore_mem>>) {add = true}
      %while3A_156 = arith.constant 0 : i32
      scf.yield %while3A_156 : i32
    }
    %dma_wait3A = arith.constant 0 : i32
    %dma_wait3A_54 = arith.constant 0 : i32
    %dma_wait3A_55 = tpu.memref_slice %arg4[%arg0, %dma_wait3A, %dma_wait3A_54] : memref<2x10240x16xf32, #tpu.memory_space<hbm>> -> memref<1x128x16xf32, #tpu.memory_space<hbm>>
    %dma_wait3A_56 = tpu.memref_squeeze %dma_wait3A_55 : memref<1x128x16xf32, #tpu.memory_space<hbm>> -> memref<128x16xf32, #tpu.memory_space<hbm>>
    %dma_wait3A_57 = arith.constant 0 : i32
    %dma_wait3A_58 = arith.constant 0 : i32
    %dma_wait3A_59 = tpu.memref_slice %arg4[%arg0, %dma_wait3A_57, %dma_wait3A_58] : memref<2x10240x16xf32, #tpu.memory_space<hbm>> -> memref<1x128x16xf32, #tpu.memory_space<hbm>>
    %dma_wait3A_60 = tpu.memref_squeeze %dma_wait3A_59 : memref<1x128x16xf32, #tpu.memory_space<hbm>> -> memref<128x16xf32, #tpu.memory_space<hbm>>
    tpu.wait_dma2 semaphore(%arg8 : memref<!tpu.dma_semaphore, #tpu.memory_space<semaphore_mem>>) src(%dma_wait3A_60 : memref<128x16xf32, #tpu.memory_space<hbm>>) dst(%arg6 : memref<128x16xf32, #tpu.memory_space<vmem>>)
    %dma_wait3A_61 = arith.constant 0 : i32
    %dma_wait3A_62 = arith.constant 0 : i32
    %dma_wait3A_63 = tpu.memref_slice %arg4[%arg0, %dma_wait3A_61, %dma_wait3A_62] : memref<2x10240x16xf32, #tpu.memory_space<hbm>> -> memref<1x128x16xf32, #tpu.memory_space<hbm>>
    %dma_wait3A_64 = tpu.memref_squeeze %dma_wait3A_63 : memref<1x128x16xf32, #tpu.memory_space<hbm>> -> memref<128x16xf32, #tpu.memory_space<hbm>>
    %dma_wait3A_65 = arith.constant 0 : i32
    %dma_wait3A_66 = arith.constant 0 : i32
    %dma_wait3A_67 = tpu.memref_slice %arg4[%arg0, %dma_wait3A_65, %dma_wait3A_66] : memref<2x10240x16xf32, #tpu.memory_space<hbm>> -> memref<1x128x16xf32, #tpu.memory_space<hbm>>
    %dma_wait3A_68 = tpu.memref_squeeze %dma_wait3A_67 : memref<1x128x16xf32, #tpu.memory_space<hbm>> -> memref<128x16xf32, #tpu.memory_space<hbm>>
    tpu.wait_dma2 semaphore(%arg9 : memref<!tpu.dma_semaphore, #tpu.memory_space<semaphore_mem>>) src(%dma_wait3A_68 : memref<128x16xf32, #tpu.memory_space<hbm>>) dst(%arg6 : memref<128x16xf32, #tpu.memory_space<vmem>>)
    %dma_wait3A_69 = arith.constant 0 : i32
    %dma_wait3A_70 = arith.constant 0 : i32
    %dma_wait3A_71 = tpu.memref_slice %arg4[%arg0, %dma_wait3A_69, %dma_wait3A_70] : memref<2x10240x16xf32, #tpu.memory_space<hbm>> -> memref<1x128x16xf32, #tpu.memory_space<hbm>>
    %dma_wait3A_72 = tpu.memref_squeeze %dma_wait3A_71 : memref<1x128x16xf32, #tpu.memory_space<hbm>> -> memref<128x16xf32, #tpu.memory_space<hbm>>
    %dma_wait3A_73 = arith.constant 0 : i32
    %dma_wait3A_74 = arith.constant 0 : i32
    %dma_wait3A_75 = tpu.memref_slice %arg4[%arg0, %dma_wait3A_73, %dma_wait3A_74] : memref<2x10240x16xf32, #tpu.memory_space<hbm>> -> memref<1x128x16xf32, #tpu.memory_space<hbm>>
    %dma_wait3A_76 = tpu.memref_squeeze %dma_wait3A_75 : memref<1x128x16xf32, #tpu.memory_space<hbm>> -> memref<128x16xf32, #tpu.memory_space<hbm>>
    tpu.wait_dma2 semaphore(%arg10 : memref<!tpu.dma_semaphore, #tpu.memory_space<semaphore_mem>>) src(%dma_wait3A_76 : memref<128x16xf32, #tpu.memory_space<hbm>>) dst(%arg6 : memref<128x16xf32, #tpu.memory_space<vmem>>)
    %dma_wait3A_77 = arith.constant 0 : i32
    %dma_wait3A_78 = arith.constant 0 : i32
    %dma_wait3A_79 = tpu.memref_slice %arg4[%arg0, %dma_wait3A_77, %dma_wait3A_78] : memref<2x10240x16xf32, #tpu.memory_space<hbm>> -> memref<1x128x16xf32, #tpu.memory_space<hbm>>
    %dma_wait3A_80 = tpu.memref_squeeze %dma_wait3A_79 : memref<1x128x16xf32, #tpu.memory_space<hbm>> -> memref<128x16xf32, #tpu.memory_space<hbm>>
    %dma_wait3A_81 = arith.constant 0 : i32
    %dma_wait3A_82 = arith.constant 0 : i32
    %dma_wait3A_83 = tpu.memref_slice %arg4[%arg0, %dma_wait3A_81, %dma_wait3A_82] : memref<2x10240x16xf32, #tpu.memory_space<hbm>> -> memref<1x128x16xf32, #tpu.memory_space<hbm>>
    %dma_wait3A_84 = tpu.memref_squeeze %dma_wait3A_83 : memref<1x128x16xf32, #tpu.memory_space<hbm>> -> memref<128x16xf32, #tpu.memory_space<hbm>>
    tpu.wait_dma2 semaphore(%arg11 : memref<!tpu.dma_semaphore, #tpu.memory_space<semaphore_mem>>) src(%dma_wait3A_84 : memref<128x16xf32, #tpu.memory_space<hbm>>) dst(%arg6 : memref<128x16xf32, #tpu.memory_space<vmem>>)
    %barrier3A_85 = arith.constant 0 : index
    tpu.barrier barrier_id(%barrier3A_85)
    %add3A_86 = arith.constant 0 : i32
    %add3A_87 = arith.addi %mul3A_0, %add3A_86 : i32
    "tpu.region"() ({
      %run_scoped3A_96 = tpu.sem_alloc : memref<!tpu.dma_semaphore, #tpu.memory_space<semaphore_mem>>
      %dma_start3A = arith.constant 0 : i32
      %dma_start3A_97 = tpu.memref_slice %arg4[%arg0, %add3A_87, %dma_start3A] : memref<2x10240x16xf32, #tpu.memory_space<hbm>> -> memref<1x128x16xf32, #tpu.memory_space<hbm>>
      %dma_start3A_98 = tpu.memref_squeeze %dma_start3A_97 : memref<1x128x16xf32, #tpu.memory_space<hbm>> -> memref<128x16xf32, #tpu.memory_space<hbm>>
      %dma_start3A_99 = arith.constant 0 : i32
      %dma_start3A_100 = tpu.memref_slice %arg7[%add3A_87, %dma_start3A_99] : memref<10240x16xf32, #tpu.memory_space<vmem_shared>> -> memref<128x16xf32, #tpu.memory_space<vmem_shared>>
      tpu.enqueue_dma source(%dma_start3A_100 : memref<128x16xf32, #tpu.memory_space<vmem_shared>>) target(%dma_start3A_98 : memref<128x16xf32, #tpu.memory_space<hbm>>) target_semaphore(%run_scoped3A_96 : memref<!tpu.dma_semaphore, #tpu.memory_space<semaphore_mem>>)
      %dma_wait3A_101 = arith.constant 0 : i32
      %dma_wait3A_102 = tpu.memref_slice %arg4[%arg0, %add3A_87, %dma_wait3A_101] : memref<2x10240x16xf32, #tpu.memory_space<hbm>> -> memref<1x128x16xf32, #tpu.memory_space<hbm>>
      %dma_wait3A_103 = tpu.memref_squeeze %dma_wait3A_102 : memref<1x128x16xf32, #tpu.memory_space<hbm>> -> memref<128x16xf32, #tpu.memory_space<hbm>>
      %dma_wait3A_104 = arith.constant 0 : i32
      %dma_wait3A_105 = tpu.memref_slice %arg7[%add3A_87, %dma_wait3A_104] : memref<10240x16xf32, #tpu.memory_space<vmem_shared>> -> memref<128x16xf32, #tpu.memory_space<vmem_shared>>
      tpu.wait_dma2 semaphore(%run_scoped3A_96 : memref<!tpu.dma_semaphore, #tpu.memory_space<semaphore_mem>>) src(%dma_wait3A_105 : memref<128x16xf32, #tpu.memory_space<vmem_shared>>) dst(%dma_wait3A_103 : memref<128x16xf32, #tpu.memory_space<hbm>>)
      tpu.yield
    }) : () -> ()
    %add3A_88 = arith.constant 128 : i32
    %add3A_89 = arith.addi %mul3A_0, %add3A_88 : i32
    "tpu.region"() ({
      %run_scoped3A_96 = tpu.sem_alloc : memref<!tpu.dma_semaphore, #tpu.memory_space<semaphore_mem>>
      %dma_start3A = arith.constant 0 : i32
      %dma_start3A_97 = tpu.memref_slice %arg4[%arg0, %add3A_89, %dma_start3A] : memref<2x10240x16xf32, #tpu.memory_space<hbm>> -> memref<1x128x16xf32, #tpu.memory_space<hbm>>
      %dma_start3A_98 = tpu.memref_squeeze %dma_start3A_97 : memref<1x128x16xf32, #tpu.memory_space<hbm>> -> memref<128x16xf32, #tpu.memory_space<hbm>>
      %dma_start3A_99 = arith.constant 0 : i32
      %dma_start3A_100 = tpu.memref_slice %arg7[%add3A_89, %dma_start3A_99] : memref<10240x16xf32, #tpu.memory_space<vmem_shared>> -> memref<128x16xf32, #tpu.memory_space<vmem_shared>>
      tpu.enqueue_dma source(%dma_start3A_100 : memref<128x16xf32, #tpu.memory_space<vmem_shared>>) target(%dma_start3A_98 : memref<128x16xf32, #tpu.memory_space<hbm>>) target_semaphore(%run_scoped3A_96 : memref<!tpu.dma_semaphore, #tpu.memory_space<semaphore_mem>>)
      %dma_wait3A_101 = arith.constant 0 : i32
      %dma_wait3A_102 = tpu.memref_slice %arg4[%arg0, %add3A_89, %dma_wait3A_101] : memref<2x10240x16xf32, #tpu.memory_space<hbm>> -> memref<1x128x16xf32, #tpu.memory_space<hbm>>
      %dma_wait3A_103 = tpu.memref_squeeze %dma_wait3A_102 : memref<1x128x16xf32, #tpu.memory_space<hbm>> -> memref<128x16xf32, #tpu.memory_space<hbm>>
      %dma_wait3A_104 = arith.constant 0 : i32
      %dma_wait3A_105 = tpu.memref_slice %arg7[%add3A_89, %dma_wait3A_104] : memref<10240x16xf32, #tpu.memory_space<vmem_shared>> -> memref<128x16xf32, #tpu.memory_space<vmem_shared>>
      tpu.wait_dma2 semaphore(%run_scoped3A_96 : memref<!tpu.dma_semaphore, #tpu.memory_space<semaphore_mem>>) src(%dma_wait3A_105 : memref<128x16xf32, #tpu.memory_space<vmem_shared>>) dst(%dma_wait3A_103 : memref<128x16xf32, #tpu.memory_space<hbm>>)
      tpu.yield
    }) : () -> ()
    %add3A_90 = arith.constant 256 : i32
    %add3A_91 = arith.addi %mul3A_0, %add3A_90 : i32
    "tpu.region"() ({
      %run_scoped3A_96 = tpu.sem_alloc : memref<!tpu.dma_semaphore, #tpu.memory_space<semaphore_mem>>
      %dma_start3A = arith.constant 0 : i32
      %dma_start3A_97 = tpu.memref_slice %arg4[%arg0, %add3A_91, %dma_start3A] : memref<2x10240x16xf32, #tpu.memory_space<hbm>> -> memref<1x128x16xf32, #tpu.memory_space<hbm>>
      %dma_start3A_98 = tpu.memref_squeeze %dma_start3A_97 : memref<1x128x16xf32, #tpu.memory_space<hbm>> -> memref<128x16xf32, #tpu.memory_space<hbm>>
      %dma_start3A_99 = arith.constant 0 : i32
      %dma_start3A_100 = tpu.memref_slice %arg7[%add3A_91, %dma_start3A_99] : memref<10240x16xf32, #tpu.memory_space<vmem_shared>> -> memref<128x16xf32, #tpu.memory_space<vmem_shared>>
      tpu.enqueue_dma source(%dma_start3A_100 : memref<128x16xf32, #tpu.memory_space<vmem_shared>>) target(%dma_start3A_98 : memref<128x16xf32, #tpu.memory_space<hbm>>) target_semaphore(%run_scoped3A_96 : memref<!tpu.dma_semaphore, #tpu.memory_space<semaphore_mem>>)
      %dma_wait3A_101 = arith.constant 0 : i32
      %dma_wait3A_102 = tpu.memref_slice %arg4[%arg0, %add3A_91, %dma_wait3A_101] : memref<2x10240x16xf32, #tpu.memory_space<hbm>> -> memref<1x128x16xf32, #tpu.memory_space<hbm>>
      %dma_wait3A_103 = tpu.memref_squeeze %dma_wait3A_102 : memref<1x128x16xf32, #tpu.memory_space<hbm>> -> memref<128x16xf32, #tpu.memory_space<hbm>>
      %dma_wait3A_104 = arith.constant 0 : i32
      %dma_wait3A_105 = tpu.memref_slice %arg7[%add3A_91, %dma_wait3A_104] : memref<10240x16xf32, #tpu.memory_space<vmem_shared>> -> memref<128x16xf32, #tpu.memory_space<vmem_shared>>
      tpu.wait_dma2 semaphore(%run_scoped3A_96 : memref<!tpu.dma_semaphore, #tpu.memory_space<semaphore_mem>>) src(%dma_wait3A_105 : memref<128x16xf32, #tpu.memory_space<vmem_shared>>) dst(%dma_wait3A_103 : memref<128x16xf32, #tpu.memory_space<hbm>>)
      tpu.yield
    }) : () -> ()
    %add3A_92 = arith.constant 384 : i32
    %add3A_93 = arith.addi %mul3A_0, %add3A_92 : i32
    "tpu.region"() ({
      %run_scoped3A_96 = tpu.sem_alloc : memref<!tpu.dma_semaphore, #tpu.memory_space<semaphore_mem>>
      %dma_start3A = arith.constant 0 : i32
      %dma_start3A_97 = tpu.memref_slice %arg4[%arg0, %add3A_93, %dma_start3A] : memref<2x10240x16xf32, #tpu.memory_space<hbm>> -> memref<1x128x16xf32, #tpu.memory_space<hbm>>
      %dma_start3A_98 = tpu.memref_squeeze %dma_start3A_97 : memref<1x128x16xf32, #tpu.memory_space<hbm>> -> memref<128x16xf32, #tpu.memory_space<hbm>>
      %dma_start3A_99 = arith.constant 0 : i32
      %dma_start3A_100 = tpu.memref_slice %arg7[%add3A_93, %dma_start3A_99] : memref<10240x16xf32, #tpu.memory_space<vmem_shared>> -> memref<128x16xf32, #tpu.memory_space<vmem_shared>>
      tpu.enqueue_dma source(%dma_start3A_100 : memref<128x16xf32, #tpu.memory_space<vmem_shared>>) target(%dma_start3A_98 : memref<128x16xf32, #tpu.memory_space<hbm>>) target_semaphore(%run_scoped3A_96 : memref<!tpu.dma_semaphore, #tpu.memory_space<semaphore_mem>>)
      %dma_wait3A_101 = arith.constant 0 : i32
      %dma_wait3A_102 = tpu.memref_slice %arg4[%arg0, %add3A_93, %dma_wait3A_101] : memref<2x10240x16xf32, #tpu.memory_space<hbm>> -> memref<1x128x16xf32, #tpu.memory_space<hbm>>
      %dma_wait3A_103 = tpu.memref_squeeze %dma_wait3A_102 : memref<1x128x16xf32, #tpu.memory_space<hbm>> -> memref<128x16xf32, #tpu.memory_space<hbm>>
      %dma_wait3A_104 = arith.constant 0 : i32
      %dma_wait3A_105 = tpu.memref_slice %arg7[%add3A_93, %dma_wait3A_104] : memref<10240x16xf32, #tpu.memory_space<vmem_shared>> -> memref<128x16xf32, #tpu.memory_space<vmem_shared>>
      tpu.wait_dma2 semaphore(%run_scoped3A_96 : memref<!tpu.dma_semaphore, #tpu.memory_space<semaphore_mem>>) src(%dma_wait3A_105 : memref<128x16xf32, #tpu.memory_space<vmem_shared>>) dst(%dma_wait3A_103 : memref<128x16xf32, #tpu.memory_space<hbm>>)
      tpu.yield
    }) : () -> ()
    %add3A_94 = arith.constant 512 : i32
    %add3A_95 = arith.addi %mul3A_0, %add3A_94 : i32
    "tpu.region"() ({
      %run_scoped3A_96 = tpu.sem_alloc : memref<!tpu.dma_semaphore, #tpu.memory_space<semaphore_mem>>
      %dma_start3A = arith.constant 0 : i32
      %dma_start3A_97 = tpu.memref_slice %arg4[%arg0, %add3A_95, %dma_start3A] : memref<2x10240x16xf32, #tpu.memory_space<hbm>> -> memref<1x128x16xf32, #tpu.memory_space<hbm>>
      %dma_start3A_98 = tpu.memref_squeeze %dma_start3A_97 : memref<1x128x16xf32, #tpu.memory_space<hbm>> -> memref<128x16xf32, #tpu.memory_space<hbm>>
      %dma_start3A_99 = arith.constant 0 : i32
      %dma_start3A_100 = tpu.memref_slice %arg7[%add3A_95, %dma_start3A_99] : memref<10240x16xf32, #tpu.memory_space<vmem_shared>> -> memref<128x16xf32, #tpu.memory_space<vmem_shared>>
      tpu.enqueue_dma source(%dma_start3A_100 : memref<128x16xf32, #tpu.memory_space<vmem_shared>>) target(%dma_start3A_98 : memref<128x16xf32, #tpu.memory_space<hbm>>) target_semaphore(%run_scoped3A_96 : memref<!tpu.dma_semaphore, #tpu.memory_space<semaphore_mem>>)
      %dma_wait3A_101 = arith.constant 0 : i32
      %dma_wait3A_102 = tpu.memref_slice %arg4[%arg0, %add3A_95, %dma_wait3A_101] : memref<2x10240x16xf32, #tpu.memory_space<hbm>> -> memref<1x128x16xf32, #tpu.memory_space<hbm>>
      %dma_wait3A_103 = tpu.memref_squeeze %dma_wait3A_102 : memref<1x128x16xf32, #tpu.memory_space<hbm>> -> memref<128x16xf32, #tpu.memory_space<hbm>>
      %dma_wait3A_104 = arith.constant 0 : i32
      %dma_wait3A_105 = tpu.memref_slice %arg7[%add3A_95, %dma_wait3A_104] : memref<10240x16xf32, #tpu.memory_space<vmem_shared>> -> memref<128x16xf32, #tpu.memory_space<vmem_shared>>
      tpu.wait_dma2 semaphore(%run_scoped3A_96 : memref<!tpu.dma_semaphore, #tpu.memory_space<semaphore_mem>>) src(%dma_wait3A_105 : memref<128x16xf32, #tpu.memory_space<vmem_shared>>) dst(%dma_wait3A_103 : memref<128x16xf32, #tpu.memory_space<hbm>>)
      tpu.yield
    }) : () -> ()
    return
  }
}

#map = affine_map<(d0, d1) -> (0, 0)>
#map1 = affine_map<(d0, d1) -> (0, 0, 0)>
module attributes {stable_mosaic.version = 14 : i64} {
  func.func @prop(%arg0: i32, %arg1: i32, %arg2: memref<2560x128xi32, #tpu.memory_space<hbm>>, %arg3: memref<2560x128xi32, #tpu.memory_space<hbm>>, %arg4: memref<10000x128xf32, #tpu.memory_space<hbm>>, %arg5: memref<128x128xf32, #tpu.memory_space<hbm>>, %arg6: memref<2x10240x128xf32, #tpu.memory_space<hbm>>, %arg7: memref<4x128xi32, #tpu.memory_space<vmem>>, %arg8: memref<4x128xi32, #tpu.memory_space<vmem>>, %arg9: memref<2x128x128xf32, #tpu.memory_space<vmem>>, %arg10: memref<10240x128xf32, #tpu.memory_space<vmem_shared>>, %arg11: memref<!tpu.dma_semaphore, #tpu.memory_space<semaphore_mem>>, %arg12: memref<!tpu.dma_semaphore, #tpu.memory_space<semaphore_mem>>, %arg13: memref<!tpu.dma_semaphore, #tpu.memory_space<semaphore_mem>>, %arg14: memref<!tpu.dma_semaphore, #tpu.memory_space<semaphore_mem>>, %arg15: memref<!tpu.dma_semaphore, #tpu.memory_space<semaphore_mem>>, %arg16: memref<!tpu.dma_semaphore, #tpu.memory_space<semaphore_mem>>, %arg17: memref<!tpu.dma_semaphore, #tpu.memory_space<semaphore_mem>>, %arg18: memref<!tpu.dma_semaphore, #tpu.memory_space<semaphore_mem>>, %arg19: memref<!tpu.dma_semaphore, #tpu.memory_space<semaphore_mem>>, %arg20: memref<!tpu.dma_semaphore, #tpu.memory_space<semaphore_mem>>, %arg21: memref<!tpu.dma_semaphore, #tpu.memory_space<semaphore_mem>>, %arg22: memref<!tpu.dma_semaphore, #tpu.memory_space<semaphore_mem>>) attributes {dimension_semantics = [#tpu.dimension_semantics<core_parallel>, #tpu.dimension_semantics<subcore_parallel>], iteration_bounds = array<i64: 2, 16>, scalar_prefetch = 0 : i64, scratch_operands = 16 : i64, tpu.core_type = #tpu.core_type<sc_vector_subcore>, window_params = [{transform_indices = #map}, {transform_indices = #map}, {transform_indices = #map}, {transform_indices = #map}, {transform_indices = #map1}]} {
    %mul3A = arith.constant 640 : i32
    %mul3A_0 = arith.muli %arg1, %mul3A : i32
    %eq3A = arith.constant 0 : i32
    %eq3A_1 = arith.cmpi eq, %arg0, %eq3A : i32
    %mul3A_2 = arith.constant 156 : i32
    %mul3A_3 = arith.muli %arg1, %mul3A_2 : i32
    %mul3A_4 = arith.constant 4 : i32
    %mul3A_5 = arith.muli %arg1, %mul3A_4 : i32
    %add3A = arith.constant 2496 : i32
    %add3A_6 = arith.addi %add3A, %mul3A_5 : i32
    %select_n3A = arith.select %eq3A_1, %mul3A_3, %add3A_6 : i32
    %eq3A_7 = arith.constant 0 : i32
    %eq3A_8 = arith.cmpi eq, %arg0, %eq3A_7 : i32
    %jit3A = arith.constant 156 : i32
    %jit3A_9 = arith.constant 4 : i32
    %select_n3A_10 = arith.select %eq3A_8, %jit3A, %jit3A_9 : i32
    "tpu.region"() ({
      %run_scoped3A_178 = tpu.sem_alloc : memref<!tpu.dma_semaphore, #tpu.memory_space<semaphore_mem>>
      %dma_start3A_179 = arith.constant 0 : i32
      %dma_start3A_180 = arith.constant 0 : i32
      %dma_start3A_181 = tpu.memref_slice %arg7[%dma_start3A_179, %dma_start3A_180] : memref<4x128xi32, #tpu.memory_space<vmem>> -> memref<2x128xi32, #tpu.memory_space<vmem>>
      %dma_start3A_182 = arith.constant 0 : i32
      %dma_start3A_183 = tpu.memref_slice %arg2[%select_n3A, %dma_start3A_182] : memref<2560x128xi32, #tpu.memory_space<hbm>> -> memref<2x128xi32, #tpu.memory_space<hbm>>
      %dma_start3A_184 = arith.constant 0 : i32
      %dma_start3A_185 = arith.constant 0 : i32
      %dma_start3A_186 = tpu.memref_slice %arg7[%dma_start3A_184, %dma_start3A_185] : memref<4x128xi32, #tpu.memory_space<vmem>> -> memref<2x128xi32, #tpu.memory_space<vmem>>
      %dma_start3A_187 = arith.constant 0 : i32
      %dma_start3A_188 = tpu.memref_slice %arg2[%select_n3A, %dma_start3A_187] : memref<2560x128xi32, #tpu.memory_space<hbm>> -> memref<2x128xi32, #tpu.memory_space<hbm>>
      tpu.enqueue_dma source(%dma_start3A_188 : memref<2x128xi32, #tpu.memory_space<hbm>>) target(%dma_start3A_186 : memref<2x128xi32, #tpu.memory_space<vmem>>) target_semaphore(%run_scoped3A_178 : memref<!tpu.dma_semaphore, #tpu.memory_space<semaphore_mem>>)
      %dma_wait3A_189 = arith.constant 0 : i32
      %dma_wait3A_190 = arith.constant 0 : i32
      %dma_wait3A_191 = tpu.memref_slice %arg7[%dma_wait3A_189, %dma_wait3A_190] : memref<4x128xi32, #tpu.memory_space<vmem>> -> memref<2x128xi32, #tpu.memory_space<vmem>>
      %dma_wait3A_192 = arith.constant 0 : i32
      %dma_wait3A_193 = tpu.memref_slice %arg2[%select_n3A, %dma_wait3A_192] : memref<2560x128xi32, #tpu.memory_space<hbm>> -> memref<2x128xi32, #tpu.memory_space<hbm>>
      %dma_wait3A_194 = arith.constant 0 : i32
      %dma_wait3A_195 = arith.constant 0 : i32
      %dma_wait3A_196 = tpu.memref_slice %arg7[%dma_wait3A_194, %dma_wait3A_195] : memref<4x128xi32, #tpu.memory_space<vmem>> -> memref<2x128xi32, #tpu.memory_space<vmem>>
      %dma_wait3A_197 = arith.constant 0 : i32
      %dma_wait3A_198 = tpu.memref_slice %arg2[%select_n3A, %dma_wait3A_197] : memref<2560x128xi32, #tpu.memory_space<hbm>> -> memref<2x128xi32, #tpu.memory_space<hbm>>
      tpu.wait_dma2 semaphore(%run_scoped3A_178 : memref<!tpu.dma_semaphore, #tpu.memory_space<semaphore_mem>>) src(%dma_wait3A_198 : memref<2x128xi32, #tpu.memory_space<hbm>>) dst(%dma_wait3A_196 : memref<2x128xi32, #tpu.memory_space<vmem>>)
      tpu.yield
    }) : () -> ()
    "tpu.region"() ({
      %run_scoped3A_178 = tpu.sem_alloc : memref<!tpu.dma_semaphore, #tpu.memory_space<semaphore_mem>>
      %dma_start3A_179 = arith.constant 0 : i32
      %dma_start3A_180 = arith.constant 0 : i32
      %dma_start3A_181 = tpu.memref_slice %arg8[%dma_start3A_179, %dma_start3A_180] : memref<4x128xi32, #tpu.memory_space<vmem>> -> memref<2x128xi32, #tpu.memory_space<vmem>>
      %dma_start3A_182 = arith.constant 0 : i32
      %dma_start3A_183 = tpu.memref_slice %arg3[%select_n3A, %dma_start3A_182] : memref<2560x128xi32, #tpu.memory_space<hbm>> -> memref<2x128xi32, #tpu.memory_space<hbm>>
      %dma_start3A_184 = arith.constant 0 : i32
      %dma_start3A_185 = arith.constant 0 : i32
      %dma_start3A_186 = tpu.memref_slice %arg8[%dma_start3A_184, %dma_start3A_185] : memref<4x128xi32, #tpu.memory_space<vmem>> -> memref<2x128xi32, #tpu.memory_space<vmem>>
      %dma_start3A_187 = arith.constant 0 : i32
      %dma_start3A_188 = tpu.memref_slice %arg3[%select_n3A, %dma_start3A_187] : memref<2560x128xi32, #tpu.memory_space<hbm>> -> memref<2x128xi32, #tpu.memory_space<hbm>>
      tpu.enqueue_dma source(%dma_start3A_188 : memref<2x128xi32, #tpu.memory_space<hbm>>) target(%dma_start3A_186 : memref<2x128xi32, #tpu.memory_space<vmem>>) target_semaphore(%run_scoped3A_178 : memref<!tpu.dma_semaphore, #tpu.memory_space<semaphore_mem>>)
      %dma_wait3A_189 = arith.constant 0 : i32
      %dma_wait3A_190 = arith.constant 0 : i32
      %dma_wait3A_191 = tpu.memref_slice %arg8[%dma_wait3A_189, %dma_wait3A_190] : memref<4x128xi32, #tpu.memory_space<vmem>> -> memref<2x128xi32, #tpu.memory_space<vmem>>
      %dma_wait3A_192 = arith.constant 0 : i32
      %dma_wait3A_193 = tpu.memref_slice %arg3[%select_n3A, %dma_wait3A_192] : memref<2560x128xi32, #tpu.memory_space<hbm>> -> memref<2x128xi32, #tpu.memory_space<hbm>>
      %dma_wait3A_194 = arith.constant 0 : i32
      %dma_wait3A_195 = arith.constant 0 : i32
      %dma_wait3A_196 = tpu.memref_slice %arg8[%dma_wait3A_194, %dma_wait3A_195] : memref<4x128xi32, #tpu.memory_space<vmem>> -> memref<2x128xi32, #tpu.memory_space<vmem>>
      %dma_wait3A_197 = arith.constant 0 : i32
      %dma_wait3A_198 = tpu.memref_slice %arg3[%select_n3A, %dma_wait3A_197] : memref<2560x128xi32, #tpu.memory_space<hbm>> -> memref<2x128xi32, #tpu.memory_space<hbm>>
      tpu.wait_dma2 semaphore(%run_scoped3A_178 : memref<!tpu.dma_semaphore, #tpu.memory_space<semaphore_mem>>) src(%dma_wait3A_198 : memref<2x128xi32, #tpu.memory_space<hbm>>) dst(%dma_wait3A_196 : memref<2x128xi32, #tpu.memory_space<vmem>>)
      tpu.yield
    }) : () -> ()
    %add3A_11 = arith.constant 2 : i32
    %add3A_12 = arith.addi %select_n3A, %add3A_11 : i32
    %dma_start3A = arith.constant 2 : i32
    %dma_start3A_13 = arith.constant 0 : i32
    %dma_start3A_14 = tpu.memref_slice %arg7[%dma_start3A, %dma_start3A_13] : memref<4x128xi32, #tpu.memory_space<vmem>> -> memref<1x128xi32, #tpu.memory_space<vmem>>
    %dma_start3A_15 = tpu.memref_squeeze %dma_start3A_14 : memref<1x128xi32, #tpu.memory_space<vmem>> -> memref<128xi32, #tpu.memory_space<vmem>>
    %dma_start3A_16 = arith.constant 0 : i32
    %dma_start3A_17 = tpu.memref_slice %arg2[%add3A_12, %dma_start3A_16] : memref<2560x128xi32, #tpu.memory_space<hbm>> -> memref<1x128xi32, #tpu.memory_space<hbm>>
    %dma_start3A_18 = tpu.memref_squeeze %dma_start3A_17 : memref<1x128xi32, #tpu.memory_space<hbm>> -> memref<128xi32, #tpu.memory_space<hbm>>
    %dma_start3A_19 = arith.constant 0 : i32
    %dma_start3A_20 = tpu.memref_slice %arg7[%dma_start3A, %dma_start3A_19] : memref<4x128xi32, #tpu.memory_space<vmem>> -> memref<1x128xi32, #tpu.memory_space<vmem>>
    %dma_start3A_21 = tpu.memref_squeeze %dma_start3A_20 : memref<1x128xi32, #tpu.memory_space<vmem>> -> memref<128xi32, #tpu.memory_space<vmem>>
    %dma_start3A_22 = arith.constant 0 : i32
    %dma_start3A_23 = tpu.memref_slice %arg2[%add3A_12, %dma_start3A_22] : memref<2560x128xi32, #tpu.memory_space<hbm>> -> memref<1x128xi32, #tpu.memory_space<hbm>>
    %dma_start3A_24 = tpu.memref_squeeze %dma_start3A_23 : memref<1x128xi32, #tpu.memory_space<hbm>> -> memref<128xi32, #tpu.memory_space<hbm>>
    tpu.enqueue_dma source(%dma_start3A_24 : memref<128xi32, #tpu.memory_space<hbm>>) target(%dma_start3A_21 : memref<128xi32, #tpu.memory_space<vmem>>) target_semaphore(%arg17 : memref<!tpu.dma_semaphore, #tpu.memory_space<semaphore_mem>>)
    %add3A_25 = arith.constant 2 : i32
    %add3A_26 = arith.addi %select_n3A, %add3A_25 : i32
    %dma_start3A_27 = arith.constant 2 : i32
    %dma_start3A_28 = arith.constant 0 : i32
    %dma_start3A_29 = tpu.memref_slice %arg8[%dma_start3A_27, %dma_start3A_28] : memref<4x128xi32, #tpu.memory_space<vmem>> -> memref<1x128xi32, #tpu.memory_space<vmem>>
    %dma_start3A_30 = tpu.memref_squeeze %dma_start3A_29 : memref<1x128xi32, #tpu.memory_space<vmem>> -> memref<128xi32, #tpu.memory_space<vmem>>
    %dma_start3A_31 = arith.constant 0 : i32
    %dma_start3A_32 = tpu.memref_slice %arg3[%add3A_26, %dma_start3A_31] : memref<2560x128xi32, #tpu.memory_space<hbm>> -> memref<1x128xi32, #tpu.memory_space<hbm>>
    %dma_start3A_33 = tpu.memref_squeeze %dma_start3A_32 : memref<1x128xi32, #tpu.memory_space<hbm>> -> memref<128xi32, #tpu.memory_space<hbm>>
    %dma_start3A_34 = arith.constant 0 : i32
    %dma_start3A_35 = tpu.memref_slice %arg8[%dma_start3A_27, %dma_start3A_34] : memref<4x128xi32, #tpu.memory_space<vmem>> -> memref<1x128xi32, #tpu.memory_space<vmem>>
    %dma_start3A_36 = tpu.memref_squeeze %dma_start3A_35 : memref<1x128xi32, #tpu.memory_space<vmem>> -> memref<128xi32, #tpu.memory_space<vmem>>
    %dma_start3A_37 = arith.constant 0 : i32
    %dma_start3A_38 = tpu.memref_slice %arg3[%add3A_26, %dma_start3A_37] : memref<2560x128xi32, #tpu.memory_space<hbm>> -> memref<1x128xi32, #tpu.memory_space<hbm>>
    %dma_start3A_39 = tpu.memref_squeeze %dma_start3A_38 : memref<1x128xi32, #tpu.memory_space<hbm>> -> memref<128xi32, #tpu.memory_space<hbm>>
    tpu.enqueue_dma source(%dma_start3A_39 : memref<128xi32, #tpu.memory_space<hbm>>) target(%dma_start3A_36 : memref<128xi32, #tpu.memory_space<vmem>>) target_semaphore(%arg21 : memref<!tpu.dma_semaphore, #tpu.memory_space<semaphore_mem>>)
    %add3A_40 = arith.constant 3 : i32
    %add3A_41 = arith.addi %select_n3A, %add3A_40 : i32
    %dma_start3A_42 = arith.constant 3 : i32
    %dma_start3A_43 = arith.constant 0 : i32
    %dma_start3A_44 = tpu.memref_slice %arg7[%dma_start3A_42, %dma_start3A_43] : memref<4x128xi32, #tpu.memory_space<vmem>> -> memref<1x128xi32, #tpu.memory_space<vmem>>
    %dma_start3A_45 = tpu.memref_squeeze %dma_start3A_44 : memref<1x128xi32, #tpu.memory_space<vmem>> -> memref<128xi32, #tpu.memory_space<vmem>>
    %dma_start3A_46 = arith.constant 0 : i32
    %dma_start3A_47 = tpu.memref_slice %arg2[%add3A_41, %dma_start3A_46] : memref<2560x128xi32, #tpu.memory_space<hbm>> -> memref<1x128xi32, #tpu.memory_space<hbm>>
    %dma_start3A_48 = tpu.memref_squeeze %dma_start3A_47 : memref<1x128xi32, #tpu.memory_space<hbm>> -> memref<128xi32, #tpu.memory_space<hbm>>
    %dma_start3A_49 = arith.constant 0 : i32
    %dma_start3A_50 = tpu.memref_slice %arg7[%dma_start3A_42, %dma_start3A_49] : memref<4x128xi32, #tpu.memory_space<vmem>> -> memref<1x128xi32, #tpu.memory_space<vmem>>
    %dma_start3A_51 = tpu.memref_squeeze %dma_start3A_50 : memref<1x128xi32, #tpu.memory_space<vmem>> -> memref<128xi32, #tpu.memory_space<vmem>>
    %dma_start3A_52 = arith.constant 0 : i32
    %dma_start3A_53 = tpu.memref_slice %arg2[%add3A_41, %dma_start3A_52] : memref<2560x128xi32, #tpu.memory_space<hbm>> -> memref<1x128xi32, #tpu.memory_space<hbm>>
    %dma_start3A_54 = tpu.memref_squeeze %dma_start3A_53 : memref<1x128xi32, #tpu.memory_space<hbm>> -> memref<128xi32, #tpu.memory_space<hbm>>
    tpu.enqueue_dma source(%dma_start3A_54 : memref<128xi32, #tpu.memory_space<hbm>>) target(%dma_start3A_51 : memref<128xi32, #tpu.memory_space<vmem>>) target_semaphore(%arg18 : memref<!tpu.dma_semaphore, #tpu.memory_space<semaphore_mem>>)
    %add3A_55 = arith.constant 3 : i32
    %add3A_56 = arith.addi %select_n3A, %add3A_55 : i32
    %dma_start3A_57 = arith.constant 3 : i32
    %dma_start3A_58 = arith.constant 0 : i32
    %dma_start3A_59 = tpu.memref_slice %arg8[%dma_start3A_57, %dma_start3A_58] : memref<4x128xi32, #tpu.memory_space<vmem>> -> memref<1x128xi32, #tpu.memory_space<vmem>>
    %dma_start3A_60 = tpu.memref_squeeze %dma_start3A_59 : memref<1x128xi32, #tpu.memory_space<vmem>> -> memref<128xi32, #tpu.memory_space<vmem>>
    %dma_start3A_61 = arith.constant 0 : i32
    %dma_start3A_62 = tpu.memref_slice %arg3[%add3A_56, %dma_start3A_61] : memref<2560x128xi32, #tpu.memory_space<hbm>> -> memref<1x128xi32, #tpu.memory_space<hbm>>
    %dma_start3A_63 = tpu.memref_squeeze %dma_start3A_62 : memref<1x128xi32, #tpu.memory_space<hbm>> -> memref<128xi32, #tpu.memory_space<hbm>>
    %dma_start3A_64 = arith.constant 0 : i32
    %dma_start3A_65 = tpu.memref_slice %arg8[%dma_start3A_57, %dma_start3A_64] : memref<4x128xi32, #tpu.memory_space<vmem>> -> memref<1x128xi32, #tpu.memory_space<vmem>>
    %dma_start3A_66 = tpu.memref_squeeze %dma_start3A_65 : memref<1x128xi32, #tpu.memory_space<vmem>> -> memref<128xi32, #tpu.memory_space<vmem>>
    %dma_start3A_67 = arith.constant 0 : i32
    %dma_start3A_68 = tpu.memref_slice %arg3[%add3A_56, %dma_start3A_67] : memref<2560x128xi32, #tpu.memory_space<hbm>> -> memref<1x128xi32, #tpu.memory_space<hbm>>
    %dma_start3A_69 = tpu.memref_squeeze %dma_start3A_68 : memref<1x128xi32, #tpu.memory_space<hbm>> -> memref<128xi32, #tpu.memory_space<hbm>>
    tpu.enqueue_dma source(%dma_start3A_69 : memref<128xi32, #tpu.memory_space<hbm>>) target(%dma_start3A_66 : memref<128xi32, #tpu.memory_space<vmem>>) target_semaphore(%arg22 : memref<!tpu.dma_semaphore, #tpu.memory_space<semaphore_mem>>)
    %run_scoped3A = arith.constant 0 : i32
    "tpu.region"() ({
      %run_scoped3A_178 = tpu.sem_alloc : memref<!tpu.dma_semaphore, #tpu.memory_space<semaphore_mem>>
      %dma_start3A_179 = arith.constant 0 : i32
      %dma_start3A_180 = arith.constant 0 : i32
      %dma_start3A_181 = tpu.memref_slice %arg9[%run_scoped3A, %dma_start3A_179, %dma_start3A_180] : memref<2x128x128xf32, #tpu.memory_space<vmem>> -> memref<1x128x128xf32, #tpu.memory_space<vmem>>
      %dma_start3A_182 = tpu.memref_squeeze %dma_start3A_181 : memref<1x128x128xf32, #tpu.memory_space<vmem>> -> memref<128x128xf32, #tpu.memory_space<vmem>>
      %dma_start3A_183 = arith.constant 0 : i32
      %dma_start3A_184 = arith.constant 0 : i32
      %dma_start3A_185 = tpu.memref_slice %arg9[%run_scoped3A, %dma_start3A_183, %dma_start3A_184] : memref<2x128x128xf32, #tpu.memory_space<vmem>> -> memref<1x128x128xf32, #tpu.memory_space<vmem>>
      %dma_start3A_186 = tpu.memref_squeeze %dma_start3A_185 : memref<1x128x128xf32, #tpu.memory_space<vmem>> -> memref<128x128xf32, #tpu.memory_space<vmem>>
      tpu.enqueue_dma source(%arg5 : memref<128x128xf32, #tpu.memory_space<hbm>>) target(%dma_start3A_186 : memref<128x128xf32, #tpu.memory_space<vmem>>) target_semaphore(%run_scoped3A_178 : memref<!tpu.dma_semaphore, #tpu.memory_space<semaphore_mem>>)
      %dma_wait3A_187 = arith.constant 0 : i32
      %dma_wait3A_188 = arith.constant 0 : i32
      %dma_wait3A_189 = tpu.memref_slice %arg9[%run_scoped3A, %dma_wait3A_187, %dma_wait3A_188] : memref<2x128x128xf32, #tpu.memory_space<vmem>> -> memref<1x128x128xf32, #tpu.memory_space<vmem>>
      %dma_wait3A_190 = tpu.memref_squeeze %dma_wait3A_189 : memref<1x128x128xf32, #tpu.memory_space<vmem>> -> memref<128x128xf32, #tpu.memory_space<vmem>>
      %dma_wait3A_191 = arith.constant 0 : i32
      %dma_wait3A_192 = arith.constant 0 : i32
      %dma_wait3A_193 = tpu.memref_slice %arg9[%run_scoped3A, %dma_wait3A_191, %dma_wait3A_192] : memref<2x128x128xf32, #tpu.memory_space<vmem>> -> memref<1x128x128xf32, #tpu.memory_space<vmem>>
      %dma_wait3A_194 = tpu.memref_squeeze %dma_wait3A_193 : memref<1x128x128xf32, #tpu.memory_space<vmem>> -> memref<128x128xf32, #tpu.memory_space<vmem>>
      tpu.wait_dma2 semaphore(%run_scoped3A_178 : memref<!tpu.dma_semaphore, #tpu.memory_space<semaphore_mem>>) src(%arg5 : memref<128x128xf32, #tpu.memory_space<hbm>>) dst(%dma_wait3A_194 : memref<128x128xf32, #tpu.memory_space<vmem>>)
      tpu.yield
    }) : () -> ()
    %add3A_70 = arith.constant 0 : i32
    %add3A_71 = arith.addi %mul3A_0, %add3A_70 : i32
    %run_scoped3A_72 = arith.constant 0 : i32
    "tpu.region"() ({
      %run_scoped3A_178 = tpu.sem_alloc : memref<!tpu.dma_semaphore, #tpu.memory_space<semaphore_mem>>
      %dma_start3A_179 = arith.constant 0 : i32
      %dma_start3A_180 = arith.constant 0 : i32
      %dma_start3A_181 = tpu.memref_slice %arg9[%run_scoped3A_72, %dma_start3A_179, %dma_start3A_180] : memref<2x128x128xf32, #tpu.memory_space<vmem>> -> memref<1x128x128xf32, #tpu.memory_space<vmem>>
      %dma_start3A_182 = tpu.memref_squeeze %dma_start3A_181 : memref<1x128x128xf32, #tpu.memory_space<vmem>> -> memref<128x128xf32, #tpu.memory_space<vmem>>
      %dma_start3A_183 = arith.constant 0 : i32
      %dma_start3A_184 = tpu.memref_slice %arg10[%add3A_71, %dma_start3A_183] : memref<10240x128xf32, #tpu.memory_space<vmem_shared>> -> memref<128x128xf32, #tpu.memory_space<vmem_shared>>
      %dma_start3A_185 = arith.constant 0 : i32
      %dma_start3A_186 = tpu.memref_slice %arg10[%add3A_71, %dma_start3A_185] : memref<10240x128xf32, #tpu.memory_space<vmem_shared>> -> memref<128x128xf32, #tpu.memory_space<vmem_shared>>
      %dma_start3A_187 = arith.constant 0 : i32
      %dma_start3A_188 = arith.constant 0 : i32
      %dma_start3A_189 = tpu.memref_slice %arg9[%run_scoped3A_72, %dma_start3A_187, %dma_start3A_188] : memref<2x128x128xf32, #tpu.memory_space<vmem>> -> memref<1x128x128xf32, #tpu.memory_space<vmem>>
      %dma_start3A_190 = tpu.memref_squeeze %dma_start3A_189 : memref<1x128x128xf32, #tpu.memory_space<vmem>> -> memref<128x128xf32, #tpu.memory_space<vmem>>
      tpu.enqueue_dma source(%dma_start3A_190 : memref<128x128xf32, #tpu.memory_space<vmem>>) target(%dma_start3A_186 : memref<128x128xf32, #tpu.memory_space<vmem_shared>>) target_semaphore(%run_scoped3A_178 : memref<!tpu.dma_semaphore, #tpu.memory_space<semaphore_mem>>)
      %dma_wait3A_191 = arith.constant 0 : i32
      %dma_wait3A_192 = arith.constant 0 : i32
      %dma_wait3A_193 = tpu.memref_slice %arg9[%run_scoped3A_72, %dma_wait3A_191, %dma_wait3A_192] : memref<2x128x128xf32, #tpu.memory_space<vmem>> -> memref<1x128x128xf32, #tpu.memory_space<vmem>>
      %dma_wait3A_194 = tpu.memref_squeeze %dma_wait3A_193 : memref<1x128x128xf32, #tpu.memory_space<vmem>> -> memref<128x128xf32, #tpu.memory_space<vmem>>
      %dma_wait3A_195 = arith.constant 0 : i32
      %dma_wait3A_196 = tpu.memref_slice %arg10[%add3A_71, %dma_wait3A_195] : memref<10240x128xf32, #tpu.memory_space<vmem_shared>> -> memref<128x128xf32, #tpu.memory_space<vmem_shared>>
      %dma_wait3A_197 = arith.constant 0 : i32
      %dma_wait3A_198 = tpu.memref_slice %arg10[%add3A_71, %dma_wait3A_197] : memref<10240x128xf32, #tpu.memory_space<vmem_shared>> -> memref<128x128xf32, #tpu.memory_space<vmem_shared>>
      %dma_wait3A_199 = arith.constant 0 : i32
      %dma_wait3A_200 = arith.constant 0 : i32
      %dma_wait3A_201 = tpu.memref_slice %arg9[%run_scoped3A_72, %dma_wait3A_199, %dma_wait3A_200] : memref<2x128x128xf32, #tpu.memory_space<vmem>> -> memref<1x128x128xf32, #tpu.memory_space<vmem>>
      %dma_wait3A_202 = tpu.memref_squeeze %dma_wait3A_201 : memref<1x128x128xf32, #tpu.memory_space<vmem>> -> memref<128x128xf32, #tpu.memory_space<vmem>>
      tpu.wait_dma2 semaphore(%run_scoped3A_178 : memref<!tpu.dma_semaphore, #tpu.memory_space<semaphore_mem>>) src(%dma_wait3A_202 : memref<128x128xf32, #tpu.memory_space<vmem>>) dst(%dma_wait3A_198 : memref<128x128xf32, #tpu.memory_space<vmem_shared>>)
      tpu.yield
    }) : () -> ()
    %add3A_73 = arith.constant 128 : i32
    %add3A_74 = arith.addi %mul3A_0, %add3A_73 : i32
    %run_scoped3A_75 = arith.constant 0 : i32
    "tpu.region"() ({
      %run_scoped3A_178 = tpu.sem_alloc : memref<!tpu.dma_semaphore, #tpu.memory_space<semaphore_mem>>
      %dma_start3A_179 = arith.constant 0 : i32
      %dma_start3A_180 = arith.constant 0 : i32
      %dma_start3A_181 = tpu.memref_slice %arg9[%run_scoped3A_75, %dma_start3A_179, %dma_start3A_180] : memref<2x128x128xf32, #tpu.memory_space<vmem>> -> memref<1x128x128xf32, #tpu.memory_space<vmem>>
      %dma_start3A_182 = tpu.memref_squeeze %dma_start3A_181 : memref<1x128x128xf32, #tpu.memory_space<vmem>> -> memref<128x128xf32, #tpu.memory_space<vmem>>
      %dma_start3A_183 = arith.constant 0 : i32
      %dma_start3A_184 = tpu.memref_slice %arg10[%add3A_74, %dma_start3A_183] : memref<10240x128xf32, #tpu.memory_space<vmem_shared>> -> memref<128x128xf32, #tpu.memory_space<vmem_shared>>
      %dma_start3A_185 = arith.constant 0 : i32
      %dma_start3A_186 = tpu.memref_slice %arg10[%add3A_74, %dma_start3A_185] : memref<10240x128xf32, #tpu.memory_space<vmem_shared>> -> memref<128x128xf32, #tpu.memory_space<vmem_shared>>
      %dma_start3A_187 = arith.constant 0 : i32
      %dma_start3A_188 = arith.constant 0 : i32
      %dma_start3A_189 = tpu.memref_slice %arg9[%run_scoped3A_75, %dma_start3A_187, %dma_start3A_188] : memref<2x128x128xf32, #tpu.memory_space<vmem>> -> memref<1x128x128xf32, #tpu.memory_space<vmem>>
      %dma_start3A_190 = tpu.memref_squeeze %dma_start3A_189 : memref<1x128x128xf32, #tpu.memory_space<vmem>> -> memref<128x128xf32, #tpu.memory_space<vmem>>
      tpu.enqueue_dma source(%dma_start3A_190 : memref<128x128xf32, #tpu.memory_space<vmem>>) target(%dma_start3A_186 : memref<128x128xf32, #tpu.memory_space<vmem_shared>>) target_semaphore(%run_scoped3A_178 : memref<!tpu.dma_semaphore, #tpu.memory_space<semaphore_mem>>)
      %dma_wait3A_191 = arith.constant 0 : i32
      %dma_wait3A_192 = arith.constant 0 : i32
      %dma_wait3A_193 = tpu.memref_slice %arg9[%run_scoped3A_75, %dma_wait3A_191, %dma_wait3A_192] : memref<2x128x128xf32, #tpu.memory_space<vmem>> -> memref<1x128x128xf32, #tpu.memory_space<vmem>>
      %dma_wait3A_194 = tpu.memref_squeeze %dma_wait3A_193 : memref<1x128x128xf32, #tpu.memory_space<vmem>> -> memref<128x128xf32, #tpu.memory_space<vmem>>
      %dma_wait3A_195 = arith.constant 0 : i32
      %dma_wait3A_196 = tpu.memref_slice %arg10[%add3A_74, %dma_wait3A_195] : memref<10240x128xf32, #tpu.memory_space<vmem_shared>> -> memref<128x128xf32, #tpu.memory_space<vmem_shared>>
      %dma_wait3A_197 = arith.constant 0 : i32
      %dma_wait3A_198 = tpu.memref_slice %arg10[%add3A_74, %dma_wait3A_197] : memref<10240x128xf32, #tpu.memory_space<vmem_shared>> -> memref<128x128xf32, #tpu.memory_space<vmem_shared>>
      %dma_wait3A_199 = arith.constant 0 : i32
      %dma_wait3A_200 = arith.constant 0 : i32
      %dma_wait3A_201 = tpu.memref_slice %arg9[%run_scoped3A_75, %dma_wait3A_199, %dma_wait3A_200] : memref<2x128x128xf32, #tpu.memory_space<vmem>> -> memref<1x128x128xf32, #tpu.memory_space<vmem>>
      %dma_wait3A_202 = tpu.memref_squeeze %dma_wait3A_201 : memref<1x128x128xf32, #tpu.memory_space<vmem>> -> memref<128x128xf32, #tpu.memory_space<vmem>>
      tpu.wait_dma2 semaphore(%run_scoped3A_178 : memref<!tpu.dma_semaphore, #tpu.memory_space<semaphore_mem>>) src(%dma_wait3A_202 : memref<128x128xf32, #tpu.memory_space<vmem>>) dst(%dma_wait3A_198 : memref<128x128xf32, #tpu.memory_space<vmem_shared>>)
      tpu.yield
    }) : () -> ()
    %add3A_76 = arith.constant 256 : i32
    %add3A_77 = arith.addi %mul3A_0, %add3A_76 : i32
    %run_scoped3A_78 = arith.constant 0 : i32
    "tpu.region"() ({
      %run_scoped3A_178 = tpu.sem_alloc : memref<!tpu.dma_semaphore, #tpu.memory_space<semaphore_mem>>
      %dma_start3A_179 = arith.constant 0 : i32
      %dma_start3A_180 = arith.constant 0 : i32
      %dma_start3A_181 = tpu.memref_slice %arg9[%run_scoped3A_78, %dma_start3A_179, %dma_start3A_180] : memref<2x128x128xf32, #tpu.memory_space<vmem>> -> memref<1x128x128xf32, #tpu.memory_space<vmem>>
      %dma_start3A_182 = tpu.memref_squeeze %dma_start3A_181 : memref<1x128x128xf32, #tpu.memory_space<vmem>> -> memref<128x128xf32, #tpu.memory_space<vmem>>
      %dma_start3A_183 = arith.constant 0 : i32
      %dma_start3A_184 = tpu.memref_slice %arg10[%add3A_77, %dma_start3A_183] : memref<10240x128xf32, #tpu.memory_space<vmem_shared>> -> memref<128x128xf32, #tpu.memory_space<vmem_shared>>
      %dma_start3A_185 = arith.constant 0 : i32
      %dma_start3A_186 = tpu.memref_slice %arg10[%add3A_77, %dma_start3A_185] : memref<10240x128xf32, #tpu.memory_space<vmem_shared>> -> memref<128x128xf32, #tpu.memory_space<vmem_shared>>
      %dma_start3A_187 = arith.constant 0 : i32
      %dma_start3A_188 = arith.constant 0 : i32
      %dma_start3A_189 = tpu.memref_slice %arg9[%run_scoped3A_78, %dma_start3A_187, %dma_start3A_188] : memref<2x128x128xf32, #tpu.memory_space<vmem>> -> memref<1x128x128xf32, #tpu.memory_space<vmem>>
      %dma_start3A_190 = tpu.memref_squeeze %dma_start3A_189 : memref<1x128x128xf32, #tpu.memory_space<vmem>> -> memref<128x128xf32, #tpu.memory_space<vmem>>
      tpu.enqueue_dma source(%dma_start3A_190 : memref<128x128xf32, #tpu.memory_space<vmem>>) target(%dma_start3A_186 : memref<128x128xf32, #tpu.memory_space<vmem_shared>>) target_semaphore(%run_scoped3A_178 : memref<!tpu.dma_semaphore, #tpu.memory_space<semaphore_mem>>)
      %dma_wait3A_191 = arith.constant 0 : i32
      %dma_wait3A_192 = arith.constant 0 : i32
      %dma_wait3A_193 = tpu.memref_slice %arg9[%run_scoped3A_78, %dma_wait3A_191, %dma_wait3A_192] : memref<2x128x128xf32, #tpu.memory_space<vmem>> -> memref<1x128x128xf32, #tpu.memory_space<vmem>>
      %dma_wait3A_194 = tpu.memref_squeeze %dma_wait3A_193 : memref<1x128x128xf32, #tpu.memory_space<vmem>> -> memref<128x128xf32, #tpu.memory_space<vmem>>
      %dma_wait3A_195 = arith.constant 0 : i32
      %dma_wait3A_196 = tpu.memref_slice %arg10[%add3A_77, %dma_wait3A_195] : memref<10240x128xf32, #tpu.memory_space<vmem_shared>> -> memref<128x128xf32, #tpu.memory_space<vmem_shared>>
      %dma_wait3A_197 = arith.constant 0 : i32
      %dma_wait3A_198 = tpu.memref_slice %arg10[%add3A_77, %dma_wait3A_197] : memref<10240x128xf32, #tpu.memory_space<vmem_shared>> -> memref<128x128xf32, #tpu.memory_space<vmem_shared>>
      %dma_wait3A_199 = arith.constant 0 : i32
      %dma_wait3A_200 = arith.constant 0 : i32
      %dma_wait3A_201 = tpu.memref_slice %arg9[%run_scoped3A_78, %dma_wait3A_199, %dma_wait3A_200] : memref<2x128x128xf32, #tpu.memory_space<vmem>> -> memref<1x128x128xf32, #tpu.memory_space<vmem>>
      %dma_wait3A_202 = tpu.memref_squeeze %dma_wait3A_201 : memref<1x128x128xf32, #tpu.memory_space<vmem>> -> memref<128x128xf32, #tpu.memory_space<vmem>>
      tpu.wait_dma2 semaphore(%run_scoped3A_178 : memref<!tpu.dma_semaphore, #tpu.memory_space<semaphore_mem>>) src(%dma_wait3A_202 : memref<128x128xf32, #tpu.memory_space<vmem>>) dst(%dma_wait3A_198 : memref<128x128xf32, #tpu.memory_space<vmem_shared>>)
      tpu.yield
    }) : () -> ()
    %add3A_79 = arith.constant 384 : i32
    %add3A_80 = arith.addi %mul3A_0, %add3A_79 : i32
    %run_scoped3A_81 = arith.constant 0 : i32
    "tpu.region"() ({
      %run_scoped3A_178 = tpu.sem_alloc : memref<!tpu.dma_semaphore, #tpu.memory_space<semaphore_mem>>
      %dma_start3A_179 = arith.constant 0 : i32
      %dma_start3A_180 = arith.constant 0 : i32
      %dma_start3A_181 = tpu.memref_slice %arg9[%run_scoped3A_81, %dma_start3A_179, %dma_start3A_180] : memref<2x128x128xf32, #tpu.memory_space<vmem>> -> memref<1x128x128xf32, #tpu.memory_space<vmem>>
      %dma_start3A_182 = tpu.memref_squeeze %dma_start3A_181 : memref<1x128x128xf32, #tpu.memory_space<vmem>> -> memref<128x128xf32, #tpu.memory_space<vmem>>
      %dma_start3A_183 = arith.constant 0 : i32
      %dma_start3A_184 = tpu.memref_slice %arg10[%add3A_80, %dma_start3A_183] : memref<10240x128xf32, #tpu.memory_space<vmem_shared>> -> memref<128x128xf32, #tpu.memory_space<vmem_shared>>
      %dma_start3A_185 = arith.constant 0 : i32
      %dma_start3A_186 = tpu.memref_slice %arg10[%add3A_80, %dma_start3A_185] : memref<10240x128xf32, #tpu.memory_space<vmem_shared>> -> memref<128x128xf32, #tpu.memory_space<vmem_shared>>
      %dma_start3A_187 = arith.constant 0 : i32
      %dma_start3A_188 = arith.constant 0 : i32
      %dma_start3A_189 = tpu.memref_slice %arg9[%run_scoped3A_81, %dma_start3A_187, %dma_start3A_188] : memref<2x128x128xf32, #tpu.memory_space<vmem>> -> memref<1x128x128xf32, #tpu.memory_space<vmem>>
      %dma_start3A_190 = tpu.memref_squeeze %dma_start3A_189 : memref<1x128x128xf32, #tpu.memory_space<vmem>> -> memref<128x128xf32, #tpu.memory_space<vmem>>
      tpu.enqueue_dma source(%dma_start3A_190 : memref<128x128xf32, #tpu.memory_space<vmem>>) target(%dma_start3A_186 : memref<128x128xf32, #tpu.memory_space<vmem_shared>>) target_semaphore(%run_scoped3A_178 : memref<!tpu.dma_semaphore, #tpu.memory_space<semaphore_mem>>)
      %dma_wait3A_191 = arith.constant 0 : i32
      %dma_wait3A_192 = arith.constant 0 : i32
      %dma_wait3A_193 = tpu.memref_slice %arg9[%run_scoped3A_81, %dma_wait3A_191, %dma_wait3A_192] : memref<2x128x128xf32, #tpu.memory_space<vmem>> -> memref<1x128x128xf32, #tpu.memory_space<vmem>>
      %dma_wait3A_194 = tpu.memref_squeeze %dma_wait3A_193 : memref<1x128x128xf32, #tpu.memory_space<vmem>> -> memref<128x128xf32, #tpu.memory_space<vmem>>
      %dma_wait3A_195 = arith.constant 0 : i32
      %dma_wait3A_196 = tpu.memref_slice %arg10[%add3A_80, %dma_wait3A_195] : memref<10240x128xf32, #tpu.memory_space<vmem_shared>> -> memref<128x128xf32, #tpu.memory_space<vmem_shared>>
      %dma_wait3A_197 = arith.constant 0 : i32
      %dma_wait3A_198 = tpu.memref_slice %arg10[%add3A_80, %dma_wait3A_197] : memref<10240x128xf32, #tpu.memory_space<vmem_shared>> -> memref<128x128xf32, #tpu.memory_space<vmem_shared>>
      %dma_wait3A_199 = arith.constant 0 : i32
      %dma_wait3A_200 = arith.constant 0 : i32
      %dma_wait3A_201 = tpu.memref_slice %arg9[%run_scoped3A_81, %dma_wait3A_199, %dma_wait3A_200] : memref<2x128x128xf32, #tpu.memory_space<vmem>> -> memref<1x128x128xf32, #tpu.memory_space<vmem>>
      %dma_wait3A_202 = tpu.memref_squeeze %dma_wait3A_201 : memref<1x128x128xf32, #tpu.memory_space<vmem>> -> memref<128x128xf32, #tpu.memory_space<vmem>>
      tpu.wait_dma2 semaphore(%run_scoped3A_178 : memref<!tpu.dma_semaphore, #tpu.memory_space<semaphore_mem>>) src(%dma_wait3A_202 : memref<128x128xf32, #tpu.memory_space<vmem>>) dst(%dma_wait3A_198 : memref<128x128xf32, #tpu.memory_space<vmem_shared>>)
      tpu.yield
    }) : () -> ()
    %add3A_82 = arith.constant 512 : i32
    %add3A_83 = arith.addi %mul3A_0, %add3A_82 : i32
    %run_scoped3A_84 = arith.constant 0 : i32
    "tpu.region"() ({
      %run_scoped3A_178 = tpu.sem_alloc : memref<!tpu.dma_semaphore, #tpu.memory_space<semaphore_mem>>
      %dma_start3A_179 = arith.constant 0 : i32
      %dma_start3A_180 = arith.constant 0 : i32
      %dma_start3A_181 = tpu.memref_slice %arg9[%run_scoped3A_84, %dma_start3A_179, %dma_start3A_180] : memref<2x128x128xf32, #tpu.memory_space<vmem>> -> memref<1x128x128xf32, #tpu.memory_space<vmem>>
      %dma_start3A_182 = tpu.memref_squeeze %dma_start3A_181 : memref<1x128x128xf32, #tpu.memory_space<vmem>> -> memref<128x128xf32, #tpu.memory_space<vmem>>
      %dma_start3A_183 = arith.constant 0 : i32
      %dma_start3A_184 = tpu.memref_slice %arg10[%add3A_83, %dma_start3A_183] : memref<10240x128xf32, #tpu.memory_space<vmem_shared>> -> memref<128x128xf32, #tpu.memory_space<vmem_shared>>
      %dma_start3A_185 = arith.constant 0 : i32
      %dma_start3A_186 = tpu.memref_slice %arg10[%add3A_83, %dma_start3A_185] : memref<10240x128xf32, #tpu.memory_space<vmem_shared>> -> memref<128x128xf32, #tpu.memory_space<vmem_shared>>
      %dma_start3A_187 = arith.constant 0 : i32
      %dma_start3A_188 = arith.constant 0 : i32
      %dma_start3A_189 = tpu.memref_slice %arg9[%run_scoped3A_84, %dma_start3A_187, %dma_start3A_188] : memref<2x128x128xf32, #tpu.memory_space<vmem>> -> memref<1x128x128xf32, #tpu.memory_space<vmem>>
      %dma_start3A_190 = tpu.memref_squeeze %dma_start3A_189 : memref<1x128x128xf32, #tpu.memory_space<vmem>> -> memref<128x128xf32, #tpu.memory_space<vmem>>
      tpu.enqueue_dma source(%dma_start3A_190 : memref<128x128xf32, #tpu.memory_space<vmem>>) target(%dma_start3A_186 : memref<128x128xf32, #tpu.memory_space<vmem_shared>>) target_semaphore(%run_scoped3A_178 : memref<!tpu.dma_semaphore, #tpu.memory_space<semaphore_mem>>)
      %dma_wait3A_191 = arith.constant 0 : i32
      %dma_wait3A_192 = arith.constant 0 : i32
      %dma_wait3A_193 = tpu.memref_slice %arg9[%run_scoped3A_84, %dma_wait3A_191, %dma_wait3A_192] : memref<2x128x128xf32, #tpu.memory_space<vmem>> -> memref<1x128x128xf32, #tpu.memory_space<vmem>>
      %dma_wait3A_194 = tpu.memref_squeeze %dma_wait3A_193 : memref<1x128x128xf32, #tpu.memory_space<vmem>> -> memref<128x128xf32, #tpu.memory_space<vmem>>
      %dma_wait3A_195 = arith.constant 0 : i32
      %dma_wait3A_196 = tpu.memref_slice %arg10[%add3A_83, %dma_wait3A_195] : memref<10240x128xf32, #tpu.memory_space<vmem_shared>> -> memref<128x128xf32, #tpu.memory_space<vmem_shared>>
      %dma_wait3A_197 = arith.constant 0 : i32
      %dma_wait3A_198 = tpu.memref_slice %arg10[%add3A_83, %dma_wait3A_197] : memref<10240x128xf32, #tpu.memory_space<vmem_shared>> -> memref<128x128xf32, #tpu.memory_space<vmem_shared>>
      %dma_wait3A_199 = arith.constant 0 : i32
      %dma_wait3A_200 = arith.constant 0 : i32
      %dma_wait3A_201 = tpu.memref_slice %arg9[%run_scoped3A_84, %dma_wait3A_199, %dma_wait3A_200] : memref<2x128x128xf32, #tpu.memory_space<vmem>> -> memref<1x128x128xf32, #tpu.memory_space<vmem>>
      %dma_wait3A_202 = tpu.memref_squeeze %dma_wait3A_201 : memref<1x128x128xf32, #tpu.memory_space<vmem>> -> memref<128x128xf32, #tpu.memory_space<vmem>>
      tpu.wait_dma2 semaphore(%run_scoped3A_178 : memref<!tpu.dma_semaphore, #tpu.memory_space<semaphore_mem>>) src(%dma_wait3A_202 : memref<128x128xf32, #tpu.memory_space<vmem>>) dst(%dma_wait3A_198 : memref<128x128xf32, #tpu.memory_space<vmem_shared>>)
      tpu.yield
    }) : () -> ()
    %barrier3A = arith.constant 0 : index
    tpu.barrier barrier_id(%barrier3A)
    %dma_start3A_85 = arith.constant 0 : i32
    %dma_start3A_86 = arith.constant 0 : i32
    %dma_start3A_87 = arith.constant 0 : i32
    %dma_start3A_88 = arith.constant 0 : i32
    %dma_start3A_89 = tpu.memref_slice %arg9[%dma_start3A_86, %dma_start3A_87, %dma_start3A_88] : memref<2x128x128xf32, #tpu.memory_space<vmem>> -> memref<1x128x128xf32, #tpu.memory_space<vmem>>
    %dma_start3A_90 = tpu.memref_squeeze %dma_start3A_89 : memref<1x128x128xf32, #tpu.memory_space<vmem>> -> memref<128x128xf32, #tpu.memory_space<vmem>>
    %dma_start3A_91 = arith.constant 0 : i32
    %dma_start3A_92 = tpu.memref_slice %arg7[%dma_start3A_85, %dma_start3A_91] : memref<4x128xi32, #tpu.memory_space<vmem>> -> memref<1x128xi32, #tpu.memory_space<vmem>>
    %dma_start3A_93 = tpu.memref_squeeze %dma_start3A_92 : memref<1x128xi32, #tpu.memory_space<vmem>> -> memref<128xi32, #tpu.memory_space<vmem>>
    %dma_start3A_94 = arith.constant 0 : i32
    %dma_start3A_95 = arith.constant 0 : i32
    %dma_start3A_96 = tpu.memref_slice %arg4[%dma_start3A_94, %dma_start3A_95] : memref<10000x128xf32, #tpu.memory_space<hbm>> -> memref<10000x128xf32, #tpu.memory_space<hbm>>
    tpu.enqueue_indirect_dma source(%dma_start3A_96 : memref<10000x128xf32, #tpu.memory_space<hbm>>) target(%dma_start3A_90 : memref<128x128xf32, #tpu.memory_space<vmem>>) offsets(%dma_start3A_93 : memref<128xi32, #tpu.memory_space<vmem>>) semaphore(%arg11 : memref<!tpu.dma_semaphore, #tpu.memory_space<semaphore_mem>>)
    %dma_start3A_97 = arith.constant 1 : i32
    %dma_start3A_98 = arith.constant 1 : i32
    %dma_start3A_99 = arith.constant 0 : i32
    %dma_start3A_100 = arith.constant 0 : i32
    %dma_start3A_101 = tpu.memref_slice %arg9[%dma_start3A_98, %dma_start3A_99, %dma_start3A_100] : memref<2x128x128xf32, #tpu.memory_space<vmem>> -> memref<1x128x128xf32, #tpu.memory_space<vmem>>
    %dma_start3A_102 = tpu.memref_squeeze %dma_start3A_101 : memref<1x128x128xf32, #tpu.memory_space<vmem>> -> memref<128x128xf32, #tpu.memory_space<vmem>>
    %dma_start3A_103 = arith.constant 0 : i32
    %dma_start3A_104 = tpu.memref_slice %arg7[%dma_start3A_97, %dma_start3A_103] : memref<4x128xi32, #tpu.memory_space<vmem>> -> memref<1x128xi32, #tpu.memory_space<vmem>>
    %dma_start3A_105 = tpu.memref_squeeze %dma_start3A_104 : memref<1x128xi32, #tpu.memory_space<vmem>> -> memref<128xi32, #tpu.memory_space<vmem>>
    %dma_start3A_106 = arith.constant 0 : i32
    %dma_start3A_107 = arith.constant 0 : i32
    %dma_start3A_108 = tpu.memref_slice %arg4[%dma_start3A_106, %dma_start3A_107] : memref<10000x128xf32, #tpu.memory_space<hbm>> -> memref<10000x128xf32, #tpu.memory_space<hbm>>
    tpu.enqueue_indirect_dma source(%dma_start3A_108 : memref<10000x128xf32, #tpu.memory_space<hbm>>) target(%dma_start3A_102 : memref<128x128xf32, #tpu.memory_space<vmem>>) offsets(%dma_start3A_105 : memref<128xi32, #tpu.memory_space<vmem>>) semaphore(%arg12 : memref<!tpu.dma_semaphore, #tpu.memory_space<semaphore_mem>>)
    %jit3A_109 = arith.constant 4 : i32
    %div3A = arith.divsi %select_n3A_10, %jit3A_109 : i32
    %sign3A = arith.constant 0 : i32
    %sign3A_110 = arith.cmpi sgt, %select_n3A_10, %sign3A : i32
    %sign3A_111 = arith.extui %sign3A_110 : i1 to i32
    %sign3A_112 = arith.constant 0 : i32
    %sign3A_113 = arith.cmpi slt, %select_n3A_10, %sign3A_112 : i32
    %sign3A_114 = arith.extui %sign3A_113 : i1 to i32
    %sign3A_115 = arith.subi %sign3A_111, %sign3A_114 : i32
    %sign3A_116 = arith.constant 0 : i32
    %sign3A_117 = arith.cmpi sgt, %jit3A_109, %sign3A_116 : i32
    %sign3A_118 = arith.extui %sign3A_117 : i1 to i32
    %sign3A_119 = arith.constant 0 : i32
    %sign3A_120 = arith.cmpi slt, %jit3A_109, %sign3A_119 : i32
    %sign3A_121 = arith.extui %sign3A_120 : i1 to i32
    %sign3A_122 = arith.subi %sign3A_118, %sign3A_121 : i32
    %ne3A = arith.cmpi ne, %sign3A_115, %sign3A_122 : i32
    %rem3A = arith.remsi %select_n3A_10, %jit3A_109 : i32
    %ne3A_123 = arith.constant 0 : i32
    %ne3A_124 = arith.cmpi ne, %rem3A, %ne3A_123 : i32
    %and3A = arith.andi %ne3A, %ne3A_124 : i1
    %sub3A = arith.constant 1 : i32
    %sub3A_125 = arith.subi %div3A, %sub3A : i32
    %select_n3A_126 = arith.select %and3A, %sub3A_125, %div3A : i32
    %while3A = arith.constant 0 : i32
    %while3A_127 = arith.constant 0 : i32
    %while3A_128 = arith.subi %select_n3A_126, %while3A : i32
    %while3A_129 = arith.addi %while3A, %while3A_128 : i32
    %while3A_130 = arith.constant 1 : i32
    %while3A_131 = arith.divsi %while3A_128, %while3A_130 : i32
    %while3A_132 = arith.muli %while3A_131, %while3A_130 : i32
    %while3A_133 = arith.addi %while3A, %while3A_132 : i32
    %while3A_134 = arith.constant 1 : i32
    %while3A_135 = scf.for %while3A_178 = %while3A to %while3A_133 step %while3A_134 iter_args(%while3A_179 = %while3A_127) -> (i32)  : i32 {
      %mul3A_180 = arith.constant 4 : i32
      %mul3A_181 = arith.muli %while3A_178, %mul3A_180 : i32
      %add3A_182 = arith.constant 0 : i32
      %add3A_183 = arith.addi %mul3A_181, %add3A_182 : i32
      %dma_wait3A_184 = arith.constant 0 : i32
      %dma_wait3A_185 = arith.constant 0 : i32
      %dma_wait3A_186 = arith.constant 0 : i32
      %dma_wait3A_187 = tpu.memref_slice %arg9[%dma_wait3A_184, %dma_wait3A_185, %dma_wait3A_186] : memref<2x128x128xf32, #tpu.memory_space<vmem>> -> memref<1x128x128xf32, #tpu.memory_space<vmem>>
      %dma_wait3A_188 = tpu.memref_squeeze %dma_wait3A_187 : memref<1x128x128xf32, #tpu.memory_space<vmem>> -> memref<128x128xf32, #tpu.memory_space<vmem>>
      %dma_wait3A_189 = arith.constant 0 : i32
      %dma_wait3A_190 = arith.constant 0 : i32
      %dma_wait3A_191 = tpu.memref_slice %arg4[%dma_wait3A_189, %dma_wait3A_190] : memref<10000x128xf32, #tpu.memory_space<hbm>> -> memref<128x128xf32, #tpu.memory_space<hbm>>
      %dma_wait3A_192 = arith.constant 0 : i32
      %dma_wait3A_193 = arith.constant 0 : i32
      %dma_wait3A_194 = tpu.memref_slice %arg9[%dma_wait3A_184, %dma_wait3A_192, %dma_wait3A_193] : memref<2x128x128xf32, #tpu.memory_space<vmem>> -> memref<1x128x128xf32, #tpu.memory_space<vmem>>
      %dma_wait3A_195 = tpu.memref_squeeze %dma_wait3A_194 : memref<1x128x128xf32, #tpu.memory_space<vmem>> -> memref<128x128xf32, #tpu.memory_space<vmem>>
      %dma_wait3A_196 = arith.constant 0 : i32
      %dma_wait3A_197 = arith.constant 0 : i32
      %dma_wait3A_198 = tpu.memref_slice %arg4[%dma_wait3A_196, %dma_wait3A_197] : memref<10000x128xf32, #tpu.memory_space<hbm>> -> memref<128x128xf32, #tpu.memory_space<hbm>>
      tpu.wait_dma2 semaphore(%arg11 : memref<!tpu.dma_semaphore, #tpu.memory_space<semaphore_mem>>) src(%dma_wait3A_198 : memref<128x128xf32, #tpu.memory_space<hbm>>) dst(%dma_wait3A_195 : memref<128x128xf32, #tpu.memory_space<vmem>>)
      %add3A_199 = arith.constant 4 : i32
      %add3A_200 = arith.addi %add3A_183, %add3A_199 : i32
      %lt3A = arith.cmpi slt, %add3A_200, %select_n3A_10 : i32
      %convert_element_type3A = arith.extui %lt3A : i1 to i32
      %cond3A = arith.constant 0 : i32
      %cond3A_201 = arith.cmpi ne, %convert_element_type3A, %cond3A : i32
      scf.if %cond3A_201 {
        %add3A_385 = arith.addi %select_n3A, %add3A_183 : i32
        %add3A_386 = arith.constant 4 : i32
        %add3A_387 = arith.addi %add3A_385, %add3A_386 : i32
        %dma_start3A_388 = arith.constant 0 : i32
        %dma_start3A_389 = arith.constant 0 : i32
        %dma_start3A_390 = tpu.memref_slice %arg7[%dma_start3A_388, %dma_start3A_389] : memref<4x128xi32, #tpu.memory_space<vmem>> -> memref<1x128xi32, #tpu.memory_space<vmem>>
        %dma_start3A_391 = tpu.memref_squeeze %dma_start3A_390 : memref<1x128xi32, #tpu.memory_space<vmem>> -> memref<128xi32, #tpu.memory_space<vmem>>
        %dma_start3A_392 = arith.constant 0 : i32
        %dma_start3A_393 = tpu.memref_slice %arg2[%add3A_387, %dma_start3A_392] : memref<2560x128xi32, #tpu.memory_space<hbm>> -> memref<1x128xi32, #tpu.memory_space<hbm>>
        %dma_start3A_394 = tpu.memref_squeeze %dma_start3A_393 : memref<1x128xi32, #tpu.memory_space<hbm>> -> memref<128xi32, #tpu.memory_space<hbm>>
        %dma_start3A_395 = arith.constant 0 : i32
        %dma_start3A_396 = tpu.memref_slice %arg7[%dma_start3A_388, %dma_start3A_395] : memref<4x128xi32, #tpu.memory_space<vmem>> -> memref<1x128xi32, #tpu.memory_space<vmem>>
        %dma_start3A_397 = tpu.memref_squeeze %dma_start3A_396 : memref<1x128xi32, #tpu.memory_space<vmem>> -> memref<128xi32, #tpu.memory_space<vmem>>
        %dma_start3A_398 = arith.constant 0 : i32
        %dma_start3A_399 = tpu.memref_slice %arg2[%add3A_387, %dma_start3A_398] : memref<2560x128xi32, #tpu.memory_space<hbm>> -> memref<1x128xi32, #tpu.memory_space<hbm>>
        %dma_start3A_400 = tpu.memref_squeeze %dma_start3A_399 : memref<1x128xi32, #tpu.memory_space<hbm>> -> memref<128xi32, #tpu.memory_space<hbm>>
        tpu.enqueue_dma source(%dma_start3A_400 : memref<128xi32, #tpu.memory_space<hbm>>) target(%dma_start3A_397 : memref<128xi32, #tpu.memory_space<vmem>>) target_semaphore(%arg15 : memref<!tpu.dma_semaphore, #tpu.memory_space<semaphore_mem>>)
      } else {
      }
      %ge3A = arith.constant 4 : i32
      %ge3A_202 = arith.cmpi sge, %add3A_183, %ge3A : i32
      %convert_element_type3A_203 = arith.extui %ge3A_202 : i1 to i32
      %cond3A_204 = arith.constant 0 : i32
      %cond3A_205 = arith.cmpi ne, %convert_element_type3A_203, %cond3A_204 : i32
      scf.if %cond3A_205 {
        %dma_wait3A_385 = arith.constant 0 : i32
        %dma_wait3A_386 = arith.constant 0 : i32
        %dma_wait3A_387 = tpu.memref_slice %arg8[%dma_wait3A_385, %dma_wait3A_386] : memref<4x128xi32, #tpu.memory_space<vmem>> -> memref<1x128xi32, #tpu.memory_space<vmem>>
        %dma_wait3A_388 = tpu.memref_squeeze %dma_wait3A_387 : memref<1x128xi32, #tpu.memory_space<vmem>> -> memref<128xi32, #tpu.memory_space<vmem>>
        %dma_wait3A_389 = arith.constant 0 : i32
        %dma_wait3A_390 = tpu.memref_slice %arg3[%select_n3A, %dma_wait3A_389] : memref<2560x128xi32, #tpu.memory_space<hbm>> -> memref<1x128xi32, #tpu.memory_space<hbm>>
        %dma_wait3A_391 = tpu.memref_squeeze %dma_wait3A_390 : memref<1x128xi32, #tpu.memory_space<hbm>> -> memref<128xi32, #tpu.memory_space<hbm>>
        %dma_wait3A_392 = arith.constant 0 : i32
        %dma_wait3A_393 = tpu.memref_slice %arg8[%dma_wait3A_385, %dma_wait3A_392] : memref<4x128xi32, #tpu.memory_space<vmem>> -> memref<1x128xi32, #tpu.memory_space<vmem>>
        %dma_wait3A_394 = tpu.memref_squeeze %dma_wait3A_393 : memref<1x128xi32, #tpu.memory_space<vmem>> -> memref<128xi32, #tpu.memory_space<vmem>>
        %dma_wait3A_395 = arith.constant 0 : i32
        %dma_wait3A_396 = tpu.memref_slice %arg3[%select_n3A, %dma_wait3A_395] : memref<2560x128xi32, #tpu.memory_space<hbm>> -> memref<1x128xi32, #tpu.memory_space<hbm>>
        %dma_wait3A_397 = tpu.memref_squeeze %dma_wait3A_396 : memref<1x128xi32, #tpu.memory_space<hbm>> -> memref<128xi32, #tpu.memory_space<hbm>>
        tpu.wait_dma2 semaphore(%arg19 : memref<!tpu.dma_semaphore, #tpu.memory_space<semaphore_mem>>) src(%dma_wait3A_397 : memref<128xi32, #tpu.memory_space<hbm>>) dst(%dma_wait3A_394 : memref<128xi32, #tpu.memory_space<vmem>>)
      } else {
      }
      %dma_start3A_206 = arith.constant 0 : i32
      %dma_start3A_207 = arith.constant 0 : i32
      %dma_start3A_208 = arith.constant 0 : i32
      %dma_start3A_209 = arith.constant 0 : i32
      %dma_start3A_210 = tpu.memref_slice %arg9[%dma_start3A_206, %dma_start3A_208, %dma_start3A_209] : memref<2x128x128xf32, #tpu.memory_space<vmem>> -> memref<1x128x128xf32, #tpu.memory_space<vmem>>
      %dma_start3A_211 = tpu.memref_squeeze %dma_start3A_210 : memref<1x128x128xf32, #tpu.memory_space<vmem>> -> memref<128x128xf32, #tpu.memory_space<vmem>>
      %dma_start3A_212 = arith.constant 0 : i32
      %dma_start3A_213 = tpu.memref_slice %arg8[%dma_start3A_207, %dma_start3A_212] : memref<4x128xi32, #tpu.memory_space<vmem>> -> memref<1x128xi32, #tpu.memory_space<vmem>>
      %dma_start3A_214 = tpu.memref_squeeze %dma_start3A_213 : memref<1x128xi32, #tpu.memory_space<vmem>> -> memref<128xi32, #tpu.memory_space<vmem>>
      %dma_start3A_215 = arith.constant 0 : i32
      %dma_start3A_216 = arith.constant 0 : i32
      %dma_start3A_217 = tpu.memref_slice %arg10[%dma_start3A_215, %dma_start3A_216] : memref<10240x128xf32, #tpu.memory_space<vmem_shared>> -> memref<10240x128xf32, #tpu.memory_space<vmem_shared>>
      tpu.enqueue_indirect_dma source(%dma_start3A_211 : memref<128x128xf32, #tpu.memory_space<vmem>>) target(%dma_start3A_217 : memref<10240x128xf32, #tpu.memory_space<vmem_shared>>) offsets(%dma_start3A_214 : memref<128xi32, #tpu.memory_space<vmem>>) semaphore(%arg13 : memref<!tpu.dma_semaphore, #tpu.memory_space<semaphore_mem>>) {add = true}
      %add3A_218 = arith.constant 2 : i32
      %add3A_219 = arith.addi %add3A_183, %add3A_218 : i32
      %lt3A_220 = arith.cmpi slt, %add3A_219, %select_n3A_10 : i32
      %convert_element_type3A_221 = arith.extui %lt3A_220 : i1 to i32
      %cond3A_222 = arith.constant 0 : i32
      %cond3A_223 = arith.cmpi ne, %convert_element_type3A_221, %cond3A_222 : i32
      scf.if %cond3A_223 {
        %dma_wait3A_385 = arith.constant 0 : i32
        %dma_wait3A_386 = arith.constant 0 : i32
        %dma_wait3A_387 = arith.constant 0 : i32
        %dma_wait3A_388 = tpu.memref_slice %arg9[%dma_wait3A_385, %dma_wait3A_386, %dma_wait3A_387] : memref<2x128x128xf32, #tpu.memory_space<vmem>> -> memref<1x128x128xf32, #tpu.memory_space<vmem>>
        %dma_wait3A_389 = tpu.memref_squeeze %dma_wait3A_388 : memref<1x128x128xf32, #tpu.memory_space<vmem>> -> memref<128x128xf32, #tpu.memory_space<vmem>>
        %dma_wait3A_390 = arith.constant 0 : i32
        %dma_wait3A_391 = arith.constant 0 : i32
        %dma_wait3A_392 = tpu.memref_slice %arg4[%dma_wait3A_390, %dma_wait3A_391] : memref<10000x128xf32, #tpu.memory_space<hbm>> -> memref<128x128xf32, #tpu.memory_space<hbm>>
        %dma_wait3A_393 = arith.constant 0 : i32
        %dma_wait3A_394 = arith.constant 0 : i32
        %dma_wait3A_395 = tpu.memref_slice %arg9[%dma_wait3A_385, %dma_wait3A_393, %dma_wait3A_394] : memref<2x128x128xf32, #tpu.memory_space<vmem>> -> memref<1x128x128xf32, #tpu.memory_space<vmem>>
        %dma_wait3A_396 = tpu.memref_squeeze %dma_wait3A_395 : memref<1x128x128xf32, #tpu.memory_space<vmem>> -> memref<128x128xf32, #tpu.memory_space<vmem>>
        %dma_wait3A_397 = arith.constant 0 : i32
        %dma_wait3A_398 = arith.constant 0 : i32
        %dma_wait3A_399 = tpu.memref_slice %arg4[%dma_wait3A_397, %dma_wait3A_398] : memref<10000x128xf32, #tpu.memory_space<hbm>> -> memref<128x128xf32, #tpu.memory_space<hbm>>
        tpu.wait_dma2 semaphore(%arg13 : memref<!tpu.dma_semaphore, #tpu.memory_space<semaphore_mem>>) src(%dma_wait3A_399 : memref<128x128xf32, #tpu.memory_space<hbm>>) dst(%dma_wait3A_396 : memref<128x128xf32, #tpu.memory_space<vmem>>)
        %add3A_400 = arith.constant 4 : i32
        %add3A_401 = arith.addi %add3A_183, %add3A_400 : i32
        %lt3A_402 = arith.cmpi slt, %add3A_401, %select_n3A_10 : i32
        %convert_element_type3A_403 = arith.extui %lt3A_402 : i1 to i32
        %cond3A_404 = arith.constant 0 : i32
        %cond3A_405 = arith.cmpi ne, %convert_element_type3A_403, %cond3A_404 : i32
        scf.if %cond3A_405 {
          %add3A_433 = arith.addi %select_n3A, %add3A_183 : i32
          %add3A_434 = arith.constant 4 : i32
          %add3A_435 = arith.addi %add3A_433, %add3A_434 : i32
          %dma_start3A_436 = arith.constant 0 : i32
          %dma_start3A_437 = arith.constant 0 : i32
          %dma_start3A_438 = tpu.memref_slice %arg8[%dma_start3A_436, %dma_start3A_437] : memref<4x128xi32, #tpu.memory_space<vmem>> -> memref<1x128xi32, #tpu.memory_space<vmem>>
          %dma_start3A_439 = tpu.memref_squeeze %dma_start3A_438 : memref<1x128xi32, #tpu.memory_space<vmem>> -> memref<128xi32, #tpu.memory_space<vmem>>
          %dma_start3A_440 = arith.constant 0 : i32
          %dma_start3A_441 = tpu.memref_slice %arg3[%add3A_435, %dma_start3A_440] : memref<2560x128xi32, #tpu.memory_space<hbm>> -> memref<1x128xi32, #tpu.memory_space<hbm>>
          %dma_start3A_442 = tpu.memref_squeeze %dma_start3A_441 : memref<1x128xi32, #tpu.memory_space<hbm>> -> memref<128xi32, #tpu.memory_space<hbm>>
          %dma_start3A_443 = arith.constant 0 : i32
          %dma_start3A_444 = tpu.memref_slice %arg8[%dma_start3A_436, %dma_start3A_443] : memref<4x128xi32, #tpu.memory_space<vmem>> -> memref<1x128xi32, #tpu.memory_space<vmem>>
          %dma_start3A_445 = tpu.memref_squeeze %dma_start3A_444 : memref<1x128xi32, #tpu.memory_space<vmem>> -> memref<128xi32, #tpu.memory_space<vmem>>
          %dma_start3A_446 = arith.constant 0 : i32
          %dma_start3A_447 = tpu.memref_slice %arg3[%add3A_435, %dma_start3A_446] : memref<2560x128xi32, #tpu.memory_space<hbm>> -> memref<1x128xi32, #tpu.memory_space<hbm>>
          %dma_start3A_448 = tpu.memref_squeeze %dma_start3A_447 : memref<1x128xi32, #tpu.memory_space<hbm>> -> memref<128xi32, #tpu.memory_space<hbm>>
          tpu.enqueue_dma source(%dma_start3A_448 : memref<128xi32, #tpu.memory_space<hbm>>) target(%dma_start3A_445 : memref<128xi32, #tpu.memory_space<vmem>>) target_semaphore(%arg19 : memref<!tpu.dma_semaphore, #tpu.memory_space<semaphore_mem>>)
        } else {
        }
        %dma_wait3A_406 = arith.constant 2 : i32
        %dma_wait3A_407 = arith.constant 0 : i32
        %dma_wait3A_408 = tpu.memref_slice %arg7[%dma_wait3A_406, %dma_wait3A_407] : memref<4x128xi32, #tpu.memory_space<vmem>> -> memref<1x128xi32, #tpu.memory_space<vmem>>
        %dma_wait3A_409 = tpu.memref_squeeze %dma_wait3A_408 : memref<1x128xi32, #tpu.memory_space<vmem>> -> memref<128xi32, #tpu.memory_space<vmem>>
        %dma_wait3A_410 = arith.constant 0 : i32
        %dma_wait3A_411 = tpu.memref_slice %arg2[%select_n3A, %dma_wait3A_410] : memref<2560x128xi32, #tpu.memory_space<hbm>> -> memref<1x128xi32, #tpu.memory_space<hbm>>
        %dma_wait3A_412 = tpu.memref_squeeze %dma_wait3A_411 : memref<1x128xi32, #tpu.memory_space<hbm>> -> memref<128xi32, #tpu.memory_space<hbm>>
        %dma_wait3A_413 = arith.constant 0 : i32
        %dma_wait3A_414 = tpu.memref_slice %arg7[%dma_wait3A_406, %dma_wait3A_413] : memref<4x128xi32, #tpu.memory_space<vmem>> -> memref<1x128xi32, #tpu.memory_space<vmem>>
        %dma_wait3A_415 = tpu.memref_squeeze %dma_wait3A_414 : memref<1x128xi32, #tpu.memory_space<vmem>> -> memref<128xi32, #tpu.memory_space<vmem>>
        %dma_wait3A_416 = arith.constant 0 : i32
        %dma_wait3A_417 = tpu.memref_slice %arg2[%select_n3A, %dma_wait3A_416] : memref<2560x128xi32, #tpu.memory_space<hbm>> -> memref<1x128xi32, #tpu.memory_space<hbm>>
        %dma_wait3A_418 = tpu.memref_squeeze %dma_wait3A_417 : memref<1x128xi32, #tpu.memory_space<hbm>> -> memref<128xi32, #tpu.memory_space<hbm>>
        tpu.wait_dma2 semaphore(%arg17 : memref<!tpu.dma_semaphore, #tpu.memory_space<semaphore_mem>>) src(%dma_wait3A_418 : memref<128xi32, #tpu.memory_space<hbm>>) dst(%dma_wait3A_415 : memref<128xi32, #tpu.memory_space<vmem>>)
        %add3A_419 = arith.constant 2 : i32
        %add3A_420 = arith.addi %add3A_183, %add3A_419 : i32
        %dma_start3A_421 = arith.constant 2 : i32
        %dma_start3A_422 = arith.constant 0 : i32
        %dma_start3A_423 = arith.constant 0 : i32
        %dma_start3A_424 = arith.constant 0 : i32
        %dma_start3A_425 = tpu.memref_slice %arg9[%dma_start3A_422, %dma_start3A_423, %dma_start3A_424] : memref<2x128x128xf32, #tpu.memory_space<vmem>> -> memref<1x128x128xf32, #tpu.memory_space<vmem>>
        %dma_start3A_426 = tpu.memref_squeeze %dma_start3A_425 : memref<1x128x128xf32, #tpu.memory_space<vmem>> -> memref<128x128xf32, #tpu.memory_space<vmem>>
        %dma_start3A_427 = arith.constant 0 : i32
        %dma_start3A_428 = tpu.memref_slice %arg7[%dma_start3A_421, %dma_start3A_427] : memref<4x128xi32, #tpu.memory_space<vmem>> -> memref<1x128xi32, #tpu.memory_space<vmem>>
        %dma_start3A_429 = tpu.memref_squeeze %dma_start3A_428 : memref<1x128xi32, #tpu.memory_space<vmem>> -> memref<128xi32, #tpu.memory_space<vmem>>
        %dma_start3A_430 = arith.constant 0 : i32
        %dma_start3A_431 = arith.constant 0 : i32
        %dma_start3A_432 = tpu.memref_slice %arg4[%dma_start3A_430, %dma_start3A_431] : memref<10000x128xf32, #tpu.memory_space<hbm>> -> memref<10000x128xf32, #tpu.memory_space<hbm>>
        tpu.enqueue_indirect_dma source(%dma_start3A_432 : memref<10000x128xf32, #tpu.memory_space<hbm>>) target(%dma_start3A_426 : memref<128x128xf32, #tpu.memory_space<vmem>>) offsets(%dma_start3A_429 : memref<128xi32, #tpu.memory_space<vmem>>) semaphore(%arg11 : memref<!tpu.dma_semaphore, #tpu.memory_space<semaphore_mem>>)
      } else {
      }
      %mul3A_224 = arith.constant 4 : i32
      %mul3A_225 = arith.muli %while3A_178, %mul3A_224 : i32
      %add3A_226 = arith.constant 1 : i32
      %add3A_227 = arith.addi %mul3A_225, %add3A_226 : i32
      %dma_wait3A_228 = arith.constant 1 : i32
      %dma_wait3A_229 = arith.constant 0 : i32
      %dma_wait3A_230 = arith.constant 0 : i32
      %dma_wait3A_231 = tpu.memref_slice %arg9[%dma_wait3A_228, %dma_wait3A_229, %dma_wait3A_230] : memref<2x128x128xf32, #tpu.memory_space<vmem>> -> memref<1x128x128xf32, #tpu.memory_space<vmem>>
      %dma_wait3A_232 = tpu.memref_squeeze %dma_wait3A_231 : memref<1x128x128xf32, #tpu.memory_space<vmem>> -> memref<128x128xf32, #tpu.memory_space<vmem>>
      %dma_wait3A_233 = arith.constant 0 : i32
      %dma_wait3A_234 = arith.constant 0 : i32
      %dma_wait3A_235 = tpu.memref_slice %arg4[%dma_wait3A_233, %dma_wait3A_234] : memref<10000x128xf32, #tpu.memory_space<hbm>> -> memref<128x128xf32, #tpu.memory_space<hbm>>
      %dma_wait3A_236 = arith.constant 0 : i32
      %dma_wait3A_237 = arith.constant 0 : i32
      %dma_wait3A_238 = tpu.memref_slice %arg9[%dma_wait3A_228, %dma_wait3A_236, %dma_wait3A_237] : memref<2x128x128xf32, #tpu.memory_space<vmem>> -> memref<1x128x128xf32, #tpu.memory_space<vmem>>
      %dma_wait3A_239 = tpu.memref_squeeze %dma_wait3A_238 : memref<1x128x128xf32, #tpu.memory_space<vmem>> -> memref<128x128xf32, #tpu.memory_space<vmem>>
      %dma_wait3A_240 = arith.constant 0 : i32
      %dma_wait3A_241 = arith.constant 0 : i32
      %dma_wait3A_242 = tpu.memref_slice %arg4[%dma_wait3A_240, %dma_wait3A_241] : memref<10000x128xf32, #tpu.memory_space<hbm>> -> memref<128x128xf32, #tpu.memory_space<hbm>>
      tpu.wait_dma2 semaphore(%arg12 : memref<!tpu.dma_semaphore, #tpu.memory_space<semaphore_mem>>) src(%dma_wait3A_242 : memref<128x128xf32, #tpu.memory_space<hbm>>) dst(%dma_wait3A_239 : memref<128x128xf32, #tpu.memory_space<vmem>>)
      %add3A_243 = arith.constant 4 : i32
      %add3A_244 = arith.addi %add3A_227, %add3A_243 : i32
      %lt3A_245 = arith.cmpi slt, %add3A_244, %select_n3A_10 : i32
      %convert_element_type3A_246 = arith.extui %lt3A_245 : i1 to i32
      %cond3A_247 = arith.constant 0 : i32
      %cond3A_248 = arith.cmpi ne, %convert_element_type3A_246, %cond3A_247 : i32
      scf.if %cond3A_248 {
        %add3A_385 = arith.addi %select_n3A, %add3A_227 : i32
        %add3A_386 = arith.constant 4 : i32
        %add3A_387 = arith.addi %add3A_385, %add3A_386 : i32
        %dma_start3A_388 = arith.constant 1 : i32
        %dma_start3A_389 = arith.constant 0 : i32
        %dma_start3A_390 = tpu.memref_slice %arg7[%dma_start3A_388, %dma_start3A_389] : memref<4x128xi32, #tpu.memory_space<vmem>> -> memref<1x128xi32, #tpu.memory_space<vmem>>
        %dma_start3A_391 = tpu.memref_squeeze %dma_start3A_390 : memref<1x128xi32, #tpu.memory_space<vmem>> -> memref<128xi32, #tpu.memory_space<vmem>>
        %dma_start3A_392 = arith.constant 0 : i32
        %dma_start3A_393 = tpu.memref_slice %arg2[%add3A_387, %dma_start3A_392] : memref<2560x128xi32, #tpu.memory_space<hbm>> -> memref<1x128xi32, #tpu.memory_space<hbm>>
        %dma_start3A_394 = tpu.memref_squeeze %dma_start3A_393 : memref<1x128xi32, #tpu.memory_space<hbm>> -> memref<128xi32, #tpu.memory_space<hbm>>
        %dma_start3A_395 = arith.constant 0 : i32
        %dma_start3A_396 = tpu.memref_slice %arg7[%dma_start3A_388, %dma_start3A_395] : memref<4x128xi32, #tpu.memory_space<vmem>> -> memref<1x128xi32, #tpu.memory_space<vmem>>
        %dma_start3A_397 = tpu.memref_squeeze %dma_start3A_396 : memref<1x128xi32, #tpu.memory_space<vmem>> -> memref<128xi32, #tpu.memory_space<vmem>>
        %dma_start3A_398 = arith.constant 0 : i32
        %dma_start3A_399 = tpu.memref_slice %arg2[%add3A_387, %dma_start3A_398] : memref<2560x128xi32, #tpu.memory_space<hbm>> -> memref<1x128xi32, #tpu.memory_space<hbm>>
        %dma_start3A_400 = tpu.memref_squeeze %dma_start3A_399 : memref<1x128xi32, #tpu.memory_space<hbm>> -> memref<128xi32, #tpu.memory_space<hbm>>
        tpu.enqueue_dma source(%dma_start3A_400 : memref<128xi32, #tpu.memory_space<hbm>>) target(%dma_start3A_397 : memref<128xi32, #tpu.memory_space<vmem>>) target_semaphore(%arg16 : memref<!tpu.dma_semaphore, #tpu.memory_space<semaphore_mem>>)
      } else {
      }
      %ge3A_249 = arith.constant 4 : i32
      %ge3A_250 = arith.cmpi sge, %add3A_227, %ge3A_249 : i32
      %convert_element_type3A_251 = arith.extui %ge3A_250 : i1 to i32
      %cond3A_252 = arith.constant 0 : i32
      %cond3A_253 = arith.cmpi ne, %convert_element_type3A_251, %cond3A_252 : i32
      scf.if %cond3A_253 {
        %dma_wait3A_385 = arith.constant 1 : i32
        %dma_wait3A_386 = arith.constant 0 : i32
        %dma_wait3A_387 = tpu.memref_slice %arg8[%dma_wait3A_385, %dma_wait3A_386] : memref<4x128xi32, #tpu.memory_space<vmem>> -> memref<1x128xi32, #tpu.memory_space<vmem>>
        %dma_wait3A_388 = tpu.memref_squeeze %dma_wait3A_387 : memref<1x128xi32, #tpu.memory_space<vmem>> -> memref<128xi32, #tpu.memory_space<vmem>>
        %dma_wait3A_389 = arith.constant 0 : i32
        %dma_wait3A_390 = tpu.memref_slice %arg3[%select_n3A, %dma_wait3A_389] : memref<2560x128xi32, #tpu.memory_space<hbm>> -> memref<1x128xi32, #tpu.memory_space<hbm>>
        %dma_wait3A_391 = tpu.memref_squeeze %dma_wait3A_390 : memref<1x128xi32, #tpu.memory_space<hbm>> -> memref<128xi32, #tpu.memory_space<hbm>>
        %dma_wait3A_392 = arith.constant 0 : i32
        %dma_wait3A_393 = tpu.memref_slice %arg8[%dma_wait3A_385, %dma_wait3A_392] : memref<4x128xi32, #tpu.memory_space<vmem>> -> memref<1x128xi32, #tpu.memory_space<vmem>>
        %dma_wait3A_394 = tpu.memref_squeeze %dma_wait3A_393 : memref<1x128xi32, #tpu.memory_space<vmem>> -> memref<128xi32, #tpu.memory_space<vmem>>
        %dma_wait3A_395 = arith.constant 0 : i32
        %dma_wait3A_396 = tpu.memref_slice %arg3[%select_n3A, %dma_wait3A_395] : memref<2560x128xi32, #tpu.memory_space<hbm>> -> memref<1x128xi32, #tpu.memory_space<hbm>>
        %dma_wait3A_397 = tpu.memref_squeeze %dma_wait3A_396 : memref<1x128xi32, #tpu.memory_space<hbm>> -> memref<128xi32, #tpu.memory_space<hbm>>
        tpu.wait_dma2 semaphore(%arg20 : memref<!tpu.dma_semaphore, #tpu.memory_space<semaphore_mem>>) src(%dma_wait3A_397 : memref<128xi32, #tpu.memory_space<hbm>>) dst(%dma_wait3A_394 : memref<128xi32, #tpu.memory_space<vmem>>)
      } else {
      }
      %dma_start3A_254 = arith.constant 1 : i32
      %dma_start3A_255 = arith.constant 1 : i32
      %dma_start3A_256 = arith.constant 0 : i32
      %dma_start3A_257 = arith.constant 0 : i32
      %dma_start3A_258 = tpu.memref_slice %arg9[%dma_start3A_254, %dma_start3A_256, %dma_start3A_257] : memref<2x128x128xf32, #tpu.memory_space<vmem>> -> memref<1x128x128xf32, #tpu.memory_space<vmem>>
      %dma_start3A_259 = tpu.memref_squeeze %dma_start3A_258 : memref<1x128x128xf32, #tpu.memory_space<vmem>> -> memref<128x128xf32, #tpu.memory_space<vmem>>
      %dma_start3A_260 = arith.constant 0 : i32
      %dma_start3A_261 = tpu.memref_slice %arg8[%dma_start3A_255, %dma_start3A_260] : memref<4x128xi32, #tpu.memory_space<vmem>> -> memref<1x128xi32, #tpu.memory_space<vmem>>
      %dma_start3A_262 = tpu.memref_squeeze %dma_start3A_261 : memref<1x128xi32, #tpu.memory_space<vmem>> -> memref<128xi32, #tpu.memory_space<vmem>>
      %dma_start3A_263 = arith.constant 0 : i32
      %dma_start3A_264 = arith.constant 0 : i32
      %dma_start3A_265 = tpu.memref_slice %arg10[%dma_start3A_263, %dma_start3A_264] : memref<10240x128xf32, #tpu.memory_space<vmem_shared>> -> memref<10240x128xf32, #tpu.memory_space<vmem_shared>>
      tpu.enqueue_indirect_dma source(%dma_start3A_259 : memref<128x128xf32, #tpu.memory_space<vmem>>) target(%dma_start3A_265 : memref<10240x128xf32, #tpu.memory_space<vmem_shared>>) offsets(%dma_start3A_262 : memref<128xi32, #tpu.memory_space<vmem>>) semaphore(%arg14 : memref<!tpu.dma_semaphore, #tpu.memory_space<semaphore_mem>>) {add = true}
      %add3A_266 = arith.constant 2 : i32
      %add3A_267 = arith.addi %add3A_227, %add3A_266 : i32
      %lt3A_268 = arith.cmpi slt, %add3A_267, %select_n3A_10 : i32
      %convert_element_type3A_269 = arith.extui %lt3A_268 : i1 to i32
      %cond3A_270 = arith.constant 0 : i32
      %cond3A_271 = arith.cmpi ne, %convert_element_type3A_269, %cond3A_270 : i32
      scf.if %cond3A_271 {
        %dma_wait3A_385 = arith.constant 1 : i32
        %dma_wait3A_386 = arith.constant 0 : i32
        %dma_wait3A_387 = arith.constant 0 : i32
        %dma_wait3A_388 = tpu.memref_slice %arg9[%dma_wait3A_385, %dma_wait3A_386, %dma_wait3A_387] : memref<2x128x128xf32, #tpu.memory_space<vmem>> -> memref<1x128x128xf32, #tpu.memory_space<vmem>>
        %dma_wait3A_389 = tpu.memref_squeeze %dma_wait3A_388 : memref<1x128x128xf32, #tpu.memory_space<vmem>> -> memref<128x128xf32, #tpu.memory_space<vmem>>
        %dma_wait3A_390 = arith.constant 0 : i32
        %dma_wait3A_391 = arith.constant 0 : i32
        %dma_wait3A_392 = tpu.memref_slice %arg4[%dma_wait3A_390, %dma_wait3A_391] : memref<10000x128xf32, #tpu.memory_space<hbm>> -> memref<128x128xf32, #tpu.memory_space<hbm>>
        %dma_wait3A_393 = arith.constant 0 : i32
        %dma_wait3A_394 = arith.constant 0 : i32
        %dma_wait3A_395 = tpu.memref_slice %arg9[%dma_wait3A_385, %dma_wait3A_393, %dma_wait3A_394] : memref<2x128x128xf32, #tpu.memory_space<vmem>> -> memref<1x128x128xf32, #tpu.memory_space<vmem>>
        %dma_wait3A_396 = tpu.memref_squeeze %dma_wait3A_395 : memref<1x128x128xf32, #tpu.memory_space<vmem>> -> memref<128x128xf32, #tpu.memory_space<vmem>>
        %dma_wait3A_397 = arith.constant 0 : i32
        %dma_wait3A_398 = arith.constant 0 : i32
        %dma_wait3A_399 = tpu.memref_slice %arg4[%dma_wait3A_397, %dma_wait3A_398] : memref<10000x128xf32, #tpu.memory_space<hbm>> -> memref<128x128xf32, #tpu.memory_space<hbm>>
        tpu.wait_dma2 semaphore(%arg14 : memref<!tpu.dma_semaphore, #tpu.memory_space<semaphore_mem>>) src(%dma_wait3A_399 : memref<128x128xf32, #tpu.memory_space<hbm>>) dst(%dma_wait3A_396 : memref<128x128xf32, #tpu.memory_space<vmem>>)
        %add3A_400 = arith.constant 4 : i32
        %add3A_401 = arith.addi %add3A_227, %add3A_400 : i32
        %lt3A_402 = arith.cmpi slt, %add3A_401, %select_n3A_10 : i32
        %convert_element_type3A_403 = arith.extui %lt3A_402 : i1 to i32
        %cond3A_404 = arith.constant 0 : i32
        %cond3A_405 = arith.cmpi ne, %convert_element_type3A_403, %cond3A_404 : i32
        scf.if %cond3A_405 {
          %add3A_433 = arith.addi %select_n3A, %add3A_227 : i32
          %add3A_434 = arith.constant 4 : i32
          %add3A_435 = arith.addi %add3A_433, %add3A_434 : i32
          %dma_start3A_436 = arith.constant 1 : i32
          %dma_start3A_437 = arith.constant 0 : i32
          %dma_start3A_438 = tpu.memref_slice %arg8[%dma_start3A_436, %dma_start3A_437] : memref<4x128xi32, #tpu.memory_space<vmem>> -> memref<1x128xi32, #tpu.memory_space<vmem>>
          %dma_start3A_439 = tpu.memref_squeeze %dma_start3A_438 : memref<1x128xi32, #tpu.memory_space<vmem>> -> memref<128xi32, #tpu.memory_space<vmem>>
          %dma_start3A_440 = arith.constant 0 : i32
          %dma_start3A_441 = tpu.memref_slice %arg3[%add3A_435, %dma_start3A_440] : memref<2560x128xi32, #tpu.memory_space<hbm>> -> memref<1x128xi32, #tpu.memory_space<hbm>>
          %dma_start3A_442 = tpu.memref_squeeze %dma_start3A_441 : memref<1x128xi32, #tpu.memory_space<hbm>> -> memref<128xi32, #tpu.memory_space<hbm>>
          %dma_start3A_443 = arith.constant 0 : i32
          %dma_start3A_444 = tpu.memref_slice %arg8[%dma_start3A_436, %dma_start3A_443] : memref<4x128xi32, #tpu.memory_space<vmem>> -> memref<1x128xi32, #tpu.memory_space<vmem>>
          %dma_start3A_445 = tpu.memref_squeeze %dma_start3A_444 : memref<1x128xi32, #tpu.memory_space<vmem>> -> memref<128xi32, #tpu.memory_space<vmem>>
          %dma_start3A_446 = arith.constant 0 : i32
          %dma_start3A_447 = tpu.memref_slice %arg3[%add3A_435, %dma_start3A_446] : memref<2560x128xi32, #tpu.memory_space<hbm>> -> memref<1x128xi32, #tpu.memory_space<hbm>>
          %dma_start3A_448 = tpu.memref_squeeze %dma_start3A_447 : memref<1x128xi32, #tpu.memory_space<hbm>> -> memref<128xi32, #tpu.memory_space<hbm>>
          tpu.enqueue_dma source(%dma_start3A_448 : memref<128xi32, #tpu.memory_space<hbm>>) target(%dma_start3A_445 : memref<128xi32, #tpu.memory_space<vmem>>) target_semaphore(%arg20 : memref<!tpu.dma_semaphore, #tpu.memory_space<semaphore_mem>>)
        } else {
        }
        %dma_wait3A_406 = arith.constant 3 : i32
        %dma_wait3A_407 = arith.constant 0 : i32
        %dma_wait3A_408 = tpu.memref_slice %arg7[%dma_wait3A_406, %dma_wait3A_407] : memref<4x128xi32, #tpu.memory_space<vmem>> -> memref<1x128xi32, #tpu.memory_space<vmem>>
        %dma_wait3A_409 = tpu.memref_squeeze %dma_wait3A_408 : memref<1x128xi32, #tpu.memory_space<vmem>> -> memref<128xi32, #tpu.memory_space<vmem>>
        %dma_wait3A_410 = arith.constant 0 : i32
        %dma_wait3A_411 = tpu.memref_slice %arg2[%select_n3A, %dma_wait3A_410] : memref<2560x128xi32, #tpu.memory_space<hbm>> -> memref<1x128xi32, #tpu.memory_space<hbm>>
        %dma_wait3A_412 = tpu.memref_squeeze %dma_wait3A_411 : memref<1x128xi32, #tpu.memory_space<hbm>> -> memref<128xi32, #tpu.memory_space<hbm>>
        %dma_wait3A_413 = arith.constant 0 : i32
        %dma_wait3A_414 = tpu.memref_slice %arg7[%dma_wait3A_406, %dma_wait3A_413] : memref<4x128xi32, #tpu.memory_space<vmem>> -> memref<1x128xi32, #tpu.memory_space<vmem>>
        %dma_wait3A_415 = tpu.memref_squeeze %dma_wait3A_414 : memref<1x128xi32, #tpu.memory_space<vmem>> -> memref<128xi32, #tpu.memory_space<vmem>>
        %dma_wait3A_416 = arith.constant 0 : i32
        %dma_wait3A_417 = tpu.memref_slice %arg2[%select_n3A, %dma_wait3A_416] : memref<2560x128xi32, #tpu.memory_space<hbm>> -> memref<1x128xi32, #tpu.memory_space<hbm>>
        %dma_wait3A_418 = tpu.memref_squeeze %dma_wait3A_417 : memref<1x128xi32, #tpu.memory_space<hbm>> -> memref<128xi32, #tpu.memory_space<hbm>>
        tpu.wait_dma2 semaphore(%arg18 : memref<!tpu.dma_semaphore, #tpu.memory_space<semaphore_mem>>) src(%dma_wait3A_418 : memref<128xi32, #tpu.memory_space<hbm>>) dst(%dma_wait3A_415 : memref<128xi32, #tpu.memory_space<vmem>>)
        %add3A_419 = arith.constant 2 : i32
        %add3A_420 = arith.addi %add3A_227, %add3A_419 : i32
        %dma_start3A_421 = arith.constant 3 : i32
        %dma_start3A_422 = arith.constant 1 : i32
        %dma_start3A_423 = arith.constant 0 : i32
        %dma_start3A_424 = arith.constant 0 : i32
        %dma_start3A_425 = tpu.memref_slice %arg9[%dma_start3A_422, %dma_start3A_423, %dma_start3A_424] : memref<2x128x128xf32, #tpu.memory_space<vmem>> -> memref<1x128x128xf32, #tpu.memory_space<vmem>>
        %dma_start3A_426 = tpu.memref_squeeze %dma_start3A_425 : memref<1x128x128xf32, #tpu.memory_space<vmem>> -> memref<128x128xf32, #tpu.memory_space<vmem>>
        %dma_start3A_427 = arith.constant 0 : i32
        %dma_start3A_428 = tpu.memref_slice %arg7[%dma_start3A_421, %dma_start3A_427] : memref<4x128xi32, #tpu.memory_space<vmem>> -> memref<1x128xi32, #tpu.memory_space<vmem>>
        %dma_start3A_429 = tpu.memref_squeeze %dma_start3A_428 : memref<1x128xi32, #tpu.memory_space<vmem>> -> memref<128xi32, #tpu.memory_space<vmem>>
        %dma_start3A_430 = arith.constant 0 : i32
        %dma_start3A_431 = arith.constant 0 : i32
        %dma_start3A_432 = tpu.memref_slice %arg4[%dma_start3A_430, %dma_start3A_431] : memref<10000x128xf32, #tpu.memory_space<hbm>> -> memref<10000x128xf32, #tpu.memory_space<hbm>>
        tpu.enqueue_indirect_dma source(%dma_start3A_432 : memref<10000x128xf32, #tpu.memory_space<hbm>>) target(%dma_start3A_426 : memref<128x128xf32, #tpu.memory_space<vmem>>) offsets(%dma_start3A_429 : memref<128xi32, #tpu.memory_space<vmem>>) semaphore(%arg12 : memref<!tpu.dma_semaphore, #tpu.memory_space<semaphore_mem>>)
      } else {
      }
      %mul3A_272 = arith.constant 4 : i32
      %mul3A_273 = arith.muli %while3A_178, %mul3A_272 : i32
      %add3A_274 = arith.constant 2 : i32
      %add3A_275 = arith.addi %mul3A_273, %add3A_274 : i32
      %dma_wait3A_276 = arith.constant 0 : i32
      %dma_wait3A_277 = arith.constant 0 : i32
      %dma_wait3A_278 = arith.constant 0 : i32
      %dma_wait3A_279 = tpu.memref_slice %arg9[%dma_wait3A_276, %dma_wait3A_277, %dma_wait3A_278] : memref<2x128x128xf32, #tpu.memory_space<vmem>> -> memref<1x128x128xf32, #tpu.memory_space<vmem>>
      %dma_wait3A_280 = tpu.memref_squeeze %dma_wait3A_279 : memref<1x128x128xf32, #tpu.memory_space<vmem>> -> memref<128x128xf32, #tpu.memory_space<vmem>>
      %dma_wait3A_281 = arith.constant 0 : i32
      %dma_wait3A_282 = arith.constant 0 : i32
      %dma_wait3A_283 = tpu.memref_slice %arg4[%dma_wait3A_281, %dma_wait3A_282] : memref<10000x128xf32, #tpu.memory_space<hbm>> -> memref<128x128xf32, #tpu.memory_space<hbm>>
      %dma_wait3A_284 = arith.constant 0 : i32
      %dma_wait3A_285 = arith.constant 0 : i32
      %dma_wait3A_286 = tpu.memref_slice %arg9[%dma_wait3A_276, %dma_wait3A_284, %dma_wait3A_285] : memref<2x128x128xf32, #tpu.memory_space<vmem>> -> memref<1x128x128xf32, #tpu.memory_space<vmem>>
      %dma_wait3A_287 = tpu.memref_squeeze %dma_wait3A_286 : memref<1x128x128xf32, #tpu.memory_space<vmem>> -> memref<128x128xf32, #tpu.memory_space<vmem>>
      %dma_wait3A_288 = arith.constant 0 : i32
      %dma_wait3A_289 = arith.constant 0 : i32
      %dma_wait3A_290 = tpu.memref_slice %arg4[%dma_wait3A_288, %dma_wait3A_289] : memref<10000x128xf32, #tpu.memory_space<hbm>> -> memref<128x128xf32, #tpu.memory_space<hbm>>
      tpu.wait_dma2 semaphore(%arg11 : memref<!tpu.dma_semaphore, #tpu.memory_space<semaphore_mem>>) src(%dma_wait3A_290 : memref<128x128xf32, #tpu.memory_space<hbm>>) dst(%dma_wait3A_287 : memref<128x128xf32, #tpu.memory_space<vmem>>)
      %add3A_291 = arith.constant 4 : i32
      %add3A_292 = arith.addi %add3A_275, %add3A_291 : i32
      %lt3A_293 = arith.cmpi slt, %add3A_292, %select_n3A_10 : i32
      %convert_element_type3A_294 = arith.extui %lt3A_293 : i1 to i32
      %cond3A_295 = arith.constant 0 : i32
      %cond3A_296 = arith.cmpi ne, %convert_element_type3A_294, %cond3A_295 : i32
      scf.if %cond3A_296 {
        %add3A_385 = arith.addi %select_n3A, %add3A_275 : i32
        %add3A_386 = arith.constant 4 : i32
        %add3A_387 = arith.addi %add3A_385, %add3A_386 : i32
        %dma_start3A_388 = arith.constant 2 : i32
        %dma_start3A_389 = arith.constant 0 : i32
        %dma_start3A_390 = tpu.memref_slice %arg7[%dma_start3A_388, %dma_start3A_389] : memref<4x128xi32, #tpu.memory_space<vmem>> -> memref<1x128xi32, #tpu.memory_space<vmem>>
        %dma_start3A_391 = tpu.memref_squeeze %dma_start3A_390 : memref<1x128xi32, #tpu.memory_space<vmem>> -> memref<128xi32, #tpu.memory_space<vmem>>
        %dma_start3A_392 = arith.constant 0 : i32
        %dma_start3A_393 = tpu.memref_slice %arg2[%add3A_387, %dma_start3A_392] : memref<2560x128xi32, #tpu.memory_space<hbm>> -> memref<1x128xi32, #tpu.memory_space<hbm>>
        %dma_start3A_394 = tpu.memref_squeeze %dma_start3A_393 : memref<1x128xi32, #tpu.memory_space<hbm>> -> memref<128xi32, #tpu.memory_space<hbm>>
        %dma_start3A_395 = arith.constant 0 : i32
        %dma_start3A_396 = tpu.memref_slice %arg7[%dma_start3A_388, %dma_start3A_395] : memref<4x128xi32, #tpu.memory_space<vmem>> -> memref<1x128xi32, #tpu.memory_space<vmem>>
        %dma_start3A_397 = tpu.memref_squeeze %dma_start3A_396 : memref<1x128xi32, #tpu.memory_space<vmem>> -> memref<128xi32, #tpu.memory_space<vmem>>
        %dma_start3A_398 = arith.constant 0 : i32
        %dma_start3A_399 = tpu.memref_slice %arg2[%add3A_387, %dma_start3A_398] : memref<2560x128xi32, #tpu.memory_space<hbm>> -> memref<1x128xi32, #tpu.memory_space<hbm>>
        %dma_start3A_400 = tpu.memref_squeeze %dma_start3A_399 : memref<1x128xi32, #tpu.memory_space<hbm>> -> memref<128xi32, #tpu.memory_space<hbm>>
        tpu.enqueue_dma source(%dma_start3A_400 : memref<128xi32, #tpu.memory_space<hbm>>) target(%dma_start3A_397 : memref<128xi32, #tpu.memory_space<vmem>>) target_semaphore(%arg17 : memref<!tpu.dma_semaphore, #tpu.memory_space<semaphore_mem>>)
      } else {
      }
      %dma_wait3A_297 = arith.constant 2 : i32
      %dma_wait3A_298 = arith.constant 0 : i32
      %dma_wait3A_299 = tpu.memref_slice %arg8[%dma_wait3A_297, %dma_wait3A_298] : memref<4x128xi32, #tpu.memory_space<vmem>> -> memref<1x128xi32, #tpu.memory_space<vmem>>
      %dma_wait3A_300 = tpu.memref_squeeze %dma_wait3A_299 : memref<1x128xi32, #tpu.memory_space<vmem>> -> memref<128xi32, #tpu.memory_space<vmem>>
      %dma_wait3A_301 = arith.constant 0 : i32
      %dma_wait3A_302 = tpu.memref_slice %arg3[%select_n3A, %dma_wait3A_301] : memref<2560x128xi32, #tpu.memory_space<hbm>> -> memref<1x128xi32, #tpu.memory_space<hbm>>
      %dma_wait3A_303 = tpu.memref_squeeze %dma_wait3A_302 : memref<1x128xi32, #tpu.memory_space<hbm>> -> memref<128xi32, #tpu.memory_space<hbm>>
      %dma_wait3A_304 = arith.constant 0 : i32
      %dma_wait3A_305 = tpu.memref_slice %arg8[%dma_wait3A_297, %dma_wait3A_304] : memref<4x128xi32, #tpu.memory_space<vmem>> -> memref<1x128xi32, #tpu.memory_space<vmem>>
      %dma_wait3A_306 = tpu.memref_squeeze %dma_wait3A_305 : memref<1x128xi32, #tpu.memory_space<vmem>> -> memref<128xi32, #tpu.memory_space<vmem>>
      %dma_wait3A_307 = arith.constant 0 : i32
      %dma_wait3A_308 = tpu.memref_slice %arg3[%select_n3A, %dma_wait3A_307] : memref<2560x128xi32, #tpu.memory_space<hbm>> -> memref<1x128xi32, #tpu.memory_space<hbm>>
      %dma_wait3A_309 = tpu.memref_squeeze %dma_wait3A_308 : memref<1x128xi32, #tpu.memory_space<hbm>> -> memref<128xi32, #tpu.memory_space<hbm>>
      tpu.wait_dma2 semaphore(%arg21 : memref<!tpu.dma_semaphore, #tpu.memory_space<semaphore_mem>>) src(%dma_wait3A_309 : memref<128xi32, #tpu.memory_space<hbm>>) dst(%dma_wait3A_306 : memref<128xi32, #tpu.memory_space<vmem>>)
      %dma_start3A_310 = arith.constant 0 : i32
      %dma_start3A_311 = arith.constant 2 : i32
      %dma_start3A_312 = arith.constant 0 : i32
      %dma_start3A_313 = arith.constant 0 : i32
      %dma_start3A_314 = tpu.memref_slice %arg9[%dma_start3A_310, %dma_start3A_312, %dma_start3A_313] : memref<2x128x128xf32, #tpu.memory_space<vmem>> -> memref<1x128x128xf32, #tpu.memory_space<vmem>>
      %dma_start3A_315 = tpu.memref_squeeze %dma_start3A_314 : memref<1x128x128xf32, #tpu.memory_space<vmem>> -> memref<128x128xf32, #tpu.memory_space<vmem>>
      %dma_start3A_316 = arith.constant 0 : i32
      %dma_start3A_317 = tpu.memref_slice %arg8[%dma_start3A_311, %dma_start3A_316] : memref<4x128xi32, #tpu.memory_space<vmem>> -> memref<1x128xi32, #tpu.memory_space<vmem>>
      %dma_start3A_318 = tpu.memref_squeeze %dma_start3A_317 : memref<1x128xi32, #tpu.memory_space<vmem>> -> memref<128xi32, #tpu.memory_space<vmem>>
      %dma_start3A_319 = arith.constant 0 : i32
      %dma_start3A_320 = arith.constant 0 : i32
      %dma_start3A_321 = tpu.memref_slice %arg10[%dma_start3A_319, %dma_start3A_320] : memref<10240x128xf32, #tpu.memory_space<vmem_shared>> -> memref<10240x128xf32, #tpu.memory_space<vmem_shared>>
      tpu.enqueue_indirect_dma source(%dma_start3A_315 : memref<128x128xf32, #tpu.memory_space<vmem>>) target(%dma_start3A_321 : memref<10240x128xf32, #tpu.memory_space<vmem_shared>>) offsets(%dma_start3A_318 : memref<128xi32, #tpu.memory_space<vmem>>) semaphore(%arg13 : memref<!tpu.dma_semaphore, #tpu.memory_space<semaphore_mem>>) {add = true}
      %add3A_322 = arith.constant 2 : i32
      %add3A_323 = arith.addi %add3A_275, %add3A_322 : i32
      %lt3A_324 = arith.cmpi slt, %add3A_323, %select_n3A_10 : i32
      %convert_element_type3A_325 = arith.extui %lt3A_324 : i1 to i32
      %cond3A_326 = arith.constant 0 : i32
      %cond3A_327 = arith.cmpi ne, %convert_element_type3A_325, %cond3A_326 : i32
      scf.if %cond3A_327 {
        %dma_wait3A_385 = arith.constant 0 : i32
        %dma_wait3A_386 = arith.constant 0 : i32
        %dma_wait3A_387 = arith.constant 0 : i32
        %dma_wait3A_388 = tpu.memref_slice %arg9[%dma_wait3A_385, %dma_wait3A_386, %dma_wait3A_387] : memref<2x128x128xf32, #tpu.memory_space<vmem>> -> memref<1x128x128xf32, #tpu.memory_space<vmem>>
        %dma_wait3A_389 = tpu.memref_squeeze %dma_wait3A_388 : memref<1x128x128xf32, #tpu.memory_space<vmem>> -> memref<128x128xf32, #tpu.memory_space<vmem>>
        %dma_wait3A_390 = arith.constant 0 : i32
        %dma_wait3A_391 = arith.constant 0 : i32
        %dma_wait3A_392 = tpu.memref_slice %arg4[%dma_wait3A_390, %dma_wait3A_391] : memref<10000x128xf32, #tpu.memory_space<hbm>> -> memref<128x128xf32, #tpu.memory_space<hbm>>
        %dma_wait3A_393 = arith.constant 0 : i32
        %dma_wait3A_394 = arith.constant 0 : i32
        %dma_wait3A_395 = tpu.memref_slice %arg9[%dma_wait3A_385, %dma_wait3A_393, %dma_wait3A_394] : memref<2x128x128xf32, #tpu.memory_space<vmem>> -> memref<1x128x128xf32, #tpu.memory_space<vmem>>
        %dma_wait3A_396 = tpu.memref_squeeze %dma_wait3A_395 : memref<1x128x128xf32, #tpu.memory_space<vmem>> -> memref<128x128xf32, #tpu.memory_space<vmem>>
        %dma_wait3A_397 = arith.constant 0 : i32
        %dma_wait3A_398 = arith.constant 0 : i32
        %dma_wait3A_399 = tpu.memref_slice %arg4[%dma_wait3A_397, %dma_wait3A_398] : memref<10000x128xf32, #tpu.memory_space<hbm>> -> memref<128x128xf32, #tpu.memory_space<hbm>>
        tpu.wait_dma2 semaphore(%arg13 : memref<!tpu.dma_semaphore, #tpu.memory_space<semaphore_mem>>) src(%dma_wait3A_399 : memref<128x128xf32, #tpu.memory_space<hbm>>) dst(%dma_wait3A_396 : memref<128x128xf32, #tpu.memory_space<vmem>>)
        %add3A_400 = arith.constant 4 : i32
        %add3A_401 = arith.addi %add3A_275, %add3A_400 : i32
        %lt3A_402 = arith.cmpi slt, %add3A_401, %select_n3A_10 : i32
        %convert_element_type3A_403 = arith.extui %lt3A_402 : i1 to i32
        %cond3A_404 = arith.constant 0 : i32
        %cond3A_405 = arith.cmpi ne, %convert_element_type3A_403, %cond3A_404 : i32
        scf.if %cond3A_405 {
          %add3A_433 = arith.addi %select_n3A, %add3A_275 : i32
          %add3A_434 = arith.constant 4 : i32
          %add3A_435 = arith.addi %add3A_433, %add3A_434 : i32
          %dma_start3A_436 = arith.constant 2 : i32
          %dma_start3A_437 = arith.constant 0 : i32
          %dma_start3A_438 = tpu.memref_slice %arg8[%dma_start3A_436, %dma_start3A_437] : memref<4x128xi32, #tpu.memory_space<vmem>> -> memref<1x128xi32, #tpu.memory_space<vmem>>
          %dma_start3A_439 = tpu.memref_squeeze %dma_start3A_438 : memref<1x128xi32, #tpu.memory_space<vmem>> -> memref<128xi32, #tpu.memory_space<vmem>>
          %dma_start3A_440 = arith.constant 0 : i32
          %dma_start3A_441 = tpu.memref_slice %arg3[%add3A_435, %dma_start3A_440] : memref<2560x128xi32, #tpu.memory_space<hbm>> -> memref<1x128xi32, #tpu.memory_space<hbm>>
          %dma_start3A_442 = tpu.memref_squeeze %dma_start3A_441 : memref<1x128xi32, #tpu.memory_space<hbm>> -> memref<128xi32, #tpu.memory_space<hbm>>
          %dma_start3A_443 = arith.constant 0 : i32
          %dma_start3A_444 = tpu.memref_slice %arg8[%dma_start3A_436, %dma_start3A_443] : memref<4x128xi32, #tpu.memory_space<vmem>> -> memref<1x128xi32, #tpu.memory_space<vmem>>
          %dma_start3A_445 = tpu.memref_squeeze %dma_start3A_444 : memref<1x128xi32, #tpu.memory_space<vmem>> -> memref<128xi32, #tpu.memory_space<vmem>>
          %dma_start3A_446 = arith.constant 0 : i32
          %dma_start3A_447 = tpu.memref_slice %arg3[%add3A_435, %dma_start3A_446] : memref<2560x128xi32, #tpu.memory_space<hbm>> -> memref<1x128xi32, #tpu.memory_space<hbm>>
          %dma_start3A_448 = tpu.memref_squeeze %dma_start3A_447 : memref<1x128xi32, #tpu.memory_space<hbm>> -> memref<128xi32, #tpu.memory_space<hbm>>
          tpu.enqueue_dma source(%dma_start3A_448 : memref<128xi32, #tpu.memory_space<hbm>>) target(%dma_start3A_445 : memref<128xi32, #tpu.memory_space<vmem>>) target_semaphore(%arg21 : memref<!tpu.dma_semaphore, #tpu.memory_space<semaphore_mem>>)
        } else {
        }
        %dma_wait3A_406 = arith.constant 0 : i32
        %dma_wait3A_407 = arith.constant 0 : i32
        %dma_wait3A_408 = tpu.memref_slice %arg7[%dma_wait3A_406, %dma_wait3A_407] : memref<4x128xi32, #tpu.memory_space<vmem>> -> memref<1x128xi32, #tpu.memory_space<vmem>>
        %dma_wait3A_409 = tpu.memref_squeeze %dma_wait3A_408 : memref<1x128xi32, #tpu.memory_space<vmem>> -> memref<128xi32, #tpu.memory_space<vmem>>
        %dma_wait3A_410 = arith.constant 0 : i32
        %dma_wait3A_411 = tpu.memref_slice %arg2[%select_n3A, %dma_wait3A_410] : memref<2560x128xi32, #tpu.memory_space<hbm>> -> memref<1x128xi32, #tpu.memory_space<hbm>>
        %dma_wait3A_412 = tpu.memref_squeeze %dma_wait3A_411 : memref<1x128xi32, #tpu.memory_space<hbm>> -> memref<128xi32, #tpu.memory_space<hbm>>
        %dma_wait3A_413 = arith.constant 0 : i32
        %dma_wait3A_414 = tpu.memref_slice %arg7[%dma_wait3A_406, %dma_wait3A_413] : memref<4x128xi32, #tpu.memory_space<vmem>> -> memref<1x128xi32, #tpu.memory_space<vmem>>
        %dma_wait3A_415 = tpu.memref_squeeze %dma_wait3A_414 : memref<1x128xi32, #tpu.memory_space<vmem>> -> memref<128xi32, #tpu.memory_space<vmem>>
        %dma_wait3A_416 = arith.constant 0 : i32
        %dma_wait3A_417 = tpu.memref_slice %arg2[%select_n3A, %dma_wait3A_416] : memref<2560x128xi32, #tpu.memory_space<hbm>> -> memref<1x128xi32, #tpu.memory_space<hbm>>
        %dma_wait3A_418 = tpu.memref_squeeze %dma_wait3A_417 : memref<1x128xi32, #tpu.memory_space<hbm>> -> memref<128xi32, #tpu.memory_space<hbm>>
        tpu.wait_dma2 semaphore(%arg15 : memref<!tpu.dma_semaphore, #tpu.memory_space<semaphore_mem>>) src(%dma_wait3A_418 : memref<128xi32, #tpu.memory_space<hbm>>) dst(%dma_wait3A_415 : memref<128xi32, #tpu.memory_space<vmem>>)
        %add3A_419 = arith.constant 2 : i32
        %add3A_420 = arith.addi %add3A_275, %add3A_419 : i32
        %dma_start3A_421 = arith.constant 0 : i32
        %dma_start3A_422 = arith.constant 0 : i32
        %dma_start3A_423 = arith.constant 0 : i32
        %dma_start3A_424 = arith.constant 0 : i32
        %dma_start3A_425 = tpu.memref_slice %arg9[%dma_start3A_422, %dma_start3A_423, %dma_start3A_424] : memref<2x128x128xf32, #tpu.memory_space<vmem>> -> memref<1x128x128xf32, #tpu.memory_space<vmem>>
        %dma_start3A_426 = tpu.memref_squeeze %dma_start3A_425 : memref<1x128x128xf32, #tpu.memory_space<vmem>> -> memref<128x128xf32, #tpu.memory_space<vmem>>
        %dma_start3A_427 = arith.constant 0 : i32
        %dma_start3A_428 = tpu.memref_slice %arg7[%dma_start3A_421, %dma_start3A_427] : memref<4x128xi32, #tpu.memory_space<vmem>> -> memref<1x128xi32, #tpu.memory_space<vmem>>
        %dma_start3A_429 = tpu.memref_squeeze %dma_start3A_428 : memref<1x128xi32, #tpu.memory_space<vmem>> -> memref<128xi32, #tpu.memory_space<vmem>>
        %dma_start3A_430 = arith.constant 0 : i32
        %dma_start3A_431 = arith.constant 0 : i32
        %dma_start3A_432 = tpu.memref_slice %arg4[%dma_start3A_430, %dma_start3A_431] : memref<10000x128xf32, #tpu.memory_space<hbm>> -> memref<10000x128xf32, #tpu.memory_space<hbm>>
        tpu.enqueue_indirect_dma source(%dma_start3A_432 : memref<10000x128xf32, #tpu.memory_space<hbm>>) target(%dma_start3A_426 : memref<128x128xf32, #tpu.memory_space<vmem>>) offsets(%dma_start3A_429 : memref<128xi32, #tpu.memory_space<vmem>>) semaphore(%arg11 : memref<!tpu.dma_semaphore, #tpu.memory_space<semaphore_mem>>)
      } else {
      }
      %mul3A_328 = arith.constant 4 : i32
      %mul3A_329 = arith.muli %while3A_178, %mul3A_328 : i32
      %add3A_330 = arith.constant 3 : i32
      %add3A_331 = arith.addi %mul3A_329, %add3A_330 : i32
      %dma_wait3A_332 = arith.constant 1 : i32
      %dma_wait3A_333 = arith.constant 0 : i32
      %dma_wait3A_334 = arith.constant 0 : i32
      %dma_wait3A_335 = tpu.memref_slice %arg9[%dma_wait3A_332, %dma_wait3A_333, %dma_wait3A_334] : memref<2x128x128xf32, #tpu.memory_space<vmem>> -> memref<1x128x128xf32, #tpu.memory_space<vmem>>
      %dma_wait3A_336 = tpu.memref_squeeze %dma_wait3A_335 : memref<1x128x128xf32, #tpu.memory_space<vmem>> -> memref<128x128xf32, #tpu.memory_space<vmem>>
      %dma_wait3A_337 = arith.constant 0 : i32
      %dma_wait3A_338 = arith.constant 0 : i32
      %dma_wait3A_339 = tpu.memref_slice %arg4[%dma_wait3A_337, %dma_wait3A_338] : memref<10000x128xf32, #tpu.memory_space<hbm>> -> memref<128x128xf32, #tpu.memory_space<hbm>>
      %dma_wait3A_340 = arith.constant 0 : i32
      %dma_wait3A_341 = arith.constant 0 : i32
      %dma_wait3A_342 = tpu.memref_slice %arg9[%dma_wait3A_332, %dma_wait3A_340, %dma_wait3A_341] : memref<2x128x128xf32, #tpu.memory_space<vmem>> -> memref<1x128x128xf32, #tpu.memory_space<vmem>>
      %dma_wait3A_343 = tpu.memref_squeeze %dma_wait3A_342 : memref<1x128x128xf32, #tpu.memory_space<vmem>> -> memref<128x128xf32, #tpu.memory_space<vmem>>
      %dma_wait3A_344 = arith.constant 0 : i32
      %dma_wait3A_345 = arith.constant 0 : i32
      %dma_wait3A_346 = tpu.memref_slice %arg4[%dma_wait3A_344, %dma_wait3A_345] : memref<10000x128xf32, #tpu.memory_space<hbm>> -> memref<128x128xf32, #tpu.memory_space<hbm>>
      tpu.wait_dma2 semaphore(%arg12 : memref<!tpu.dma_semaphore, #tpu.memory_space<semaphore_mem>>) src(%dma_wait3A_346 : memref<128x128xf32, #tpu.memory_space<hbm>>) dst(%dma_wait3A_343 : memref<128x128xf32, #tpu.memory_space<vmem>>)
      %add3A_347 = arith.constant 4 : i32
      %add3A_348 = arith.addi %add3A_331, %add3A_347 : i32
      %lt3A_349 = arith.cmpi slt, %add3A_348, %select_n3A_10 : i32
      %convert_element_type3A_350 = arith.extui %lt3A_349 : i1 to i32
      %cond3A_351 = arith.constant 0 : i32
      %cond3A_352 = arith.cmpi ne, %convert_element_type3A_350, %cond3A_351 : i32
      scf.if %cond3A_352 {
        %add3A_385 = arith.addi %select_n3A, %add3A_331 : i32
        %add3A_386 = arith.constant 4 : i32
        %add3A_387 = arith.addi %add3A_385, %add3A_386 : i32
        %dma_start3A_388 = arith.constant 3 : i32
        %dma_start3A_389 = arith.constant 0 : i32
        %dma_start3A_390 = tpu.memref_slice %arg7[%dma_start3A_388, %dma_start3A_389] : memref<4x128xi32, #tpu.memory_space<vmem>> -> memref<1x128xi32, #tpu.memory_space<vmem>>
        %dma_start3A_391 = tpu.memref_squeeze %dma_start3A_390 : memref<1x128xi32, #tpu.memory_space<vmem>> -> memref<128xi32, #tpu.memory_space<vmem>>
        %dma_start3A_392 = arith.constant 0 : i32
        %dma_start3A_393 = tpu.memref_slice %arg2[%add3A_387, %dma_start3A_392] : memref<2560x128xi32, #tpu.memory_space<hbm>> -> memref<1x128xi32, #tpu.memory_space<hbm>>
        %dma_start3A_394 = tpu.memref_squeeze %dma_start3A_393 : memref<1x128xi32, #tpu.memory_space<hbm>> -> memref<128xi32, #tpu.memory_space<hbm>>
        %dma_start3A_395 = arith.constant 0 : i32
        %dma_start3A_396 = tpu.memref_slice %arg7[%dma_start3A_388, %dma_start3A_395] : memref<4x128xi32, #tpu.memory_space<vmem>> -> memref<1x128xi32, #tpu.memory_space<vmem>>
        %dma_start3A_397 = tpu.memref_squeeze %dma_start3A_396 : memref<1x128xi32, #tpu.memory_space<vmem>> -> memref<128xi32, #tpu.memory_space<vmem>>
        %dma_start3A_398 = arith.constant 0 : i32
        %dma_start3A_399 = tpu.memref_slice %arg2[%add3A_387, %dma_start3A_398] : memref<2560x128xi32, #tpu.memory_space<hbm>> -> memref<1x128xi32, #tpu.memory_space<hbm>>
        %dma_start3A_400 = tpu.memref_squeeze %dma_start3A_399 : memref<1x128xi32, #tpu.memory_space<hbm>> -> memref<128xi32, #tpu.memory_space<hbm>>
        tpu.enqueue_dma source(%dma_start3A_400 : memref<128xi32, #tpu.memory_space<hbm>>) target(%dma_start3A_397 : memref<128xi32, #tpu.memory_space<vmem>>) target_semaphore(%arg18 : memref<!tpu.dma_semaphore, #tpu.memory_space<semaphore_mem>>)
      } else {
      }
      %dma_wait3A_353 = arith.constant 3 : i32
      %dma_wait3A_354 = arith.constant 0 : i32
      %dma_wait3A_355 = tpu.memref_slice %arg8[%dma_wait3A_353, %dma_wait3A_354] : memref<4x128xi32, #tpu.memory_space<vmem>> -> memref<1x128xi32, #tpu.memory_space<vmem>>
      %dma_wait3A_356 = tpu.memref_squeeze %dma_wait3A_355 : memref<1x128xi32, #tpu.memory_space<vmem>> -> memref<128xi32, #tpu.memory_space<vmem>>
      %dma_wait3A_357 = arith.constant 0 : i32
      %dma_wait3A_358 = tpu.memref_slice %arg3[%select_n3A, %dma_wait3A_357] : memref<2560x128xi32, #tpu.memory_space<hbm>> -> memref<1x128xi32, #tpu.memory_space<hbm>>
      %dma_wait3A_359 = tpu.memref_squeeze %dma_wait3A_358 : memref<1x128xi32, #tpu.memory_space<hbm>> -> memref<128xi32, #tpu.memory_space<hbm>>
      %dma_wait3A_360 = arith.constant 0 : i32
      %dma_wait3A_361 = tpu.memref_slice %arg8[%dma_wait3A_353, %dma_wait3A_360] : memref<4x128xi32, #tpu.memory_space<vmem>> -> memref<1x128xi32, #tpu.memory_space<vmem>>
      %dma_wait3A_362 = tpu.memref_squeeze %dma_wait3A_361 : memref<1x128xi32, #tpu.memory_space<vmem>> -> memref<128xi32, #tpu.memory_space<vmem>>
      %dma_wait3A_363 = arith.constant 0 : i32
      %dma_wait3A_364 = tpu.memref_slice %arg3[%select_n3A, %dma_wait3A_363] : memref<2560x128xi32, #tpu.memory_space<hbm>> -> memref<1x128xi32, #tpu.memory_space<hbm>>
      %dma_wait3A_365 = tpu.memref_squeeze %dma_wait3A_364 : memref<1x128xi32, #tpu.memory_space<hbm>> -> memref<128xi32, #tpu.memory_space<hbm>>
      tpu.wait_dma2 semaphore(%arg22 : memref<!tpu.dma_semaphore, #tpu.memory_space<semaphore_mem>>) src(%dma_wait3A_365 : memref<128xi32, #tpu.memory_space<hbm>>) dst(%dma_wait3A_362 : memref<128xi32, #tpu.memory_space<vmem>>)
      %dma_start3A_366 = arith.constant 1 : i32
      %dma_start3A_367 = arith.constant 3 : i32
      %dma_start3A_368 = arith.constant 0 : i32
      %dma_start3A_369 = arith.constant 0 : i32
      %dma_start3A_370 = tpu.memref_slice %arg9[%dma_start3A_366, %dma_start3A_368, %dma_start3A_369] : memref<2x128x128xf32, #tpu.memory_space<vmem>> -> memref<1x128x128xf32, #tpu.memory_space<vmem>>
      %dma_start3A_371 = tpu.memref_squeeze %dma_start3A_370 : memref<1x128x128xf32, #tpu.memory_space<vmem>> -> memref<128x128xf32, #tpu.memory_space<vmem>>
      %dma_start3A_372 = arith.constant 0 : i32
      %dma_start3A_373 = tpu.memref_slice %arg8[%dma_start3A_367, %dma_start3A_372] : memref<4x128xi32, #tpu.memory_space<vmem>> -> memref<1x128xi32, #tpu.memory_space<vmem>>
      %dma_start3A_374 = tpu.memref_squeeze %dma_start3A_373 : memref<1x128xi32, #tpu.memory_space<vmem>> -> memref<128xi32, #tpu.memory_space<vmem>>
      %dma_start3A_375 = arith.constant 0 : i32
      %dma_start3A_376 = arith.constant 0 : i32
      %dma_start3A_377 = tpu.memref_slice %arg10[%dma_start3A_375, %dma_start3A_376] : memref<10240x128xf32, #tpu.memory_space<vmem_shared>> -> memref<10240x128xf32, #tpu.memory_space<vmem_shared>>
      tpu.enqueue_indirect_dma source(%dma_start3A_371 : memref<128x128xf32, #tpu.memory_space<vmem>>) target(%dma_start3A_377 : memref<10240x128xf32, #tpu.memory_space<vmem_shared>>) offsets(%dma_start3A_374 : memref<128xi32, #tpu.memory_space<vmem>>) semaphore(%arg14 : memref<!tpu.dma_semaphore, #tpu.memory_space<semaphore_mem>>) {add = true}
      %add3A_378 = arith.constant 2 : i32
      %add3A_379 = arith.addi %add3A_331, %add3A_378 : i32
      %lt3A_380 = arith.cmpi slt, %add3A_379, %select_n3A_10 : i32
      %convert_element_type3A_381 = arith.extui %lt3A_380 : i1 to i32
      %cond3A_382 = arith.constant 0 : i32
      %cond3A_383 = arith.cmpi ne, %convert_element_type3A_381, %cond3A_382 : i32
      scf.if %cond3A_383 {
        %dma_wait3A_385 = arith.constant 1 : i32
        %dma_wait3A_386 = arith.constant 0 : i32
        %dma_wait3A_387 = arith.constant 0 : i32
        %dma_wait3A_388 = tpu.memref_slice %arg9[%dma_wait3A_385, %dma_wait3A_386, %dma_wait3A_387] : memref<2x128x128xf32, #tpu.memory_space<vmem>> -> memref<1x128x128xf32, #tpu.memory_space<vmem>>
        %dma_wait3A_389 = tpu.memref_squeeze %dma_wait3A_388 : memref<1x128x128xf32, #tpu.memory_space<vmem>> -> memref<128x128xf32, #tpu.memory_space<vmem>>
        %dma_wait3A_390 = arith.constant 0 : i32
        %dma_wait3A_391 = arith.constant 0 : i32
        %dma_wait3A_392 = tpu.memref_slice %arg4[%dma_wait3A_390, %dma_wait3A_391] : memref<10000x128xf32, #tpu.memory_space<hbm>> -> memref<128x128xf32, #tpu.memory_space<hbm>>
        %dma_wait3A_393 = arith.constant 0 : i32
        %dma_wait3A_394 = arith.constant 0 : i32
        %dma_wait3A_395 = tpu.memref_slice %arg9[%dma_wait3A_385, %dma_wait3A_393, %dma_wait3A_394] : memref<2x128x128xf32, #tpu.memory_space<vmem>> -> memref<1x128x128xf32, #tpu.memory_space<vmem>>
        %dma_wait3A_396 = tpu.memref_squeeze %dma_wait3A_395 : memref<1x128x128xf32, #tpu.memory_space<vmem>> -> memref<128x128xf32, #tpu.memory_space<vmem>>
        %dma_wait3A_397 = arith.constant 0 : i32
        %dma_wait3A_398 = arith.constant 0 : i32
        %dma_wait3A_399 = tpu.memref_slice %arg4[%dma_wait3A_397, %dma_wait3A_398] : memref<10000x128xf32, #tpu.memory_space<hbm>> -> memref<128x128xf32, #tpu.memory_space<hbm>>
        tpu.wait_dma2 semaphore(%arg14 : memref<!tpu.dma_semaphore, #tpu.memory_space<semaphore_mem>>) src(%dma_wait3A_399 : memref<128x128xf32, #tpu.memory_space<hbm>>) dst(%dma_wait3A_396 : memref<128x128xf32, #tpu.memory_space<vmem>>)
        %add3A_400 = arith.constant 4 : i32
        %add3A_401 = arith.addi %add3A_331, %add3A_400 : i32
        %lt3A_402 = arith.cmpi slt, %add3A_401, %select_n3A_10 : i32
        %convert_element_type3A_403 = arith.extui %lt3A_402 : i1 to i32
        %cond3A_404 = arith.constant 0 : i32
        %cond3A_405 = arith.cmpi ne, %convert_element_type3A_403, %cond3A_404 : i32
        scf.if %cond3A_405 {
          %add3A_433 = arith.addi %select_n3A, %add3A_331 : i32
          %add3A_434 = arith.constant 4 : i32
          %add3A_435 = arith.addi %add3A_433, %add3A_434 : i32
          %dma_start3A_436 = arith.constant 3 : i32
          %dma_start3A_437 = arith.constant 0 : i32
          %dma_start3A_438 = tpu.memref_slice %arg8[%dma_start3A_436, %dma_start3A_437] : memref<4x128xi32, #tpu.memory_space<vmem>> -> memref<1x128xi32, #tpu.memory_space<vmem>>
          %dma_start3A_439 = tpu.memref_squeeze %dma_start3A_438 : memref<1x128xi32, #tpu.memory_space<vmem>> -> memref<128xi32, #tpu.memory_space<vmem>>
          %dma_start3A_440 = arith.constant 0 : i32
          %dma_start3A_441 = tpu.memref_slice %arg3[%add3A_435, %dma_start3A_440] : memref<2560x128xi32, #tpu.memory_space<hbm>> -> memref<1x128xi32, #tpu.memory_space<hbm>>
          %dma_start3A_442 = tpu.memref_squeeze %dma_start3A_441 : memref<1x128xi32, #tpu.memory_space<hbm>> -> memref<128xi32, #tpu.memory_space<hbm>>
          %dma_start3A_443 = arith.constant 0 : i32
          %dma_start3A_444 = tpu.memref_slice %arg8[%dma_start3A_436, %dma_start3A_443] : memref<4x128xi32, #tpu.memory_space<vmem>> -> memref<1x128xi32, #tpu.memory_space<vmem>>
          %dma_start3A_445 = tpu.memref_squeeze %dma_start3A_444 : memref<1x128xi32, #tpu.memory_space<vmem>> -> memref<128xi32, #tpu.memory_space<vmem>>
          %dma_start3A_446 = arith.constant 0 : i32
          %dma_start3A_447 = tpu.memref_slice %arg3[%add3A_435, %dma_start3A_446] : memref<2560x128xi32, #tpu.memory_space<hbm>> -> memref<1x128xi32, #tpu.memory_space<hbm>>
          %dma_start3A_448 = tpu.memref_squeeze %dma_start3A_447 : memref<1x128xi32, #tpu.memory_space<hbm>> -> memref<128xi32, #tpu.memory_space<hbm>>
          tpu.enqueue_dma source(%dma_start3A_448 : memref<128xi32, #tpu.memory_space<hbm>>) target(%dma_start3A_445 : memref<128xi32, #tpu.memory_space<vmem>>) target_semaphore(%arg22 : memref<!tpu.dma_semaphore, #tpu.memory_space<semaphore_mem>>)
        } else {
        }
        %dma_wait3A_406 = arith.constant 1 : i32
        %dma_wait3A_407 = arith.constant 0 : i32
        %dma_wait3A_408 = tpu.memref_slice %arg7[%dma_wait3A_406, %dma_wait3A_407] : memref<4x128xi32, #tpu.memory_space<vmem>> -> memref<1x128xi32, #tpu.memory_space<vmem>>
        %dma_wait3A_409 = tpu.memref_squeeze %dma_wait3A_408 : memref<1x128xi32, #tpu.memory_space<vmem>> -> memref<128xi32, #tpu.memory_space<vmem>>
        %dma_wait3A_410 = arith.constant 0 : i32
        %dma_wait3A_411 = tpu.memref_slice %arg2[%select_n3A, %dma_wait3A_410] : memref<2560x128xi32, #tpu.memory_space<hbm>> -> memref<1x128xi32, #tpu.memory_space<hbm>>
        %dma_wait3A_412 = tpu.memref_squeeze %dma_wait3A_411 : memref<1x128xi32, #tpu.memory_space<hbm>> -> memref<128xi32, #tpu.memory_space<hbm>>
        %dma_wait3A_413 = arith.constant 0 : i32
        %dma_wait3A_414 = tpu.memref_slice %arg7[%dma_wait3A_406, %dma_wait3A_413] : memref<4x128xi32, #tpu.memory_space<vmem>> -> memref<1x128xi32, #tpu.memory_space<vmem>>
        %dma_wait3A_415 = tpu.memref_squeeze %dma_wait3A_414 : memref<1x128xi32, #tpu.memory_space<vmem>> -> memref<128xi32, #tpu.memory_space<vmem>>
        %dma_wait3A_416 = arith.constant 0 : i32
        %dma_wait3A_417 = tpu.memref_slice %arg2[%select_n3A, %dma_wait3A_416] : memref<2560x128xi32, #tpu.memory_space<hbm>> -> memref<1x128xi32, #tpu.memory_space<hbm>>
        %dma_wait3A_418 = tpu.memref_squeeze %dma_wait3A_417 : memref<1x128xi32, #tpu.memory_space<hbm>> -> memref<128xi32, #tpu.memory_space<hbm>>
        tpu.wait_dma2 semaphore(%arg16 : memref<!tpu.dma_semaphore, #tpu.memory_space<semaphore_mem>>) src(%dma_wait3A_418 : memref<128xi32, #tpu.memory_space<hbm>>) dst(%dma_wait3A_415 : memref<128xi32, #tpu.memory_space<vmem>>)
        %add3A_419 = arith.constant 2 : i32
        %add3A_420 = arith.addi %add3A_331, %add3A_419 : i32
        %dma_start3A_421 = arith.constant 1 : i32
        %dma_start3A_422 = arith.constant 1 : i32
        %dma_start3A_423 = arith.constant 0 : i32
        %dma_start3A_424 = arith.constant 0 : i32
        %dma_start3A_425 = tpu.memref_slice %arg9[%dma_start3A_422, %dma_start3A_423, %dma_start3A_424] : memref<2x128x128xf32, #tpu.memory_space<vmem>> -> memref<1x128x128xf32, #tpu.memory_space<vmem>>
        %dma_start3A_426 = tpu.memref_squeeze %dma_start3A_425 : memref<1x128x128xf32, #tpu.memory_space<vmem>> -> memref<128x128xf32, #tpu.memory_space<vmem>>
        %dma_start3A_427 = arith.constant 0 : i32
        %dma_start3A_428 = tpu.memref_slice %arg7[%dma_start3A_421, %dma_start3A_427] : memref<4x128xi32, #tpu.memory_space<vmem>> -> memref<1x128xi32, #tpu.memory_space<vmem>>
        %dma_start3A_429 = tpu.memref_squeeze %dma_start3A_428 : memref<1x128xi32, #tpu.memory_space<vmem>> -> memref<128xi32, #tpu.memory_space<vmem>>
        %dma_start3A_430 = arith.constant 0 : i32
        %dma_start3A_431 = arith.constant 0 : i32
        %dma_start3A_432 = tpu.memref_slice %arg4[%dma_start3A_430, %dma_start3A_431] : memref<10000x128xf32, #tpu.memory_space<hbm>> -> memref<10000x128xf32, #tpu.memory_space<hbm>>
        tpu.enqueue_indirect_dma source(%dma_start3A_432 : memref<10000x128xf32, #tpu.memory_space<hbm>>) target(%dma_start3A_426 : memref<128x128xf32, #tpu.memory_space<vmem>>) offsets(%dma_start3A_429 : memref<128xi32, #tpu.memory_space<vmem>>) semaphore(%arg12 : memref<!tpu.dma_semaphore, #tpu.memory_space<semaphore_mem>>)
      } else {
      }
      %while3A_384 = arith.constant 0 : i32
      scf.yield %while3A_384 : i32
    }
    %while3A_136 = arith.constant 1 : i32
    %while3A_137 = scf.for %while3A_178 = %while3A_133 to %while3A_129 step %while3A_136 iter_args(%while3A_179 = %while3A_135) -> (i32)  : i32 {
      %mul3A_180 = arith.constant 4 : i32
      %mul3A_181 = arith.muli %while3A_178, %mul3A_180 : i32
      %add3A_182 = arith.constant 0 : i32
      %add3A_183 = arith.addi %mul3A_181, %add3A_182 : i32
      %dma_wait3A_184 = arith.constant 0 : i32
      %dma_wait3A_185 = arith.constant 0 : i32
      %dma_wait3A_186 = arith.constant 0 : i32
      %dma_wait3A_187 = tpu.memref_slice %arg9[%dma_wait3A_184, %dma_wait3A_185, %dma_wait3A_186] : memref<2x128x128xf32, #tpu.memory_space<vmem>> -> memref<1x128x128xf32, #tpu.memory_space<vmem>>
      %dma_wait3A_188 = tpu.memref_squeeze %dma_wait3A_187 : memref<1x128x128xf32, #tpu.memory_space<vmem>> -> memref<128x128xf32, #tpu.memory_space<vmem>>
      %dma_wait3A_189 = arith.constant 0 : i32
      %dma_wait3A_190 = arith.constant 0 : i32
      %dma_wait3A_191 = tpu.memref_slice %arg4[%dma_wait3A_189, %dma_wait3A_190] : memref<10000x128xf32, #tpu.memory_space<hbm>> -> memref<128x128xf32, #tpu.memory_space<hbm>>
      %dma_wait3A_192 = arith.constant 0 : i32
      %dma_wait3A_193 = arith.constant 0 : i32
      %dma_wait3A_194 = tpu.memref_slice %arg9[%dma_wait3A_184, %dma_wait3A_192, %dma_wait3A_193] : memref<2x128x128xf32, #tpu.memory_space<vmem>> -> memref<1x128x128xf32, #tpu.memory_space<vmem>>
      %dma_wait3A_195 = tpu.memref_squeeze %dma_wait3A_194 : memref<1x128x128xf32, #tpu.memory_space<vmem>> -> memref<128x128xf32, #tpu.memory_space<vmem>>
      %dma_wait3A_196 = arith.constant 0 : i32
      %dma_wait3A_197 = arith.constant 0 : i32
      %dma_wait3A_198 = tpu.memref_slice %arg4[%dma_wait3A_196, %dma_wait3A_197] : memref<10000x128xf32, #tpu.memory_space<hbm>> -> memref<128x128xf32, #tpu.memory_space<hbm>>
      tpu.wait_dma2 semaphore(%arg11 : memref<!tpu.dma_semaphore, #tpu.memory_space<semaphore_mem>>) src(%dma_wait3A_198 : memref<128x128xf32, #tpu.memory_space<hbm>>) dst(%dma_wait3A_195 : memref<128x128xf32, #tpu.memory_space<vmem>>)
      %add3A_199 = arith.constant 4 : i32
      %add3A_200 = arith.addi %add3A_183, %add3A_199 : i32
      %lt3A = arith.cmpi slt, %add3A_200, %select_n3A_10 : i32
      %convert_element_type3A = arith.extui %lt3A : i1 to i32
      %cond3A = arith.constant 0 : i32
      %cond3A_201 = arith.cmpi ne, %convert_element_type3A, %cond3A : i32
      scf.if %cond3A_201 {
        %add3A_385 = arith.addi %select_n3A, %add3A_183 : i32
        %add3A_386 = arith.constant 4 : i32
        %add3A_387 = arith.addi %add3A_385, %add3A_386 : i32
        %dma_start3A_388 = arith.constant 0 : i32
        %dma_start3A_389 = arith.constant 0 : i32
        %dma_start3A_390 = tpu.memref_slice %arg7[%dma_start3A_388, %dma_start3A_389] : memref<4x128xi32, #tpu.memory_space<vmem>> -> memref<1x128xi32, #tpu.memory_space<vmem>>
        %dma_start3A_391 = tpu.memref_squeeze %dma_start3A_390 : memref<1x128xi32, #tpu.memory_space<vmem>> -> memref<128xi32, #tpu.memory_space<vmem>>
        %dma_start3A_392 = arith.constant 0 : i32
        %dma_start3A_393 = tpu.memref_slice %arg2[%add3A_387, %dma_start3A_392] : memref<2560x128xi32, #tpu.memory_space<hbm>> -> memref<1x128xi32, #tpu.memory_space<hbm>>
        %dma_start3A_394 = tpu.memref_squeeze %dma_start3A_393 : memref<1x128xi32, #tpu.memory_space<hbm>> -> memref<128xi32, #tpu.memory_space<hbm>>
        %dma_start3A_395 = arith.constant 0 : i32
        %dma_start3A_396 = tpu.memref_slice %arg7[%dma_start3A_388, %dma_start3A_395] : memref<4x128xi32, #tpu.memory_space<vmem>> -> memref<1x128xi32, #tpu.memory_space<vmem>>
        %dma_start3A_397 = tpu.memref_squeeze %dma_start3A_396 : memref<1x128xi32, #tpu.memory_space<vmem>> -> memref<128xi32, #tpu.memory_space<vmem>>
        %dma_start3A_398 = arith.constant 0 : i32
        %dma_start3A_399 = tpu.memref_slice %arg2[%add3A_387, %dma_start3A_398] : memref<2560x128xi32, #tpu.memory_space<hbm>> -> memref<1x128xi32, #tpu.memory_space<hbm>>
        %dma_start3A_400 = tpu.memref_squeeze %dma_start3A_399 : memref<1x128xi32, #tpu.memory_space<hbm>> -> memref<128xi32, #tpu.memory_space<hbm>>
        tpu.enqueue_dma source(%dma_start3A_400 : memref<128xi32, #tpu.memory_space<hbm>>) target(%dma_start3A_397 : memref<128xi32, #tpu.memory_space<vmem>>) target_semaphore(%arg15 : memref<!tpu.dma_semaphore, #tpu.memory_space<semaphore_mem>>)
      } else {
      }
      %ge3A = arith.constant 4 : i32
      %ge3A_202 = arith.cmpi sge, %add3A_183, %ge3A : i32
      %convert_element_type3A_203 = arith.extui %ge3A_202 : i1 to i32
      %cond3A_204 = arith.constant 0 : i32
      %cond3A_205 = arith.cmpi ne, %convert_element_type3A_203, %cond3A_204 : i32
      scf.if %cond3A_205 {
        %dma_wait3A_385 = arith.constant 0 : i32
        %dma_wait3A_386 = arith.constant 0 : i32
        %dma_wait3A_387 = tpu.memref_slice %arg8[%dma_wait3A_385, %dma_wait3A_386] : memref<4x128xi32, #tpu.memory_space<vmem>> -> memref<1x128xi32, #tpu.memory_space<vmem>>
        %dma_wait3A_388 = tpu.memref_squeeze %dma_wait3A_387 : memref<1x128xi32, #tpu.memory_space<vmem>> -> memref<128xi32, #tpu.memory_space<vmem>>
        %dma_wait3A_389 = arith.constant 0 : i32
        %dma_wait3A_390 = tpu.memref_slice %arg3[%select_n3A, %dma_wait3A_389] : memref<2560x128xi32, #tpu.memory_space<hbm>> -> memref<1x128xi32, #tpu.memory_space<hbm>>
        %dma_wait3A_391 = tpu.memref_squeeze %dma_wait3A_390 : memref<1x128xi32, #tpu.memory_space<hbm>> -> memref<128xi32, #tpu.memory_space<hbm>>
        %dma_wait3A_392 = arith.constant 0 : i32
        %dma_wait3A_393 = tpu.memref_slice %arg8[%dma_wait3A_385, %dma_wait3A_392] : memref<4x128xi32, #tpu.memory_space<vmem>> -> memref<1x128xi32, #tpu.memory_space<vmem>>
        %dma_wait3A_394 = tpu.memref_squeeze %dma_wait3A_393 : memref<1x128xi32, #tpu.memory_space<vmem>> -> memref<128xi32, #tpu.memory_space<vmem>>
        %dma_wait3A_395 = arith.constant 0 : i32
        %dma_wait3A_396 = tpu.memref_slice %arg3[%select_n3A, %dma_wait3A_395] : memref<2560x128xi32, #tpu.memory_space<hbm>> -> memref<1x128xi32, #tpu.memory_space<hbm>>
        %dma_wait3A_397 = tpu.memref_squeeze %dma_wait3A_396 : memref<1x128xi32, #tpu.memory_space<hbm>> -> memref<128xi32, #tpu.memory_space<hbm>>
        tpu.wait_dma2 semaphore(%arg19 : memref<!tpu.dma_semaphore, #tpu.memory_space<semaphore_mem>>) src(%dma_wait3A_397 : memref<128xi32, #tpu.memory_space<hbm>>) dst(%dma_wait3A_394 : memref<128xi32, #tpu.memory_space<vmem>>)
      } else {
      }
      %dma_start3A_206 = arith.constant 0 : i32
      %dma_start3A_207 = arith.constant 0 : i32
      %dma_start3A_208 = arith.constant 0 : i32
      %dma_start3A_209 = arith.constant 0 : i32
      %dma_start3A_210 = tpu.memref_slice %arg9[%dma_start3A_206, %dma_start3A_208, %dma_start3A_209] : memref<2x128x128xf32, #tpu.memory_space<vmem>> -> memref<1x128x128xf32, #tpu.memory_space<vmem>>
      %dma_start3A_211 = tpu.memref_squeeze %dma_start3A_210 : memref<1x128x128xf32, #tpu.memory_space<vmem>> -> memref<128x128xf32, #tpu.memory_space<vmem>>
      %dma_start3A_212 = arith.constant 0 : i32
      %dma_start3A_213 = tpu.memref_slice %arg8[%dma_start3A_207, %dma_start3A_212] : memref<4x128xi32, #tpu.memory_space<vmem>> -> memref<1x128xi32, #tpu.memory_space<vmem>>
      %dma_start3A_214 = tpu.memref_squeeze %dma_start3A_213 : memref<1x128xi32, #tpu.memory_space<vmem>> -> memref<128xi32, #tpu.memory_space<vmem>>
      %dma_start3A_215 = arith.constant 0 : i32
      %dma_start3A_216 = arith.constant 0 : i32
      %dma_start3A_217 = tpu.memref_slice %arg10[%dma_start3A_215, %dma_start3A_216] : memref<10240x128xf32, #tpu.memory_space<vmem_shared>> -> memref<10240x128xf32, #tpu.memory_space<vmem_shared>>
      tpu.enqueue_indirect_dma source(%dma_start3A_211 : memref<128x128xf32, #tpu.memory_space<vmem>>) target(%dma_start3A_217 : memref<10240x128xf32, #tpu.memory_space<vmem_shared>>) offsets(%dma_start3A_214 : memref<128xi32, #tpu.memory_space<vmem>>) semaphore(%arg13 : memref<!tpu.dma_semaphore, #tpu.memory_space<semaphore_mem>>) {add = true}
      %add3A_218 = arith.constant 2 : i32
      %add3A_219 = arith.addi %add3A_183, %add3A_218 : i32
      %lt3A_220 = arith.cmpi slt, %add3A_219, %select_n3A_10 : i32
      %convert_element_type3A_221 = arith.extui %lt3A_220 : i1 to i32
      %cond3A_222 = arith.constant 0 : i32
      %cond3A_223 = arith.cmpi ne, %convert_element_type3A_221, %cond3A_222 : i32
      scf.if %cond3A_223 {
        %dma_wait3A_385 = arith.constant 0 : i32
        %dma_wait3A_386 = arith.constant 0 : i32
        %dma_wait3A_387 = arith.constant 0 : i32
        %dma_wait3A_388 = tpu.memref_slice %arg9[%dma_wait3A_385, %dma_wait3A_386, %dma_wait3A_387] : memref<2x128x128xf32, #tpu.memory_space<vmem>> -> memref<1x128x128xf32, #tpu.memory_space<vmem>>
        %dma_wait3A_389 = tpu.memref_squeeze %dma_wait3A_388 : memref<1x128x128xf32, #tpu.memory_space<vmem>> -> memref<128x128xf32, #tpu.memory_space<vmem>>
        %dma_wait3A_390 = arith.constant 0 : i32
        %dma_wait3A_391 = arith.constant 0 : i32
        %dma_wait3A_392 = tpu.memref_slice %arg4[%dma_wait3A_390, %dma_wait3A_391] : memref<10000x128xf32, #tpu.memory_space<hbm>> -> memref<128x128xf32, #tpu.memory_space<hbm>>
        %dma_wait3A_393 = arith.constant 0 : i32
        %dma_wait3A_394 = arith.constant 0 : i32
        %dma_wait3A_395 = tpu.memref_slice %arg9[%dma_wait3A_385, %dma_wait3A_393, %dma_wait3A_394] : memref<2x128x128xf32, #tpu.memory_space<vmem>> -> memref<1x128x128xf32, #tpu.memory_space<vmem>>
        %dma_wait3A_396 = tpu.memref_squeeze %dma_wait3A_395 : memref<1x128x128xf32, #tpu.memory_space<vmem>> -> memref<128x128xf32, #tpu.memory_space<vmem>>
        %dma_wait3A_397 = arith.constant 0 : i32
        %dma_wait3A_398 = arith.constant 0 : i32
        %dma_wait3A_399 = tpu.memref_slice %arg4[%dma_wait3A_397, %dma_wait3A_398] : memref<10000x128xf32, #tpu.memory_space<hbm>> -> memref<128x128xf32, #tpu.memory_space<hbm>>
        tpu.wait_dma2 semaphore(%arg13 : memref<!tpu.dma_semaphore, #tpu.memory_space<semaphore_mem>>) src(%dma_wait3A_399 : memref<128x128xf32, #tpu.memory_space<hbm>>) dst(%dma_wait3A_396 : memref<128x128xf32, #tpu.memory_space<vmem>>)
        %add3A_400 = arith.constant 4 : i32
        %add3A_401 = arith.addi %add3A_183, %add3A_400 : i32
        %lt3A_402 = arith.cmpi slt, %add3A_401, %select_n3A_10 : i32
        %convert_element_type3A_403 = arith.extui %lt3A_402 : i1 to i32
        %cond3A_404 = arith.constant 0 : i32
        %cond3A_405 = arith.cmpi ne, %convert_element_type3A_403, %cond3A_404 : i32
        scf.if %cond3A_405 {
          %add3A_433 = arith.addi %select_n3A, %add3A_183 : i32
          %add3A_434 = arith.constant 4 : i32
          %add3A_435 = arith.addi %add3A_433, %add3A_434 : i32
          %dma_start3A_436 = arith.constant 0 : i32
          %dma_start3A_437 = arith.constant 0 : i32
          %dma_start3A_438 = tpu.memref_slice %arg8[%dma_start3A_436, %dma_start3A_437] : memref<4x128xi32, #tpu.memory_space<vmem>> -> memref<1x128xi32, #tpu.memory_space<vmem>>
          %dma_start3A_439 = tpu.memref_squeeze %dma_start3A_438 : memref<1x128xi32, #tpu.memory_space<vmem>> -> memref<128xi32, #tpu.memory_space<vmem>>
          %dma_start3A_440 = arith.constant 0 : i32
          %dma_start3A_441 = tpu.memref_slice %arg3[%add3A_435, %dma_start3A_440] : memref<2560x128xi32, #tpu.memory_space<hbm>> -> memref<1x128xi32, #tpu.memory_space<hbm>>
          %dma_start3A_442 = tpu.memref_squeeze %dma_start3A_441 : memref<1x128xi32, #tpu.memory_space<hbm>> -> memref<128xi32, #tpu.memory_space<hbm>>
          %dma_start3A_443 = arith.constant 0 : i32
          %dma_start3A_444 = tpu.memref_slice %arg8[%dma_start3A_436, %dma_start3A_443] : memref<4x128xi32, #tpu.memory_space<vmem>> -> memref<1x128xi32, #tpu.memory_space<vmem>>
          %dma_start3A_445 = tpu.memref_squeeze %dma_start3A_444 : memref<1x128xi32, #tpu.memory_space<vmem>> -> memref<128xi32, #tpu.memory_space<vmem>>
          %dma_start3A_446 = arith.constant 0 : i32
          %dma_start3A_447 = tpu.memref_slice %arg3[%add3A_435, %dma_start3A_446] : memref<2560x128xi32, #tpu.memory_space<hbm>> -> memref<1x128xi32, #tpu.memory_space<hbm>>
          %dma_start3A_448 = tpu.memref_squeeze %dma_start3A_447 : memref<1x128xi32, #tpu.memory_space<hbm>> -> memref<128xi32, #tpu.memory_space<hbm>>
          tpu.enqueue_dma source(%dma_start3A_448 : memref<128xi32, #tpu.memory_space<hbm>>) target(%dma_start3A_445 : memref<128xi32, #tpu.memory_space<vmem>>) target_semaphore(%arg19 : memref<!tpu.dma_semaphore, #tpu.memory_space<semaphore_mem>>)
        } else {
        }
        %dma_wait3A_406 = arith.constant 2 : i32
        %dma_wait3A_407 = arith.constant 0 : i32
        %dma_wait3A_408 = tpu.memref_slice %arg7[%dma_wait3A_406, %dma_wait3A_407] : memref<4x128xi32, #tpu.memory_space<vmem>> -> memref<1x128xi32, #tpu.memory_space<vmem>>
        %dma_wait3A_409 = tpu.memref_squeeze %dma_wait3A_408 : memref<1x128xi32, #tpu.memory_space<vmem>> -> memref<128xi32, #tpu.memory_space<vmem>>
        %dma_wait3A_410 = arith.constant 0 : i32
        %dma_wait3A_411 = tpu.memref_slice %arg2[%select_n3A, %dma_wait3A_410] : memref<2560x128xi32, #tpu.memory_space<hbm>> -> memref<1x128xi32, #tpu.memory_space<hbm>>
        %dma_wait3A_412 = tpu.memref_squeeze %dma_wait3A_411 : memref<1x128xi32, #tpu.memory_space<hbm>> -> memref<128xi32, #tpu.memory_space<hbm>>
        %dma_wait3A_413 = arith.constant 0 : i32
        %dma_wait3A_414 = tpu.memref_slice %arg7[%dma_wait3A_406, %dma_wait3A_413] : memref<4x128xi32, #tpu.memory_space<vmem>> -> memref<1x128xi32, #tpu.memory_space<vmem>>
        %dma_wait3A_415 = tpu.memref_squeeze %dma_wait3A_414 : memref<1x128xi32, #tpu.memory_space<vmem>> -> memref<128xi32, #tpu.memory_space<vmem>>
        %dma_wait3A_416 = arith.constant 0 : i32
        %dma_wait3A_417 = tpu.memref_slice %arg2[%select_n3A, %dma_wait3A_416] : memref<2560x128xi32, #tpu.memory_space<hbm>> -> memref<1x128xi32, #tpu.memory_space<hbm>>
        %dma_wait3A_418 = tpu.memref_squeeze %dma_wait3A_417 : memref<1x128xi32, #tpu.memory_space<hbm>> -> memref<128xi32, #tpu.memory_space<hbm>>
        tpu.wait_dma2 semaphore(%arg17 : memref<!tpu.dma_semaphore, #tpu.memory_space<semaphore_mem>>) src(%dma_wait3A_418 : memref<128xi32, #tpu.memory_space<hbm>>) dst(%dma_wait3A_415 : memref<128xi32, #tpu.memory_space<vmem>>)
        %add3A_419 = arith.constant 2 : i32
        %add3A_420 = arith.addi %add3A_183, %add3A_419 : i32
        %dma_start3A_421 = arith.constant 2 : i32
        %dma_start3A_422 = arith.constant 0 : i32
        %dma_start3A_423 = arith.constant 0 : i32
        %dma_start3A_424 = arith.constant 0 : i32
        %dma_start3A_425 = tpu.memref_slice %arg9[%dma_start3A_422, %dma_start3A_423, %dma_start3A_424] : memref<2x128x128xf32, #tpu.memory_space<vmem>> -> memref<1x128x128xf32, #tpu.memory_space<vmem>>
        %dma_start3A_426 = tpu.memref_squeeze %dma_start3A_425 : memref<1x128x128xf32, #tpu.memory_space<vmem>> -> memref<128x128xf32, #tpu.memory_space<vmem>>
        %dma_start3A_427 = arith.constant 0 : i32
        %dma_start3A_428 = tpu.memref_slice %arg7[%dma_start3A_421, %dma_start3A_427] : memref<4x128xi32, #tpu.memory_space<vmem>> -> memref<1x128xi32, #tpu.memory_space<vmem>>
        %dma_start3A_429 = tpu.memref_squeeze %dma_start3A_428 : memref<1x128xi32, #tpu.memory_space<vmem>> -> memref<128xi32, #tpu.memory_space<vmem>>
        %dma_start3A_430 = arith.constant 0 : i32
        %dma_start3A_431 = arith.constant 0 : i32
        %dma_start3A_432 = tpu.memref_slice %arg4[%dma_start3A_430, %dma_start3A_431] : memref<10000x128xf32, #tpu.memory_space<hbm>> -> memref<10000x128xf32, #tpu.memory_space<hbm>>
        tpu.enqueue_indirect_dma source(%dma_start3A_432 : memref<10000x128xf32, #tpu.memory_space<hbm>>) target(%dma_start3A_426 : memref<128x128xf32, #tpu.memory_space<vmem>>) offsets(%dma_start3A_429 : memref<128xi32, #tpu.memory_space<vmem>>) semaphore(%arg11 : memref<!tpu.dma_semaphore, #tpu.memory_space<semaphore_mem>>)
      } else {
      }
      %mul3A_224 = arith.constant 4 : i32
      %mul3A_225 = arith.muli %while3A_178, %mul3A_224 : i32
      %add3A_226 = arith.constant 1 : i32
      %add3A_227 = arith.addi %mul3A_225, %add3A_226 : i32
      %dma_wait3A_228 = arith.constant 1 : i32
      %dma_wait3A_229 = arith.constant 0 : i32
      %dma_wait3A_230 = arith.constant 0 : i32
      %dma_wait3A_231 = tpu.memref_slice %arg9[%dma_wait3A_228, %dma_wait3A_229, %dma_wait3A_230] : memref<2x128x128xf32, #tpu.memory_space<vmem>> -> memref<1x128x128xf32, #tpu.memory_space<vmem>>
      %dma_wait3A_232 = tpu.memref_squeeze %dma_wait3A_231 : memref<1x128x128xf32, #tpu.memory_space<vmem>> -> memref<128x128xf32, #tpu.memory_space<vmem>>
      %dma_wait3A_233 = arith.constant 0 : i32
      %dma_wait3A_234 = arith.constant 0 : i32
      %dma_wait3A_235 = tpu.memref_slice %arg4[%dma_wait3A_233, %dma_wait3A_234] : memref<10000x128xf32, #tpu.memory_space<hbm>> -> memref<128x128xf32, #tpu.memory_space<hbm>>
      %dma_wait3A_236 = arith.constant 0 : i32
      %dma_wait3A_237 = arith.constant 0 : i32
      %dma_wait3A_238 = tpu.memref_slice %arg9[%dma_wait3A_228, %dma_wait3A_236, %dma_wait3A_237] : memref<2x128x128xf32, #tpu.memory_space<vmem>> -> memref<1x128x128xf32, #tpu.memory_space<vmem>>
      %dma_wait3A_239 = tpu.memref_squeeze %dma_wait3A_238 : memref<1x128x128xf32, #tpu.memory_space<vmem>> -> memref<128x128xf32, #tpu.memory_space<vmem>>
      %dma_wait3A_240 = arith.constant 0 : i32
      %dma_wait3A_241 = arith.constant 0 : i32
      %dma_wait3A_242 = tpu.memref_slice %arg4[%dma_wait3A_240, %dma_wait3A_241] : memref<10000x128xf32, #tpu.memory_space<hbm>> -> memref<128x128xf32, #tpu.memory_space<hbm>>
      tpu.wait_dma2 semaphore(%arg12 : memref<!tpu.dma_semaphore, #tpu.memory_space<semaphore_mem>>) src(%dma_wait3A_242 : memref<128x128xf32, #tpu.memory_space<hbm>>) dst(%dma_wait3A_239 : memref<128x128xf32, #tpu.memory_space<vmem>>)
      %add3A_243 = arith.constant 4 : i32
      %add3A_244 = arith.addi %add3A_227, %add3A_243 : i32
      %lt3A_245 = arith.cmpi slt, %add3A_244, %select_n3A_10 : i32
      %convert_element_type3A_246 = arith.extui %lt3A_245 : i1 to i32
      %cond3A_247 = arith.constant 0 : i32
      %cond3A_248 = arith.cmpi ne, %convert_element_type3A_246, %cond3A_247 : i32
      scf.if %cond3A_248 {
        %add3A_385 = arith.addi %select_n3A, %add3A_227 : i32
        %add3A_386 = arith.constant 4 : i32
        %add3A_387 = arith.addi %add3A_385, %add3A_386 : i32
        %dma_start3A_388 = arith.constant 1 : i32
        %dma_start3A_389 = arith.constant 0 : i32
        %dma_start3A_390 = tpu.memref_slice %arg7[%dma_start3A_388, %dma_start3A_389] : memref<4x128xi32, #tpu.memory_space<vmem>> -> memref<1x128xi32, #tpu.memory_space<vmem>>
        %dma_start3A_391 = tpu.memref_squeeze %dma_start3A_390 : memref<1x128xi32, #tpu.memory_space<vmem>> -> memref<128xi32, #tpu.memory_space<vmem>>
        %dma_start3A_392 = arith.constant 0 : i32
        %dma_start3A_393 = tpu.memref_slice %arg2[%add3A_387, %dma_start3A_392] : memref<2560x128xi32, #tpu.memory_space<hbm>> -> memref<1x128xi32, #tpu.memory_space<hbm>>
        %dma_start3A_394 = tpu.memref_squeeze %dma_start3A_393 : memref<1x128xi32, #tpu.memory_space<hbm>> -> memref<128xi32, #tpu.memory_space<hbm>>
        %dma_start3A_395 = arith.constant 0 : i32
        %dma_start3A_396 = tpu.memref_slice %arg7[%dma_start3A_388, %dma_start3A_395] : memref<4x128xi32, #tpu.memory_space<vmem>> -> memref<1x128xi32, #tpu.memory_space<vmem>>
        %dma_start3A_397 = tpu.memref_squeeze %dma_start3A_396 : memref<1x128xi32, #tpu.memory_space<vmem>> -> memref<128xi32, #tpu.memory_space<vmem>>
        %dma_start3A_398 = arith.constant 0 : i32
        %dma_start3A_399 = tpu.memref_slice %arg2[%add3A_387, %dma_start3A_398] : memref<2560x128xi32, #tpu.memory_space<hbm>> -> memref<1x128xi32, #tpu.memory_space<hbm>>
        %dma_start3A_400 = tpu.memref_squeeze %dma_start3A_399 : memref<1x128xi32, #tpu.memory_space<hbm>> -> memref<128xi32, #tpu.memory_space<hbm>>
        tpu.enqueue_dma source(%dma_start3A_400 : memref<128xi32, #tpu.memory_space<hbm>>) target(%dma_start3A_397 : memref<128xi32, #tpu.memory_space<vmem>>) target_semaphore(%arg16 : memref<!tpu.dma_semaphore, #tpu.memory_space<semaphore_mem>>)
      } else {
      }
      %ge3A_249 = arith.constant 4 : i32
      %ge3A_250 = arith.cmpi sge, %add3A_227, %ge3A_249 : i32
      %convert_element_type3A_251 = arith.extui %ge3A_250 : i1 to i32
      %cond3A_252 = arith.constant 0 : i32
      %cond3A_253 = arith.cmpi ne, %convert_element_type3A_251, %cond3A_252 : i32
      scf.if %cond3A_253 {
        %dma_wait3A_385 = arith.constant 1 : i32
        %dma_wait3A_386 = arith.constant 0 : i32
        %dma_wait3A_387 = tpu.memref_slice %arg8[%dma_wait3A_385, %dma_wait3A_386] : memref<4x128xi32, #tpu.memory_space<vmem>> -> memref<1x128xi32, #tpu.memory_space<vmem>>
        %dma_wait3A_388 = tpu.memref_squeeze %dma_wait3A_387 : memref<1x128xi32, #tpu.memory_space<vmem>> -> memref<128xi32, #tpu.memory_space<vmem>>
        %dma_wait3A_389 = arith.constant 0 : i32
        %dma_wait3A_390 = tpu.memref_slice %arg3[%select_n3A, %dma_wait3A_389] : memref<2560x128xi32, #tpu.memory_space<hbm>> -> memref<1x128xi32, #tpu.memory_space<hbm>>
        %dma_wait3A_391 = tpu.memref_squeeze %dma_wait3A_390 : memref<1x128xi32, #tpu.memory_space<hbm>> -> memref<128xi32, #tpu.memory_space<hbm>>
        %dma_wait3A_392 = arith.constant 0 : i32
        %dma_wait3A_393 = tpu.memref_slice %arg8[%dma_wait3A_385, %dma_wait3A_392] : memref<4x128xi32, #tpu.memory_space<vmem>> -> memref<1x128xi32, #tpu.memory_space<vmem>>
        %dma_wait3A_394 = tpu.memref_squeeze %dma_wait3A_393 : memref<1x128xi32, #tpu.memory_space<vmem>> -> memref<128xi32, #tpu.memory_space<vmem>>
        %dma_wait3A_395 = arith.constant 0 : i32
        %dma_wait3A_396 = tpu.memref_slice %arg3[%select_n3A, %dma_wait3A_395] : memref<2560x128xi32, #tpu.memory_space<hbm>> -> memref<1x128xi32, #tpu.memory_space<hbm>>
        %dma_wait3A_397 = tpu.memref_squeeze %dma_wait3A_396 : memref<1x128xi32, #tpu.memory_space<hbm>> -> memref<128xi32, #tpu.memory_space<hbm>>
        tpu.wait_dma2 semaphore(%arg20 : memref<!tpu.dma_semaphore, #tpu.memory_space<semaphore_mem>>) src(%dma_wait3A_397 : memref<128xi32, #tpu.memory_space<hbm>>) dst(%dma_wait3A_394 : memref<128xi32, #tpu.memory_space<vmem>>)
      } else {
      }
      %dma_start3A_254 = arith.constant 1 : i32
      %dma_start3A_255 = arith.constant 1 : i32
      %dma_start3A_256 = arith.constant 0 : i32
      %dma_start3A_257 = arith.constant 0 : i32
      %dma_start3A_258 = tpu.memref_slice %arg9[%dma_start3A_254, %dma_start3A_256, %dma_start3A_257] : memref<2x128x128xf32, #tpu.memory_space<vmem>> -> memref<1x128x128xf32, #tpu.memory_space<vmem>>
      %dma_start3A_259 = tpu.memref_squeeze %dma_start3A_258 : memref<1x128x128xf32, #tpu.memory_space<vmem>> -> memref<128x128xf32, #tpu.memory_space<vmem>>
      %dma_start3A_260 = arith.constant 0 : i32
      %dma_start3A_261 = tpu.memref_slice %arg8[%dma_start3A_255, %dma_start3A_260] : memref<4x128xi32, #tpu.memory_space<vmem>> -> memref<1x128xi32, #tpu.memory_space<vmem>>
      %dma_start3A_262 = tpu.memref_squeeze %dma_start3A_261 : memref<1x128xi32, #tpu.memory_space<vmem>> -> memref<128xi32, #tpu.memory_space<vmem>>
      %dma_start3A_263 = arith.constant 0 : i32
      %dma_start3A_264 = arith.constant 0 : i32
      %dma_start3A_265 = tpu.memref_slice %arg10[%dma_start3A_263, %dma_start3A_264] : memref<10240x128xf32, #tpu.memory_space<vmem_shared>> -> memref<10240x128xf32, #tpu.memory_space<vmem_shared>>
      tpu.enqueue_indirect_dma source(%dma_start3A_259 : memref<128x128xf32, #tpu.memory_space<vmem>>) target(%dma_start3A_265 : memref<10240x128xf32, #tpu.memory_space<vmem_shared>>) offsets(%dma_start3A_262 : memref<128xi32, #tpu.memory_space<vmem>>) semaphore(%arg14 : memref<!tpu.dma_semaphore, #tpu.memory_space<semaphore_mem>>) {add = true}
      %add3A_266 = arith.constant 2 : i32
      %add3A_267 = arith.addi %add3A_227, %add3A_266 : i32
      %lt3A_268 = arith.cmpi slt, %add3A_267, %select_n3A_10 : i32
      %convert_element_type3A_269 = arith.extui %lt3A_268 : i1 to i32
      %cond3A_270 = arith.constant 0 : i32
      %cond3A_271 = arith.cmpi ne, %convert_element_type3A_269, %cond3A_270 : i32
      scf.if %cond3A_271 {
        %dma_wait3A_385 = arith.constant 1 : i32
        %dma_wait3A_386 = arith.constant 0 : i32
        %dma_wait3A_387 = arith.constant 0 : i32
        %dma_wait3A_388 = tpu.memref_slice %arg9[%dma_wait3A_385, %dma_wait3A_386, %dma_wait3A_387] : memref<2x128x128xf32, #tpu.memory_space<vmem>> -> memref<1x128x128xf32, #tpu.memory_space<vmem>>
        %dma_wait3A_389 = tpu.memref_squeeze %dma_wait3A_388 : memref<1x128x128xf32, #tpu.memory_space<vmem>> -> memref<128x128xf32, #tpu.memory_space<vmem>>
        %dma_wait3A_390 = arith.constant 0 : i32
        %dma_wait3A_391 = arith.constant 0 : i32
        %dma_wait3A_392 = tpu.memref_slice %arg4[%dma_wait3A_390, %dma_wait3A_391] : memref<10000x128xf32, #tpu.memory_space<hbm>> -> memref<128x128xf32, #tpu.memory_space<hbm>>
        %dma_wait3A_393 = arith.constant 0 : i32
        %dma_wait3A_394 = arith.constant 0 : i32
        %dma_wait3A_395 = tpu.memref_slice %arg9[%dma_wait3A_385, %dma_wait3A_393, %dma_wait3A_394] : memref<2x128x128xf32, #tpu.memory_space<vmem>> -> memref<1x128x128xf32, #tpu.memory_space<vmem>>
        %dma_wait3A_396 = tpu.memref_squeeze %dma_wait3A_395 : memref<1x128x128xf32, #tpu.memory_space<vmem>> -> memref<128x128xf32, #tpu.memory_space<vmem>>
        %dma_wait3A_397 = arith.constant 0 : i32
        %dma_wait3A_398 = arith.constant 0 : i32
        %dma_wait3A_399 = tpu.memref_slice %arg4[%dma_wait3A_397, %dma_wait3A_398] : memref<10000x128xf32, #tpu.memory_space<hbm>> -> memref<128x128xf32, #tpu.memory_space<hbm>>
        tpu.wait_dma2 semaphore(%arg14 : memref<!tpu.dma_semaphore, #tpu.memory_space<semaphore_mem>>) src(%dma_wait3A_399 : memref<128x128xf32, #tpu.memory_space<hbm>>) dst(%dma_wait3A_396 : memref<128x128xf32, #tpu.memory_space<vmem>>)
        %add3A_400 = arith.constant 4 : i32
        %add3A_401 = arith.addi %add3A_227, %add3A_400 : i32
        %lt3A_402 = arith.cmpi slt, %add3A_401, %select_n3A_10 : i32
        %convert_element_type3A_403 = arith.extui %lt3A_402 : i1 to i32
        %cond3A_404 = arith.constant 0 : i32
        %cond3A_405 = arith.cmpi ne, %convert_element_type3A_403, %cond3A_404 : i32
        scf.if %cond3A_405 {
          %add3A_433 = arith.addi %select_n3A, %add3A_227 : i32
          %add3A_434 = arith.constant 4 : i32
          %add3A_435 = arith.addi %add3A_433, %add3A_434 : i32
          %dma_start3A_436 = arith.constant 1 : i32
          %dma_start3A_437 = arith.constant 0 : i32
          %dma_start3A_438 = tpu.memref_slice %arg8[%dma_start3A_436, %dma_start3A_437] : memref<4x128xi32, #tpu.memory_space<vmem>> -> memref<1x128xi32, #tpu.memory_space<vmem>>
          %dma_start3A_439 = tpu.memref_squeeze %dma_start3A_438 : memref<1x128xi32, #tpu.memory_space<vmem>> -> memref<128xi32, #tpu.memory_space<vmem>>
          %dma_start3A_440 = arith.constant 0 : i32
          %dma_start3A_441 = tpu.memref_slice %arg3[%add3A_435, %dma_start3A_440] : memref<2560x128xi32, #tpu.memory_space<hbm>> -> memref<1x128xi32, #tpu.memory_space<hbm>>
          %dma_start3A_442 = tpu.memref_squeeze %dma_start3A_441 : memref<1x128xi32, #tpu.memory_space<hbm>> -> memref<128xi32, #tpu.memory_space<hbm>>
          %dma_start3A_443 = arith.constant 0 : i32
          %dma_start3A_444 = tpu.memref_slice %arg8[%dma_start3A_436, %dma_start3A_443] : memref<4x128xi32, #tpu.memory_space<vmem>> -> memref<1x128xi32, #tpu.memory_space<vmem>>
          %dma_start3A_445 = tpu.memref_squeeze %dma_start3A_444 : memref<1x128xi32, #tpu.memory_space<vmem>> -> memref<128xi32, #tpu.memory_space<vmem>>
          %dma_start3A_446 = arith.constant 0 : i32
          %dma_start3A_447 = tpu.memref_slice %arg3[%add3A_435, %dma_start3A_446] : memref<2560x128xi32, #tpu.memory_space<hbm>> -> memref<1x128xi32, #tpu.memory_space<hbm>>
          %dma_start3A_448 = tpu.memref_squeeze %dma_start3A_447 : memref<1x128xi32, #tpu.memory_space<hbm>> -> memref<128xi32, #tpu.memory_space<hbm>>
          tpu.enqueue_dma source(%dma_start3A_448 : memref<128xi32, #tpu.memory_space<hbm>>) target(%dma_start3A_445 : memref<128xi32, #tpu.memory_space<vmem>>) target_semaphore(%arg20 : memref<!tpu.dma_semaphore, #tpu.memory_space<semaphore_mem>>)
        } else {
        }
        %dma_wait3A_406 = arith.constant 3 : i32
        %dma_wait3A_407 = arith.constant 0 : i32
        %dma_wait3A_408 = tpu.memref_slice %arg7[%dma_wait3A_406, %dma_wait3A_407] : memref<4x128xi32, #tpu.memory_space<vmem>> -> memref<1x128xi32, #tpu.memory_space<vmem>>
        %dma_wait3A_409 = tpu.memref_squeeze %dma_wait3A_408 : memref<1x128xi32, #tpu.memory_space<vmem>> -> memref<128xi32, #tpu.memory_space<vmem>>
        %dma_wait3A_410 = arith.constant 0 : i32
        %dma_wait3A_411 = tpu.memref_slice %arg2[%select_n3A, %dma_wait3A_410] : memref<2560x128xi32, #tpu.memory_space<hbm>> -> memref<1x128xi32, #tpu.memory_space<hbm>>
        %dma_wait3A_412 = tpu.memref_squeeze %dma_wait3A_411 : memref<1x128xi32, #tpu.memory_space<hbm>> -> memref<128xi32, #tpu.memory_space<hbm>>
        %dma_wait3A_413 = arith.constant 0 : i32
        %dma_wait3A_414 = tpu.memref_slice %arg7[%dma_wait3A_406, %dma_wait3A_413] : memref<4x128xi32, #tpu.memory_space<vmem>> -> memref<1x128xi32, #tpu.memory_space<vmem>>
        %dma_wait3A_415 = tpu.memref_squeeze %dma_wait3A_414 : memref<1x128xi32, #tpu.memory_space<vmem>> -> memref<128xi32, #tpu.memory_space<vmem>>
        %dma_wait3A_416 = arith.constant 0 : i32
        %dma_wait3A_417 = tpu.memref_slice %arg2[%select_n3A, %dma_wait3A_416] : memref<2560x128xi32, #tpu.memory_space<hbm>> -> memref<1x128xi32, #tpu.memory_space<hbm>>
        %dma_wait3A_418 = tpu.memref_squeeze %dma_wait3A_417 : memref<1x128xi32, #tpu.memory_space<hbm>> -> memref<128xi32, #tpu.memory_space<hbm>>
        tpu.wait_dma2 semaphore(%arg18 : memref<!tpu.dma_semaphore, #tpu.memory_space<semaphore_mem>>) src(%dma_wait3A_418 : memref<128xi32, #tpu.memory_space<hbm>>) dst(%dma_wait3A_415 : memref<128xi32, #tpu.memory_space<vmem>>)
        %add3A_419 = arith.constant 2 : i32
        %add3A_420 = arith.addi %add3A_227, %add3A_419 : i32
        %dma_start3A_421 = arith.constant 3 : i32
        %dma_start3A_422 = arith.constant 1 : i32
        %dma_start3A_423 = arith.constant 0 : i32
        %dma_start3A_424 = arith.constant 0 : i32
        %dma_start3A_425 = tpu.memref_slice %arg9[%dma_start3A_422, %dma_start3A_423, %dma_start3A_424] : memref<2x128x128xf32, #tpu.memory_space<vmem>> -> memref<1x128x128xf32, #tpu.memory_space<vmem>>
        %dma_start3A_426 = tpu.memref_squeeze %dma_start3A_425 : memref<1x128x128xf32, #tpu.memory_space<vmem>> -> memref<128x128xf32, #tpu.memory_space<vmem>>
        %dma_start3A_427 = arith.constant 0 : i32
        %dma_start3A_428 = tpu.memref_slice %arg7[%dma_start3A_421, %dma_start3A_427] : memref<4x128xi32, #tpu.memory_space<vmem>> -> memref<1x128xi32, #tpu.memory_space<vmem>>
        %dma_start3A_429 = tpu.memref_squeeze %dma_start3A_428 : memref<1x128xi32, #tpu.memory_space<vmem>> -> memref<128xi32, #tpu.memory_space<vmem>>
        %dma_start3A_430 = arith.constant 0 : i32
        %dma_start3A_431 = arith.constant 0 : i32
        %dma_start3A_432 = tpu.memref_slice %arg4[%dma_start3A_430, %dma_start3A_431] : memref<10000x128xf32, #tpu.memory_space<hbm>> -> memref<10000x128xf32, #tpu.memory_space<hbm>>
        tpu.enqueue_indirect_dma source(%dma_start3A_432 : memref<10000x128xf32, #tpu.memory_space<hbm>>) target(%dma_start3A_426 : memref<128x128xf32, #tpu.memory_space<vmem>>) offsets(%dma_start3A_429 : memref<128xi32, #tpu.memory_space<vmem>>) semaphore(%arg12 : memref<!tpu.dma_semaphore, #tpu.memory_space<semaphore_mem>>)
      } else {
      }
      %mul3A_272 = arith.constant 4 : i32
      %mul3A_273 = arith.muli %while3A_178, %mul3A_272 : i32
      %add3A_274 = arith.constant 2 : i32
      %add3A_275 = arith.addi %mul3A_273, %add3A_274 : i32
      %dma_wait3A_276 = arith.constant 0 : i32
      %dma_wait3A_277 = arith.constant 0 : i32
      %dma_wait3A_278 = arith.constant 0 : i32
      %dma_wait3A_279 = tpu.memref_slice %arg9[%dma_wait3A_276, %dma_wait3A_277, %dma_wait3A_278] : memref<2x128x128xf32, #tpu.memory_space<vmem>> -> memref<1x128x128xf32, #tpu.memory_space<vmem>>
      %dma_wait3A_280 = tpu.memref_squeeze %dma_wait3A_279 : memref<1x128x128xf32, #tpu.memory_space<vmem>> -> memref<128x128xf32, #tpu.memory_space<vmem>>
      %dma_wait3A_281 = arith.constant 0 : i32
      %dma_wait3A_282 = arith.constant 0 : i32
      %dma_wait3A_283 = tpu.memref_slice %arg4[%dma_wait3A_281, %dma_wait3A_282] : memref<10000x128xf32, #tpu.memory_space<hbm>> -> memref<128x128xf32, #tpu.memory_space<hbm>>
      %dma_wait3A_284 = arith.constant 0 : i32
      %dma_wait3A_285 = arith.constant 0 : i32
      %dma_wait3A_286 = tpu.memref_slice %arg9[%dma_wait3A_276, %dma_wait3A_284, %dma_wait3A_285] : memref<2x128x128xf32, #tpu.memory_space<vmem>> -> memref<1x128x128xf32, #tpu.memory_space<vmem>>
      %dma_wait3A_287 = tpu.memref_squeeze %dma_wait3A_286 : memref<1x128x128xf32, #tpu.memory_space<vmem>> -> memref<128x128xf32, #tpu.memory_space<vmem>>
      %dma_wait3A_288 = arith.constant 0 : i32
      %dma_wait3A_289 = arith.constant 0 : i32
      %dma_wait3A_290 = tpu.memref_slice %arg4[%dma_wait3A_288, %dma_wait3A_289] : memref<10000x128xf32, #tpu.memory_space<hbm>> -> memref<128x128xf32, #tpu.memory_space<hbm>>
      tpu.wait_dma2 semaphore(%arg11 : memref<!tpu.dma_semaphore, #tpu.memory_space<semaphore_mem>>) src(%dma_wait3A_290 : memref<128x128xf32, #tpu.memory_space<hbm>>) dst(%dma_wait3A_287 : memref<128x128xf32, #tpu.memory_space<vmem>>)
      %add3A_291 = arith.constant 4 : i32
      %add3A_292 = arith.addi %add3A_275, %add3A_291 : i32
      %lt3A_293 = arith.cmpi slt, %add3A_292, %select_n3A_10 : i32
      %convert_element_type3A_294 = arith.extui %lt3A_293 : i1 to i32
      %cond3A_295 = arith.constant 0 : i32
      %cond3A_296 = arith.cmpi ne, %convert_element_type3A_294, %cond3A_295 : i32
      scf.if %cond3A_296 {
        %add3A_385 = arith.addi %select_n3A, %add3A_275 : i32
        %add3A_386 = arith.constant 4 : i32
        %add3A_387 = arith.addi %add3A_385, %add3A_386 : i32
        %dma_start3A_388 = arith.constant 2 : i32
        %dma_start3A_389 = arith.constant 0 : i32
        %dma_start3A_390 = tpu.memref_slice %arg7[%dma_start3A_388, %dma_start3A_389] : memref<4x128xi32, #tpu.memory_space<vmem>> -> memref<1x128xi32, #tpu.memory_space<vmem>>
        %dma_start3A_391 = tpu.memref_squeeze %dma_start3A_390 : memref<1x128xi32, #tpu.memory_space<vmem>> -> memref<128xi32, #tpu.memory_space<vmem>>
        %dma_start3A_392 = arith.constant 0 : i32
        %dma_start3A_393 = tpu.memref_slice %arg2[%add3A_387, %dma_start3A_392] : memref<2560x128xi32, #tpu.memory_space<hbm>> -> memref<1x128xi32, #tpu.memory_space<hbm>>
        %dma_start3A_394 = tpu.memref_squeeze %dma_start3A_393 : memref<1x128xi32, #tpu.memory_space<hbm>> -> memref<128xi32, #tpu.memory_space<hbm>>
        %dma_start3A_395 = arith.constant 0 : i32
        %dma_start3A_396 = tpu.memref_slice %arg7[%dma_start3A_388, %dma_start3A_395] : memref<4x128xi32, #tpu.memory_space<vmem>> -> memref<1x128xi32, #tpu.memory_space<vmem>>
        %dma_start3A_397 = tpu.memref_squeeze %dma_start3A_396 : memref<1x128xi32, #tpu.memory_space<vmem>> -> memref<128xi32, #tpu.memory_space<vmem>>
        %dma_start3A_398 = arith.constant 0 : i32
        %dma_start3A_399 = tpu.memref_slice %arg2[%add3A_387, %dma_start3A_398] : memref<2560x128xi32, #tpu.memory_space<hbm>> -> memref<1x128xi32, #tpu.memory_space<hbm>>
        %dma_start3A_400 = tpu.memref_squeeze %dma_start3A_399 : memref<1x128xi32, #tpu.memory_space<hbm>> -> memref<128xi32, #tpu.memory_space<hbm>>
        tpu.enqueue_dma source(%dma_start3A_400 : memref<128xi32, #tpu.memory_space<hbm>>) target(%dma_start3A_397 : memref<128xi32, #tpu.memory_space<vmem>>) target_semaphore(%arg17 : memref<!tpu.dma_semaphore, #tpu.memory_space<semaphore_mem>>)
      } else {
      }
      %dma_wait3A_297 = arith.constant 2 : i32
      %dma_wait3A_298 = arith.constant 0 : i32
      %dma_wait3A_299 = tpu.memref_slice %arg8[%dma_wait3A_297, %dma_wait3A_298] : memref<4x128xi32, #tpu.memory_space<vmem>> -> memref<1x128xi32, #tpu.memory_space<vmem>>
      %dma_wait3A_300 = tpu.memref_squeeze %dma_wait3A_299 : memref<1x128xi32, #tpu.memory_space<vmem>> -> memref<128xi32, #tpu.memory_space<vmem>>
      %dma_wait3A_301 = arith.constant 0 : i32
      %dma_wait3A_302 = tpu.memref_slice %arg3[%select_n3A, %dma_wait3A_301] : memref<2560x128xi32, #tpu.memory_space<hbm>> -> memref<1x128xi32, #tpu.memory_space<hbm>>
      %dma_wait3A_303 = tpu.memref_squeeze %dma_wait3A_302 : memref<1x128xi32, #tpu.memory_space<hbm>> -> memref<128xi32, #tpu.memory_space<hbm>>
      %dma_wait3A_304 = arith.constant 0 : i32
      %dma_wait3A_305 = tpu.memref_slice %arg8[%dma_wait3A_297, %dma_wait3A_304] : memref<4x128xi32, #tpu.memory_space<vmem>> -> memref<1x128xi32, #tpu.memory_space<vmem>>
      %dma_wait3A_306 = tpu.memref_squeeze %dma_wait3A_305 : memref<1x128xi32, #tpu.memory_space<vmem>> -> memref<128xi32, #tpu.memory_space<vmem>>
      %dma_wait3A_307 = arith.constant 0 : i32
      %dma_wait3A_308 = tpu.memref_slice %arg3[%select_n3A, %dma_wait3A_307] : memref<2560x128xi32, #tpu.memory_space<hbm>> -> memref<1x128xi32, #tpu.memory_space<hbm>>
      %dma_wait3A_309 = tpu.memref_squeeze %dma_wait3A_308 : memref<1x128xi32, #tpu.memory_space<hbm>> -> memref<128xi32, #tpu.memory_space<hbm>>
      tpu.wait_dma2 semaphore(%arg21 : memref<!tpu.dma_semaphore, #tpu.memory_space<semaphore_mem>>) src(%dma_wait3A_309 : memref<128xi32, #tpu.memory_space<hbm>>) dst(%dma_wait3A_306 : memref<128xi32, #tpu.memory_space<vmem>>)
      %dma_start3A_310 = arith.constant 0 : i32
      %dma_start3A_311 = arith.constant 2 : i32
      %dma_start3A_312 = arith.constant 0 : i32
      %dma_start3A_313 = arith.constant 0 : i32
      %dma_start3A_314 = tpu.memref_slice %arg9[%dma_start3A_310, %dma_start3A_312, %dma_start3A_313] : memref<2x128x128xf32, #tpu.memory_space<vmem>> -> memref<1x128x128xf32, #tpu.memory_space<vmem>>
      %dma_start3A_315 = tpu.memref_squeeze %dma_start3A_314 : memref<1x128x128xf32, #tpu.memory_space<vmem>> -> memref<128x128xf32, #tpu.memory_space<vmem>>
      %dma_start3A_316 = arith.constant 0 : i32
      %dma_start3A_317 = tpu.memref_slice %arg8[%dma_start3A_311, %dma_start3A_316] : memref<4x128xi32, #tpu.memory_space<vmem>> -> memref<1x128xi32, #tpu.memory_space<vmem>>
      %dma_start3A_318 = tpu.memref_squeeze %dma_start3A_317 : memref<1x128xi32, #tpu.memory_space<vmem>> -> memref<128xi32, #tpu.memory_space<vmem>>
      %dma_start3A_319 = arith.constant 0 : i32
      %dma_start3A_320 = arith.constant 0 : i32
      %dma_start3A_321 = tpu.memref_slice %arg10[%dma_start3A_319, %dma_start3A_320] : memref<10240x128xf32, #tpu.memory_space<vmem_shared>> -> memref<10240x128xf32, #tpu.memory_space<vmem_shared>>
      tpu.enqueue_indirect_dma source(%dma_start3A_315 : memref<128x128xf32, #tpu.memory_space<vmem>>) target(%dma_start3A_321 : memref<10240x128xf32, #tpu.memory_space<vmem_shared>>) offsets(%dma_start3A_318 : memref<128xi32, #tpu.memory_space<vmem>>) semaphore(%arg13 : memref<!tpu.dma_semaphore, #tpu.memory_space<semaphore_mem>>) {add = true}
      %add3A_322 = arith.constant 2 : i32
      %add3A_323 = arith.addi %add3A_275, %add3A_322 : i32
      %lt3A_324 = arith.cmpi slt, %add3A_323, %select_n3A_10 : i32
      %convert_element_type3A_325 = arith.extui %lt3A_324 : i1 to i32
      %cond3A_326 = arith.constant 0 : i32
      %cond3A_327 = arith.cmpi ne, %convert_element_type3A_325, %cond3A_326 : i32
      scf.if %cond3A_327 {
        %dma_wait3A_385 = arith.constant 0 : i32
        %dma_wait3A_386 = arith.constant 0 : i32
        %dma_wait3A_387 = arith.constant 0 : i32
        %dma_wait3A_388 = tpu.memref_slice %arg9[%dma_wait3A_385, %dma_wait3A_386, %dma_wait3A_387] : memref<2x128x128xf32, #tpu.memory_space<vmem>> -> memref<1x128x128xf32, #tpu.memory_space<vmem>>
        %dma_wait3A_389 = tpu.memref_squeeze %dma_wait3A_388 : memref<1x128x128xf32, #tpu.memory_space<vmem>> -> memref<128x128xf32, #tpu.memory_space<vmem>>
        %dma_wait3A_390 = arith.constant 0 : i32
        %dma_wait3A_391 = arith.constant 0 : i32
        %dma_wait3A_392 = tpu.memref_slice %arg4[%dma_wait3A_390, %dma_wait3A_391] : memref<10000x128xf32, #tpu.memory_space<hbm>> -> memref<128x128xf32, #tpu.memory_space<hbm>>
        %dma_wait3A_393 = arith.constant 0 : i32
        %dma_wait3A_394 = arith.constant 0 : i32
        %dma_wait3A_395 = tpu.memref_slice %arg9[%dma_wait3A_385, %dma_wait3A_393, %dma_wait3A_394] : memref<2x128x128xf32, #tpu.memory_space<vmem>> -> memref<1x128x128xf32, #tpu.memory_space<vmem>>
        %dma_wait3A_396 = tpu.memref_squeeze %dma_wait3A_395 : memref<1x128x128xf32, #tpu.memory_space<vmem>> -> memref<128x128xf32, #tpu.memory_space<vmem>>
        %dma_wait3A_397 = arith.constant 0 : i32
        %dma_wait3A_398 = arith.constant 0 : i32
        %dma_wait3A_399 = tpu.memref_slice %arg4[%dma_wait3A_397, %dma_wait3A_398] : memref<10000x128xf32, #tpu.memory_space<hbm>> -> memref<128x128xf32, #tpu.memory_space<hbm>>
        tpu.wait_dma2 semaphore(%arg13 : memref<!tpu.dma_semaphore, #tpu.memory_space<semaphore_mem>>) src(%dma_wait3A_399 : memref<128x128xf32, #tpu.memory_space<hbm>>) dst(%dma_wait3A_396 : memref<128x128xf32, #tpu.memory_space<vmem>>)
        %add3A_400 = arith.constant 4 : i32
        %add3A_401 = arith.addi %add3A_275, %add3A_400 : i32
        %lt3A_402 = arith.cmpi slt, %add3A_401, %select_n3A_10 : i32
        %convert_element_type3A_403 = arith.extui %lt3A_402 : i1 to i32
        %cond3A_404 = arith.constant 0 : i32
        %cond3A_405 = arith.cmpi ne, %convert_element_type3A_403, %cond3A_404 : i32
        scf.if %cond3A_405 {
          %add3A_433 = arith.addi %select_n3A, %add3A_275 : i32
          %add3A_434 = arith.constant 4 : i32
          %add3A_435 = arith.addi %add3A_433, %add3A_434 : i32
          %dma_start3A_436 = arith.constant 2 : i32
          %dma_start3A_437 = arith.constant 0 : i32
          %dma_start3A_438 = tpu.memref_slice %arg8[%dma_start3A_436, %dma_start3A_437] : memref<4x128xi32, #tpu.memory_space<vmem>> -> memref<1x128xi32, #tpu.memory_space<vmem>>
          %dma_start3A_439 = tpu.memref_squeeze %dma_start3A_438 : memref<1x128xi32, #tpu.memory_space<vmem>> -> memref<128xi32, #tpu.memory_space<vmem>>
          %dma_start3A_440 = arith.constant 0 : i32
          %dma_start3A_441 = tpu.memref_slice %arg3[%add3A_435, %dma_start3A_440] : memref<2560x128xi32, #tpu.memory_space<hbm>> -> memref<1x128xi32, #tpu.memory_space<hbm>>
          %dma_start3A_442 = tpu.memref_squeeze %dma_start3A_441 : memref<1x128xi32, #tpu.memory_space<hbm>> -> memref<128xi32, #tpu.memory_space<hbm>>
          %dma_start3A_443 = arith.constant 0 : i32
          %dma_start3A_444 = tpu.memref_slice %arg8[%dma_start3A_436, %dma_start3A_443] : memref<4x128xi32, #tpu.memory_space<vmem>> -> memref<1x128xi32, #tpu.memory_space<vmem>>
          %dma_start3A_445 = tpu.memref_squeeze %dma_start3A_444 : memref<1x128xi32, #tpu.memory_space<vmem>> -> memref<128xi32, #tpu.memory_space<vmem>>
          %dma_start3A_446 = arith.constant 0 : i32
          %dma_start3A_447 = tpu.memref_slice %arg3[%add3A_435, %dma_start3A_446] : memref<2560x128xi32, #tpu.memory_space<hbm>> -> memref<1x128xi32, #tpu.memory_space<hbm>>
          %dma_start3A_448 = tpu.memref_squeeze %dma_start3A_447 : memref<1x128xi32, #tpu.memory_space<hbm>> -> memref<128xi32, #tpu.memory_space<hbm>>
          tpu.enqueue_dma source(%dma_start3A_448 : memref<128xi32, #tpu.memory_space<hbm>>) target(%dma_start3A_445 : memref<128xi32, #tpu.memory_space<vmem>>) target_semaphore(%arg21 : memref<!tpu.dma_semaphore, #tpu.memory_space<semaphore_mem>>)
        } else {
        }
        %dma_wait3A_406 = arith.constant 0 : i32
        %dma_wait3A_407 = arith.constant 0 : i32
        %dma_wait3A_408 = tpu.memref_slice %arg7[%dma_wait3A_406, %dma_wait3A_407] : memref<4x128xi32, #tpu.memory_space<vmem>> -> memref<1x128xi32, #tpu.memory_space<vmem>>
        %dma_wait3A_409 = tpu.memref_squeeze %dma_wait3A_408 : memref<1x128xi32, #tpu.memory_space<vmem>> -> memref<128xi32, #tpu.memory_space<vmem>>
        %dma_wait3A_410 = arith.constant 0 : i32
        %dma_wait3A_411 = tpu.memref_slice %arg2[%select_n3A, %dma_wait3A_410] : memref<2560x128xi32, #tpu.memory_space<hbm>> -> memref<1x128xi32, #tpu.memory_space<hbm>>
        %dma_wait3A_412 = tpu.memref_squeeze %dma_wait3A_411 : memref<1x128xi32, #tpu.memory_space<hbm>> -> memref<128xi32, #tpu.memory_space<hbm>>
        %dma_wait3A_413 = arith.constant 0 : i32
        %dma_wait3A_414 = tpu.memref_slice %arg7[%dma_wait3A_406, %dma_wait3A_413] : memref<4x128xi32, #tpu.memory_space<vmem>> -> memref<1x128xi32, #tpu.memory_space<vmem>>
        %dma_wait3A_415 = tpu.memref_squeeze %dma_wait3A_414 : memref<1x128xi32, #tpu.memory_space<vmem>> -> memref<128xi32, #tpu.memory_space<vmem>>
        %dma_wait3A_416 = arith.constant 0 : i32
        %dma_wait3A_417 = tpu.memref_slice %arg2[%select_n3A, %dma_wait3A_416] : memref<2560x128xi32, #tpu.memory_space<hbm>> -> memref<1x128xi32, #tpu.memory_space<hbm>>
        %dma_wait3A_418 = tpu.memref_squeeze %dma_wait3A_417 : memref<1x128xi32, #tpu.memory_space<hbm>> -> memref<128xi32, #tpu.memory_space<hbm>>
        tpu.wait_dma2 semaphore(%arg15 : memref<!tpu.dma_semaphore, #tpu.memory_space<semaphore_mem>>) src(%dma_wait3A_418 : memref<128xi32, #tpu.memory_space<hbm>>) dst(%dma_wait3A_415 : memref<128xi32, #tpu.memory_space<vmem>>)
        %add3A_419 = arith.constant 2 : i32
        %add3A_420 = arith.addi %add3A_275, %add3A_419 : i32
        %dma_start3A_421 = arith.constant 0 : i32
        %dma_start3A_422 = arith.constant 0 : i32
        %dma_start3A_423 = arith.constant 0 : i32
        %dma_start3A_424 = arith.constant 0 : i32
        %dma_start3A_425 = tpu.memref_slice %arg9[%dma_start3A_422, %dma_start3A_423, %dma_start3A_424] : memref<2x128x128xf32, #tpu.memory_space<vmem>> -> memref<1x128x128xf32, #tpu.memory_space<vmem>>
        %dma_start3A_426 = tpu.memref_squeeze %dma_start3A_425 : memref<1x128x128xf32, #tpu.memory_space<vmem>> -> memref<128x128xf32, #tpu.memory_space<vmem>>
        %dma_start3A_427 = arith.constant 0 : i32
        %dma_start3A_428 = tpu.memref_slice %arg7[%dma_start3A_421, %dma_start3A_427] : memref<4x128xi32, #tpu.memory_space<vmem>> -> memref<1x128xi32, #tpu.memory_space<vmem>>
        %dma_start3A_429 = tpu.memref_squeeze %dma_start3A_428 : memref<1x128xi32, #tpu.memory_space<vmem>> -> memref<128xi32, #tpu.memory_space<vmem>>
        %dma_start3A_430 = arith.constant 0 : i32
        %dma_start3A_431 = arith.constant 0 : i32
        %dma_start3A_432 = tpu.memref_slice %arg4[%dma_start3A_430, %dma_start3A_431] : memref<10000x128xf32, #tpu.memory_space<hbm>> -> memref<10000x128xf32, #tpu.memory_space<hbm>>
        tpu.enqueue_indirect_dma source(%dma_start3A_432 : memref<10000x128xf32, #tpu.memory_space<hbm>>) target(%dma_start3A_426 : memref<128x128xf32, #tpu.memory_space<vmem>>) offsets(%dma_start3A_429 : memref<128xi32, #tpu.memory_space<vmem>>) semaphore(%arg11 : memref<!tpu.dma_semaphore, #tpu.memory_space<semaphore_mem>>)
      } else {
      }
      %mul3A_328 = arith.constant 4 : i32
      %mul3A_329 = arith.muli %while3A_178, %mul3A_328 : i32
      %add3A_330 = arith.constant 3 : i32
      %add3A_331 = arith.addi %mul3A_329, %add3A_330 : i32
      %dma_wait3A_332 = arith.constant 1 : i32
      %dma_wait3A_333 = arith.constant 0 : i32
      %dma_wait3A_334 = arith.constant 0 : i32
      %dma_wait3A_335 = tpu.memref_slice %arg9[%dma_wait3A_332, %dma_wait3A_333, %dma_wait3A_334] : memref<2x128x128xf32, #tpu.memory_space<vmem>> -> memref<1x128x128xf32, #tpu.memory_space<vmem>>
      %dma_wait3A_336 = tpu.memref_squeeze %dma_wait3A_335 : memref<1x128x128xf32, #tpu.memory_space<vmem>> -> memref<128x128xf32, #tpu.memory_space<vmem>>
      %dma_wait3A_337 = arith.constant 0 : i32
      %dma_wait3A_338 = arith.constant 0 : i32
      %dma_wait3A_339 = tpu.memref_slice %arg4[%dma_wait3A_337, %dma_wait3A_338] : memref<10000x128xf32, #tpu.memory_space<hbm>> -> memref<128x128xf32, #tpu.memory_space<hbm>>
      %dma_wait3A_340 = arith.constant 0 : i32
      %dma_wait3A_341 = arith.constant 0 : i32
      %dma_wait3A_342 = tpu.memref_slice %arg9[%dma_wait3A_332, %dma_wait3A_340, %dma_wait3A_341] : memref<2x128x128xf32, #tpu.memory_space<vmem>> -> memref<1x128x128xf32, #tpu.memory_space<vmem>>
      %dma_wait3A_343 = tpu.memref_squeeze %dma_wait3A_342 : memref<1x128x128xf32, #tpu.memory_space<vmem>> -> memref<128x128xf32, #tpu.memory_space<vmem>>
      %dma_wait3A_344 = arith.constant 0 : i32
      %dma_wait3A_345 = arith.constant 0 : i32
      %dma_wait3A_346 = tpu.memref_slice %arg4[%dma_wait3A_344, %dma_wait3A_345] : memref<10000x128xf32, #tpu.memory_space<hbm>> -> memref<128x128xf32, #tpu.memory_space<hbm>>
      tpu.wait_dma2 semaphore(%arg12 : memref<!tpu.dma_semaphore, #tpu.memory_space<semaphore_mem>>) src(%dma_wait3A_346 : memref<128x128xf32, #tpu.memory_space<hbm>>) dst(%dma_wait3A_343 : memref<128x128xf32, #tpu.memory_space<vmem>>)
      %add3A_347 = arith.constant 4 : i32
      %add3A_348 = arith.addi %add3A_331, %add3A_347 : i32
      %lt3A_349 = arith.cmpi slt, %add3A_348, %select_n3A_10 : i32
      %convert_element_type3A_350 = arith.extui %lt3A_349 : i1 to i32
      %cond3A_351 = arith.constant 0 : i32
      %cond3A_352 = arith.cmpi ne, %convert_element_type3A_350, %cond3A_351 : i32
      scf.if %cond3A_352 {
        %add3A_385 = arith.addi %select_n3A, %add3A_331 : i32
        %add3A_386 = arith.constant 4 : i32
        %add3A_387 = arith.addi %add3A_385, %add3A_386 : i32
        %dma_start3A_388 = arith.constant 3 : i32
        %dma_start3A_389 = arith.constant 0 : i32
        %dma_start3A_390 = tpu.memref_slice %arg7[%dma_start3A_388, %dma_start3A_389] : memref<4x128xi32, #tpu.memory_space<vmem>> -> memref<1x128xi32, #tpu.memory_space<vmem>>
        %dma_start3A_391 = tpu.memref_squeeze %dma_start3A_390 : memref<1x128xi32, #tpu.memory_space<vmem>> -> memref<128xi32, #tpu.memory_space<vmem>>
        %dma_start3A_392 = arith.constant 0 : i32
        %dma_start3A_393 = tpu.memref_slice %arg2[%add3A_387, %dma_start3A_392] : memref<2560x128xi32, #tpu.memory_space<hbm>> -> memref<1x128xi32, #tpu.memory_space<hbm>>
        %dma_start3A_394 = tpu.memref_squeeze %dma_start3A_393 : memref<1x128xi32, #tpu.memory_space<hbm>> -> memref<128xi32, #tpu.memory_space<hbm>>
        %dma_start3A_395 = arith.constant 0 : i32
        %dma_start3A_396 = tpu.memref_slice %arg7[%dma_start3A_388, %dma_start3A_395] : memref<4x128xi32, #tpu.memory_space<vmem>> -> memref<1x128xi32, #tpu.memory_space<vmem>>
        %dma_start3A_397 = tpu.memref_squeeze %dma_start3A_396 : memref<1x128xi32, #tpu.memory_space<vmem>> -> memref<128xi32, #tpu.memory_space<vmem>>
        %dma_start3A_398 = arith.constant 0 : i32
        %dma_start3A_399 = tpu.memref_slice %arg2[%add3A_387, %dma_start3A_398] : memref<2560x128xi32, #tpu.memory_space<hbm>> -> memref<1x128xi32, #tpu.memory_space<hbm>>
        %dma_start3A_400 = tpu.memref_squeeze %dma_start3A_399 : memref<1x128xi32, #tpu.memory_space<hbm>> -> memref<128xi32, #tpu.memory_space<hbm>>
        tpu.enqueue_dma source(%dma_start3A_400 : memref<128xi32, #tpu.memory_space<hbm>>) target(%dma_start3A_397 : memref<128xi32, #tpu.memory_space<vmem>>) target_semaphore(%arg18 : memref<!tpu.dma_semaphore, #tpu.memory_space<semaphore_mem>>)
      } else {
      }
      %dma_wait3A_353 = arith.constant 3 : i32
      %dma_wait3A_354 = arith.constant 0 : i32
      %dma_wait3A_355 = tpu.memref_slice %arg8[%dma_wait3A_353, %dma_wait3A_354] : memref<4x128xi32, #tpu.memory_space<vmem>> -> memref<1x128xi32, #tpu.memory_space<vmem>>
      %dma_wait3A_356 = tpu.memref_squeeze %dma_wait3A_355 : memref<1x128xi32, #tpu.memory_space<vmem>> -> memref<128xi32, #tpu.memory_space<vmem>>
      %dma_wait3A_357 = arith.constant 0 : i32
      %dma_wait3A_358 = tpu.memref_slice %arg3[%select_n3A, %dma_wait3A_357] : memref<2560x128xi32, #tpu.memory_space<hbm>> -> memref<1x128xi32, #tpu.memory_space<hbm>>
      %dma_wait3A_359 = tpu.memref_squeeze %dma_wait3A_358 : memref<1x128xi32, #tpu.memory_space<hbm>> -> memref<128xi32, #tpu.memory_space<hbm>>
      %dma_wait3A_360 = arith.constant 0 : i32
      %dma_wait3A_361 = tpu.memref_slice %arg8[%dma_wait3A_353, %dma_wait3A_360] : memref<4x128xi32, #tpu.memory_space<vmem>> -> memref<1x128xi32, #tpu.memory_space<vmem>>
      %dma_wait3A_362 = tpu.memref_squeeze %dma_wait3A_361 : memref<1x128xi32, #tpu.memory_space<vmem>> -> memref<128xi32, #tpu.memory_space<vmem>>
      %dma_wait3A_363 = arith.constant 0 : i32
      %dma_wait3A_364 = tpu.memref_slice %arg3[%select_n3A, %dma_wait3A_363] : memref<2560x128xi32, #tpu.memory_space<hbm>> -> memref<1x128xi32, #tpu.memory_space<hbm>>
      %dma_wait3A_365 = tpu.memref_squeeze %dma_wait3A_364 : memref<1x128xi32, #tpu.memory_space<hbm>> -> memref<128xi32, #tpu.memory_space<hbm>>
      tpu.wait_dma2 semaphore(%arg22 : memref<!tpu.dma_semaphore, #tpu.memory_space<semaphore_mem>>) src(%dma_wait3A_365 : memref<128xi32, #tpu.memory_space<hbm>>) dst(%dma_wait3A_362 : memref<128xi32, #tpu.memory_space<vmem>>)
      %dma_start3A_366 = arith.constant 1 : i32
      %dma_start3A_367 = arith.constant 3 : i32
      %dma_start3A_368 = arith.constant 0 : i32
      %dma_start3A_369 = arith.constant 0 : i32
      %dma_start3A_370 = tpu.memref_slice %arg9[%dma_start3A_366, %dma_start3A_368, %dma_start3A_369] : memref<2x128x128xf32, #tpu.memory_space<vmem>> -> memref<1x128x128xf32, #tpu.memory_space<vmem>>
      %dma_start3A_371 = tpu.memref_squeeze %dma_start3A_370 : memref<1x128x128xf32, #tpu.memory_space<vmem>> -> memref<128x128xf32, #tpu.memory_space<vmem>>
      %dma_start3A_372 = arith.constant 0 : i32
      %dma_start3A_373 = tpu.memref_slice %arg8[%dma_start3A_367, %dma_start3A_372] : memref<4x128xi32, #tpu.memory_space<vmem>> -> memref<1x128xi32, #tpu.memory_space<vmem>>
      %dma_start3A_374 = tpu.memref_squeeze %dma_start3A_373 : memref<1x128xi32, #tpu.memory_space<vmem>> -> memref<128xi32, #tpu.memory_space<vmem>>
      %dma_start3A_375 = arith.constant 0 : i32
      %dma_start3A_376 = arith.constant 0 : i32
      %dma_start3A_377 = tpu.memref_slice %arg10[%dma_start3A_375, %dma_start3A_376] : memref<10240x128xf32, #tpu.memory_space<vmem_shared>> -> memref<10240x128xf32, #tpu.memory_space<vmem_shared>>
      tpu.enqueue_indirect_dma source(%dma_start3A_371 : memref<128x128xf32, #tpu.memory_space<vmem>>) target(%dma_start3A_377 : memref<10240x128xf32, #tpu.memory_space<vmem_shared>>) offsets(%dma_start3A_374 : memref<128xi32, #tpu.memory_space<vmem>>) semaphore(%arg14 : memref<!tpu.dma_semaphore, #tpu.memory_space<semaphore_mem>>) {add = true}
      %add3A_378 = arith.constant 2 : i32
      %add3A_379 = arith.addi %add3A_331, %add3A_378 : i32
      %lt3A_380 = arith.cmpi slt, %add3A_379, %select_n3A_10 : i32
      %convert_element_type3A_381 = arith.extui %lt3A_380 : i1 to i32
      %cond3A_382 = arith.constant 0 : i32
      %cond3A_383 = arith.cmpi ne, %convert_element_type3A_381, %cond3A_382 : i32
      scf.if %cond3A_383 {
        %dma_wait3A_385 = arith.constant 1 : i32
        %dma_wait3A_386 = arith.constant 0 : i32
        %dma_wait3A_387 = arith.constant 0 : i32
        %dma_wait3A_388 = tpu.memref_slice %arg9[%dma_wait3A_385, %dma_wait3A_386, %dma_wait3A_387] : memref<2x128x128xf32, #tpu.memory_space<vmem>> -> memref<1x128x128xf32, #tpu.memory_space<vmem>>
        %dma_wait3A_389 = tpu.memref_squeeze %dma_wait3A_388 : memref<1x128x128xf32, #tpu.memory_space<vmem>> -> memref<128x128xf32, #tpu.memory_space<vmem>>
        %dma_wait3A_390 = arith.constant 0 : i32
        %dma_wait3A_391 = arith.constant 0 : i32
        %dma_wait3A_392 = tpu.memref_slice %arg4[%dma_wait3A_390, %dma_wait3A_391] : memref<10000x128xf32, #tpu.memory_space<hbm>> -> memref<128x128xf32, #tpu.memory_space<hbm>>
        %dma_wait3A_393 = arith.constant 0 : i32
        %dma_wait3A_394 = arith.constant 0 : i32
        %dma_wait3A_395 = tpu.memref_slice %arg9[%dma_wait3A_385, %dma_wait3A_393, %dma_wait3A_394] : memref<2x128x128xf32, #tpu.memory_space<vmem>> -> memref<1x128x128xf32, #tpu.memory_space<vmem>>
        %dma_wait3A_396 = tpu.memref_squeeze %dma_wait3A_395 : memref<1x128x128xf32, #tpu.memory_space<vmem>> -> memref<128x128xf32, #tpu.memory_space<vmem>>
        %dma_wait3A_397 = arith.constant 0 : i32
        %dma_wait3A_398 = arith.constant 0 : i32
        %dma_wait3A_399 = tpu.memref_slice %arg4[%dma_wait3A_397, %dma_wait3A_398] : memref<10000x128xf32, #tpu.memory_space<hbm>> -> memref<128x128xf32, #tpu.memory_space<hbm>>
        tpu.wait_dma2 semaphore(%arg14 : memref<!tpu.dma_semaphore, #tpu.memory_space<semaphore_mem>>) src(%dma_wait3A_399 : memref<128x128xf32, #tpu.memory_space<hbm>>) dst(%dma_wait3A_396 : memref<128x128xf32, #tpu.memory_space<vmem>>)
        %add3A_400 = arith.constant 4 : i32
        %add3A_401 = arith.addi %add3A_331, %add3A_400 : i32
        %lt3A_402 = arith.cmpi slt, %add3A_401, %select_n3A_10 : i32
        %convert_element_type3A_403 = arith.extui %lt3A_402 : i1 to i32
        %cond3A_404 = arith.constant 0 : i32
        %cond3A_405 = arith.cmpi ne, %convert_element_type3A_403, %cond3A_404 : i32
        scf.if %cond3A_405 {
          %add3A_433 = arith.addi %select_n3A, %add3A_331 : i32
          %add3A_434 = arith.constant 4 : i32
          %add3A_435 = arith.addi %add3A_433, %add3A_434 : i32
          %dma_start3A_436 = arith.constant 3 : i32
          %dma_start3A_437 = arith.constant 0 : i32
          %dma_start3A_438 = tpu.memref_slice %arg8[%dma_start3A_436, %dma_start3A_437] : memref<4x128xi32, #tpu.memory_space<vmem>> -> memref<1x128xi32, #tpu.memory_space<vmem>>
          %dma_start3A_439 = tpu.memref_squeeze %dma_start3A_438 : memref<1x128xi32, #tpu.memory_space<vmem>> -> memref<128xi32, #tpu.memory_space<vmem>>
          %dma_start3A_440 = arith.constant 0 : i32
          %dma_start3A_441 = tpu.memref_slice %arg3[%add3A_435, %dma_start3A_440] : memref<2560x128xi32, #tpu.memory_space<hbm>> -> memref<1x128xi32, #tpu.memory_space<hbm>>
          %dma_start3A_442 = tpu.memref_squeeze %dma_start3A_441 : memref<1x128xi32, #tpu.memory_space<hbm>> -> memref<128xi32, #tpu.memory_space<hbm>>
          %dma_start3A_443 = arith.constant 0 : i32
          %dma_start3A_444 = tpu.memref_slice %arg8[%dma_start3A_436, %dma_start3A_443] : memref<4x128xi32, #tpu.memory_space<vmem>> -> memref<1x128xi32, #tpu.memory_space<vmem>>
          %dma_start3A_445 = tpu.memref_squeeze %dma_start3A_444 : memref<1x128xi32, #tpu.memory_space<vmem>> -> memref<128xi32, #tpu.memory_space<vmem>>
          %dma_start3A_446 = arith.constant 0 : i32
          %dma_start3A_447 = tpu.memref_slice %arg3[%add3A_435, %dma_start3A_446] : memref<2560x128xi32, #tpu.memory_space<hbm>> -> memref<1x128xi32, #tpu.memory_space<hbm>>
          %dma_start3A_448 = tpu.memref_squeeze %dma_start3A_447 : memref<1x128xi32, #tpu.memory_space<hbm>> -> memref<128xi32, #tpu.memory_space<hbm>>
          tpu.enqueue_dma source(%dma_start3A_448 : memref<128xi32, #tpu.memory_space<hbm>>) target(%dma_start3A_445 : memref<128xi32, #tpu.memory_space<vmem>>) target_semaphore(%arg22 : memref<!tpu.dma_semaphore, #tpu.memory_space<semaphore_mem>>)
        } else {
        }
        %dma_wait3A_406 = arith.constant 1 : i32
        %dma_wait3A_407 = arith.constant 0 : i32
        %dma_wait3A_408 = tpu.memref_slice %arg7[%dma_wait3A_406, %dma_wait3A_407] : memref<4x128xi32, #tpu.memory_space<vmem>> -> memref<1x128xi32, #tpu.memory_space<vmem>>
        %dma_wait3A_409 = tpu.memref_squeeze %dma_wait3A_408 : memref<1x128xi32, #tpu.memory_space<vmem>> -> memref<128xi32, #tpu.memory_space<vmem>>
        %dma_wait3A_410 = arith.constant 0 : i32
        %dma_wait3A_411 = tpu.memref_slice %arg2[%select_n3A, %dma_wait3A_410] : memref<2560x128xi32, #tpu.memory_space<hbm>> -> memref<1x128xi32, #tpu.memory_space<hbm>>
        %dma_wait3A_412 = tpu.memref_squeeze %dma_wait3A_411 : memref<1x128xi32, #tpu.memory_space<hbm>> -> memref<128xi32, #tpu.memory_space<hbm>>
        %dma_wait3A_413 = arith.constant 0 : i32
        %dma_wait3A_414 = tpu.memref_slice %arg7[%dma_wait3A_406, %dma_wait3A_413] : memref<4x128xi32, #tpu.memory_space<vmem>> -> memref<1x128xi32, #tpu.memory_space<vmem>>
        %dma_wait3A_415 = tpu.memref_squeeze %dma_wait3A_414 : memref<1x128xi32, #tpu.memory_space<vmem>> -> memref<128xi32, #tpu.memory_space<vmem>>
        %dma_wait3A_416 = arith.constant 0 : i32
        %dma_wait3A_417 = tpu.memref_slice %arg2[%select_n3A, %dma_wait3A_416] : memref<2560x128xi32, #tpu.memory_space<hbm>> -> memref<1x128xi32, #tpu.memory_space<hbm>>
        %dma_wait3A_418 = tpu.memref_squeeze %dma_wait3A_417 : memref<1x128xi32, #tpu.memory_space<hbm>> -> memref<128xi32, #tpu.memory_space<hbm>>
        tpu.wait_dma2 semaphore(%arg16 : memref<!tpu.dma_semaphore, #tpu.memory_space<semaphore_mem>>) src(%dma_wait3A_418 : memref<128xi32, #tpu.memory_space<hbm>>) dst(%dma_wait3A_415 : memref<128xi32, #tpu.memory_space<vmem>>)
        %add3A_419 = arith.constant 2 : i32
        %add3A_420 = arith.addi %add3A_331, %add3A_419 : i32
        %dma_start3A_421 = arith.constant 1 : i32
        %dma_start3A_422 = arith.constant 1 : i32
        %dma_start3A_423 = arith.constant 0 : i32
        %dma_start3A_424 = arith.constant 0 : i32
        %dma_start3A_425 = tpu.memref_slice %arg9[%dma_start3A_422, %dma_start3A_423, %dma_start3A_424] : memref<2x128x128xf32, #tpu.memory_space<vmem>> -> memref<1x128x128xf32, #tpu.memory_space<vmem>>
        %dma_start3A_426 = tpu.memref_squeeze %dma_start3A_425 : memref<1x128x128xf32, #tpu.memory_space<vmem>> -> memref<128x128xf32, #tpu.memory_space<vmem>>
        %dma_start3A_427 = arith.constant 0 : i32
        %dma_start3A_428 = tpu.memref_slice %arg7[%dma_start3A_421, %dma_start3A_427] : memref<4x128xi32, #tpu.memory_space<vmem>> -> memref<1x128xi32, #tpu.memory_space<vmem>>
        %dma_start3A_429 = tpu.memref_squeeze %dma_start3A_428 : memref<1x128xi32, #tpu.memory_space<vmem>> -> memref<128xi32, #tpu.memory_space<vmem>>
        %dma_start3A_430 = arith.constant 0 : i32
        %dma_start3A_431 = arith.constant 0 : i32
        %dma_start3A_432 = tpu.memref_slice %arg4[%dma_start3A_430, %dma_start3A_431] : memref<10000x128xf32, #tpu.memory_space<hbm>> -> memref<10000x128xf32, #tpu.memory_space<hbm>>
        tpu.enqueue_indirect_dma source(%dma_start3A_432 : memref<10000x128xf32, #tpu.memory_space<hbm>>) target(%dma_start3A_426 : memref<128x128xf32, #tpu.memory_space<vmem>>) offsets(%dma_start3A_429 : memref<128xi32, #tpu.memory_space<vmem>>) semaphore(%arg12 : memref<!tpu.dma_semaphore, #tpu.memory_space<semaphore_mem>>)
      } else {
      }
      %while3A_384 = arith.constant 0 : i32
      scf.yield %while3A_384 : i32
    }
    %dma_wait3A = arith.constant 0 : i32
    %dma_wait3A_138 = arith.constant 0 : i32
    %dma_wait3A_139 = arith.constant 0 : i32
    %dma_wait3A_140 = tpu.memref_slice %arg9[%dma_wait3A, %dma_wait3A_138, %dma_wait3A_139] : memref<2x128x128xf32, #tpu.memory_space<vmem>> -> memref<1x128x128xf32, #tpu.memory_space<vmem>>
    %dma_wait3A_141 = tpu.memref_squeeze %dma_wait3A_140 : memref<1x128x128xf32, #tpu.memory_space<vmem>> -> memref<128x128xf32, #tpu.memory_space<vmem>>
    %dma_wait3A_142 = arith.constant 0 : i32
    %dma_wait3A_143 = arith.constant 0 : i32
    %dma_wait3A_144 = tpu.memref_slice %arg4[%dma_wait3A_142, %dma_wait3A_143] : memref<10000x128xf32, #tpu.memory_space<hbm>> -> memref<128x128xf32, #tpu.memory_space<hbm>>
    %dma_wait3A_145 = arith.constant 0 : i32
    %dma_wait3A_146 = arith.constant 0 : i32
    %dma_wait3A_147 = tpu.memref_slice %arg9[%dma_wait3A, %dma_wait3A_145, %dma_wait3A_146] : memref<2x128x128xf32, #tpu.memory_space<vmem>> -> memref<1x128x128xf32, #tpu.memory_space<vmem>>
    %dma_wait3A_148 = tpu.memref_squeeze %dma_wait3A_147 : memref<1x128x128xf32, #tpu.memory_space<vmem>> -> memref<128x128xf32, #tpu.memory_space<vmem>>
    %dma_wait3A_149 = arith.constant 0 : i32
    %dma_wait3A_150 = arith.constant 0 : i32
    %dma_wait3A_151 = tpu.memref_slice %arg4[%dma_wait3A_149, %dma_wait3A_150] : memref<10000x128xf32, #tpu.memory_space<hbm>> -> memref<128x128xf32, #tpu.memory_space<hbm>>
    tpu.wait_dma2 semaphore(%arg13 : memref<!tpu.dma_semaphore, #tpu.memory_space<semaphore_mem>>) src(%dma_wait3A_151 : memref<128x128xf32, #tpu.memory_space<hbm>>) dst(%dma_wait3A_148 : memref<128x128xf32, #tpu.memory_space<vmem>>)
    %dma_wait3A_152 = arith.constant 1 : i32
    %dma_wait3A_153 = arith.constant 0 : i32
    %dma_wait3A_154 = arith.constant 0 : i32
    %dma_wait3A_155 = tpu.memref_slice %arg9[%dma_wait3A_152, %dma_wait3A_153, %dma_wait3A_154] : memref<2x128x128xf32, #tpu.memory_space<vmem>> -> memref<1x128x128xf32, #tpu.memory_space<vmem>>
    %dma_wait3A_156 = tpu.memref_squeeze %dma_wait3A_155 : memref<1x128x128xf32, #tpu.memory_space<vmem>> -> memref<128x128xf32, #tpu.memory_space<vmem>>
    %dma_wait3A_157 = arith.constant 0 : i32
    %dma_wait3A_158 = arith.constant 0 : i32
    %dma_wait3A_159 = tpu.memref_slice %arg4[%dma_wait3A_157, %dma_wait3A_158] : memref<10000x128xf32, #tpu.memory_space<hbm>> -> memref<128x128xf32, #tpu.memory_space<hbm>>
    %dma_wait3A_160 = arith.constant 0 : i32
    %dma_wait3A_161 = arith.constant 0 : i32
    %dma_wait3A_162 = tpu.memref_slice %arg9[%dma_wait3A_152, %dma_wait3A_160, %dma_wait3A_161] : memref<2x128x128xf32, #tpu.memory_space<vmem>> -> memref<1x128x128xf32, #tpu.memory_space<vmem>>
    %dma_wait3A_163 = tpu.memref_squeeze %dma_wait3A_162 : memref<1x128x128xf32, #tpu.memory_space<vmem>> -> memref<128x128xf32, #tpu.memory_space<vmem>>
    %dma_wait3A_164 = arith.constant 0 : i32
    %dma_wait3A_165 = arith.constant 0 : i32
    %dma_wait3A_166 = tpu.memref_slice %arg4[%dma_wait3A_164, %dma_wait3A_165] : memref<10000x128xf32, #tpu.memory_space<hbm>> -> memref<128x128xf32, #tpu.memory_space<hbm>>
    tpu.wait_dma2 semaphore(%arg14 : memref<!tpu.dma_semaphore, #tpu.memory_space<semaphore_mem>>) src(%dma_wait3A_166 : memref<128x128xf32, #tpu.memory_space<hbm>>) dst(%dma_wait3A_163 : memref<128x128xf32, #tpu.memory_space<vmem>>)
    %barrier3A_167 = arith.constant 0 : index
    tpu.barrier barrier_id(%barrier3A_167)
    %add3A_168 = arith.constant 0 : i32
    %add3A_169 = arith.addi %mul3A_0, %add3A_168 : i32
    "tpu.region"() ({
      %run_scoped3A_178 = tpu.sem_alloc : memref<!tpu.dma_semaphore, #tpu.memory_space<semaphore_mem>>
      %dma_start3A_179 = arith.constant 0 : i32
      %dma_start3A_180 = tpu.memref_slice %arg6[%arg0, %add3A_169, %dma_start3A_179] : memref<2x10240x128xf32, #tpu.memory_space<hbm>> -> memref<1x128x128xf32, #tpu.memory_space<hbm>>
      %dma_start3A_181 = tpu.memref_squeeze %dma_start3A_180 : memref<1x128x128xf32, #tpu.memory_space<hbm>> -> memref<128x128xf32, #tpu.memory_space<hbm>>
      %dma_start3A_182 = arith.constant 0 : i32
      %dma_start3A_183 = tpu.memref_slice %arg10[%add3A_169, %dma_start3A_182] : memref<10240x128xf32, #tpu.memory_space<vmem_shared>> -> memref<128x128xf32, #tpu.memory_space<vmem_shared>>
      tpu.enqueue_dma source(%dma_start3A_183 : memref<128x128xf32, #tpu.memory_space<vmem_shared>>) target(%dma_start3A_181 : memref<128x128xf32, #tpu.memory_space<hbm>>) target_semaphore(%run_scoped3A_178 : memref<!tpu.dma_semaphore, #tpu.memory_space<semaphore_mem>>)
      %dma_wait3A_184 = arith.constant 0 : i32
      %dma_wait3A_185 = tpu.memref_slice %arg6[%arg0, %add3A_169, %dma_wait3A_184] : memref<2x10240x128xf32, #tpu.memory_space<hbm>> -> memref<1x128x128xf32, #tpu.memory_space<hbm>>
      %dma_wait3A_186 = tpu.memref_squeeze %dma_wait3A_185 : memref<1x128x128xf32, #tpu.memory_space<hbm>> -> memref<128x128xf32, #tpu.memory_space<hbm>>
      %dma_wait3A_187 = arith.constant 0 : i32
      %dma_wait3A_188 = tpu.memref_slice %arg10[%add3A_169, %dma_wait3A_187] : memref<10240x128xf32, #tpu.memory_space<vmem_shared>> -> memref<128x128xf32, #tpu.memory_space<vmem_shared>>
      tpu.wait_dma2 semaphore(%run_scoped3A_178 : memref<!tpu.dma_semaphore, #tpu.memory_space<semaphore_mem>>) src(%dma_wait3A_188 : memref<128x128xf32, #tpu.memory_space<vmem_shared>>) dst(%dma_wait3A_186 : memref<128x128xf32, #tpu.memory_space<hbm>>)
      tpu.yield
    }) : () -> ()
    %add3A_170 = arith.constant 128 : i32
    %add3A_171 = arith.addi %mul3A_0, %add3A_170 : i32
    "tpu.region"() ({
      %run_scoped3A_178 = tpu.sem_alloc : memref<!tpu.dma_semaphore, #tpu.memory_space<semaphore_mem>>
      %dma_start3A_179 = arith.constant 0 : i32
      %dma_start3A_180 = tpu.memref_slice %arg6[%arg0, %add3A_171, %dma_start3A_179] : memref<2x10240x128xf32, #tpu.memory_space<hbm>> -> memref<1x128x128xf32, #tpu.memory_space<hbm>>
      %dma_start3A_181 = tpu.memref_squeeze %dma_start3A_180 : memref<1x128x128xf32, #tpu.memory_space<hbm>> -> memref<128x128xf32, #tpu.memory_space<hbm>>
      %dma_start3A_182 = arith.constant 0 : i32
      %dma_start3A_183 = tpu.memref_slice %arg10[%add3A_171, %dma_start3A_182] : memref<10240x128xf32, #tpu.memory_space<vmem_shared>> -> memref<128x128xf32, #tpu.memory_space<vmem_shared>>
      tpu.enqueue_dma source(%dma_start3A_183 : memref<128x128xf32, #tpu.memory_space<vmem_shared>>) target(%dma_start3A_181 : memref<128x128xf32, #tpu.memory_space<hbm>>) target_semaphore(%run_scoped3A_178 : memref<!tpu.dma_semaphore, #tpu.memory_space<semaphore_mem>>)
      %dma_wait3A_184 = arith.constant 0 : i32
      %dma_wait3A_185 = tpu.memref_slice %arg6[%arg0, %add3A_171, %dma_wait3A_184] : memref<2x10240x128xf32, #tpu.memory_space<hbm>> -> memref<1x128x128xf32, #tpu.memory_space<hbm>>
      %dma_wait3A_186 = tpu.memref_squeeze %dma_wait3A_185 : memref<1x128x128xf32, #tpu.memory_space<hbm>> -> memref<128x128xf32, #tpu.memory_space<hbm>>
      %dma_wait3A_187 = arith.constant 0 : i32
      %dma_wait3A_188 = tpu.memref_slice %arg10[%add3A_171, %dma_wait3A_187] : memref<10240x128xf32, #tpu.memory_space<vmem_shared>> -> memref<128x128xf32, #tpu.memory_space<vmem_shared>>
      tpu.wait_dma2 semaphore(%run_scoped3A_178 : memref<!tpu.dma_semaphore, #tpu.memory_space<semaphore_mem>>) src(%dma_wait3A_188 : memref<128x128xf32, #tpu.memory_space<vmem_shared>>) dst(%dma_wait3A_186 : memref<128x128xf32, #tpu.memory_space<hbm>>)
      tpu.yield
    }) : () -> ()
    %add3A_172 = arith.constant 256 : i32
    %add3A_173 = arith.addi %mul3A_0, %add3A_172 : i32
    "tpu.region"() ({
      %run_scoped3A_178 = tpu.sem_alloc : memref<!tpu.dma_semaphore, #tpu.memory_space<semaphore_mem>>
      %dma_start3A_179 = arith.constant 0 : i32
      %dma_start3A_180 = tpu.memref_slice %arg6[%arg0, %add3A_173, %dma_start3A_179] : memref<2x10240x128xf32, #tpu.memory_space<hbm>> -> memref<1x128x128xf32, #tpu.memory_space<hbm>>
      %dma_start3A_181 = tpu.memref_squeeze %dma_start3A_180 : memref<1x128x128xf32, #tpu.memory_space<hbm>> -> memref<128x128xf32, #tpu.memory_space<hbm>>
      %dma_start3A_182 = arith.constant 0 : i32
      %dma_start3A_183 = tpu.memref_slice %arg10[%add3A_173, %dma_start3A_182] : memref<10240x128xf32, #tpu.memory_space<vmem_shared>> -> memref<128x128xf32, #tpu.memory_space<vmem_shared>>
      tpu.enqueue_dma source(%dma_start3A_183 : memref<128x128xf32, #tpu.memory_space<vmem_shared>>) target(%dma_start3A_181 : memref<128x128xf32, #tpu.memory_space<hbm>>) target_semaphore(%run_scoped3A_178 : memref<!tpu.dma_semaphore, #tpu.memory_space<semaphore_mem>>)
      %dma_wait3A_184 = arith.constant 0 : i32
      %dma_wait3A_185 = tpu.memref_slice %arg6[%arg0, %add3A_173, %dma_wait3A_184] : memref<2x10240x128xf32, #tpu.memory_space<hbm>> -> memref<1x128x128xf32, #tpu.memory_space<hbm>>
      %dma_wait3A_186 = tpu.memref_squeeze %dma_wait3A_185 : memref<1x128x128xf32, #tpu.memory_space<hbm>> -> memref<128x128xf32, #tpu.memory_space<hbm>>
      %dma_wait3A_187 = arith.constant 0 : i32
      %dma_wait3A_188 = tpu.memref_slice %arg10[%add3A_173, %dma_wait3A_187] : memref<10240x128xf32, #tpu.memory_space<vmem_shared>> -> memref<128x128xf32, #tpu.memory_space<vmem_shared>>
      tpu.wait_dma2 semaphore(%run_scoped3A_178 : memref<!tpu.dma_semaphore, #tpu.memory_space<semaphore_mem>>) src(%dma_wait3A_188 : memref<128x128xf32, #tpu.memory_space<vmem_shared>>) dst(%dma_wait3A_186 : memref<128x128xf32, #tpu.memory_space<hbm>>)
      tpu.yield
    }) : () -> ()
    %add3A_174 = arith.constant 384 : i32
    %add3A_175 = arith.addi %mul3A_0, %add3A_174 : i32
    "tpu.region"() ({
      %run_scoped3A_178 = tpu.sem_alloc : memref<!tpu.dma_semaphore, #tpu.memory_space<semaphore_mem>>
      %dma_start3A_179 = arith.constant 0 : i32
      %dma_start3A_180 = tpu.memref_slice %arg6[%arg0, %add3A_175, %dma_start3A_179] : memref<2x10240x128xf32, #tpu.memory_space<hbm>> -> memref<1x128x128xf32, #tpu.memory_space<hbm>>
      %dma_start3A_181 = tpu.memref_squeeze %dma_start3A_180 : memref<1x128x128xf32, #tpu.memory_space<hbm>> -> memref<128x128xf32, #tpu.memory_space<hbm>>
      %dma_start3A_182 = arith.constant 0 : i32
      %dma_start3A_183 = tpu.memref_slice %arg10[%add3A_175, %dma_start3A_182] : memref<10240x128xf32, #tpu.memory_space<vmem_shared>> -> memref<128x128xf32, #tpu.memory_space<vmem_shared>>
      tpu.enqueue_dma source(%dma_start3A_183 : memref<128x128xf32, #tpu.memory_space<vmem_shared>>) target(%dma_start3A_181 : memref<128x128xf32, #tpu.memory_space<hbm>>) target_semaphore(%run_scoped3A_178 : memref<!tpu.dma_semaphore, #tpu.memory_space<semaphore_mem>>)
      %dma_wait3A_184 = arith.constant 0 : i32
      %dma_wait3A_185 = tpu.memref_slice %arg6[%arg0, %add3A_175, %dma_wait3A_184] : memref<2x10240x128xf32, #tpu.memory_space<hbm>> -> memref<1x128x128xf32, #tpu.memory_space<hbm>>
      %dma_wait3A_186 = tpu.memref_squeeze %dma_wait3A_185 : memref<1x128x128xf32, #tpu.memory_space<hbm>> -> memref<128x128xf32, #tpu.memory_space<hbm>>
      %dma_wait3A_187 = arith.constant 0 : i32
      %dma_wait3A_188 = tpu.memref_slice %arg10[%add3A_175, %dma_wait3A_187] : memref<10240x128xf32, #tpu.memory_space<vmem_shared>> -> memref<128x128xf32, #tpu.memory_space<vmem_shared>>
      tpu.wait_dma2 semaphore(%run_scoped3A_178 : memref<!tpu.dma_semaphore, #tpu.memory_space<semaphore_mem>>) src(%dma_wait3A_188 : memref<128x128xf32, #tpu.memory_space<vmem_shared>>) dst(%dma_wait3A_186 : memref<128x128xf32, #tpu.memory_space<hbm>>)
      tpu.yield
    }) : () -> ()
    %add3A_176 = arith.constant 512 : i32
    %add3A_177 = arith.addi %mul3A_0, %add3A_176 : i32
    "tpu.region"() ({
      %run_scoped3A_178 = tpu.sem_alloc : memref<!tpu.dma_semaphore, #tpu.memory_space<semaphore_mem>>
      %dma_start3A_179 = arith.constant 0 : i32
      %dma_start3A_180 = tpu.memref_slice %arg6[%arg0, %add3A_177, %dma_start3A_179] : memref<2x10240x128xf32, #tpu.memory_space<hbm>> -> memref<1x128x128xf32, #tpu.memory_space<hbm>>
      %dma_start3A_181 = tpu.memref_squeeze %dma_start3A_180 : memref<1x128x128xf32, #tpu.memory_space<hbm>> -> memref<128x128xf32, #tpu.memory_space<hbm>>
      %dma_start3A_182 = arith.constant 0 : i32
      %dma_start3A_183 = tpu.memref_slice %arg10[%add3A_177, %dma_start3A_182] : memref<10240x128xf32, #tpu.memory_space<vmem_shared>> -> memref<128x128xf32, #tpu.memory_space<vmem_shared>>
      tpu.enqueue_dma source(%dma_start3A_183 : memref<128x128xf32, #tpu.memory_space<vmem_shared>>) target(%dma_start3A_181 : memref<128x128xf32, #tpu.memory_space<hbm>>) target_semaphore(%run_scoped3A_178 : memref<!tpu.dma_semaphore, #tpu.memory_space<semaphore_mem>>)
      %dma_wait3A_184 = arith.constant 0 : i32
      %dma_wait3A_185 = tpu.memref_slice %arg6[%arg0, %add3A_177, %dma_wait3A_184] : memref<2x10240x128xf32, #tpu.memory_space<hbm>> -> memref<1x128x128xf32, #tpu.memory_space<hbm>>
      %dma_wait3A_186 = tpu.memref_squeeze %dma_wait3A_185 : memref<1x128x128xf32, #tpu.memory_space<hbm>> -> memref<128x128xf32, #tpu.memory_space<hbm>>
      %dma_wait3A_187 = arith.constant 0 : i32
      %dma_wait3A_188 = tpu.memref_slice %arg10[%add3A_177, %dma_wait3A_187] : memref<10240x128xf32, #tpu.memory_space<vmem_shared>> -> memref<128x128xf32, #tpu.memory_space<vmem_shared>>
      tpu.wait_dma2 semaphore(%run_scoped3A_178 : memref<!tpu.dma_semaphore, #tpu.memory_space<semaphore_mem>>) src(%dma_wait3A_188 : memref<128x128xf32, #tpu.memory_space<vmem_shared>>) dst(%dma_wait3A_186 : memref<128x128xf32, #tpu.memory_space<hbm>>)
      tpu.yield
    }) : () -> ()
    return
  }
}

module attributes {stable_mosaic.version = 14 : i64} {
  func.func @_tc_a_body(%arg0: i32, %arg1: memref<1000x128xf32, #tpu.memory_space<vmem>>, %arg2: memref<128x128xf32, #tpu.memory_space<vmem>>, %arg3: memref<2x1000x16xf32, #tpu.memory_space<vmem>>, %arg4: memref<1000x128xf32, #tpu.memory_space<vmem>>, %arg5: memref<1000x1xf32, #tpu.memory_space<vmem>>) attributes {dimension_semantics = [#tpu.dimension_semantics<arbitrary>], iteration_bounds = array<i64: 10>, scalar_prefetch = 0 : i64, scratch_operands = 0 : i64, tpu.core_type = #tpu.core_type<tc>, window_params = [{transform_indices = @transform_0, window_bounds = array<i64: 1000, 128>}, {pipeline_mode = #tpu.pipeline_mode<synchronous>, transform_indices = @transform_1, window_bounds = array<i64: 128, 128>}, {transform_indices = @transform_2, window_bounds = array<i64: 2, 1000, 16>}, {transform_indices = @transform_3, window_bounds = array<i64: 1000, 128>}, {transform_indices = @transform_4, window_bounds = array<i64: 1000, 1>}]} {
    %get3A = arith.constant 0 : index
    %get3A_0 = arith.constant 0 : index
    %get3A_1 = arith.constant 0 : index
    %get3A_2 = vector.load %arg3[%get3A, %get3A_0, %get3A_1] : memref<2x1000x16xf32, #tpu.memory_space<vmem>>, vector<1x1000x16xf32>
    %get3A_3 = vector.shape_cast %get3A_2 : vector<1x1000x16xf32> to vector<1000x16xf32>
    %get3A_4 = arith.constant 1 : index
    %get3A_5 = arith.constant 0 : index
    %get3A_6 = arith.constant 0 : index
    %get3A_7 = vector.load %arg3[%get3A_4, %get3A_5, %get3A_6] : memref<2x1000x16xf32, #tpu.memory_space<vmem>>, vector<1x1000x16xf32>
    %get3A_8 = vector.shape_cast %get3A_7 : vector<1x1000x16xf32> to vector<1000x16xf32>
    %add3A = arith.addf %get3A_3, %get3A_8 : vector<1000x16xf32>
    %slice3A = vector.extract_strided_slice %add3A {offsets = [0, 0], sizes = [1000, 1], strides = [1, 1]} : vector<1000x16xf32> to vector<1000x1xf32>
    %add3A_9 = arith.constant 1.000000e+00 : f32
    %add3A_10 = vector.broadcast %add3A_9 : f32 to vector<1000x1xf32>
    %add3A_11 = arith.addf %slice3A, %add3A_10 : vector<1000x1xf32>
    %rsqrt3A = math.rsqrt %add3A_11 : vector<1000x1xf32>
    %get3A_12 = arith.constant 0 : index
    %get3A_13 = arith.constant 0 : index
    %get3A_14 = vector.load %arg1[%get3A_12, %get3A_13] : memref<1000x128xf32, #tpu.memory_space<vmem>>, vector<1000x128xf32>
    %get3A_15 = arith.constant 0 : index
    %get3A_16 = arith.constant 0 : index
    %get3A_17 = vector.load %arg2[%get3A_15, %get3A_16] : memref<128x128xf32, #tpu.memory_space<vmem>>, vector<128x128xf32>
    %dot_general3A = arith.constant dense<0.000000e+00> : vector<1000x128xf32>
    %dot_general3A_18 = tpu.matmul %get3A_14, %get3A_17, %dot_general3A {dimension_numbers = #tpu.dot_dimension_numbers<[1], [0], [0], [1], [0, 0, 1, 1], [], []>, transpose_lhs_hint = false} : vector<1000x128xf32>, vector<128x128xf32>, vector<1000x128xf32> -> vector<1000x128xf32>
    %mul3A = vector.broadcast %rsqrt3A : vector<1000x1xf32> to vector<1000x128xf32>
    %mul3A_19 = arith.mulf %dot_general3A_18, %mul3A : vector<1000x128xf32>
    %swap3A = arith.constant 0 : index
    %swap3A_20 = arith.constant 0 : index
    %swap3A_21 = vector.load %arg4[%swap3A, %swap3A_20] : memref<1000x128xf32, #tpu.memory_space<vmem>>, vector<1000x128xf32>
    tpu.vector_store %arg4[%swap3A, %swap3A_20], %mul3A_19 {strides = array<i32>} : memref<1000x128xf32, #tpu.memory_space<vmem>>, vector<1000x128xf32>,
    %swap3A_22 = arith.constant 0 : index
    %swap3A_23 = arith.constant 0 : index
    %swap3A_24 = vector.load %arg5[%swap3A_22, %swap3A_23] : memref<1000x1xf32, #tpu.memory_space<vmem>>, vector<1000x1xf32>
    tpu.vector_store %arg5[%swap3A_22, %swap3A_23], %rsqrt3A {strides = array<i32>} : memref<1000x1xf32, #tpu.memory_space<vmem>>, vector<1000x1xf32>,
    return
  }
  func.func @transform_0(%arg0: i32) -> (i32, i32) {
    %c0_i32 = arith.constant 0 : i32
    %c0_i32_0 = arith.constant 0 : i32
    return %arg0, %c0_i32 : i32, i32
  }
  func.func @transform_1(%arg0: i32) -> (i32, i32) {
    %c0_i32 = arith.constant 0 : i32
    %c0_i32_0 = arith.constant 0 : i32
    %c0_i32_1 = arith.constant 0 : i32
    return %c0_i32, %c0_i32_0 : i32, i32
  }
  func.func @transform_2(%arg0: i32) -> (i32, i32, i32) {
    %c0_i32 = arith.constant 0 : i32
    %c0_i32_0 = arith.constant 0 : i32
    %c0_i32_1 = arith.constant 0 : i32
    return %c0_i32, %arg0, %c0_i32_0 : i32, i32, i32
  }
  func.func @transform_3(%arg0: i32) -> (i32, i32) {
    %c0_i32 = arith.constant 0 : i32
    %c0_i32_0 = arith.constant 0 : i32
    return %arg0, %c0_i32 : i32, i32
  }
  func.func @transform_4(%arg0: i32) -> (i32, i32) {
    %c0_i32 = arith.constant 0 : i32
    %c0_i32_0 = arith.constant 0 : i32
    return %arg0, %c0_i32 : i32, i32
  }
}

module attributes {stable_mosaic.version = 14 : i64} {
  func.func @_tc_b_body(%arg0: i32, %arg1: memref<2x1000x128xf32, #tpu.memory_space<vmem>>, %arg2: memref<1000x128xf32, #tpu.memory_space<vmem>>, %arg3: memref<1000x1xf32, #tpu.memory_space<vmem>>, %arg4: memref<1x128xf32, #tpu.memory_space<vmem>>, %arg5: memref<128x16xf32, #tpu.memory_space<vmem>>, %arg6: memref<1000x16xf32, #tpu.memory_space<vmem>>) attributes {dimension_semantics = [#tpu.dimension_semantics<arbitrary>], iteration_bounds = array<i64: 10>, scalar_prefetch = 0 : i64, scratch_operands = 0 : i64, tpu.core_type = #tpu.core_type<tc>, window_params = [{transform_indices = @transform_0, window_bounds = array<i64: 2, 1000, 128>}, {transform_indices = @transform_1, window_bounds = array<i64: 1000, 128>}, {transform_indices = @transform_2, window_bounds = array<i64: 1000, 1>}, {pipeline_mode = #tpu.pipeline_mode<synchronous>, transform_indices = @transform_3, window_bounds = array<i64: 1, 128>}, {pipeline_mode = #tpu.pipeline_mode<synchronous>, transform_indices = @transform_4, window_bounds = array<i64: 128, 16>}, {transform_indices = @transform_5, window_bounds = array<i64: 1000, 16>}]} {
    %get3A = arith.constant 0 : index
    %get3A_0 = arith.constant 0 : index
    %get3A_1 = arith.constant 0 : index
    %get3A_2 = vector.load %arg1[%get3A, %get3A_0, %get3A_1] : memref<2x1000x128xf32, #tpu.memory_space<vmem>>, vector<1x1000x128xf32>
    %get3A_3 = vector.shape_cast %get3A_2 : vector<1x1000x128xf32> to vector<1000x128xf32>
    %get3A_4 = arith.constant 1 : index
    %get3A_5 = arith.constant 0 : index
    %get3A_6 = arith.constant 0 : index
    %get3A_7 = vector.load %arg1[%get3A_4, %get3A_5, %get3A_6] : memref<2x1000x128xf32, #tpu.memory_space<vmem>>, vector<1x1000x128xf32>
    %get3A_8 = vector.shape_cast %get3A_7 : vector<1x1000x128xf32> to vector<1000x128xf32>
    %add3A = arith.addf %get3A_3, %get3A_8 : vector<1000x128xf32>
    %get3A_9 = arith.constant 0 : index
    %get3A_10 = arith.constant 0 : index
    %get3A_11 = vector.load %arg2[%get3A_9, %get3A_10] : memref<1000x128xf32, #tpu.memory_space<vmem>>, vector<1000x128xf32>
    %add3A_12 = arith.addf %add3A, %get3A_11 : vector<1000x128xf32>
    %get3A_13 = arith.constant 0 : index
    %get3A_14 = arith.constant 0 : index
    %get3A_15 = vector.load %arg3[%get3A_13, %get3A_14] : memref<1000x1xf32, #tpu.memory_space<vmem>>, vector<1000x1xf32>
    %mul3A = vector.broadcast %get3A_15 : vector<1000x1xf32> to vector<1000x128xf32>
    %mul3A_16 = arith.mulf %mul3A, %add3A_12 : vector<1000x128xf32>
    %get3A_17 = arith.constant 0 : index
    %get3A_18 = arith.constant 0 : index
    %get3A_19 = vector.load %arg4[%get3A_17, %get3A_18] : memref<1x128xf32, #tpu.memory_space<vmem>>, vector<1x128xf32>
    %add3A_20 = vector.broadcast %get3A_19 : vector<1x128xf32> to vector<1000x128xf32>
    %add3A_21 = arith.addf %mul3A_16, %add3A_20 : vector<1000x128xf32>
    %max3A = arith.constant 0.000000e+00 : f32
    %max3A_22 = vector.broadcast %max3A : f32 to vector<1000x128xf32>
    %max3A_23 = arith.maximumf %add3A_21, %max3A_22 : vector<1000x128xf32>
    %get3A_24 = arith.constant 0 : index
    %get3A_25 = arith.constant 0 : index
    %get3A_26 = vector.load %arg5[%get3A_24, %get3A_25] : memref<128x16xf32, #tpu.memory_space<vmem>>, vector<128x16xf32>
    %dot_general3A = arith.constant dense<0.000000e+00> : vector<1000x16xf32>
    %dot_general3A_27 = tpu.matmul %max3A_23, %get3A_26, %dot_general3A {dimension_numbers = #tpu.dot_dimension_numbers<[1], [0], [0], [1], [0, 0, 1, 1], [], []>, transpose_lhs_hint = false} : vector<1000x128xf32>, vector<128x16xf32>, vector<1000x16xf32> -> vector<1000x16xf32>
    %get3A_28 = arith.constant 0 : index
    %get3A_29 = arith.constant 0 : index
    %get3A_30 = vector.load %arg3[%get3A_28, %get3A_29] : memref<1000x1xf32, #tpu.memory_space<vmem>>, vector<1000x1xf32>
    %mul3A_31 = vector.broadcast %get3A_30 : vector<1000x1xf32> to vector<1000x16xf32>
    %mul3A_32 = arith.mulf %dot_general3A_27, %mul3A_31 : vector<1000x16xf32>
    %swap3A = arith.constant 0 : index
    %swap3A_33 = arith.constant 0 : index
    %swap3A_34 = vector.load %arg6[%swap3A, %swap3A_33] : memref<1000x16xf32, #tpu.memory_space<vmem>>, vector<1000x16xf32>
    tpu.vector_store %arg6[%swap3A, %swap3A_33], %mul3A_32 {strides = array<i32>} : memref<1000x16xf32, #tpu.memory_space<vmem>>, vector<1000x16xf32>,
    return
  }
  func.func @transform_0(%arg0: i32) -> (i32, i32, i32) {
    %c0_i32 = arith.constant 0 : i32
    %c0_i32_0 = arith.constant 0 : i32
    %c0_i32_1 = arith.constant 0 : i32
    return %c0_i32, %arg0, %c0_i32_0 : i32, i32, i32
  }
  func.func @transform_1(%arg0: i32) -> (i32, i32) {
    %c0_i32 = arith.constant 0 : i32
    %c0_i32_0 = arith.constant 0 : i32
    return %arg0, %c0_i32 : i32, i32
  }
  func.func @transform_2(%arg0: i32) -> (i32, i32) {
    %c0_i32 = arith.constant 0 : i32
    %c0_i32_0 = arith.constant 0 : i32
    return %arg0, %c0_i32 : i32, i32
  }
  func.func @transform_3(%arg0: i32) -> (i32, i32) {
    %c0_i32 = arith.constant 0 : i32
    %c0_i32_0 = arith.constant 0 : i32
    %c0_i32_1 = arith.constant 0 : i32
    return %c0_i32, %c0_i32_0 : i32, i32
  }
  func.func @transform_4(%arg0: i32) -> (i32, i32) {
    %c0_i32 = arith.constant 0 : i32
    %c0_i32_0 = arith.constant 0 : i32
    %c0_i32_1 = arith.constant 0 : i32
    return %c0_i32, %c0_i32_0 : i32, i32
  }
  func.func @transform_5(%arg0: i32) -> (i32, i32) {
    %c0_i32 = arith.constant 0 : i32
    %c0_i32_0 = arith.constant 0 : i32
    return %arg0, %c0_i32 : i32, i32
  }
}

module attributes {stable_mosaic.version = 14 : i64} {
  func.func @_tc_c_body(%arg0: i32, %arg1: memref<2x1000x16xf32, #tpu.memory_space<vmem>>, %arg2: memref<1000x16xf32, #tpu.memory_space<vmem>>, %arg3: memref<1000x1xf32, #tpu.memory_space<vmem>>, %arg4: memref<1x16xf32, #tpu.memory_space<vmem>>, %arg5: memref<1000x16xf32, #tpu.memory_space<vmem>>) attributes {dimension_semantics = [#tpu.dimension_semantics<arbitrary>], iteration_bounds = array<i64: 10>, scalar_prefetch = 0 : i64, scratch_operands = 0 : i64, tpu.core_type = #tpu.core_type<tc>, window_params = [{transform_indices = @transform_0, window_bounds = array<i64: 2, 1000, 16>}, {transform_indices = @transform_1, window_bounds = array<i64: 1000, 16>}, {transform_indices = @transform_2, window_bounds = array<i64: 1000, 1>}, {pipeline_mode = #tpu.pipeline_mode<synchronous>, transform_indices = @transform_3, window_bounds = array<i64: 1, 16>}, {transform_indices = @transform_4, window_bounds = array<i64: 1000, 16>}]} {
    %get3A = arith.constant 0 : index
    %get3A_0 = arith.constant 0 : index
    %get3A_1 = arith.constant 0 : index
    %get3A_2 = vector.load %arg1[%get3A, %get3A_0, %get3A_1] : memref<2x1000x16xf32, #tpu.memory_space<vmem>>, vector<1x1000x16xf32>
    %get3A_3 = vector.shape_cast %get3A_2 : vector<1x1000x16xf32> to vector<1000x16xf32>
    %get3A_4 = arith.constant 1 : index
    %get3A_5 = arith.constant 0 : index
    %get3A_6 = arith.constant 0 : index
    %get3A_7 = vector.load %arg1[%get3A_4, %get3A_5, %get3A_6] : memref<2x1000x16xf32, #tpu.memory_space<vmem>>, vector<1x1000x16xf32>
    %get3A_8 = vector.shape_cast %get3A_7 : vector<1x1000x16xf32> to vector<1000x16xf32>
    %add3A = arith.addf %get3A_3, %get3A_8 : vector<1000x16xf32>
    %get3A_9 = arith.constant 0 : index
    %get3A_10 = arith.constant 0 : index
    %get3A_11 = vector.load %arg2[%get3A_9, %get3A_10] : memref<1000x16xf32, #tpu.memory_space<vmem>>, vector<1000x16xf32>
    %add3A_12 = arith.addf %add3A, %get3A_11 : vector<1000x16xf32>
    %get3A_13 = arith.constant 0 : index
    %get3A_14 = arith.constant 0 : index
    %get3A_15 = vector.load %arg3[%get3A_13, %get3A_14] : memref<1000x1xf32, #tpu.memory_space<vmem>>, vector<1000x1xf32>
    %mul3A = vector.broadcast %get3A_15 : vector<1000x1xf32> to vector<1000x16xf32>
    %mul3A_16 = arith.mulf %mul3A, %add3A_12 : vector<1000x16xf32>
    %get3A_17 = arith.constant 0 : index
    %get3A_18 = arith.constant 0 : index
    %get3A_19 = vector.load %arg4[%get3A_17, %get3A_18] : memref<1x16xf32, #tpu.memory_space<vmem>>, vector<1x16xf32>
    %add3A_20 = vector.broadcast %get3A_19 : vector<1x16xf32> to vector<1000x16xf32>
    %add3A_21 = arith.addf %mul3A_16, %add3A_20 : vector<1000x16xf32>
    %reduce_max3A = arith.constant dense<0xFF800000> : vector<1000xf32>
    %reduce_max3A_22 = vector.multi_reduction <maximumf>, %add3A_21, %reduce_max3A [1] : vector<1000x16xf32> to vector<1000xf32>
    %broadcast_in_dim3A = vector.shape_cast %reduce_max3A_22 : vector<1000xf32> to vector<1000x1xf32>
    %sub3A = vector.broadcast %broadcast_in_dim3A : vector<1000x1xf32> to vector<1000x16xf32>
    %sub3A_23 = arith.subf %add3A_21, %sub3A : vector<1000x16xf32>
    %exp3A = math.exp %sub3A_23 : vector<1000x16xf32>
    %reduce_sum3A = arith.constant dense<0.000000e+00> : vector<1000xf32>
    %reduce_sum3A_24 = vector.multi_reduction <add>, %exp3A, %reduce_sum3A [1] : vector<1000x16xf32> to vector<1000xf32>
    %broadcast_in_dim3A_25 = vector.shape_cast %reduce_sum3A_24 : vector<1000xf32> to vector<1000x1xf32>
    %log3A = math.log %broadcast_in_dim3A_25 : vector<1000x1xf32>
    %sub3A_26 = vector.broadcast %broadcast_in_dim3A : vector<1000x1xf32> to vector<1000x16xf32>
    %sub3A_27 = arith.subf %add3A_21, %sub3A_26 : vector<1000x16xf32>
    %sub3A_28 = vector.broadcast %log3A : vector<1000x1xf32> to vector<1000x16xf32>
    %sub3A_29 = arith.subf %sub3A_27, %sub3A_28 : vector<1000x16xf32>
    %swap3A = arith.constant 0 : index
    %swap3A_30 = arith.constant 0 : index
    %swap3A_31 = vector.load %arg5[%swap3A, %swap3A_30] : memref<1000x16xf32, #tpu.memory_space<vmem>>, vector<1000x16xf32>
    tpu.vector_store %arg5[%swap3A, %swap3A_30], %sub3A_29 {strides = array<i32>} : memref<1000x16xf32, #tpu.memory_space<vmem>>, vector<1000x16xf32>,
    return
  }
  func.func @transform_0(%arg0: i32) -> (i32, i32, i32) {
    %c0_i32 = arith.constant 0 : i32
    %c0_i32_0 = arith.constant 0 : i32
    %c0_i32_1 = arith.constant 0 : i32
    return %c0_i32, %arg0, %c0_i32_0 : i32, i32, i32
  }
  func.func @transform_1(%arg0: i32) -> (i32, i32) {
    %c0_i32 = arith.constant 0 : i32
    %c0_i32_0 = arith.constant 0 : i32
    return %arg0, %c0_i32 : i32, i32
  }
  func.func @transform_2(%arg0: i32) -> (i32, i32) {
    %c0_i32 = arith.constant 0 : i32
    %c0_i32_0 = arith.constant 0 : i32
    return %arg0, %c0_i32 : i32, i32
  }
  func.func @transform_3(%arg0: i32) -> (i32, i32) {
    %c0_i32 = arith.constant 0 : i32
    %c0_i32_0 = arith.constant 0 : i32
    %c0_i32_1 = arith.constant 0 : i32
    return %c0_i32, %c0_i32_0 : i32, i32
  }
  func.func @transform_4(%arg0: i32) -> (i32, i32) {
    %c0_i32 = arith.constant 0 : i32
    %c0_i32_0 = arith.constant 0 : i32
    return %arg0, %c0_i32 : i32, i32
  }
}

</mosaic_0001>

<sc_bundles>
// kernel: kernel.11.cloned.1.call-start
scs
__scs_entry_jumppad:
0x0: {  	(pc) =	sbr.rel $0x88, $3  }
0x1: {  	(tag) =	ssettag $0x0;
	lr =	simm.s32 $0x1  }
0x2: {  	[smem:$0x3F9B] =	sst lr;
	_ =	strace $0xD0000000  }
0x3: {  	_ = 	snop  }
0x4: {  	_ = 	snop  }
0x5: {  	_ = 	snop  }
0x6: {  	_ = 	snop  }
0x7: {  	_ = 	snop  }
__scs_overlays_trampoline_lowered:
0x8: {  	[smem:$0x3FAA] =	sst s0  }
0x9: {  	[smem:$0x3FAB] =	sst s1  }
0xa: {  	[smem:$0x3FAC] =	sst s2  }
0xb: {  	[smem:$0x3FAD] =	sst s3  }
0xc: {  	[smem:$0x3FAE] =	sst s4  }
0xd: {  	[smem:$0x3FAF] =	sst s5  }
0xe: {  	[smem:$0x3FB0] =	sst s6  }
0xf: {  	[smem:$0x3FB1] =	sst s7  }
0x10: {  	[smem:$0x3FB2] =	sst s8  }
0x11: {  	[smem:$0x3FB3] =	sst s9;
	s0 =	simm.s32 @!p0 $0x0  }
0x12: {  	s1 =	sld [smem:$0x3F99];
	s0 =	simm.s32 @p0 $0x1  }
0x13: {  	[smem:$0x3FB4] =	sst s0;
	s0 =	simm.s32 @!p1 $0x0  }
0x14: {  	s2 =	sld [smem:$0x3F98];
	s0 =	simm.s32 @p1 $0x1  }
0x15: {  	[smem:$0x3FB5] =	sst s0;
	s0 =	simm.s32 @!p2 $0x0  }
0x16: {  	s3 =	sld [smem:$0x3FDB];
	s0 =	simm.s32 @p2 $0x1  }
0x17: {  	s4 =	simm.s32 $0x1BF5;
	[smem:$0x3FB7] =	sst s0  }
0x18: {  	s0 =	sld [smem:$0x3F9A];
	_ =	swait.ge [sflag:s4], $0x0  }
0x19: {  	s7 =	sld [smem:$0x3F9B]  }
0x1a: {  	s8 =	sadd.s32 $0xFFFFE003, lr  }
0x1b: {  	s9 =	sadd.s32 $0xFFFFFEF7, lr;
	s5 =	simm.s32 $0xFFFFFFFF;
	p2 =	slt.u32 s8, $0xFFFFF086  }
0x1c: {  	p1 =	slt.u32 s9, $0xF7A;
	s5 =	simm.s32 @!p2 $0x0  }
0x1d: {  	s5 =	simm.s32 @p1 $0x1;
	p0 =	seq.s32 s7, s2  }
0x1e: {  	s7 =	smul.u32 @!p0 $0xF7A, s2;
	p2 =	seq.s32 @!p0 s5, $0x0  }
0x1f: {  	s9 =	smul.u32 $0xF7A, s1;
	s8 =	simm.s32 @!p0 $0x1BF5;
	p2 =	por !p2, p0  }
0x20: {  	[sflag:s8] =	ssyncset.s32 @!p0 $0xFFFFF086;
	s6 =	sadd.s32 @!p0 s3, s7;
	s7 =	simm.s32 @!p0 $0x108  }
0x21: {  	s3 =	sadd.s32 s3, s9;
	s6 =	sadd.s32 @!p0 $0x88, s6;
	s7 =	simm.s32 @p2 $0x1082  }
0x22: {  	[simem:s7], [sflag:s8] =	dma.local @!p0 [hbm:s6], $0xF7A  }
0x23: {  	s9 =	sor.u32 $0xD0000000, s2;
	s6 =	simm.s32 $0x108;
	_ =	swait.ge @!p0 [sflag:s8], $0x0  }
0x24: {  	s3 =	sadd.s32 $0x88, s3;
	s6 =	simm.s32 @!p1 $0x1082;
	[sflag:s4] =	ssyncset.s32 $0xFFFFF086  }
0x25: {  	[simem:s6], [sflag:s4] =	dma.local [hbm:s3], $0xF7A  }
0x26: {  	[smem:$0x3F9B] =	sst s1;
	(tag) =	ssettag s2;
	_ =	strace s9  }
0x27: {  	s1 =	sld [smem:$0x3FAB]  }
0x28: {  	s2 =	sld [smem:$0x3FAC]  }
0x29: {  	s4 =	sld [smem:$0x3FAE]  }
0x2a: {  	p0 =	seq.s32 s5, $0x0;
	s5 =	sld [smem:$0x3FAF]  }
0x2b: {  	s6 =	sld [smem:$0x3FB0]  }
0x2c: {  	s7 =	sld [smem:$0x3FB1]  }
0x2d: {  	s3 =	simm.s32 $0x108;
	s8 =	sld [smem:$0x3FB2]  }
0x2e: {  	s3 =	simm.s32 @!p0 $0x1082;
	s9 =	sld [smem:$0x3FB3]  }
0x2f: {  	lr =	sadd.s32 s0, s3;
	s0 =	sld [smem:$0x3FAA]  }
0x30: {  	s3 =	sld [smem:$0x3FAD]  }
0x31: {  	[smem:$0x3FB6] =	sst s10  }
0x32: {  	s10 =	sld [smem:$0x3FB4];
	_ =	sdelay $0x3  }
0x33: {  	p0 =	seq.s32 s10, $0x1;
	s10 =	sld [smem:$0x3FB6];
	_ =	sdelay $0x3  }
0x34: {  	[smem:$0x3FB6] =	sst s10  }
0x35: {  	s10 =	sld [smem:$0x3FB5];
	_ =	sdelay $0x3  }
0x36: {  	p1 =	seq.s32 s10, $0x1;
	s10 =	sld [smem:$0x3FB6];
	_ =	sdelay $0x3  }
0x37: {  	[smem:$0x3FB6] =	sst s10  }
0x38: {  	s10 =	sld [smem:$0x3FB7]  }
0x39: {  	_ = 	snop;
	(pc) =	sbr.ind lr, $3  }
0x3a: {  	_ = 	snop  }
0x3b: {  	_ = 	snop  }
0x3c: {  	p2 =	seq.s32 s10, $0x1;
	s10 =	sld [smem:$0x3FB6]  }
0x3d: {  	_ =	shalt  }
0x3e: {  	_ =	shalt  }
0x3f: {  	_ =	shalt  }
0x40: {  	_ =	shalt  }
0x41: {  	_ =	shalt  }
0x42: {  	_ =	shalt  }
0x43: {  	_ =	shalt  }
0x44: {  	_ =	shalt  }
0x45: {  	_ =	shalt  }
0x46: {  	_ =	shalt  }
0x47: {  	_ =	shalt  }
0x48: {  	_ =	shalt  }
0x49: {  	_ =	shalt  }
0x4a: {  	_ =	shalt  }
0x4b: {  	_ =	shalt  }
0x4c: {  	_ =	shalt  }
0x4d: {  	_ =	shalt  }
0x4e: {  	_ =	shalt  }
0x4f: {  	_ =	shalt  }
0x50: {  	_ =	shalt  }
0x51: {  	_ =	shalt  }
0x52: {  	_ =	shalt  }
0x53: {  	_ =	shalt  }
0x54: {  	_ =	shalt  }
0x55: {  	_ =	shalt  }
0x56: {  	_ =	shalt  }
0x57: {  	_ =	shalt  }
0x58: {  	_ =	shalt  }
0x59: {  	_ =	shalt  }
0x5a: {  	_ =	shalt  }
0x5b: {  	_ =	shalt  }
0x5c: {  	_ =	shalt  }
0x5d: {  	_ =	shalt  }
0x5e: {  	_ =	shalt  }
0x5f: {  	_ =	shalt  }
0x60: {  	_ =	shalt  }
0x61: {  	_ =	shalt  }
0x62: {  	_ =	shalt  }
0x63: {  	_ =	shalt  }
0x64: {  	_ =	shalt  }
0x65: {  	_ =	shalt  }
0x66: {  	_ =	shalt  }
0x67: {  	_ =	shalt  }
0x68: {  	_ =	shalt  }
0x69: {  	_ =	shalt  }
0x6a: {  	_ =	shalt  }
0x6b: {  	_ =	shalt  }
0x6c: {  	_ =	shalt  }
0x6d: {  	_ =	shalt  }
0x6e: {  	_ =	shalt  }
0x6f: {  	_ =	shalt  }
0x70: {  	_ =	shalt  }
0x71: {  	_ =	shalt  }
0x72: {  	_ =	shalt  }
0x73: {  	_ =	shalt  }
0x74: {  	_ =	shalt  }
0x75: {  	_ =	shalt  }
0x76: {  	_ =	shalt  }
0x77: {  	_ =	shalt  }
0x78: {  	_ =	shalt  }
0x79: {  	_ =	shalt  }
0x7a: {  	_ =	shalt  }
0x7b: {  	_ =	shalt  }
0x7c: {  	_ =	shalt  }
0x7d: {  	_ =	shalt  }
0x7e: {  	_ =	shalt  }
0x7f: {  	_ =	shalt  }
0x80: {  	_ =	shalt  }
0x81: {  	_ =	shalt  }
0x82: {  	_ =	shalt  }
0x83: {  	_ =	shalt  }
0x84: {  	_ =	shalt  }
0x85: {  	_ =	shalt  }
0x86: {  	_ =	shalt  }
0x87: {  	_ =	shalt  }
.Lfunc_end0:
.L_simem_size_0:
called_computation.1_lowered:
.L_overlay_start_0:
0x88: {  	s2 =	sld [smem:$0x3FD9]  }
0x89: {  	s3 =	sld [smem:$0x3FFE];
	_ =	sdelay $0x1  }
0x8a: {  	s1 =	srdreg.scid  }
0x8b: {  	s0 =	sand.u32 $0x1, s1  }
0x8c: {  	s17 =	sshll.u32 s0, $0xA;
	s2 =	sadd.s32 s3, s2  }
0x8d: {  	s2 =	sadd.s32 s2, s17  }
0x8e: {  	[smem:$0x3FC2] =	sst s2  }
0x8f: {  	_ = 	snop  }
0x90: {  	s2 =	sld [smem:$0x3FD0];
	(tm) =	ssettm $0x1  }
0x91: {  	s18 =	sld [smem:$0x3FFB];
	_ =	sdelay $0x3  }
0x92: {  	_ =	strace s18  }
0x93: {  	s3 =	sld [smem:$0x3FFC];
	_ =	sdelay $0x3  }
0x94: {  	_ =	strace s3  }
0x95: {  	s3 =	sld [smem:$0x3FFD];
	_ =	sdelay $0x3  }
0x96: {  	_ =	strace s3  }
0x97: {  	_ =	strace $0x8FFFFFFF  }
0x98: {  	s19 =	sld [smem:$0x3FDB];
	_ =	sdelay $0x1  }
0x99: {  	s4 =	simm.s32 $_scs_section_size  }
0x9a: {  	s5 =	simm.s32 $_size__tile_overlayer_lowered;
	s6 =	simm.s32 $_tile_overlayer_lowered  }
0x9b: {  	s22 =	simm.s32 $0x1BFF;
	s21 =	sshll.u32 s6, $0x1;
	s3 =	sadd.s32 s4, s19  }
0x9c: {  	s7 =	simm.s32 $0x0;
	s20 =	sshll.u32 s5, $0x1;
	s5 =	sadd.s32 s21, s3  }
0x9d: {  	[timem:s7], [sflag:s22] =	dma.local [hbm:s5], s20  }
0x9e: {  	_ =	swait.ge [sflag:s22], s20  }
0x9f: {  	s4 =	ssub.s32 $0x0, s20;
	[sflag:s22] =	ssyncset.done $0x0  }
0xa0: {  	[sflag:s22] =	ssyncadd.s32 s4;
	_ =	sdelay $0x1  }
0xa1: {  	s23 =	simm.s32 $0x1B8B  }
0xa2: {  	_ =	swait.ge [sflag:s23], $0x1  }
0xa3: {  	[sflag:s23] =	ssyncset.done $0x0  }
0xa4: {  	s25 =	simm.s32 $0x1B8E;
	s24 =	sld [smem:$0x3FFE];
	[sflag:s23] =	ssyncadd.s32 $0xFFFFFFFF  }
0xa5: {  	s26 =	simm.s32 $execute0_lowered;
	[smem:$0x3FD2] =	sst s25  }
0xa6: {  	s5 =	sshll.u32 s26, $0x1;
	_ =	strace $0x80000049;
	[dreg:$0x1] =	wrdreg $0xFFFFFFFF  }
0xa7: {  	s28 =	simm.s32 $_size_execute0_lowered;
	s3 =	sadd.s32 s3, s5;
	[dreg:$0x0] =	wrdreg $0x0  }
0xa8: {  	s5 =	sshll.u32 s28, $0x1;
	[dreg:$0x2] =	wrdreg s3  }
0xa9: {  	[dreg:$0x3] =	wrdreg s5  }
0xaa: {  	[dreg:$0x4] =	wrdreg $0xC0  }
0xab: {  	_ =	task [dreg:s7], $0x5FFFF  }
0xac: {  	[dreg:$0x1] =	wrdreg $0xFFFFFFFF  }
0xad: {  	[dreg:$0x0] =	wrdreg $0x60  }
0xae: {  	[dreg:$0x2] =	wrdreg s24  }
0xaf: {  	[dreg:$0x3] =	wrdreg s2  }
0xb0: {  	[dreg:$0x4] =	wrdreg $0x84000  }
0xb1: {  	[dreg:$0x5] =	wrdreg $0x9  }
0xb2: {  	_ =	task.clear_ibuf [dreg:s7], $0x6FFFF;
	_ =	strace $0x90000049  }
0xb3: {  	s29 =	simm.s32 $0x9;
	_ =	strace $0x8000004B  }
0xb4: {  	_ =	swait.ge [sflag:s29], $0x1  }
0xb5: {  	[sflag:s29] =	ssyncadd.s32 $0xFFFFFFFF  }
0xb6: {  	_ =	strace $0x9000004B  }
0xb7: {  	_ =	sfence  }
0xb8: {  	s30 =	sld [smem:$0x0];
	_ =	sdelay $0x2  }
0xb9: {  	s31 =	sshll.u32 s1, $0xD;
	s1 =	sshrl.u32 s1, $0x2  }
0xba: {  	s3 =	sand.u32 $0x4000, s31;
	s1 =	sadd.s32 s1, s30  }
0xbb: {  	s0 =	sor.u32 s3, s0;
	s1 =	sshll.u32 s1, $0x11  }
0xbc: {  	s0 =	sor.u32 s1, s0  }
0xbd: {  	s0 =	sadd.s32 $0x8F2B, s0  }
0xbe: {  	[sflag:s0] =	ssyncadd.remote.s32 $0x1  }
0xbf: {  	_ =	sfence.sel $0xFFFF  }
0xc0: {  	[dreg:$0x0] =	wrdreg $0xFFFFFFFF;
	(pc) =	sbr.abs _section_cstart, $3  }
0xc1: {  	[dreg:$0x1] =	wrdreg $0xFFFFFFFF  }
0xc2: {  	_ =	task.clear_ibuf [dreg:s7], $0x2FFFF;
	_ =	strace $0x9FFFFFFF  }
0xc3: {  	(tm) =	ssettm $0x7FFFFFFF  }
tec
execute0_lowered:
.L_overlay_start_1:
0x0: {  	(tag) =	ssettag $0x1  }
0x1: {  	s0 =	rddreg [dreg:$0x0]  }
0x2: {  	s2 =	rddreg [dreg:$0x2]  }
0x3: {  	s3 =	simm.s32 $0x0;
	s6 =	srdreg.scid;
	s13 =	stileid.u32  }
0x4: {  	s29 =	simm.s32 $0x300;
	s31 =	simm.s32 $0x380;
	s28 =	simm.s32 $0x1  }
0x5: {  	s30 =	simm.s32 $0x2;
	[smem:$0x7FF] =	sst s3;
	s1 =	sadd.s32 $0x15A00, s0  }
0x6: {  	s4 =	sadd.s32 $0x1A00, s0;
	s5 =	sadd.s32 $0x1FA00, s0;
	s9 =	sand.u32 $0x1, s6  }
0x7: {  	s6 =	smul.u32 $0x9C, s13;
	s7 =	sshll.u32 s13, $0x2;
	s0 =	sadd.s32 $0x46C00, s0  }
0x8: {  	s17 =	smul.u32 $0x14000, s13;
	_ =	strace $0x8000004A;
	s8 =	ssub.s32 $0x2, s9  }
0x9: {  	p0 =	seq.s32 s9, $0x0;
	s7 =	sor.u32 $0x9C0, s7;
	s9 =	smul.u32 $0x140000, s9  }
0xa: {  	s10 =	sshrl.u32 s8, $0x1;
	s7 =	smov.u32 @p0 s6;
	s6 =	simm.s32 $0x9C  }
0xb: {  	s13 =	sadd.s32 s17, s2;
	s15 =	sadd.s32 $0x10000, s17;
	s10 =	ssub.s32 s8, s10  }
0xc: {  	s11 =	sshll.u32 s7, $0x4;
	s6 =	simm.s32 @!p0 $0x4;
	s18 =	sadd.s32 s17, s9  }
0xd: {  	s22 =	sadd.s32 s15, s2;
	s7 =	sadd.s32 s1, s11;
	s8 =	sadd.s32 s4, s11  }
0xe: {  	s12 =	sor.u32 $0x20, s11;
	s24 =	sshll.u32 s6, $0x4;
	[dreg:$0xa] =	wrdreg s22  }
0xf: {  	s11 =	sor.u32 $0x30, s11;
	s25 =	sadd.s32 s1, s12;
	[dreg:$0x4] =	wrdreg s24  }
0x10: {  	s18 =	sshrl.u32 s18, $0x3;
	s12 =	sadd.s32 s4, s12;
	[dreg:$0x6] =	wrdreg s25  }
0x11: {  	s1 =	sadd.s32 s1, s11;
	s26 =	sadd.s32 s4, s11;
	[dreg:$0x7] =	wrdreg s12  }
0x12: {  	s4 =	sadd.s32 $0x4000, s17;
	s11 =	sadd.s32 $0x8000, s17;
	[dreg:$0x8] =	wrdreg s1  }
0x13: {  	s14 =	sadd.s32 s0, s18;
	s24 =	sadd.s32 $0xFFFFFFFC, s6;
	[dreg:$0x9] =	wrdreg s26  }
0x14: {  	s12 =	sadd.s32 $0xC000, s17;
	s19 =	sadd.s32 s4, s2;
	s20 =	sadd.s32 s11, s2  }
0x15: {  	s1 =	sadd.s32 s9, s4;
	[dreg:$0xb] =	wrdreg s14;
	s16 =	sadd.s32 s9, s11  }
0x16: {  	s25 =	smax.u32 s10, $0x1;
	s26 =	simm.s32 $0x280;
	s4 =	simm.s32 $0x4400  }
0x17: {  	s10 =	simm.s32 $0xC;
	s21 =	sadd.s32 s12, s2;
	s1 =	sshrl.u32 s1, $0x3  }
0x18: {  	s17 =	sadd.s32 s9, s12;
	s9 =	sadd.s32 s9, s15;
	[dreg:$0x10] =	wrdreg s25  }
0x19: {  	[dreg:$0x5] =	wrdreg s26;
	s25 =	simm.s32 $0xD;
	s1 =	sadd.s32 s0, s1  }
0x1a: {  	s26 =	simm.s32 $0x200;
	[dreg:$0xc] =	wrdreg s1;
	s1 =	sshrl.u32 s16, $0x3  }
0x1b: {  	s18 =	sshrl.u32 s17, $0x3;
	s23 =	sshrl.u32 s9, $0x3;
	s1 =	sadd.s32 s0, s1  }
0x1c: {  	s9 =	simm.s32 $0xB;
	[dreg:$0xd] =	wrdreg s1;
	s1 =	sadd.s32 s0, s18  }
0x1d: {  	s0 =	sadd.s32 s0, s23;
	s18 =	simm.s32 $0x0;
	[dreg:$0xe] =	wrdreg s1  }
0x1e: {  	[dreg:$0xf] =	wrdreg s0;
	s0 =	simm.s32 $0x400;
	s1 =	simm.s32 $0x80  }
.LBB2_1:
0x1f: {  	[tilespmem:s3], [sflag:$0xD] =	stream.linear.gather [hbm4b:s7+s3], $0x100, $0x38;
	[tilespmem:$0x1C400] =	vst v63  }
0x20: {  	_ =	swait.ge [sflag:s25], $0x100  }
0x21: {  	[sflag:s25] =	ssyncset.done $0x0  }
0x22: {  	[sflag:s25] =	ssyncadd.s32 $0xFFFFFF00  }
0x23: {  	[tilespmem:s26], [sflag:$0xD] =	stream.linear.gather [hbm4b:s8+s3], $0x100, $0x38;
	[tilespmem:$0x1C400] =	vst v63  }
0x24: {  	_ =	swait.ge [sflag:s25], $0x100  }
0x25: {  	[sflag:s25] =	ssyncset.done $0x0  }
0x26: {  	s12 =	simm.s32 $0x100;
	s11 =	rddreg [dreg:$0x6];
	[sflag:s25] =	ssyncadd.s32 $0xFFFFFF00  }
0x27: {  	[tilespmem:s12], [sflag:$0x7] =	stream.linear.gather [hbm4b:s11+s3], $0x80, $0x38;
	[tilespmem:$0x1C400] =	vst v63  }
0x28: {  	s14 =	rddreg [dreg:$0x7]  }
0x29: {  	[tilespmem:s29], [sflag:$0xB] =	stream.linear.gather [hbm4b:s14+s3], $0x80, $0x38;
	[tilespmem:$0x1C400] =	vst v63  }
0x2a: {  	s16 =	simm.s32 $0x180;
	s15 =	rddreg [dreg:$0x8]  }
0x2b: {  	[tilespmem:s16], [sflag:$0x8] =	stream.linear.gather [hbm4b:s15+s3], $0x80, $0x38;
	[tilespmem:$0x1C400] =	vst v63  }
0x2c: {  	s17 =	rddreg [dreg:$0x9]  }
0x2d: {  	[tilespmem:s31], [sflag:$0xC] =	stream.linear.gather [hbm4b:s17+s3], $0x80, $0x38;
	[tilespmem:$0x1C400] =	vst v63  }
0x2e: {  	s23 =	rddreg [dreg:$0x1]  }
0x2f: {  	[tilespmem:s0], [sflag:$0xD] =	stream.linear.gather [hbm4b:s23+s3], $0x4000, $0x38;
	[tilespmem:$0x1C400] =	vst v63  }
0x30: {  	_ =	swait.ge [sflag:s25], $0x4000  }
0x31: {  	[sflag:s25] =	ssyncset.done $0x0  }
0x32: {  	[sflag:s25] =	ssyncadd.s32 $0xFFFFC000  }
0x33: {  	[spmem:s13] =	stream.linear.scatter [tilespmem:s0], [sflag:$0xD], $0x4000, $0x38;
	[tilespmem:$0x1C400] =	vst v63  }
0x34: {  	_ =	swait.ge [sflag:s25], $0x4000  }
0x35: {  	[sflag:s25] =	ssyncset.done $0x0  }
0x36: {  	[sflag:s25] =	ssyncadd.s32 $0xFFFFC000  }
0x37: {  	[spmem:s19] =	stream.linear.scatter [tilespmem:s0], [sflag:$0xD], $0x4000, $0x38;
	[tilespmem:$0x1C400] =	vst v63  }
0x38: {  	_ =	swait.ge [sflag:s25], $0x4000  }
0x39: {  	[sflag:s25] =	ssyncset.done $0x0  }
0x3a: {  	[sflag:s25] =	ssyncadd.s32 $0xFFFFC000  }
0x3b: {  	[spmem:s20] =	stream.linear.scatter [tilespmem:s0], [sflag:$0xD], $0x4000, $0x38;
	[tilespmem:$0x1C400] =	vst v63  }
0x3c: {  	_ =	swait.ge [sflag:s25], $0x4000  }
0x3d: {  	[sflag:s25] =	ssyncset.done $0x0  }
0x3e: {  	[sflag:s25] =	ssyncadd.s32 $0xFFFFC000  }
0x3f: {  	[spmem:s21] =	stream.linear.scatter [tilespmem:s0], [sflag:$0xD], $0x4000, $0x38;
	[tilespmem:$0x1C400] =	vst v63  }
0x40: {  	_ =	swait.ge [sflag:s25], $0x4000  }
0x41: {  	[sflag:s25] =	ssyncset.done $0x0  }
0x42: {  	[sflag:s25] =	ssyncadd.s32 $0xFFFFC000  }
0x43: {  	[spmem:s22] =	stream.linear.scatter [tilespmem:s0], [sflag:$0xD], $0x4000, $0x38;
	[tilespmem:$0x1C400] =	vst v63  }
0x44: {  	_ =	swait.ge [sflag:s25], $0x4000  }
0x45: {  	[sflag:s25] =	ssyncset.done $0x0  }
0x46: {  	s14 =	smov.u32 s13;
	[sflag:s25] =	ssyncadd.s32 $0xFFFFC000  }
0x47: {  	s15 =	smov.u32 s19;
	s16 =	smov.u32 s20;
	[bflag:$0x0] =	sbarrier.arrive $0xFFFF  }
0x48: {  	[tilespmem:s0], [sflag:$0x1] =	stream.indirect.gather [hbm4b:s5+s1], $0x80, s3, s1, $0xb8;
	[tilespmem:$0x1C400] =	vst v63  }
0x49: {  	s17 =	smov.u32 s21;
	s19 =	simm.s32 $0x0;
	s20 =	simm.s32 $0x0  }
0x4a: {  	[tilespmem:s4], [sflag:$0x2] =	stream.indirect.gather [hbm4b:s5+s1], $0x80, s1, s1, $0xb8;
	[tilespmem:$0x1C400] =	vst v63  }
.LBB2_2:
0x4b: {  	_ =	swait.ge [sflag:s28], $0x4000;
	p0 =	sge.u32 s19, s24  }
0x4c: {  	p2 =	seq.s32 s20, $0x0;
	[sflag:s28] =	ssyncset.done $0x0;
	s21 =	sadd.s32 @!p0 s20, s7  }
0x4d: {  	[sflag:s28] =	ssyncadd.s32 $0xFFFFC000;
	s22 =	sadd.s32 @!p0 $0x40, s21;
	s21 =	simm.s32 @!p0 $0x0  }
0x4e: {  	[tilespmem:s21], [sflag:$0x5] =	stream.linear.gather @!p0 [hbm4b:s22+s21], $0x80, $0x38;
	[tilespmem:$0x1C400] =	vst v63  }
0x4f: {  	s22 =	simm.s32 @!p2 $0x9  }
0x50: {  	s12 =	sadd.s32 $0x2, s19;
	_ =	swait.ge @!p2 [sflag:s22], $0x80  }
0x51: {  	p1 =	sge.u32 s12, s6;
	[sflag:s22] =	ssyncset.done @!p2 $0x0  }
0x52: {  	[sflag:s22] =	ssyncadd.s32 @!p2 $0xFFFFFF80;
	s22 =	simm.s32 @!p1 $0x3  }
0x53: {  	[spmem:s2] =	stream.indirect.scatter.add.f32 [tilespmem:s0], [sflag:$0x3], $0x80, s26, s1, $0xb8;
	[tilespmem:$0x1C400] =	vst v63  }
0x54: {  	p3 =	sge.u32 @!p1 s19, s24;
	_ =	swait.ge @!p1 [sflag:s22], $0x4000  }
0x55: {  	p3 =	por p3, p1;
	[sflag:s22] =	ssyncset.done @!p1 $0x0  }
0x56: {  	[sflag:s22] =	ssyncadd.s32 @!p1 $0xFFFFC000;
	s22 =	sadd.s32 @!p3 s20, s8  }
0x57: {  	s23 =	simm.s32 @!p3 $0x0;
	s11 =	simm.s32 @!p3 $0x200;
	s22 =	sadd.s32 @!p3 $0x40, s22  }
0x58: {  	[tilespmem:s11], [sflag:$0x9] =	stream.linear.gather @!p3 [hbm4b:s22+s23], $0x80, $0x38;
	[tilespmem:$0x1C400] =	vst v63  }
0x59: {  	s11 =	simm.s32 @!p1 $0x7  }
0x5a: {  	_ =	swait.ge @!p1 [sflag:s11], $0x80  }
0x5b: {  	s22 =	simm.s32 @!p1 $0x100;
	[sflag:s11] =	ssyncset.done @!p1 $0x0  }
0x5c: {  	s23 =	simm.s32 @!p1 $0x400;
	[sflag:s11] =	ssyncadd.s32 @!p1 $0xFFFFFF80;
	s11 =	simm.s32 @!p1 $0x80  }
0x5d: {  	[tilespmem:s23], [sflag:$0x1] =	stream.indirect.gather @!p1 [hbm4b:s5+s11], $0x80, s22, s11, $0xb8;
	[tilespmem:$0x1C400] =	vst v63  }
0x5e: {  	s11 =	sadd.s32 $0x5, s19  }
0x5f: {  	_ =	swait.ge [sflag:s30], $0x4000;
	p1 =	sge.u32 s11, s6  }
0x60: {  	[sflag:s30] =	ssyncset.done $0x0;
	s22 =	sadd.s32 @!p1 s20, s7;
	s12 =	simm.s32 @!p1 $0x0  }
0x61: {  	[sflag:s30] =	ssyncadd.s32 $0xFFFFC000;
	s23 =	sadd.s32 @!p1 $0x50, s22;
	s22 =	simm.s32 @!p1 $0x80  }
0x62: {  	[tilespmem:s22], [sflag:$0x6] =	stream.linear.gather @!p1 [hbm4b:s23+s12], $0x80, $0x38;
	[tilespmem:$0x1C400] =	vst v63  }
0x63: {  	s12 =	simm.s32 @!p2 $0xA  }
0x64: {  	_ =	swait.ge @!p2 [sflag:s12], $0x80  }
0x65: {  	[sflag:s12] =	ssyncset.done @!p2 $0x0  }
0x66: {  	s13 =	rddreg [dreg:$0x5];
	[sflag:s12] =	ssyncadd.s32 @!p2 $0xFFFFFF80  }
0x67: {  	[spmem:s2] =	stream.indirect.scatter.add.f32 [tilespmem:s4], [sflag:$0x4], $0x80, s13, s1, $0xb8;
	[tilespmem:$0x1C400] =	vst v63  }
0x68: {  	s13 =	sadd.s32 $0x3, s19  }
0x69: {  	p2 =	sge.u32 s13, s6  }
0x6a: {  	s12 =	simm.s32 @!p2 $0x4;
	p3 =	sge.u32 @!p2 s11, s6  }
0x6b: {  	_ =	swait.ge @!p2 [sflag:s12], $0x4000;
	p3 =	por p3, p2  }
0x6c: {  	[sflag:s12] =	ssyncset.done @!p2 $0x0;
	s11 =	sadd.s32 @!p3 s20, s8;
	s23 =	simm.s32 @!p3 $0x280  }
0x6d: {  	[sflag:s12] =	ssyncadd.s32 @!p2 $0xFFFFC000;
	s11 =	sadd.s32 @!p3 $0x50, s11;
	s12 =	simm.s32 @!p3 $0x0  }
0x6e: {  	[tilespmem:s23], [sflag:$0xA] =	stream.linear.gather @!p3 [hbm4b:s11+s12], $0x80, $0x38;
	[tilespmem:$0x1C400] =	vst v63  }
0x6f: {  	s11 =	simm.s32 @!p2 $0x8  }
0x70: {  	_ =	swait.ge @!p2 [sflag:s11], $0x80  }
0x71: {  	s12 =	simm.s32 @!p2 $0x180;
	[sflag:s11] =	ssyncset.done @!p2 $0x0  }
0x72: {  	s23 =	simm.s32 @!p2 $0x4400;
	[sflag:s11] =	ssyncadd.s32 @!p2 $0xFFFFFF80;
	s11 =	simm.s32 @!p2 $0x80  }
0x73: {  	[tilespmem:s23], [sflag:$0x2] =	stream.indirect.gather @!p2 [hbm4b:s5+s11], $0x80, s12, s11, $0xb8;
	[tilespmem:$0x1C400] =	vst v63  }
0x74: {  	s11 =	sadd.s32 $0x6, s19  }
0x75: {  	_ =	swait.ge [sflag:s28], $0x4000;
	p2 =	sge.u32 s11, s6  }
0x76: {  	[sflag:s28] =	ssyncset.done $0x0;
	s12 =	sadd.s32 @!p2 s20, s7;
	s23 =	simm.s32 @!p2 $0x0  }
0x77: {  	s13 =	simm.s32 @!p2 $0x100;
	[sflag:s28] =	ssyncadd.s32 $0xFFFFC000;
	s12 =	sadd.s32 @!p2 $0x60, s12  }
0x78: {  	[tilespmem:s13], [sflag:$0x7] =	stream.linear.gather @!p2 [hbm4b:s12+s23], $0x80, $0x38;
	[tilespmem:$0x1C400] =	vst v63  }
0x79: {  	_ =	swait.ge [sflag:s9], $0x80  }
0x7a: {  	[sflag:s9] =	ssyncset.done $0x0  }
0x7b: {  	s12 =	simm.s32 @!p0 $0x3;
	p2 =	sge.u32 @!p0 s11, s6;
	[sflag:s9] =	ssyncadd.s32 $0xFFFFFF80  }
0x7c: {  	[spmem:s2] =	stream.indirect.scatter.add.f32 [tilespmem:s0], [sflag:$0x3], $0x80, s29, s1, $0xb8;
	[tilespmem:$0x1C400] =	vst v63  }
0x7d: {  	p2 =	por p2, p0;
	_ =	swait.ge @!p0 [sflag:s12], $0x4000  }
0x7e: {  	s11 =	sadd.s32 @!p2 s20, s8;
	s13 =	simm.s32 @!p2 $0x300;
	[sflag:s12] =	ssyncset.done @!p0 $0x0  }
0x7f: {  	s11 =	sadd.s32 @!p2 $0x60, s11;
	[sflag:s12] =	ssyncadd.s32 @!p0 $0xFFFFC000;
	s12 =	simm.s32 @!p2 $0x0  }
0x80: {  	[tilespmem:s13], [sflag:$0xB] =	stream.linear.gather @!p2 [hbm4b:s11+s12], $0x80, $0x38;
	[tilespmem:$0x1C400] =	vst v63  }
0x81: {  	s11 =	simm.s32 @!p0 $0x5  }
0x82: {  	_ =	swait.ge @!p0 [sflag:s11], $0x80  }
0x83: {  	[sflag:s11] =	ssyncset.done @!p0 $0x0  }
0x84: {  	s12 =	simm.s32 @!p0 $0x400;
	[sflag:s11] =	ssyncadd.s32 @!p0 $0xFFFFFF80;
	s11 =	simm.s32 @!p0 $0x80  }
0x85: {  	[tilespmem:s12], [sflag:$0x1] =	stream.indirect.gather @!p0 [hbm4b:s5+s11], $0x80, s21, s11, $0xb8;
	[tilespmem:$0x1C400] =	vst v63  }
0x86: {  	s11 =	sadd.s32 $0x7, s19  }
0x87: {  	_ =	swait.ge [sflag:s30], $0x4000;
	p0 =	sge.u32 s11, s6  }
0x88: {  	[sflag:s30] =	ssyncset.done $0x0;
	s12 =	sadd.s32 @!p0 s20, s7;
	s13 =	simm.s32 @!p0 $0x0  }
0x89: {  	s21 =	simm.s32 @!p0 $0x180;
	[sflag:s30] =	ssyncadd.s32 $0xFFFFC000;
	s12 =	sadd.s32 @!p0 $0x70, s12  }
0x8a: {  	[tilespmem:s21], [sflag:$0x8] =	stream.linear.gather @!p0 [hbm4b:s12+s13], $0x80, $0x38;
	[tilespmem:$0x1C400] =	vst v63  }
0x8b: {  	_ =	swait.ge [sflag:s10], $0x80  }
0x8c: {  	[sflag:s10] =	ssyncset.done $0x0  }
0x8d: {  	s12 =	simm.s32 @!p1 $0x4;
	p0 =	sge.u32 @!p1 s11, s6;
	[sflag:s10] =	ssyncadd.s32 $0xFFFFFF80  }
0x8e: {  	[spmem:s2] =	stream.indirect.scatter.add.f32 [tilespmem:s4], [sflag:$0x4], $0x80, s31, s1, $0xb8;
	[tilespmem:$0x1C400] =	vst v63  }
0x8f: {  	p0 =	por p0, p1;
	_ =	swait.ge @!p1 [sflag:s12], $0x4000  }
0x90: {  	s11 =	sadd.s32 @!p0 s20, s8;
	s13 =	simm.s32 @!p0 $0x380;
	[sflag:s12] =	ssyncset.done @!p1 $0x0  }
0x91: {  	s11 =	sadd.s32 @!p0 $0x70, s11;
	[sflag:s12] =	ssyncadd.s32 @!p1 $0xFFFFC000;
	s12 =	simm.s32 @!p0 $0x0  }
0x92: {  	[tilespmem:s13], [sflag:$0xC] =	stream.linear.gather @!p0 [hbm4b:s11+s12], $0x80, $0x38;
	[tilespmem:$0x1C400] =	vst v63  }
0x93: {  	s11 =	simm.s32 @!p1 $0x6  }
0x94: {  	_ =	swait.ge @!p1 [sflag:s11], $0x80  }
0x95: {  	s20 =	sadd.s32 $0x40, s20;
	s23 =	rddreg [dreg:$0x4]  }
0x96: {  	p0 =	sne.s32 s23, s20  }
.Ltmp0:
0x97: {  	_ = 	snop;
	(pc) =	sbr.rel @p0 .LBB2_2-.Ltmp0, $4  }
0x98: {  	_ = 	snop  }
0x99: {  	[sflag:s11] =	ssyncset.done @!p1 $0x0  }
0x9a: {  	s19 =	sadd.s32 $0x4, s19;
	[sflag:s11] =	ssyncadd.s32 @!p1 $0xFFFFFF80;
	s11 =	simm.s32 @!p1 $0x4400  }
0x9b: {  	[tilespmem:s11], [sflag:$0x2] =	stream.indirect.gather @!p1 [hbm4b:s5+s22], $0x80, s22, s22, $0xb8;
	[tilespmem:$0x1C400] =	vst v63  }
0x9c: {  	s11 =	simm.s32 $0x3  }
0x9d: {  	_ =	swait.ge [sflag:s11], $0x4000  }
0x9e: {  	[sflag:s11] =	ssyncset.done $0x0  }
0x9f: {  	s12 =	simm.s32 $0x4;
	[sflag:s11] =	ssyncadd.s32 $0xFFFFC000  }
0xa0: {  	_ =	swait.ge [sflag:s12], $0x4000  }
0xa1: {  	[sflag:s12] =	ssyncset.done $0x0  }
0xa2: {  	s13 =	stileid.u32;
	[sflag:s12] =	ssyncadd.s32 $0xFFFFC000  }
0xa3: {  	s11 =	sshll.u32 s13, $0x6;
	[bflag:$0x0] =	sbarrier.arrive $0xFFFF  }
0xa4: {  	s11 =	sor.u32 $0x1C0D, s11;
	s12 =	sshrl.u32 s14, $0x3;
	s19 =	rddreg [dreg:$0xb]  }
0xa5: {  	[hbm:s19], [sflag:s11] =	dma.local [spmem:s12], $0x800  }
0xa6: {  	_ =	swait.ge [sflag:s25], $0x800  }
0xa7: {  	[sflag:s25] =	ssyncset.done $0x0  }
0xa8: {  	s20 =	sshrl.u32 s15, $0x3;
	s21 =	rddreg [dreg:$0xc];
	[sflag:s25] =	ssyncadd.s32 $0xFFFFF800  }
0xa9: {  	[hbm:s21], [sflag:s11] =	dma.local [spmem:s20], $0x800  }
0xaa: {  	_ =	swait.ge [sflag:s25], $0x800  }
0xab: {  	[sflag:s25] =	ssyncset.done $0x0  }
0xac: {  	s22 =	sshrl.u32 s16, $0x3;
	s23 =	rddreg [dreg:$0xd];
	[sflag:s25] =	ssyncadd.s32 $0xFFFFF800  }
0xad: {  	[hbm:s23], [sflag:s11] =	dma.local [spmem:s22], $0x800  }
0xae: {  	_ =	swait.ge [sflag:s25], $0x800  }
0xaf: {  	s13 =	smov.u32 s14;
	s14 =	sshrl.u32 s17, $0x3;
	[sflag:s25] =	ssyncset.done $0x0  }
0xb0: {  	s19 =	smov.u32 s15;
	s15 =	rddreg [dreg:$0xe];
	[sflag:s25] =	ssyncadd.s32 $0xFFFFF800  }
0xb1: {  	[hbm:s15], [sflag:s11] =	dma.local [spmem:s14], $0x800  }
0xb2: {  	s20 =	smov.u32 s16;
	_ =	swait.ge [sflag:s25], $0x800  }
0xb3: {  	s21 =	smov.u32 s17;
	[sflag:s25] =	ssyncset.done $0x0;
	s22 =	rddreg [dreg:$0xa]  }
0xb4: {  	s17 =	rddreg [dreg:$0xf];
	[sflag:s25] =	ssyncadd.s32 $0xFFFFF800;
	s16 =	sshrl.u32 s22, $0x3  }
0xb5: {  	[hbm:s17], [sflag:s11] =	dma.local [spmem:s16], $0x800  }
0xb6: {  	_ =	swait.ge [sflag:s25], $0x800  }
0xb7: {  	s18 =	sadd.s32 $0x1, s18;
	s23 =	rddreg [dreg:$0x10]  }
0xb8: {  	p0 =	sne.s32 s18, s23  }
.Ltmp1:
0xb9: {  	_ = 	snop;
	(pc) =	sbr.rel @p0 .LBB2_1-.Ltmp1, $3  }
0xba: {  	_ =	sdelay $0x1  }
0xbb: {  	[sflag:s25] =	ssyncset.done $0x0  }
0xbc: {  	[sflag:s25] =	ssyncadd.s32 $0xFFFFF800  }
0xbd: {  	_ =	sfence.sel $0x180000  }
0xbe: {  	[bflag:$0x0] =	sbarrier.arrive $0xFFFF  }
0xbf: {  	_ =	strace $0x9000004A  }
0xc0: {  	s0 =	stileid.u32;
	[bflag:$0x2] =	sbarrier.arrive $0xFFFF  }
0xc1: {  	p0 =	sne.s32 s0, $0x0;
	s0 =	rddreg [dreg:$0x3]  }
0xc2: {  	s0 =	sadd.s32 @!p0 $0x100000, s0  }
0xc3: {  	[sflag:s0] =	ssyncadd.tile.s32 @!p0 $0x1;
	_ =	shalt  }
.Lfunc_end2:
_tile_overlayer_lowered:
.L_overlay_start_2:
0xc4: {  	(tag) =	ssettag $0x2  }
0xc5: {  	s0 =	rddreg [dreg:$0x0];
	s2 =	stileid.u32  }
0xc6: {  	s1 =	rddreg [dreg:$0x1];
	p0 =	sne.s32 s2, $0x0  }
0xc7: {  	s3 =	rddreg [dreg:$0x2];
	[bflag:$0x3] =	sbarrier.arrive $0xFFFF;
	s2 =	simm.s32 @!p0 $0x1C0D  }
0xc8: {  	[timem:s3], [sflag:s2] =	dma.local @!p0 [hbm:s0], s1  }
0xc9: {  	s0 =	simm.s32 @!p0 $0xD  }
0xca: {  	_ =	swait.ge @!p0 [sflag:s0], s1  }
0xcb: {  	s1 =	ssub.s32 @!p0 $0x0, s1;
	[sflag:s0] =	ssyncset.done @!p0 $0x0  }
0xcc: {  	[sflag:s0] =	ssyncadd.s32 @!p0 s1  }
0xcd: {  	[bflag:$0x3] =	sbarrier.arrive $0xFFFF  }
0xce: {  	_ =	shalt  }

// kernel: kernel.14.cloned.1.call-start
scs
__scs_entry_jumppad:
0x0: {  	(pc) =	sbr.rel $0x88, $3  }
0x1: {  	(tag) =	ssettag $0x0;
	lr =	simm.s32 $0x1  }
0x2: {  	[smem:$0x3F9B] =	sst lr;
	_ =	strace $0xD0000000  }
0x3: {  	_ = 	snop  }
0x4: {  	_ = 	snop  }
0x5: {  	_ = 	snop  }
0x6: {  	_ = 	snop  }
0x7: {  	_ = 	snop  }
__scs_overlays_trampoline_lowered:
0x8: {  	[smem:$0x3FAA] =	sst s0  }
0x9: {  	[smem:$0x3FAB] =	sst s1  }
0xa: {  	[smem:$0x3FAC] =	sst s2  }
0xb: {  	[smem:$0x3FAD] =	sst s3  }
0xc: {  	[smem:$0x3FAE] =	sst s4  }
0xd: {  	[smem:$0x3FAF] =	sst s5  }
0xe: {  	[smem:$0x3FB0] =	sst s6  }
0xf: {  	[smem:$0x3FB1] =	sst s7  }
0x10: {  	[smem:$0x3FB2] =	sst s8  }
0x11: {  	[smem:$0x3FB3] =	sst s9;
	s0 =	simm.s32 @!p0 $0x0  }
0x12: {  	s1 =	sld [smem:$0x3F99];
	s0 =	simm.s32 @p0 $0x1  }
0x13: {  	[smem:$0x3FB4] =	sst s0;
	s0 =	simm.s32 @!p1 $0x0  }
0x14: {  	s2 =	sld [smem:$0x3F98];
	s0 =	simm.s32 @p1 $0x1  }
0x15: {  	[smem:$0x3FB5] =	sst s0;
	s0 =	simm.s32 @!p2 $0x0  }
0x16: {  	s3 =	sld [smem:$0x3FDB];
	s0 =	simm.s32 @p2 $0x1  }
0x17: {  	s4 =	simm.s32 $0x1BF5;
	[smem:$0x3FB7] =	sst s0  }
0x18: {  	s0 =	sld [smem:$0x3F9A];
	_ =	swait.ge [sflag:s4], $0x0  }
0x19: {  	s7 =	sld [smem:$0x3F9B]  }
0x1a: {  	s8 =	sadd.s32 $0xFFFFE003, lr  }
0x1b: {  	s9 =	sadd.s32 $0xFFFFFEF7, lr;
	s5 =	simm.s32 $0xFFFFFFFF;
	p2 =	slt.u32 s8, $0xFFFFF086  }
0x1c: {  	p1 =	slt.u32 s9, $0xF7A;
	s5 =	simm.s32 @!p2 $0x0  }
0x1d: {  	s5 =	simm.s32 @p1 $0x1;
	p0 =	seq.s32 s7, s2  }
0x1e: {  	s7 =	smul.u32 @!p0 $0xF7A, s2;
	p2 =	seq.s32 @!p0 s5, $0x0  }
0x1f: {  	s9 =	smul.u32 $0xF7A, s1;
	s8 =	simm.s32 @!p0 $0x1BF5;
	p2 =	por !p2, p0  }
0x20: {  	[sflag:s8] =	ssyncset.s32 @!p0 $0xFFFFF086;
	s6 =	sadd.s32 @!p0 s3, s7;
	s7 =	simm.s32 @!p0 $0x108  }
0x21: {  	s3 =	sadd.s32 s3, s9;
	s6 =	sadd.s32 @!p0 $0x88, s6;
	s7 =	simm.s32 @p2 $0x1082  }
0x22: {  	[simem:s7], [sflag:s8] =	dma.local @!p0 [hbm:s6], $0xF7A  }
0x23: {  	s9 =	sor.u32 $0xD0000000, s2;
	s6 =	simm.s32 $0x108;
	_ =	swait.ge @!p0 [sflag:s8], $0x0  }
0x24: {  	s3 =	sadd.s32 $0x88, s3;
	s6 =	simm.s32 @!p1 $0x1082;
	[sflag:s4] =	ssyncset.s32 $0xFFFFF086  }
0x25: {  	[simem:s6], [sflag:s4] =	dma.local [hbm:s3], $0xF7A  }
0x26: {  	[smem:$0x3F9B] =	sst s1;
	(tag) =	ssettag s2;
	_ =	strace s9  }
0x27: {  	s1 =	sld [smem:$0x3FAB]  }
0x28: {  	s2 =	sld [smem:$0x3FAC]  }
0x29: {  	s4 =	sld [smem:$0x3FAE]  }
0x2a: {  	p0 =	seq.s32 s5, $0x0;
	s5 =	sld [smem:$0x3FAF]  }
0x2b: {  	s6 =	sld [smem:$0x3FB0]  }
0x2c: {  	s7 =	sld [smem:$0x3FB1]  }
0x2d: {  	s3 =	simm.s32 $0x108;
	s8 =	sld [smem:$0x3FB2]  }
0x2e: {  	s3 =	simm.s32 @!p0 $0x1082;
	s9 =	sld [smem:$0x3FB3]  }
0x2f: {  	lr =	sadd.s32 s0, s3;
	s0 =	sld [smem:$0x3FAA]  }
0x30: {  	s3 =	sld [smem:$0x3FAD]  }
0x31: {  	[smem:$0x3FB6] =	sst s10  }
0x32: {  	s10 =	sld [smem:$0x3FB4];
	_ =	sdelay $0x3  }
0x33: {  	p0 =	seq.s32 s10, $0x1;
	s10 =	sld [smem:$0x3FB6];
	_ =	sdelay $0x3  }
0x34: {  	[smem:$0x3FB6] =	sst s10  }
0x35: {  	s10 =	sld [smem:$0x3FB5];
	_ =	sdelay $0x3  }
0x36: {  	p1 =	seq.s32 s10, $0x1;
	s10 =	sld [smem:$0x3FB6];
	_ =	sdelay $0x3  }
0x37: {  	[smem:$0x3FB6] =	sst s10  }
0x38: {  	s10 =	sld [smem:$0x3FB7]  }
0x39: {  	_ = 	snop;
	(pc) =	sbr.ind lr, $3  }
0x3a: {  	_ = 	snop  }
0x3b: {  	_ = 	snop  }
0x3c: {  	p2 =	seq.s32 s10, $0x1;
	s10 =	sld [smem:$0x3FB6]  }
0x3d: {  	_ =	shalt  }
0x3e: {  	_ =	shalt  }
0x3f: {  	_ =	shalt  }
0x40: {  	_ =	shalt  }
0x41: {  	_ =	shalt  }
0x42: {  	_ =	shalt  }
0x43: {  	_ =	shalt  }
0x44: {  	_ =	shalt  }
0x45: {  	_ =	shalt  }
0x46: {  	_ =	shalt  }
0x47: {  	_ =	shalt  }
0x48: {  	_ =	shalt  }
0x49: {  	_ =	shalt  }
0x4a: {  	_ =	shalt  }
0x4b: {  	_ =	shalt  }
0x4c: {  	_ =	shalt  }
0x4d: {  	_ =	shalt  }
0x4e: {  	_ =	shalt  }
0x4f: {  	_ =	shalt  }
0x50: {  	_ =	shalt  }
0x51: {  	_ =	shalt  }
0x52: {  	_ =	shalt  }
0x53: {  	_ =	shalt  }
0x54: {  	_ =	shalt  }
0x55: {  	_ =	shalt  }
0x56: {  	_ =	shalt  }
0x57: {  	_ =	shalt  }
0x58: {  	_ =	shalt  }
0x59: {  	_ =	shalt  }
0x5a: {  	_ =	shalt  }
0x5b: {  	_ =	shalt  }
0x5c: {  	_ =	shalt  }
0x5d: {  	_ =	shalt  }
0x5e: {  	_ =	shalt  }
0x5f: {  	_ =	shalt  }
0x60: {  	_ =	shalt  }
0x61: {  	_ =	shalt  }
0x62: {  	_ =	shalt  }
0x63: {  	_ =	shalt  }
0x64: {  	_ =	shalt  }
0x65: {  	_ =	shalt  }
0x66: {  	_ =	shalt  }
0x67: {  	_ =	shalt  }
0x68: {  	_ =	shalt  }
0x69: {  	_ =	shalt  }
0x6a: {  	_ =	shalt  }
0x6b: {  	_ =	shalt  }
0x6c: {  	_ =	shalt  }
0x6d: {  	_ =	shalt  }
0x6e: {  	_ =	shalt  }
0x6f: {  	_ =	shalt  }
0x70: {  	_ =	shalt  }
0x71: {  	_ =	shalt  }
0x72: {  	_ =	shalt  }
0x73: {  	_ =	shalt  }
0x74: {  	_ =	shalt  }
0x75: {  	_ =	shalt  }
0x76: {  	_ =	shalt  }
0x77: {  	_ =	shalt  }
0x78: {  	_ =	shalt  }
0x79: {  	_ =	shalt  }
0x7a: {  	_ =	shalt  }
0x7b: {  	_ =	shalt  }
0x7c: {  	_ =	shalt  }
0x7d: {  	_ =	shalt  }
0x7e: {  	_ =	shalt  }
0x7f: {  	_ =	shalt  }
0x80: {  	_ =	shalt  }
0x81: {  	_ =	shalt  }
0x82: {  	_ =	shalt  }
0x83: {  	_ =	shalt  }
0x84: {  	_ =	shalt  }
0x85: {  	_ =	shalt  }
0x86: {  	_ =	shalt  }
0x87: {  	_ =	shalt  }
.Lfunc_end0:
.L_simem_size_0:
called_computation.2_lowered:
.L_overlay_start_0:
0x88: {  	s2 =	sld [smem:$0x3FD9]  }
0x89: {  	s3 =	sld [smem:$0x3FFE];
	_ =	sdelay $0x1  }
0x8a: {  	s1 =	srdreg.scid  }
0x8b: {  	s0 =	sand.u32 $0x1, s1  }
0x8c: {  	s17 =	sshll.u32 s0, $0xA;
	s2 =	sadd.s32 s3, s2  }
0x8d: {  	s2 =	sadd.s32 s2, s17  }
0x8e: {  	[smem:$0x3FC2] =	sst s2  }
0x8f: {  	_ = 	snop  }
0x90: {  	s2 =	sld [smem:$0x3FD0];
	(tm) =	ssettm $0x1  }
0x91: {  	s18 =	sld [smem:$0x3FFB];
	_ =	sdelay $0x3  }
0x92: {  	_ =	strace s18  }
0x93: {  	s3 =	sld [smem:$0x3FFC];
	_ =	sdelay $0x3  }
0x94: {  	_ =	strace s3  }
0x95: {  	s3 =	sld [smem:$0x3FFD];
	_ =	sdelay $0x3  }
0x96: {  	_ =	strace s3  }
0x97: {  	_ =	strace $0x8FFFFFFF  }
0x98: {  	s19 =	sld [smem:$0x3FDB];
	_ =	sdelay $0x1  }
0x99: {  	s4 =	simm.s32 $_scs_section_size  }
0x9a: {  	s5 =	simm.s32 $_size__tile_overlayer_lowered;
	s6 =	simm.s32 $_tile_overlayer_lowered  }
0x9b: {  	s22 =	simm.s32 $0x1BFF;
	s21 =	sshll.u32 s6, $0x1;
	s3 =	sadd.s32 s4, s19  }
0x9c: {  	s7 =	simm.s32 $0x0;
	s20 =	sshll.u32 s5, $0x1;
	s5 =	sadd.s32 s21, s3  }
0x9d: {  	[timem:s7], [sflag:s22] =	dma.local [hbm:s5], s20  }
0x9e: {  	_ =	swait.ge [sflag:s22], s20  }
0x9f: {  	s4 =	ssub.s32 $0x0, s20;
	[sflag:s22] =	ssyncset.done $0x0  }
0xa0: {  	[sflag:s22] =	ssyncadd.s32 s4;
	_ =	sdelay $0x1  }
0xa1: {  	s23 =	simm.s32 $0x1B8B  }
0xa2: {  	_ =	swait.ge [sflag:s23], $0x1  }
0xa3: {  	[sflag:s23] =	ssyncset.done $0x0  }
0xa4: {  	s25 =	simm.s32 $0x1B8E;
	s24 =	sld [smem:$0x3FFE];
	[sflag:s23] =	ssyncadd.s32 $0xFFFFFFFF  }
0xa5: {  	s26 =	simm.s32 $execute0_lowered;
	[smem:$0x3FD2] =	sst s25  }
0xa6: {  	s5 =	sshll.u32 s26, $0x1;
	_ =	strace $0x8000004C;
	[dreg:$0x1] =	wrdreg $0xFFFFFFFF  }
0xa7: {  	s28 =	simm.s32 $_size_execute0_lowered;
	s3 =	sadd.s32 s3, s5;
	[dreg:$0x0] =	wrdreg $0x0  }
0xa8: {  	s5 =	sshll.u32 s28, $0x1;
	[dreg:$0x2] =	wrdreg s3  }
0xa9: {  	[dreg:$0x3] =	wrdreg s5  }
0xaa: {  	[dreg:$0x4] =	wrdreg $0xC0  }
0xab: {  	_ =	task [dreg:s7], $0x5FFFF  }
0xac: {  	[dreg:$0x1] =	wrdreg $0xFFFFFFFF  }
0xad: {  	[dreg:$0x0] =	wrdreg $0x60  }
0xae: {  	[dreg:$0x2] =	wrdreg s24  }
0xaf: {  	[dreg:$0x3] =	wrdreg s2  }
0xb0: {  	[dreg:$0x4] =	wrdreg $0xA0000  }
0xb1: {  	[dreg:$0x5] =	wrdreg $0x9  }
0xb2: {  	_ =	task.clear_ibuf [dreg:s7], $0x6FFFF;
	_ =	strace $0x9000004C  }
0xb3: {  	s29 =	simm.s32 $0x9;
	_ =	strace $0x8000004E  }
0xb4: {  	_ =	swait.ge [sflag:s29], $0x1  }
0xb5: {  	[sflag:s29] =	ssyncadd.s32 $0xFFFFFFFF  }
0xb6: {  	_ =	strace $0x9000004E  }
0xb7: {  	_ =	sfence  }
0xb8: {  	s30 =	sld [smem:$0x0];
	_ =	sdelay $0x2  }
0xb9: {  	s31 =	sshll.u32 s1, $0xD;
	s1 =	sshrl.u32 s1, $0x2  }
0xba: {  	s3 =	sand.u32 $0x4000, s31;
	s1 =	sadd.s32 s1, s30  }
0xbb: {  	s0 =	sor.u32 s3, s0;
	s1 =	sshll.u32 s1, $0x11  }
0xbc: {  	s0 =	sor.u32 s1, s0  }
0xbd: {  	s0 =	sadd.s32 $0x8F2B, s0  }
0xbe: {  	[sflag:s0] =	ssyncadd.remote.s32 $0x1  }
0xbf: {  	_ =	sfence.sel $0xFFFF  }
0xc0: {  	[dreg:$0x0] =	wrdreg $0xFFFFFFFF;
	(pc) =	sbr.abs _section_cstart, $3  }
0xc1: {  	[dreg:$0x1] =	wrdreg $0xFFFFFFFF  }
0xc2: {  	_ =	task.clear_ibuf [dreg:s7], $0x2FFFF;
	_ =	strace $0x9FFFFFFF  }
0xc3: {  	(tm) =	ssettm $0x7FFFFFFF  }
tec
execute0_lowered:
.L_overlay_start_1:
0x0: {  	(tag) =	ssettag $0x1  }
0x1: {  	s0 =	rddreg [dreg:$0x0]  }
0x2: {  	s1 =	rddreg [dreg:$0x1]  }
0x3: {  	s2 =	rddreg [dreg:$0x2];
	s3 =	simm.s32 $0x0;
	s4 =	srdreg.scid  }
0x4: {  	s12 =	stileid.u32;
	s28 =	simm.s32 $0x8800;
	s30 =	simm.s32 $0x9000  }
0x5: {  	s29 =	simm.s32 $0x3;
	s31 =	simm.s32 $0x4;
	[smem:$0x7FF] =	sst s3  }
0x6: {  	s5 =	sadd.s32 $0x15A00, s0;
	s4 =	sand.u32 $0x1, s4;
	s8 =	sadd.s32 $0x1A00, s0  }
0x7: {  	s7 =	sadd.s32 $0xBA00, s0;
	s9 =	sshll.u32 s12, $0x9;
	s10 =	sshll.u32 s12, $0xB  }
0x8: {  	s0 =	sadd.s32 $0x1FA00, s0;
	_ =	strace $0x8000004D;
	s6 =	ssub.s32 $0x2, s4  }
0x9: {  	[dreg:$0x4] =	wrdreg s7;
	p0 =	seq.s32 s4, $0x0;
	s9 =	sor.u32 $0x8000, s9  }
0xa: {  	s7 =	simm.s32 $0x80;
	s22 =	smul.u32 $0x28000, s4;
	s9 =	smov.u32 @p0 s10  }
0xb: {  	s17 =	sshrl.u32 s6, $0x1;
	s7 =	simm.s32 @!p0 $0x20;
	s18 =	sadd.s32 s8, s9  }
0xc: {  	s10 =	sor.u32 $0x200, s10;
	s9 =	sadd.s32 s5, s9;
	[dreg:$0x5] =	wrdreg s18  }
0xd: {  	p0 =	sne.s32 s4, $0x0;
	s8 =	sadd.s32 s8, s10;
	[dreg:$0x6] =	wrdreg s9  }
0xe: {  	s11 =	ssub.s32 s6, s17;
	s5 =	sadd.s32 s5, s10;
	[dreg:$0x7] =	wrdreg s8  }
0xf: {  	s17 =	smul.u32 $0x2800, s12;
	s23 =	sshrl.u32 s7, $0x2;
	[dreg:$0x8] =	wrdreg s5  }
0x10: {  	s4 =	simm.s32 $0x1;
	s6 =	simm.s32 $0x80;
	[dreg:$0x9] =	wrdreg s23  }
0x11: {  	s26 =	smax.u32 s11, $0x1;
	s11 =	simm.s32 $0x0;
	s19 =	sadd.s32 $0x800, s17  }
0x12: {  	s12 =	sadd.s32 s17, s2;
	s20 =	sadd.s32 $0x1000, s17;
	s21 =	sadd.s32 $0x1800, s17  }
0x13: {  	s18 =	sadd.s32 $0x2000, s17;
	s17 =	sadd.s32 s17, s22;
	[dreg:$0xf] =	wrdreg s26  }
0x14: {  	s26 =	simm.s32 $0x8000;
	s13 =	sadd.s32 s19, s2;
	s14 =	sadd.s32 s20, s2  }
0x15: {  	s15 =	sadd.s32 s21, s2;
	s16 =	sadd.s32 s18, s2;
	s8 =	sadd.s32 s22, s19  }
0x16: {  	s5 =	sadd.s32 s22, s20;
	s9 =	sadd.s32 s22, s21;
	s17 =	sshrl.u32 s17, $0x3  }
0x17: {  	s10 =	sadd.s32 s22, s18;
	s8 =	sshrl.u32 s8, $0x3;
	s17 =	sadd.s32 s0, s17  }
0x18: {  	s5 =	sshrl.u32 s5, $0x3;
	s24 =	sshrl.u32 s9, $0x3;
	s25 =	sshrl.u32 s10, $0x3  }
0x19: {  	s9 =	simm.s32 $0x7;
	[dreg:$0xa] =	wrdreg s17;
	s8 =	sadd.s32 s0, s8  }
0x1a: {  	s10 =	simm.s32 $0x8;
	s5 =	sadd.s32 s0, s5;
	[dreg:$0xb] =	wrdreg s8  }
0x1b: {  	[dreg:$0xc] =	wrdreg s5;
	s5 =	sadd.s32 s0, s24;
	s0 =	sadd.s32 s0, s25  }
0x1c: {  	s25 =	simm.s32 $0x9;
	s24 =	simm.s32 $0x2;
	[dreg:$0xd] =	wrdreg s5  }
0x1d: {  	s8 =	simm.s32 $0x6;
	[dreg:$0xe] =	wrdreg s0;
	s0 =	simm.s32 $0x9800  }
.LBB2_1:
0x1e: {  	s5 =	rddreg [dreg:$0x5];
	s17 =	simm.s32 $0x4000  }
0x1f: {  	[tilespmem:s17], [sflag:$0x9] =	stream.linear.gather [hbm4b:s5+s3], $0x1000, $0x38;
	[tilespmem:$0xC800] =	vst v63  }
0x20: {  	_ =	swait.ge [sflag:s25], $0x1000  }
0x21: {  	[sflag:s25] =	ssyncset.done $0x0  }
0x22: {  	s22 =	rddreg [dreg:$0x6];
	[sflag:s25] =	ssyncadd.s32 $0xFFFFF000  }
0x23: {  	[tilespmem:s3], [sflag:$0x9] =	stream.linear.gather [hbm4b:s22+s3], $0x1000, $0x38;
	[tilespmem:$0xC800] =	vst v63  }
0x24: {  	_ =	swait.ge [sflag:s25], $0x1000  }
0x25: {  	s18 =	simm.s32 @!p0 $0x5000;
	[sflag:s25] =	ssyncset.done $0x0  }
0x26: {  	s17 =	simm.s32 @!p0 $0x0;
	s5 =	rddreg [dreg:$0x7];
	[sflag:s25] =	ssyncadd.s32 $0xFFFFF000  }
0x27: {  	[tilespmem:s18], [sflag:$0x9] =	stream.linear.gather @!p0 [hbm4b:s5+s17], $0x3000, $0x38;
	[tilespmem:$0xC800] =	vst v63  }
0x28: {  	s18 =	simm.s32 @!p0 $0x9  }
0x29: {  	_ =	swait.ge @!p0 [sflag:s18], $0x3000  }
0x2a: {  	[sflag:s18] =	ssyncset.done @!p0 $0x0  }
0x2b: {  	s19 =	simm.s32 @!p0 $0x1000;
	s5 =	rddreg [dreg:$0x8];
	[sflag:s18] =	ssyncadd.s32 @!p0 $0xFFFFD000  }
0x2c: {  	[tilespmem:s19], [sflag:$0x9] =	stream.linear.gather @!p0 [hbm4b:s5+s17], $0x3000, $0x38;
	[tilespmem:$0xC800] =	vst v63  }
0x2d: {  	_ =	swait.ge @!p0 [sflag:s18], $0x3000  }
0x2e: {  	[sflag:s18] =	ssyncset.done @!p0 $0x0  }
0x2f: {  	s23 =	rddreg [dreg:$0x4];
	[sflag:s18] =	ssyncadd.s32 @!p0 $0xFFFFD000  }
0x30: {  	[tilespmem:s26], [sflag:$0x9] =	stream.linear.gather [hbm4b:s23+s3], $0x800, $0x38;
	[tilespmem:$0xC800] =	vst v63  }
0x31: {  	_ =	swait.ge [sflag:s25], $0x800  }
0x32: {  	[sflag:s25] =	ssyncset.done $0x0  }
0x33: {  	[sflag:s25] =	ssyncadd.s32 $0xFFFFF800  }
0x34: {  	[spmem:s12] =	stream.linear.scatter [tilespmem:s26], [sflag:$0x9], $0x800, $0x38;
	[tilespmem:$0xC800] =	vst v63  }
0x35: {  	_ =	swait.ge [sflag:s25], $0x800  }
0x36: {  	[sflag:s25] =	ssyncset.done $0x0  }
0x37: {  	[sflag:s25] =	ssyncadd.s32 $0xFFFFF800  }
0x38: {  	[spmem:s13] =	stream.linear.scatter [tilespmem:s26], [sflag:$0x9], $0x800, $0x38;
	[tilespmem:$0xC800] =	vst v63  }
0x39: {  	_ =	swait.ge [sflag:s25], $0x800  }
0x3a: {  	[sflag:s25] =	ssyncset.done $0x0  }
0x3b: {  	[sflag:s25] =	ssyncadd.s32 $0xFFFFF800  }
0x3c: {  	[spmem:s14] =	stream.linear.scatter [tilespmem:s26], [sflag:$0x9], $0x800, $0x38;
	[tilespmem:$0xC800] =	vst v63  }
0x3d: {  	_ =	swait.ge [sflag:s25], $0x800  }
0x3e: {  	[sflag:s25] =	ssyncset.done $0x0  }
0x3f: {  	[sflag:s25] =	ssyncadd.s32 $0xFFFFF800  }
0x40: {  	[spmem:s15] =	stream.linear.scatter [tilespmem:s26], [sflag:$0x9], $0x800, $0x38;
	[tilespmem:$0xC800] =	vst v63  }
0x41: {  	_ =	swait.ge [sflag:s25], $0x800  }
0x42: {  	[sflag:s25] =	ssyncset.done $0x0  }
0x43: {  	[sflag:s25] =	ssyncadd.s32 $0xFFFFF800  }
0x44: {  	[spmem:s16] =	stream.linear.scatter [tilespmem:s26], [sflag:$0x9], $0x800, $0x38;
	[tilespmem:$0xC800] =	vst v63  }
0x45: {  	_ =	swait.ge [sflag:s25], $0x800  }
0x46: {  	[sflag:s25] =	ssyncset.done $0x0  }
0x47: {  	[sflag:s25] =	ssyncadd.s32 $0xFFFFF800  }
0x48: {  	[bflag:$0x0] =	sbarrier.arrive $0xFFFF  }
0x49: {  	[tilespmem:s26], [sflag:$0x1] =	stream.indirect.gather [hbm4b:s1+s6], $0x10, s3, s6, $0xb8;
	[tilespmem:$0xC800] =	vst v63  }
0x4a: {  	_ = 	snop  }
0x4b: {  	[tilespmem:s28], [sflag:$0x2] =	stream.indirect.gather [hbm4b:s1+s6], $0x10, s6, s6, $0xb8;
	[tilespmem:$0xC800] =	vst v63  }
0x4c: {  	s17 =	simm.s32 $0x100  }
0x4d: {  	[tilespmem:s30], [sflag:$0x3] =	stream.indirect.gather [hbm4b:s1+s6], $0x10, s17, s6, $0xb8;
	[tilespmem:$0xC800] =	vst v63  }
0x4e: {  	s18 =	simm.s32 $0x180  }
0x4f: {  	[tilespmem:s0], [sflag:$0x4] =	stream.indirect.gather [hbm4b:s1+s6], $0x10, s18, s6, $0xb8;
	[tilespmem:$0xC800] =	vst v63  }
0x50: {  	_ =	swait.ge [sflag:s4], $0x800  }
0x51: {  	p1 =	sle.u32 s7, $0x4;
	[sflag:s4] =	ssyncset.done $0x0  }
0x52: {  	s19 =	simm.s32 $0x4000;
	s17 =	simm.s32 @!p1 $0x5;
	[sflag:s4] =	ssyncadd.s32 $0xFFFFF800  }
0x53: {  	[spmem:s2] =	stream.indirect.scatter.add.f32 [tilespmem:s26], [sflag:$0x5], $0x10, s19, s6, $0xb8;
	[tilespmem:$0xC800] =	vst v63  }
0x54: {  	_ =	swait.ge @!p1 [sflag:s17], $0x800  }
0x55: {  	s20 =	simm.s32 @!p1 $0x8000;
	[sflag:s17] =	ssyncset.done @!p1 $0x0  }
0x56: {  	s18 =	simm.s32 @!p1 $0x200;
	s19 =	simm.s32 @!p1 $0x80;
	[sflag:s17] =	ssyncadd.s32 @!p1 $0xFFFFF800  }
0x57: {  	[tilespmem:s20], [sflag:$0x1] =	stream.indirect.gather @!p1 [hbm4b:s1+s19], $0x10, s18, s19, $0xb8;
	[tilespmem:$0xC800] =	vst v63  }
0x58: {  	_ =	swait.ge [sflag:s24], $0x800  }
0x59: {  	p1 =	sle.u32 s7, $0x5;
	[sflag:s24] =	ssyncset.done $0x0  }
0x5a: {  	s20 =	simm.s32 $0x4080;
	s18 =	simm.s32 @!p1 $0x6;
	[sflag:s24] =	ssyncadd.s32 $0xFFFFF800  }
0x5b: {  	[spmem:s2] =	stream.indirect.scatter.add.f32 [tilespmem:s28], [sflag:$0x6], $0x10, s20, s6, $0xb8;
	[tilespmem:$0xC800] =	vst v63  }
0x5c: {  	_ =	swait.ge @!p1 [sflag:s18], $0x800  }
0x5d: {  	s17 =	simm.s32 @!p1 $0x280;
	[sflag:s18] =	ssyncset.done @!p1 $0x0  }
0x5e: {  	s19 =	simm.s32 @!p1 $0x80;
	s20 =	simm.s32 @!p1 $0x8800;
	[sflag:s18] =	ssyncadd.s32 @!p1 $0xFFFFF800  }
0x5f: {  	[tilespmem:s20], [sflag:$0x2] =	stream.indirect.gather @!p1 [hbm4b:s1+s19], $0x10, s17, s19, $0xb8;
	[tilespmem:$0xC800] =	vst v63  }
0x60: {  	_ =	swait.ge [sflag:s29], $0x800  }
0x61: {  	p1 =	sle.u32 s7, $0x6;
	[sflag:s29] =	ssyncset.done $0x0  }
0x62: {  	s21 =	simm.s32 $0x4100;
	s18 =	simm.s32 @!p1 $0x7;
	[sflag:s29] =	ssyncadd.s32 $0xFFFFF800  }
0x63: {  	[spmem:s2] =	stream.indirect.scatter.add.f32 [tilespmem:s30], [sflag:$0x7], $0x10, s21, s6, $0xb8;
	[tilespmem:$0xC800] =	vst v63  }
0x64: {  	_ =	swait.ge @!p1 [sflag:s18], $0x800  }
0x65: {  	s17 =	simm.s32 @!p1 $0x300;
	[sflag:s18] =	ssyncset.done @!p1 $0x0  }
0x66: {  	s19 =	simm.s32 @!p1 $0x80;
	s20 =	simm.s32 @!p1 $0x9000;
	[sflag:s18] =	ssyncadd.s32 @!p1 $0xFFFFF800  }
0x67: {  	[tilespmem:s20], [sflag:$0x3] =	stream.indirect.gather @!p1 [hbm4b:s1+s19], $0x10, s17, s19, $0xb8;
	[tilespmem:$0xC800] =	vst v63  }
0x68: {  	_ =	swait.ge [sflag:s31], $0x800  }
0x69: {  	s22 =	rddreg [dreg:$0x9]  }
0x6a: {  	s17 =	sadd.s32 $0xFFFFFFFF, s22  }
0x6b: {  	p2 =	sle.u32 s7, $0x7;
	p1 =	sne.s32 s17, $0x0  }
.Ltmp0:
0x6c: {  	s23 =	simm.s32 $0x4180;
	[sflag:s31] =	ssyncset.done $0x0;
	(pc) =	sbr.rel @!p1 .LBB2_3-.Ltmp0, $4  }
0x6d: {  	s21 =	simm.s32 @!p2 $0x380;
	s20 =	simm.s32 @!p2 $0x8;
	[sflag:s31] =	ssyncadd.s32 $0xFFFFF800  }
0x6e: {  	[spmem:s2] =	stream.indirect.scatter.add.f32 [tilespmem:s0], [sflag:$0x8], $0x10, s23, s6, $0xb8;
	[tilespmem:$0xC800] =	vst v63  }
0x6f: {  	s18 =	simm.s32 $0x8;
	s19 =	simm.s32 $0x0;
	_ =	swait.ge @!p2 [sflag:s20], $0x800  }
0x70: {  	s22 =	simm.s32 @!p2 $0x80;
	s23 =	simm.s32 @!p2 $0x9800;
	[sflag:s20] =	ssyncset.done @!p2 $0x0  }
.LBB2_2:
0x71: {  	s17 =	sadd.s32 $0xFFFFFFFF, s17;
	[sflag:s20] =	ssyncadd.s32 @!p2 $0xFFFFF800;
	s19 =	sadd.s32 $0x800, s19  }
0x72: {  	[tilespmem:s23], [sflag:$0x4] =	stream.indirect.gather @!p2 [hbm4b:s1+s22], $0x10, s21, s22, $0xb8;
	[tilespmem:$0xC800] =	vst v63  }
0x73: {  	p1 =	sne.s32 s17, $0x0;
	_ =	swait.ge [sflag:s4], $0x800  }
0x74: {  	s20 =	sshra.s32 s19, $0x2;
	[sflag:s4] =	ssyncset.done $0x0  }
0x75: {  	p2 =	sge.u32 s18, s7;
	s21 =	sadd.s32 $0x4000, s20;
	[sflag:s4] =	ssyncadd.s32 $0xFFFFF800  }
0x76: {  	[spmem:s2] =	stream.indirect.scatter.add.f32 [tilespmem:s26], [sflag:$0x5], $0x10, s21, s6, $0xb8;
	[tilespmem:$0xC800] =	vst v63  }
0x77: {  	s22 =	sshra.s32 @!p2 s19, $0x2;
	s21 =	simm.s32 @!p2 $0x5  }
0x78: {  	s22 =	sadd.s32 @!p2 $0x200, s22;
	_ =	swait.ge @!p2 [sflag:s21], $0x800  }
0x79: {  	s23 =	simm.s32 @!p2 $0x80;
	s5 =	simm.s32 @!p2 $0x8000;
	[sflag:s21] =	ssyncset.done @!p2 $0x0  }
0x7a: {  	[sflag:s21] =	ssyncadd.s32 @!p2 $0xFFFFF800  }
0x7b: {  	[tilespmem:s5], [sflag:$0x1] =	stream.indirect.gather @!p2 [hbm4b:s1+s23], $0x10, s22, s23, $0xb8;
	[tilespmem:$0xC800] =	vst v63  }
0x7c: {  	s5 =	sadd.s32 $0x1, s18;
	_ =	swait.ge [sflag:s24], $0x800  }
0x7d: {  	s21 =	sadd.s32 $0x4080, s20;
	p2 =	sge.u32 s5, s7;
	[sflag:s24] =	ssyncset.done $0x0  }
0x7e: {  	s5 =	simm.s32 @!p2 $0x6;
	s22 =	sshra.s32 @!p2 s19, $0x2;
	[sflag:s24] =	ssyncadd.s32 $0xFFFFF800  }
0x7f: {  	[spmem:s2] =	stream.indirect.scatter.add.f32 [tilespmem:s28], [sflag:$0x6], $0x10, s21, s6, $0xb8;
	[tilespmem:$0xC800] =	vst v63  }
0x80: {  	s21 =	sadd.s32 @!p2 $0x280, s22;
	_ =	swait.ge @!p2 [sflag:s5], $0x800  }
0x81: {  	s23 =	simm.s32 @!p2 $0x8800;
	s22 =	simm.s32 @!p2 $0x80;
	[sflag:s5] =	ssyncset.done @!p2 $0x0  }
0x82: {  	[sflag:s5] =	ssyncadd.s32 @!p2 $0xFFFFF800  }
0x83: {  	[tilespmem:s23], [sflag:$0x2] =	stream.indirect.gather @!p2 [hbm4b:s1+s22], $0x10, s21, s22, $0xb8;
	[tilespmem:$0xC800] =	vst v63  }
0x84: {  	s5 =	sadd.s32 $0x2, s18;
	_ =	swait.ge [sflag:s29], $0x800  }
0x85: {  	s21 =	sadd.s32 $0x4100, s20;
	p2 =	sge.u32 s5, s7;
	[sflag:s29] =	ssyncset.done $0x0  }
0x86: {  	s5 =	simm.s32 @!p2 $0x7;
	s22 =	sshra.s32 @!p2 s19, $0x2;
	[sflag:s29] =	ssyncadd.s32 $0xFFFFF800  }
0x87: {  	[spmem:s2] =	stream.indirect.scatter.add.f32 [tilespmem:s30], [sflag:$0x7], $0x10, s21, s6, $0xb8;
	[tilespmem:$0xC800] =	vst v63  }
0x88: {  	s21 =	sadd.s32 @!p2 $0x300, s22;
	_ =	swait.ge @!p2 [sflag:s5], $0x800  }
0x89: {  	s23 =	simm.s32 @!p2 $0x9000;
	s22 =	simm.s32 @!p2 $0x80;
	[sflag:s5] =	ssyncset.done @!p2 $0x0  }
0x8a: {  	[sflag:s5] =	ssyncadd.s32 @!p2 $0xFFFFF800  }
0x8b: {  	[tilespmem:s23], [sflag:$0x3] =	stream.indirect.gather @!p2 [hbm4b:s1+s22], $0x10, s21, s22, $0xb8;
	[tilespmem:$0xC800] =	vst v63  }
0x8c: {  	s5 =	sadd.s32 $0x3, s18;
	s21 =	sadd.s32 $0x4180, s20;
	_ =	swait.ge [sflag:s31], $0x800  }
.Ltmp1:
0x8d: {  	p2 =	sge.u32 s5, s7;
	[sflag:s31] =	ssyncset.done $0x0;
	(pc) =	sbr.rel @p1 .LBB2_2-.Ltmp1, $4  }
0x8e: {  	s20 =	simm.s32 @!p2 $0x8;
	s5 =	sshra.s32 @!p2 s19, $0x2;
	[sflag:s31] =	ssyncadd.s32 $0xFFFFF800  }
0x8f: {  	[spmem:s2] =	stream.indirect.scatter.add.f32 [tilespmem:s0], [sflag:$0x8], $0x10, s21, s6, $0xb8;
	[tilespmem:$0xC800] =	vst v63  }
0x90: {  	s18 =	sadd.s32 $0x4, s18;
	s21 =	sadd.s32 @!p2 $0x380, s5;
	_ =	swait.ge @!p2 [sflag:s20], $0x800  }
0x91: {  	s22 =	simm.s32 @!p2 $0x80;
	s23 =	simm.s32 @!p2 $0x9800;
	[sflag:s20] =	ssyncset.done @!p2 $0x0  }
.LBB2_3:
0x92: {  	[sflag:s20] =	ssyncadd.s32 @!p2 $0xFFFFF800;
	s5 =	simm.s32 $0x5  }
0x93: {  	[tilespmem:s23], [sflag:$0x4] =	stream.indirect.gather @!p2 [hbm4b:s1+s22], $0x10, s21, s22, $0xb8;
	[tilespmem:$0xC800] =	vst v63  }
0x94: {  	_ =	swait.ge [sflag:s5], $0x800  }
0x95: {  	[sflag:s5] =	ssyncset.done $0x0  }
0x96: {  	[sflag:s5] =	ssyncadd.s32 $0xFFFFF800  }
0x97: {  	_ =	swait.ge [sflag:s8], $0x800  }
0x98: {  	[sflag:s8] =	ssyncset.done $0x0  }
0x99: {  	[sflag:s8] =	ssyncadd.s32 $0xFFFFF800  }
0x9a: {  	_ =	swait.ge [sflag:s9], $0x800  }
0x9b: {  	[sflag:s9] =	ssyncset.done $0x0  }
0x9c: {  	[sflag:s9] =	ssyncadd.s32 $0xFFFFF800  }
0x9d: {  	_ =	swait.ge [sflag:s10], $0x800  }
0x9e: {  	[sflag:s10] =	ssyncset.done $0x0  }
0x9f: {  	s19 =	stileid.u32;
	[sflag:s10] =	ssyncadd.s32 $0xFFFFF800  }
0xa0: {  	s5 =	sshll.u32 s19, $0x6;
	[bflag:$0x0] =	sbarrier.arrive $0xFFFF  }
0xa1: {  	s17 =	sshrl.u32 s12, $0x3;
	s5 =	sor.u32 $0x1C09, s5;
	s18 =	rddreg [dreg:$0xa]  }
0xa2: {  	[hbm:s18], [sflag:s5] =	dma.local [spmem:s17], $0x100  }
0xa3: {  	_ =	swait.ge [sflag:s25], $0x100  }
0xa4: {  	[sflag:s25] =	ssyncset.done $0x0  }
0xa5: {  	s20 =	sshrl.u32 s13, $0x3;
	s21 =	rddreg [dreg:$0xb];
	[sflag:s25] =	ssyncadd.s32 $0xFFFFFF00  }
0xa6: {  	[hbm:s21], [sflag:s5] =	dma.local [spmem:s20], $0x100  }
0xa7: {  	_ =	swait.ge [sflag:s25], $0x100  }
0xa8: {  	[sflag:s25] =	ssyncset.done $0x0  }
0xa9: {  	s22 =	sshrl.u32 s14, $0x3;
	s23 =	rddreg [dreg:$0xc];
	[sflag:s25] =	ssyncadd.s32 $0xFFFFFF00  }
0xaa: {  	[hbm:s23], [sflag:s5] =	dma.local [spmem:s22], $0x100  }
0xab: {  	_ =	swait.ge [sflag:s25], $0x100  }
0xac: {  	[sflag:s25] =	ssyncset.done $0x0  }
0xad: {  	s19 =	sshrl.u32 s15, $0x3;
	s20 =	rddreg [dreg:$0xd];
	[sflag:s25] =	ssyncadd.s32 $0xFFFFFF00  }
0xae: {  	[hbm:s20], [sflag:s5] =	dma.local [spmem:s19], $0x100  }
0xaf: {  	_ =	swait.ge [sflag:s25], $0x100  }
0xb0: {  	[sflag:s25] =	ssyncset.done $0x0  }
0xb1: {  	s21 =	sshrl.u32 s16, $0x3;
	s22 =	rddreg [dreg:$0xe];
	[sflag:s25] =	ssyncadd.s32 $0xFFFFFF00  }
0xb2: {  	[hbm:s22], [sflag:s5] =	dma.local [spmem:s21], $0x100  }
0xb3: {  	_ =	swait.ge [sflag:s25], $0x100  }
0xb4: {  	s11 =	sadd.s32 $0x1, s11;
	s23 =	rddreg [dreg:$0xf]  }
0xb5: {  	p1 =	sne.s32 s11, s23  }
.Ltmp2:
0xb6: {  	_ = 	snop;
	(pc) =	sbr.rel @p1 .LBB2_1-.Ltmp2, $3  }
0xb7: {  	_ =	sdelay $0x1  }
0xb8: {  	[sflag:s25] =	ssyncset.done $0x0  }
0xb9: {  	[sflag:s25] =	ssyncadd.s32 $0xFFFFFF00  }
0xba: {  	_ =	sfence.sel $0x180000  }
0xbb: {  	[bflag:$0x0] =	sbarrier.arrive $0xFFFF  }
0xbc: {  	_ =	strace $0x9000004D  }
0xbd: {  	s0 =	stileid.u32;
	[bflag:$0x2] =	sbarrier.arrive $0xFFFF  }
0xbe: {  	p0 =	sne.s32 s0, $0x0;
	s0 =	rddreg [dreg:$0x3]  }
0xbf: {  	s0 =	sadd.s32 @!p0 $0x100000, s0  }
0xc0: {  	[sflag:s0] =	ssyncadd.tile.s32 @!p0 $0x1;
	_ =	shalt  }
.Lfunc_end2:
_tile_overlayer_lowered:
.L_overlay_start_2:
0xc1: {  	(tag) =	ssettag $0x2  }
0xc2: {  	s0 =	rddreg [dreg:$0x0];
	s2 =	stileid.u32  }
0xc3: {  	s1 =	rddreg [dreg:$0x1];
	p0 =	sne.s32 s2, $0x0  }
0xc4: {  	s3 =	rddreg [dreg:$0x2];
	[bflag:$0x3] =	sbarrier.arrive $0xFFFF;
	s2 =	simm.s32 @!p0 $0x1C09  }
0xc5: {  	[timem:s3], [sflag:s2] =	dma.local @!p0 [hbm:s0], s1  }
0xc6: {  	s0 =	simm.s32 @!p0 $0x9  }
0xc7: {  	_ =	swait.ge @!p0 [sflag:s0], s1  }
0xc8: {  	s1 =	ssub.s32 @!p0 $0x0, s1;
	[sflag:s0] =	ssyncset.done @!p0 $0x0  }
0xc9: {  	[sflag:s0] =	ssyncadd.s32 @!p0 s1  }
0xca: {  	[bflag:$0x3] =	sbarrier.arrive $0xFFFF  }
0xcb: {  	_ =	shalt  }

// kernel: kernel.8.cloned.1.call-start
scs
__scs_entry_jumppad:
0x0: {  	(pc) =	sbr.rel $0x88, $3  }
0x1: {  	(tag) =	ssettag $0x0;
	lr =	simm.s32 $0x1  }
0x2: {  	[smem:$0x3F9B] =	sst lr;
	_ =	strace $0xD0000000  }
0x3: {  	_ = 	snop  }
0x4: {  	_ = 	snop  }
0x5: {  	_ = 	snop  }
0x6: {  	_ = 	snop  }
0x7: {  	_ = 	snop  }
__scs_overlays_trampoline_lowered:
0x8: {  	[smem:$0x3FAA] =	sst s0  }
0x9: {  	[smem:$0x3FAB] =	sst s1  }
0xa: {  	[smem:$0x3FAC] =	sst s2  }
0xb: {  	[smem:$0x3FAD] =	sst s3  }
0xc: {  	[smem:$0x3FAE] =	sst s4  }
0xd: {  	[smem:$0x3FAF] =	sst s5  }
0xe: {  	[smem:$0x3FB0] =	sst s6  }
0xf: {  	[smem:$0x3FB1] =	sst s7  }
0x10: {  	[smem:$0x3FB2] =	sst s8  }
0x11: {  	[smem:$0x3FB3] =	sst s9;
	s0 =	simm.s32 @!p0 $0x0  }
0x12: {  	s1 =	sld [smem:$0x3F99];
	s0 =	simm.s32 @p0 $0x1  }
0x13: {  	[smem:$0x3FB4] =	sst s0;
	s0 =	simm.s32 @!p1 $0x0  }
0x14: {  	s2 =	sld [smem:$0x3F98];
	s0 =	simm.s32 @p1 $0x1  }
0x15: {  	[smem:$0x3FB5] =	sst s0;
	s0 =	simm.s32 @!p2 $0x0  }
0x16: {  	s3 =	sld [smem:$0x3FDB];
	s0 =	simm.s32 @p2 $0x1  }
0x17: {  	s4 =	simm.s32 $0x1BF5;
	[smem:$0x3FB7] =	sst s0  }
0x18: {  	s0 =	sld [smem:$0x3F9A];
	_ =	swait.ge [sflag:s4], $0x0  }
0x19: {  	s7 =	sld [smem:$0x3F9B]  }
0x1a: {  	s8 =	sadd.s32 $0xFFFFE003, lr  }
0x1b: {  	s9 =	sadd.s32 $0xFFFFFEF7, lr;
	s5 =	simm.s32 $0xFFFFFFFF;
	p2 =	slt.u32 s8, $0xFFFFF086  }
0x1c: {  	p1 =	slt.u32 s9, $0xF7A;
	s5 =	simm.s32 @!p2 $0x0  }
0x1d: {  	s5 =	simm.s32 @p1 $0x1;
	p0 =	seq.s32 s7, s2  }
0x1e: {  	s7 =	smul.u32 @!p0 $0xF7A, s2;
	p2 =	seq.s32 @!p0 s5, $0x0  }
0x1f: {  	s9 =	smul.u32 $0xF7A, s1;
	s8 =	simm.s32 @!p0 $0x1BF5;
	p2 =	por !p2, p0  }
0x20: {  	[sflag:s8] =	ssyncset.s32 @!p0 $0xFFFFF086;
	s6 =	sadd.s32 @!p0 s3, s7;
	s7 =	simm.s32 @!p0 $0x108  }
0x21: {  	s3 =	sadd.s32 s3, s9;
	s6 =	sadd.s32 @!p0 $0x88, s6;
	s7 =	simm.s32 @p2 $0x1082  }
0x22: {  	[simem:s7], [sflag:s8] =	dma.local @!p0 [hbm:s6], $0xF7A  }
0x23: {  	s9 =	sor.u32 $0xD0000000, s2;
	s6 =	simm.s32 $0x108;
	_ =	swait.ge @!p0 [sflag:s8], $0x0  }
0x24: {  	s3 =	sadd.s32 $0x88, s3;
	s6 =	simm.s32 @!p1 $0x1082;
	[sflag:s4] =	ssyncset.s32 $0xFFFFF086  }
0x25: {  	[simem:s6], [sflag:s4] =	dma.local [hbm:s3], $0xF7A  }
0x26: {  	[smem:$0x3F9B] =	sst s1;
	(tag) =	ssettag s2;
	_ =	strace s9  }
0x27: {  	s1 =	sld [smem:$0x3FAB]  }
0x28: {  	s2 =	sld [smem:$0x3FAC]  }
0x29: {  	s4 =	sld [smem:$0x3FAE]  }
0x2a: {  	p0 =	seq.s32 s5, $0x0;
	s5 =	sld [smem:$0x3FAF]  }
0x2b: {  	s6 =	sld [smem:$0x3FB0]  }
0x2c: {  	s7 =	sld [smem:$0x3FB1]  }
0x2d: {  	s3 =	simm.s32 $0x108;
	s8 =	sld [smem:$0x3FB2]  }
0x2e: {  	s3 =	simm.s32 @!p0 $0x1082;
	s9 =	sld [smem:$0x3FB3]  }
0x2f: {  	lr =	sadd.s32 s0, s3;
	s0 =	sld [smem:$0x3FAA]  }
0x30: {  	s3 =	sld [smem:$0x3FAD]  }
0x31: {  	[smem:$0x3FB6] =	sst s10  }
0x32: {  	s10 =	sld [smem:$0x3FB4];
	_ =	sdelay $0x3  }
0x33: {  	p0 =	seq.s32 s10, $0x1;
	s10 =	sld [smem:$0x3FB6];
	_ =	sdelay $0x3  }
0x34: {  	[smem:$0x3FB6] =	sst s10  }
0x35: {  	s10 =	sld [smem:$0x3FB5];
	_ =	sdelay $0x3  }
0x36: {  	p1 =	seq.s32 s10, $0x1;
	s10 =	sld [smem:$0x3FB6];
	_ =	sdelay $0x3  }
0x37: {  	[smem:$0x3FB6] =	sst s10  }
0x38: {  	s10 =	sld [smem:$0x3FB7]  }
0x39: {  	_ = 	snop;
	(pc) =	sbr.ind lr, $3  }
0x3a: {  	_ = 	snop  }
0x3b: {  	_ = 	snop  }
0x3c: {  	p2 =	seq.s32 s10, $0x1;
	s10 =	sld [smem:$0x3FB6]  }
0x3d: {  	_ =	shalt  }
0x3e: {  	_ =	shalt  }
0x3f: {  	_ =	shalt  }
0x40: {  	_ =	shalt  }
0x41: {  	_ =	shalt  }
0x42: {  	_ =	shalt  }
0x43: {  	_ =	shalt  }
0x44: {  	_ =	shalt  }
0x45: {  	_ =	shalt  }
0x46: {  	_ =	shalt  }
0x47: {  	_ =	shalt  }
0x48: {  	_ =	shalt  }
0x49: {  	_ =	shalt  }
0x4a: {  	_ =	shalt  }
0x4b: {  	_ =	shalt  }
0x4c: {  	_ =	shalt  }
0x4d: {  	_ =	shalt  }
0x4e: {  	_ =	shalt  }
0x4f: {  	_ =	shalt  }
0x50: {  	_ =	shalt  }
0x51: {  	_ =	shalt  }
0x52: {  	_ =	shalt  }
0x53: {  	_ =	shalt  }
0x54: {  	_ =	shalt  }
0x55: {  	_ =	shalt  }
0x56: {  	_ =	shalt  }
0x57: {  	_ =	shalt  }
0x58: {  	_ =	shalt  }
0x59: {  	_ =	shalt  }
0x5a: {  	_ =	shalt  }
0x5b: {  	_ =	shalt  }
0x5c: {  	_ =	shalt  }
0x5d: {  	_ =	shalt  }
0x5e: {  	_ =	shalt  }
0x5f: {  	_ =	shalt  }
0x60: {  	_ =	shalt  }
0x61: {  	_ =	shalt  }
0x62: {  	_ =	shalt  }
0x63: {  	_ =	shalt  }
0x64: {  	_ =	shalt  }
0x65: {  	_ =	shalt  }
0x66: {  	_ =	shalt  }
0x67: {  	_ =	shalt  }
0x68: {  	_ =	shalt  }
0x69: {  	_ =	shalt  }
0x6a: {  	_ =	shalt  }
0x6b: {  	_ =	shalt  }
0x6c: {  	_ =	shalt  }
0x6d: {  	_ =	shalt  }
0x6e: {  	_ =	shalt  }
0x6f: {  	_ =	shalt  }
0x70: {  	_ =	shalt  }
0x71: {  	_ =	shalt  }
0x72: {  	_ =	shalt  }
0x73: {  	_ =	shalt  }
0x74: {  	_ =	shalt  }
0x75: {  	_ =	shalt  }
0x76: {  	_ =	shalt  }
0x77: {  	_ =	shalt  }
0x78: {  	_ =	shalt  }
0x79: {  	_ =	shalt  }
0x7a: {  	_ =	shalt  }
0x7b: {  	_ =	shalt  }
0x7c: {  	_ =	shalt  }
0x7d: {  	_ =	shalt  }
0x7e: {  	_ =	shalt  }
0x7f: {  	_ =	shalt  }
0x80: {  	_ =	shalt  }
0x81: {  	_ =	shalt  }
0x82: {  	_ =	shalt  }
0x83: {  	_ =	shalt  }
0x84: {  	_ =	shalt  }
0x85: {  	_ =	shalt  }
0x86: {  	_ =	shalt  }
0x87: {  	_ =	shalt  }
.Lfunc_end0:
.L_simem_size_0:
called_computation_lowered:
.L_overlay_start_0:
0x88: {  	s2 =	sld [smem:$0x3FD9]  }
0x89: {  	s3 =	sld [smem:$0x3FFE];
	_ =	sdelay $0x1  }
0x8a: {  	s1 =	srdreg.scid  }
0x8b: {  	s0 =	sand.u32 $0x1, s1  }
0x8c: {  	s17 =	sshll.u32 s0, $0xA;
	s2 =	sadd.s32 s3, s2  }
0x8d: {  	s2 =	sadd.s32 s2, s17  }
0x8e: {  	[smem:$0x3FC2] =	sst s2  }
0x8f: {  	_ = 	snop  }
0x90: {  	s2 =	sld [smem:$0x3FD0];
	(tm) =	ssettm $0x1  }
0x91: {  	s18 =	sld [smem:$0x3FFB];
	_ =	sdelay $0x3  }
0x92: {  	_ =	strace s18  }
0x93: {  	s3 =	sld [smem:$0x3FFC];
	_ =	sdelay $0x3  }
0x94: {  	_ =	strace s3  }
0x95: {  	s3 =	sld [smem:$0x3FFD];
	_ =	sdelay $0x3  }
0x96: {  	_ =	strace s3  }
0x97: {  	_ =	strace $0x8FFFFFFF  }
0x98: {  	s19 =	sld [smem:$0x3FDB];
	_ =	sdelay $0x1  }
0x99: {  	s4 =	simm.s32 $_scs_section_size  }
0x9a: {  	s5 =	simm.s32 $_size__tile_overlayer_lowered;
	s6 =	simm.s32 $_tile_overlayer_lowered  }
0x9b: {  	s22 =	simm.s32 $0x1BFF;
	s21 =	sshll.u32 s6, $0x1;
	s3 =	sadd.s32 s4, s19  }
0x9c: {  	s7 =	simm.s32 $0x0;
	s20 =	sshll.u32 s5, $0x1;
	s5 =	sadd.s32 s21, s3  }
0x9d: {  	[timem:s7], [sflag:s22] =	dma.local [hbm:s5], s20  }
0x9e: {  	_ =	swait.ge [sflag:s22], s20  }
0x9f: {  	s4 =	ssub.s32 $0x0, s20;
	[sflag:s22] =	ssyncset.done $0x0  }
0xa0: {  	[sflag:s22] =	ssyncadd.s32 s4;
	_ =	sdelay $0x1  }
0xa1: {  	s23 =	simm.s32 $0x1B8B  }
0xa2: {  	_ =	swait.ge [sflag:s23], $0x1  }
0xa3: {  	[sflag:s23] =	ssyncset.done $0x0  }
0xa4: {  	s25 =	simm.s32 $0x1B8E;
	s24 =	sld [smem:$0x3FFE];
	[sflag:s23] =	ssyncadd.s32 $0xFFFFFFFF  }
0xa5: {  	s26 =	simm.s32 $execute0_lowered;
	[smem:$0x3FD2] =	sst s25  }
0xa6: {  	s5 =	sshll.u32 s26, $0x1;
	_ =	strace $0x80000046;
	[dreg:$0x1] =	wrdreg $0xFFFFFFFF  }
0xa7: {  	s28 =	simm.s32 $_size_execute0_lowered;
	s3 =	sadd.s32 s3, s5;
	[dreg:$0x0] =	wrdreg $0x0  }
0xa8: {  	s5 =	sshll.u32 s28, $0x1;
	[dreg:$0x2] =	wrdreg s3  }
0xa9: {  	[dreg:$0x3] =	wrdreg s5  }
0xaa: {  	[dreg:$0x4] =	wrdreg $0xC0  }
0xab: {  	_ =	task [dreg:s7], $0x5FFFF  }
0xac: {  	[dreg:$0x1] =	wrdreg $0xFFFFFFFF  }
0xad: {  	[dreg:$0x0] =	wrdreg $0x60  }
0xae: {  	[dreg:$0x2] =	wrdreg s24  }
0xaf: {  	[dreg:$0x3] =	wrdreg s2  }
0xb0: {  	[dreg:$0x4] =	wrdreg $0x44000  }
0xb1: {  	[dreg:$0x5] =	wrdreg $0x9  }
0xb2: {  	_ =	task.clear_ibuf [dreg:s7], $0x6FFFF;
	_ =	strace $0x90000046  }
0xb3: {  	s29 =	simm.s32 $0x9;
	_ =	strace $0x80000048  }
0xb4: {  	_ =	swait.ge [sflag:s29], $0x1  }
0xb5: {  	[sflag:s29] =	ssyncadd.s32 $0xFFFFFFFF  }
0xb6: {  	_ =	strace $0x90000048  }
0xb7: {  	_ =	sfence  }
0xb8: {  	s30 =	sld [smem:$0x0];
	_ =	sdelay $0x2  }
0xb9: {  	s31 =	sshll.u32 s1, $0xD;
	s1 =	sshrl.u32 s1, $0x2  }
0xba: {  	s3 =	sand.u32 $0x4000, s31;
	s1 =	sadd.s32 s1, s30  }
0xbb: {  	s0 =	sor.u32 s3, s0;
	s1 =	sshll.u32 s1, $0x11  }
0xbc: {  	s0 =	sor.u32 s1, s0  }
0xbd: {  	s0 =	sadd.s32 $0x8F2B, s0  }
0xbe: {  	[sflag:s0] =	ssyncadd.remote.s32 $0x1  }
0xbf: {  	_ =	sfence.sel $0xFFFF  }
0xc0: {  	[dreg:$0x0] =	wrdreg $0xFFFFFFFF;
	(pc) =	sbr.abs _section_cstart, $3  }
0xc1: {  	[dreg:$0x1] =	wrdreg $0xFFFFFFFF  }
0xc2: {  	_ =	task.clear_ibuf [dreg:s7], $0x2FFFF;
	_ =	strace $0x9FFFFFFF  }
0xc3: {  	(tm) =	ssettm $0x7FFFFFFF  }
tec
execute0_lowered:
.L_overlay_start_1:
0x0: {  	(tag) =	ssettag $0x1  }
0x1: {  	s0 =	rddreg [dreg:$0x0]  }
0x2: {  	s1 =	rddreg [dreg:$0x1]  }
0x3: {  	s2 =	rddreg [dreg:$0x2];
	s4 =	simm.s32 $0x0;
	s5 =	srdreg.scid  }
0x4: {  	s3 =	stileid.u32;
	s21 =	simm.s32 $0x80;
	s22 =	simm.s32 $0x100  }
0x5: {  	s23 =	simm.s32 $0x180;
	s24 =	simm.s32 $0x1;
	s25 =	simm.s32 $0x2  }
0x6: {  	s26 =	simm.s32 $0x3;
	s28 =	simm.s32 $0x4;
	s30 =	smul.u32 $0x28, s3  }
0x7: {  	s29 =	simm.s32 $0x0;
	[smem:$0x7FF] =	sst s4;
	s8 =	smul.u32 $0x78, s3  }
0x8: {  	s19 =	sand.u32 $0x1, s5;
	s6 =	sadd.s32 $0x1A00, s0;
	s9 =	smul.u32 $0x3C00, s3  }
0x9: {  	s0 =	sadd.s32 $0xBA00, s0;
	s11 =	smul.u32 $0x2800, s3;
	s3 =	smov.u32 s1  }
0xa: {  	_ =	strace $0x80000047;
	s7 =	ssub.s32 $0x2, s19;
	p0 =	seq.s32 s19, $0x0  }
0xb: {  	s17 =	smul.u32 $0x28000, s19;
	s5 =	sadd.s32 $0x780, s30;
	s10 =	sshrl.u32 s7, $0x1  }
0xc: {  	s31 =	sshrl.u32 s9, $0x3;
	s12 =	sadd.s32 $0x800, s11;
	s15 =	sadd.s32 $0x1000, s11  }
0xd: {  	s16 =	sadd.s32 $0x1800, s11;
	s20 =	sadd.s32 $0x2000, s11;
	s5 =	smov.u32 @p0 s8  }
0xe: {  	s18 =	ssub.s32 s7, s10;
	s7 =	sadd.s32 s11, s2;
	s8 =	sadd.s32 s12, s2  }
0xf: {  	s9 =	sadd.s32 s15, s2;
	s10 =	sadd.s32 s16, s2;
	s13 =	sadd.s32 s11, s17  }
0x10: {  	s12 =	sadd.s32 s17, s12;
	s11 =	sadd.s32 s20, s2;
	s15 =	sadd.s32 s17, s15  }
0x11: {  	s16 =	sadd.s32 s17, s16;
	s17 =	sadd.s32 s17, s20;
	p0 =	sne.s32 s19, $0x0  }
0x12: {  	s19 =	simm.s32 $0x5;
	s20 =	simm.s32 $0x3C00;
	s5 =	sshll.u32 s5, $0x4  }
0x13: {  	s13 =	sshrl.u32 s13, $0x3;
	s14 =	sshrl.u32 s12, $0x3;
	s12 =	sadd.s32 $0x100, s1  }
0x14: {  	s15 =	sshrl.u32 s15, $0x3;
	s16 =	sshrl.u32 s16, $0x3;
	s17 =	sshrl.u32 s17, $0x3  }
0x15: {  	s18 =	smax.u32 s18, $0x1;
	s5 =	sadd.s32 s6, s5;
	s6 =	sadd.s32 s6, s31  }
0x16: {  	s13 =	sadd.s32 s0, s13;
	s14 =	sadd.s32 s0, s14;
	s15 =	sadd.s32 s0, s15  }
0x17: {  	s16 =	sadd.s32 s0, s16;
	s17 =	sadd.s32 s0, s17;
	s6 =	sadd.s32 $0x280, s6  }
.LBB2_1:
0x18: {  	[tilespmem:s4], [sflag:$0x5] =	stream.linear.gather [hbm4b:s5+s4], $0x1400, $0x38;
	[tilespmem:$0x6C00] =	vst v63  }
0x19: {  	_ =	swait.ge [sflag:s19], $0x1400  }
0x1a: {  	[sflag:s19] =	ssyncset.done $0x0  }
0x1b: {  	s0 =	simm.s32 @!p0 $0x0;
	s30 =	simm.s32 @!p0 $0x1400;
	[sflag:s19] =	ssyncadd.s32 $0xFFFFEC00  }
0x1c: {  	[tilespmem:s30], [sflag:$0x5] =	stream.linear.gather @!p0 [hbm4b:s6+s0], $0x2800, $0x38;
	[tilespmem:$0x6C00] =	vst v63  }
0x1d: {  	s0 =	simm.s32 @!p0 $0x5  }
0x1e: {  	_ =	swait.ge @!p0 [sflag:s0], $0x2800  }
0x1f: {  	[sflag:s0] =	ssyncset.done @!p0 $0x0  }
0x20: {  	[sflag:s0] =	ssyncadd.s32 @!p0 $0xFFFFD800  }
0x21: {  	[tilespmem:s20], [sflag:$0x5] =	stream.linear.gather [hbm4b:s3+s4], $0x800, $0x38;
	[tilespmem:$0x6C00] =	vst v63  }
0x22: {  	_ =	swait.ge [sflag:s19], $0x800  }
0x23: {  	[sflag:s19] =	ssyncset.done $0x0  }
0x24: {  	[sflag:s19] =	ssyncadd.s32 $0xFFFFF800  }
0x25: {  	[spmem:s7] =	stream.linear.scatter [tilespmem:s20], [sflag:$0x5], $0x800, $0x38;
	[tilespmem:$0x6C00] =	vst v63  }
0x26: {  	_ =	swait.ge [sflag:s19], $0x800  }
0x27: {  	[sflag:s19] =	ssyncset.done $0x0  }
0x28: {  	[sflag:s19] =	ssyncadd.s32 $0xFFFFF800  }
0x29: {  	[spmem:s8] =	stream.linear.scatter [tilespmem:s20], [sflag:$0x5], $0x800, $0x38;
	[tilespmem:$0x6C00] =	vst v63  }
0x2a: {  	_ =	swait.ge [sflag:s19], $0x800  }
0x2b: {  	[sflag:s19] =	ssyncset.done $0x0  }
0x2c: {  	[sflag:s19] =	ssyncadd.s32 $0xFFFFF800  }
0x2d: {  	[spmem:s9] =	stream.linear.scatter [tilespmem:s20], [sflag:$0x5], $0x800, $0x38;
	[tilespmem:$0x6C00] =	vst v63  }
0x2e: {  	_ =	swait.ge [sflag:s19], $0x800  }
0x2f: {  	[sflag:s19] =	ssyncset.done $0x0  }
0x30: {  	[sflag:s19] =	ssyncadd.s32 $0xFFFFF800  }
0x31: {  	[spmem:s10] =	stream.linear.scatter [tilespmem:s20], [sflag:$0x5], $0x800, $0x38;
	[tilespmem:$0x6C00] =	vst v63  }
0x32: {  	_ =	swait.ge [sflag:s19], $0x800  }
0x33: {  	[sflag:s19] =	ssyncset.done $0x0  }
0x34: {  	[sflag:s19] =	ssyncadd.s32 $0xFFFFF800  }
0x35: {  	[spmem:s11] =	stream.linear.scatter [tilespmem:s20], [sflag:$0x5], $0x800, $0x38;
	[tilespmem:$0x6C00] =	vst v63  }
0x36: {  	_ =	swait.ge [sflag:s19], $0x800  }
0x37: {  	[sflag:s19] =	ssyncset.done $0x0  }
0x38: {  	[sflag:s19] =	ssyncadd.s32 $0xFFFFF800  }
0x39: {  	[bflag:$0x0] =	sbarrier.arrive $0xFFFF  }
0x3a: {  	[tilespmem:s20], [sflag:$0x5] =	stream.linear.gather [hbm4b:s12+s4], $0x800, $0x38;
	[tilespmem:$0x6C00] =	vst v63  }
0x3b: {  	_ =	swait.ge [sflag:s19], $0x800  }
0x3c: {  	[sflag:s19] =	ssyncset.done $0x0  }
0x3d: {  	[sflag:s19] =	ssyncadd.s32 $0xFFFFF800  }
0x3e: {  	[spmem:s2] =	stream.indirect.scatter.add.f32 [tilespmem:s20], [sflag:$0x1], $0x10, s4, s21, $0xb8;
	[tilespmem:$0x6C00] =	vst v63  }
0x3f: {  	_ = 	snop  }
0x40: {  	[spmem:s2] =	stream.indirect.scatter.add.f32 [tilespmem:s20], [sflag:$0x2], $0x10, s21, s21, $0xb8;
	[tilespmem:$0x6C00] =	vst v63  }
0x41: {  	_ = 	snop  }
0x42: {  	[spmem:s2] =	stream.indirect.scatter.add.f32 [tilespmem:s20], [sflag:$0x3], $0x10, s22, s21, $0xb8;
	[tilespmem:$0x6C00] =	vst v63  }
0x43: {  	_ = 	snop  }
0x44: {  	[spmem:s2] =	stream.indirect.scatter.add.f32 [tilespmem:s20], [sflag:$0x4], $0x10, s23, s21, $0xb8;
	[tilespmem:$0x6C00] =	vst v63  }
0x45: {  	_ =	swait.ge [sflag:s24], $0x800  }
0x46: {  	[sflag:s24] =	ssyncset.done $0x0  }
0x47: {  	s1 =	simm.s32 $0x200;
	[sflag:s24] =	ssyncadd.s32 $0xFFFFF800  }
0x48: {  	[spmem:s2] =	stream.indirect.scatter.add.f32 [tilespmem:s20], [sflag:$0x1], $0x10, s1, s21, $0xb8;
	[tilespmem:$0x6C00] =	vst v63  }
0x49: {  	_ =	swait.ge [sflag:s25], $0x800  }
0x4a: {  	[sflag:s25] =	ssyncset.done $0x0  }
0x4b: {  	s1 =	simm.s32 $0x280;
	[sflag:s25] =	ssyncadd.s32 $0xFFFFF800  }
0x4c: {  	[spmem:s2] =	stream.indirect.scatter.add.f32 [tilespmem:s20], [sflag:$0x2], $0x10, s1, s21, $0xb8;
	[tilespmem:$0x6C00] =	vst v63  }
0x4d: {  	_ =	swait.ge [sflag:s26], $0x800  }
0x4e: {  	s0 =	simm.s32 @!p0 $0x1E;
	[sflag:s26] =	ssyncset.done $0x0  }
0x4f: {  	s30 =	simm.s32 $0x300;
	s0 =	simm.s32 @p0 $0xA;
	[sflag:s26] =	ssyncadd.s32 $0xFFFFF800  }
0x50: {  	[spmem:s2] =	stream.indirect.scatter.add.f32 [tilespmem:s20], [sflag:$0x3], $0x10, s30, s21, $0xb8;
	[tilespmem:$0x6C00] =	vst v63  }
0x51: {  	s30 =	sadd.s32 $0xFFFFFFFF, s0  }
0x52: {  	p1 =	sne.s32 s30, $0x1  }
.Ltmp0:
0x53: {  	_ = 	snop;
	(pc) =	sbr.rel @!p1 .LBB2_3-.Ltmp0, $4  }
0x54: {  	_ = 	snop  }
0x55: {  	_ =	swait.ge [sflag:s28], $0x800  }
0x56: {  	s31 =	simm.s32 $0x580;
	[sflag:s28] =	ssyncset.done $0x0  }
0x57: {  	s0 =	simm.s32 $0x380;
	s30 =	sadd.s32 $0xFFFFFFFF, s30;
	[sflag:s28] =	ssyncadd.s32 $0xFFFFF800  }
.LBB2_2:
0x58: {  	[spmem:s2] =	stream.indirect.scatter.add.f32 [tilespmem:s20], [sflag:$0x4], $0x10, s0, s21, $0xb8;
	[tilespmem:$0x6C00] =	vst v63  }
0x59: {  	p1 =	sne.s32 s30, $0x1;
	s30 =	sadd.s32 $0xFFFFFFFF, s30;
	_ =	swait.ge [sflag:s24], $0x800  }
0x5a: {  	s0 =	smov.u32 s31;
	[sflag:s24] =	ssyncset.done $0x0  }
0x5b: {  	s1 =	sadd.s32 $0xFFFFFE80, s31;
	[sflag:s24] =	ssyncadd.s32 $0xFFFFF800  }
0x5c: {  	[spmem:s2] =	stream.indirect.scatter.add.f32 [tilespmem:s20], [sflag:$0x1], $0x10, s1, s21, $0xb8;
	[tilespmem:$0x6C00] =	vst v63  }
0x5d: {  	_ =	swait.ge [sflag:s25], $0x800  }
0x5e: {  	[sflag:s25] =	ssyncset.done $0x0  }
0x5f: {  	s1 =	sadd.s32 $0xFFFFFF00, s31;
	[sflag:s25] =	ssyncadd.s32 $0xFFFFF800  }
0x60: {  	[spmem:s2] =	stream.indirect.scatter.add.f32 [tilespmem:s20], [sflag:$0x2], $0x10, s1, s21, $0xb8;
	[tilespmem:$0x6C00] =	vst v63  }
0x61: {  	_ =	swait.ge [sflag:s26], $0x800  }
0x62: {  	[sflag:s26] =	ssyncset.done $0x0  }
.Ltmp1:
0x63: {  	s1 =	sadd.s32 $0xFFFFFF80, s31;
	[sflag:s26] =	ssyncadd.s32 $0xFFFFF800;
	(pc) =	sbr.rel @p1 .LBB2_2-.Ltmp1, $4  }
0x64: {  	[spmem:s2] =	stream.indirect.scatter.add.f32 [tilespmem:s20], [sflag:$0x3], $0x10, s1, s21, $0xb8;
	[tilespmem:$0x6C00] =	vst v63  }
0x65: {  	_ =	swait.ge [sflag:s28], $0x800  }
0x66: {  	[sflag:s28] =	ssyncset.done $0x0  }
0x67: {  	s31 =	sadd.s32 $0x200, s31;
	[sflag:s28] =	ssyncadd.s32 $0xFFFFF800  }
.LBB2_3:
0x68: {  	[spmem:s2] =	stream.indirect.scatter.add.f32 [tilespmem:s20], [sflag:$0x4], $0x10, s0, s21, $0xb8;
	[tilespmem:$0x6C00] =	vst v63  }
0x69: {  	_ =	swait.ge [sflag:s24], $0x800  }
0x6a: {  	[sflag:s24] =	ssyncset.done $0x0  }
0x6b: {  	[sflag:s24] =	ssyncadd.s32 $0xFFFFF800  }
0x6c: {  	_ =	swait.ge [sflag:s25], $0x800  }
0x6d: {  	[sflag:s25] =	ssyncset.done $0x0  }
0x6e: {  	[sflag:s25] =	ssyncadd.s32 $0xFFFFF800  }
0x6f: {  	_ =	swait.ge [sflag:s26], $0x800  }
0x70: {  	[sflag:s26] =	ssyncset.done $0x0  }
0x71: {  	[sflag:s26] =	ssyncadd.s32 $0xFFFFF800  }
0x72: {  	_ =	swait.ge [sflag:s28], $0x800  }
0x73: {  	s1 =	stileid.u32;
	[sflag:s28] =	ssyncset.done $0x0  }
0x74: {  	s0 =	sshll.u32 s1, $0x6;
	[sflag:s28] =	ssyncadd.s32 $0xFFFFF800  }
0x75: {  	s1 =	sshrl.u32 s7, $0x3;
	s0 =	sor.u32 $0x1C05, s0;
	[bflag:$0x0] =	sbarrier.arrive $0xFFFF  }
0x76: {  	[hbm:s13], [sflag:s0] =	dma.local [spmem:s1], $0x100  }
0x77: {  	_ =	swait.ge [sflag:s19], $0x100  }
0x78: {  	[sflag:s19] =	ssyncset.done $0x0  }
0x79: {  	s30 =	sshrl.u32 s8, $0x3;
	[sflag:s19] =	ssyncadd.s32 $0xFFFFFF00  }
0x7a: {  	[hbm:s14], [sflag:s0] =	dma.local [spmem:s30], $0x100  }
0x7b: {  	_ =	swait.ge [sflag:s19], $0x100  }
0x7c: {  	[sflag:s19] =	ssyncset.done $0x0  }
0x7d: {  	s31 =	sshrl.u32 s9, $0x3;
	[sflag:s19] =	ssyncadd.s32 $0xFFFFFF00  }
0x7e: {  	[hbm:s15], [sflag:s0] =	dma.local [spmem:s31], $0x100  }
0x7f: {  	_ =	swait.ge [sflag:s19], $0x100  }
0x80: {  	[sflag:s19] =	ssyncset.done $0x0  }
0x81: {  	s30 =	sshrl.u32 s10, $0x3;
	[sflag:s19] =	ssyncadd.s32 $0xFFFFFF00  }
0x82: {  	[hbm:s16], [sflag:s0] =	dma.local [spmem:s30], $0x100  }
0x83: {  	s29 =	sadd.s32 $0x1, s29;
	_ =	swait.ge [sflag:s19], $0x100  }
0x84: {  	p1 =	sne.s32 s29, s18;
	[sflag:s19] =	ssyncset.done $0x0  }
.Ltmp2:
0x85: {  	s31 =	sshrl.u32 s11, $0x3;
	[sflag:s19] =	ssyncadd.s32 $0xFFFFFF00;
	(pc) =	sbr.rel @p1 .LBB2_1-.Ltmp2, $4  }
0x86: {  	[hbm:s17], [sflag:s0] =	dma.local [spmem:s31], $0x100  }
0x87: {  	_ =	swait.ge [sflag:s19], $0x100  }
0x88: {  	[sflag:s19] =	ssyncset.done $0x0  }
0x89: {  	[sflag:s19] =	ssyncadd.s32 $0xFFFFFF00  }
0x8a: {  	_ =	sfence.sel $0x180000  }
0x8b: {  	[bflag:$0x0] =	sbarrier.arrive $0xFFFF  }
0x8c: {  	_ =	strace $0x90000047  }
0x8d: {  	s0 =	stileid.u32;
	[bflag:$0x2] =	sbarrier.arrive $0xFFFF  }
0x8e: {  	p0 =	sne.s32 s0, $0x0;
	s0 =	rddreg [dreg:$0x3]  }
0x8f: {  	s0 =	sadd.s32 @!p0 $0x100000, s0  }
0x90: {  	[sflag:s0] =	ssyncadd.tile.s32 @!p0 $0x1;
	_ =	shalt  }
.Lfunc_end2:
_tile_overlayer_lowered:
.L_overlay_start_2:
0x91: {  	(tag) =	ssettag $0x2  }
0x92: {  	s0 =	rddreg [dreg:$0x0];
	s2 =	stileid.u32  }
0x93: {  	s1 =	rddreg [dreg:$0x1];
	p0 =	sne.s32 s2, $0x0  }
0x94: {  	s3 =	rddreg [dreg:$0x2];
	[bflag:$0x3] =	sbarrier.arrive $0xFFFF;
	s2 =	simm.s32 @!p0 $0x1C05  }
0x95: {  	[timem:s3], [sflag:s2] =	dma.local @!p0 [hbm:s0], s1  }
0x96: {  	s0 =	simm.s32 @!p0 $0x5  }
0x97: {  	_ =	swait.ge @!p0 [sflag:s0], s1  }
0x98: {  	s1 =	ssub.s32 @!p0 $0x0, s1;
	[sflag:s0] =	ssyncset.done @!p0 $0x0  }
0x99: {  	[sflag:s0] =	ssyncadd.s32 @!p0 s1  }
0x9a: {  	[bflag:$0x3] =	sbarrier.arrive $0xFFFF  }
0x9b: {  	_ =	shalt  }

</sc_bundles>
